<compile_context>
chip_gen: v7x
topology: tpu7x:2x2x1
jax: 0.10.2.dev20260603
libtpu: 0.0.44.dev20260713+nightly
codegen_flags: <defaults>
</compile_context>

<pallas_src>
import functools

import jax
import jax.numpy as jnp
import numpy as np
from jax import lax
from jax.experimental import pallas as pl
from jax.experimental.pallas import tpu as pltpu
from jax.experimental.pallas import tpu_sc as plsc

ROWS = 128
COLS = 32768
KTOP = 64
NC = 2
NS = 16
L = 16
NW = NC * NS
RPW = ROWS // NW
NVEC = COLS // L
NB = 256
SSTRIDE = 16
SMIN = 16

_MASK31 = np.int32(0x7FFFFFFF)


def _keyize(u):
    return u ^ (lax.shift_right_arithmetic(u, 31) & _MASK31)


def _xlane(v, perm):
    return v.at[perm].get(mode="promise_in_bounds")


def _clean16(v, iota):
    for s in (8, 4, 2, 1):
        p = _xlane(v, iota ^ s)
        take_min = (iota & s) == 0
        v = jnp.where(take_min, jnp.minimum(v, p), jnp.maximum(v, p))
    return v


def _merge16(a, b, iota):
    br = lax.rev(b, (0,))
    lo = jnp.minimum(a, br)
    hi = jnp.maximum(a, br)
    return _clean16(lo, iota), _clean16(hi, iota)


def _sort64(d0, d1, d2, d3, iota):
    s0 = jnp.sort(d0)
    s1 = jnp.sort(d1)
    s2 = jnp.sort(d2)
    s3 = jnp.sort(d3)
    a0, a1 = _merge16(s0, s1, iota)
    b0, b1 = _merge16(s2, s3, iota)
    rb1 = lax.rev(b1, (0,))
    rb0 = lax.rev(b0, (0,))
    l0 = jnp.minimum(a0, rb1)
    l1 = jnp.minimum(a1, rb0)
    h0 = jnp.maximum(a0, rb1)
    h1 = jnp.maximum(a1, rb0)
    e0 = _clean16(jnp.minimum(l0, l1), iota)
    e1 = _clean16(jnp.maximum(l0, l1), iota)
    e2 = _clean16(jnp.minimum(h0, h1), iota)
    e3 = _clean16(jnp.maximum(h0, h1), iota)
    return e0, e1, e2, e3


def _body(x_hbm, out_hbm, xa_v, xb_v, cand_v, hist_v, def_v, out_v, sa, sb, so):
    wid = lax.axis_index("s") * NC + lax.axis_index("c")
    iota = lax.iota(jnp.int32, L)
    zeros16 = jnp.zeros((L,), jnp.int32)
    ones16 = jnp.ones((L,), jnp.int32)
    last16 = jnp.full((L,), L - 1, jnp.int32)

    def zero_hist():
        for i in range(NB // L):
            hist_v[pl.ds(i * L, L)] = zeros16

    def find_threshold(k):
        @plsc.parallel_loop(0, NB // L, step=1, unroll=4, carry=zeros16)
        def bsums(i, acc):
            c = plsc.cumsum(hist_v[pl.ds(i * L, L)])
            return acc + jnp.where(iota == i, _xlane(c, last16), 0)
        br = lax.rev(bsums, (0,))
        cb = plsc.cumsum(br)
        tb = plsc.all_reduce_ffs(cb >= k)
        fb = (NB // L - 1) - tb
        above_blk = _xlane(cb, tb) - _xlane(br, tb)
        h = plsc.load_gather(hist_v, [fb * L + iota])
        hr = lax.rev(h, (0,))
        c = plsc.cumsum(hr)
        crossed = (above_blk + c) >= k
        ts = plsc.all_reduce_ffs(crossed)
        bst = fb * L + (L - 1) - ts
        above = above_blk + _xlane(c, ts) - _xlane(hr, ts)
        return bst, above

    def refine_level(bucket_fn, count, k, cur_d):
        zero_hist()
        nv = (count + (L - 1)) // L

        @plsc.parallel_loop(0, nv, step=1, unroll=2)
        def hst(i):
            sk = cand_v[pl.ds(i * L, L)]
            valid = (i * L + iota) < count
            plsc.addupdate_scatter(hist_v, [bucket_fn(sk)], ones16, mask=valid)

        bst, above = find_threshold(k)

        @plsc.parallel_loop(0, nv, step=1, unroll=2, carry=(cur_d - 1, zeros16 - 1))
        def flt(i, carry):
            cd, cc = carry
            sk = cand_v[pl.ds(i * L, L)]
            valid = (i * L + iota) < count
            b = bucket_fn(sk)
            gt = jnp.logical_and(valid, b > bst)
            eq = jnp.logical_and(valid, b == bst)
            pg = plsc.cumsum(ones16, mask=gt)
            plsc.store_scatter(def_v, [cd + pg], sk, mask=gt)
            pe = plsc.cumsum(ones16, mask=eq)
            plsc.store_scatter(cand_v, [cc + pe], sk, mask=eq)
            return (
                cd + plsc.all_reduce_population_count(gt),
                cc + plsc.all_reduce_population_count(eq),
            )
        cur_d, cur_c = flt
        return cur_d + 1, jnp.max(cur_c) + 1, bst, above

    def bucket_b1(sk):
        return lax.shift_right_arithmetic(sk, 24) + 128

    def bucket_b2(sk):
        return lax.shift_right_arithmetic(sk, 16) & jnp.int32(0xFF)

    def process_row(x_v, r, j):
        zero_hist()

        @plsc.parallel_loop(0, NVEC // SSTRIDE, step=1, unroll=4)
        def samp(i):
            x = x_v[pl.ds(i * (SSTRIDE * L), L)]
            sk = _keyize(lax.bitcast_convert_type(x, jnp.int32))
            plsc.addupdate_scatter(hist_v, [bucket_b1(sk)], ones16)
        bst_s, above_s = find_threshold(jnp.full((L,), SMIN, jnp.int32))
        zero_hist()

        @plsc.parallel_loop(0, NVEC // SSTRIDE, step=1, unroll=4)
        def samp2(i):
            x = x_v[pl.ds(i * (SSTRIDE * L), L)]
            sk = _keyize(lax.bitcast_convert_type(x, jnp.int32))
            m = bucket_b1(sk) == bst_s
            plsc.addupdate_scatter(hist_v, [bucket_b2(sk)], ones16, mask=m)
        bst2_s, _ = find_threshold(jnp.int32(SMIN) - above_s)
        tk = lax.shift_left(bst_s - 128, 24) | lax.shift_left(bst2_s, 16)
        t_low = lax.bitcast_convert_type(
            tk ^ (lax.shift_right_arithmetic(tk, 31) & _MASK31), jnp.float32)

        def compact_pass(t):
            @plsc.parallel_loop(0, NVEC, step=1, unroll=16, carry=zeros16 - 1)
            def pb(i, cc):
                x = x_v[pl.ds(i * L, L)]
                hot = x >= t
                p = plsc.cumsum(ones16, mask=hot)
                plsc.store_scatter(
                    cand_v, [cc + p],
                    lax.bitcast_convert_type(x, jnp.int32), mask=hot)
                return cc + plsc.all_reduce_population_count(hot)
            return jnp.max(pb) + 1

        def trip(s, carry):
            count, t = carry
            need = jnp.logical_or(s == 0, count < KTOP)
            count = lax.cond(need, lambda: compact_pass(t), lambda: count)
            return (count, jnp.full((L,), -jnp.inf, jnp.float32))
        count, _ = lax.fori_loop(0, 2, trip, (jnp.int32(0), t_low))

        @plsc.parallel_loop(0, (count + (L - 1)) // L, step=1, unroll=4)
        def kz(i):
            u = cand_v[pl.ds(i * L, L)]
            cand_v[pl.ds(i * L, L)] = _keyize(u)

        def lvl_body(lvl, carry):
            cur_d, cnt, k, tacc = carry
            shift = 24 - 8 * lvl
            bias = jnp.where(lvl == 0, jnp.int32(0x80), jnp.int32(0))

            def bucket_fn(sk):
                return (
                    lax.shift_right_arithmetic(sk, shift) & jnp.int32(0xFF)
                ) ^ bias
            cur_d, cnt2, bst, above = refine_level(bucket_fn, cnt, k, cur_d)
            tacc = tacc | lax.shift_left(bst ^ bias, shift)
            return (cur_d, cnt2, k - above, tacc)
        cur_d, _cn, k4, t_key = lax.fori_loop(
            0, 4, lvl_body,
            (zeros16, count, jnp.full((L,), KTOP, jnp.int32), zeros16))
        for t in range(4):
            m = (t * L + iota) < k4
            idx = cur_d + t * L + iota
            plsc.store_scatter(def_v, [idx], t_key, mask=m)

        d0 = def_v[pl.ds(0, L)]
        d1 = def_v[pl.ds(L, L)]
        d2 = def_v[pl.ds(2 * L, L)]
        d3 = def_v[pl.ds(3 * L, L)]
        e0, e1, e2, e3 = _sort64(d0, d1, d2, d3, iota)
        for t, e in enumerate((e3, e2, e1, e0)):
            w = lax.rev(e, (0,))
            u = w ^ (lax.shift_right_arithmetic(w, 31) & _MASK31)
            out_v[j, pl.ds(t * L, L)] = lax.bitcast_convert_type(
                u, jnp.float32)
        pltpu.async_copy(out_v.at[j], out_hbm.at[r], so)

    r0 = wid * RPW
    nhalf = RPW // 2
    pltpu.async_copy(x_hbm.at[r0], xa_v, sa)
    pltpu.async_copy(x_hbm.at[r0 + 1], xb_v, sb)

    def rows(jo, c):
        r = r0 + 2 * jo
        pltpu.make_async_copy(x_hbm.at[r], xa_v, sa).wait()
        process_row(xa_v, r, 2 * jo)

        @pl.when(jo < nhalf - 1)
        def _():
            pltpu.async_copy(x_hbm.at[r + 2], xa_v, sa)
        pltpu.make_async_copy(x_hbm.at[r + 1], xb_v, sb).wait()
        process_row(xb_v, r + 1, 2 * jo + 1)

        @pl.when(jo < nhalf - 1)
        def _():
            pltpu.async_copy(x_hbm.at[r + 3], xb_v, sb)
        return c
    lax.fori_loop(0, nhalf, rows, 0)
    for _ in range(RPW):
        pltpu.make_async_copy(out_v.at[0], out_hbm.at[r0], so).wait()


_TOPK_SC = []


def _build():
    mesh = plsc.VectorSubcoreMesh(
        core_axis_name="c", subcore_axis_name="s",
        num_cores=NC, num_subcores=NS,
    )
    return functools.partial(
        pl.kernel,
        out_type=jax.ShapeDtypeStruct((ROWS, KTOP), jnp.float32),
        mesh=mesh,
        compiler_params=pltpu.CompilerParams(needs_layout_passes=False),
        scratch_types=[
            pltpu.VMEM((COLS,), jnp.float32),
            pltpu.VMEM((COLS,), jnp.float32),
            pltpu.VMEM((COLS,), jnp.int32),
            pltpu.VMEM((NB,), jnp.int32),
            pltpu.VMEM((2 * KTOP,), jnp.int32),
            pltpu.VMEM((RPW, KTOP), jnp.float32),
            pltpu.SemaphoreType.DMA,
            pltpu.SemaphoreType.DMA,
            pltpu.SemaphoreType.DMA,
        ],
    )(_body)


def kernel(input):
    if not _TOPK_SC:
        _TOPK_SC.append(_build())
    return _TOPK_SC[0](input)

# --- scband reference (transcript-rebuilt; emitter-appended) ---
"""Pipeline reference for scband-kmax-pooling-5214090297532 (READ-ONLY COPY).

The authoritative reference and input builder live on the scoring server;
editing this copy changes nothing except your own understanding.
"""

import jax, jax.numpy as jnp
import numpy as np

K = 64
AXIS = 1

def setup_inputs(seed: int = 0) -> dict:
    key = jax.random.key(seed)
    x = jax.random.normal(key, (128, 32768), dtype=jnp.float32)
    return {"input": x}

def reference(input) -> jnp.ndarray:
    # torch.topk(input, k, dim=axis, sorted=True)[0]
    # axis=1 is the last axis for this 2D input, so lax.top_k applies directly.
    if AXIS < 0 or AXIS >= input.ndim:
        raise ValueError('axis must be 0~%d,now is %d' % (input.ndim - 1, AXIS))
    if K < 1 or K > input.shape[AXIS]:
        raise ValueError('k must be in 1 ~ %d,now k is %d' % (input.shape[AXIS], K))
    # move target axis to last (no-op here since AXIS is already last)
    x = jnp.moveaxis(input, AXIS, -1)
    values, _ = jax.lax.top_k(x, K)
    out = jnp.moveaxis(values, -1, AXIS)
    return out

if __name__ == "__main__":
    import jax
    _d = setup_inputs()
    print(jax.jit(kernel)(*tuple(_d.values())))

</pallas_src>

<mosaic_0001>
#map = affine_map<(d0, d1) -> (0, 0)>
module attributes {stable_mosaic.version = 14 : i64} {
  func.func @_body(%arg0: i32, %arg1: i32, %arg2: memref<128x32768xf32, #tpu.memory_space<hbm>>, %arg3: memref<128x64xf32, #tpu.memory_space<hbm>>, %arg4: memref<32768xf32, #tpu.memory_space<vmem>>, %arg5: memref<32768xf32, #tpu.memory_space<vmem>>, %arg6: memref<32768xi32, #tpu.memory_space<vmem>>, %arg7: memref<256xi32, #tpu.memory_space<vmem>>, %arg8: memref<128xi32, #tpu.memory_space<vmem>>, %arg9: memref<4x64xf32, #tpu.memory_space<vmem>>, %arg10: memref<!tpu.dma_semaphore, #tpu.memory_space<semaphore_mem>>, %arg11: memref<!tpu.dma_semaphore, #tpu.memory_space<semaphore_mem>>, %arg12: memref<!tpu.dma_semaphore, #tpu.memory_space<semaphore_mem>>) attributes {dimension_semantics = [#tpu.dimension_semantics<core_parallel>, #tpu.dimension_semantics<subcore_parallel>], iteration_bounds = array<i64: 2, 16>, scalar_prefetch = 0 : i64, scratch_operands = 9 : i64, tpu.core_type = #tpu.core_type<sc_vector_subcore>, window_params = [{transform_indices = #map}, {transform_indices = #map}]} {
    %mul3A = arith.constant 2 : i32
    %mul3A_0 = arith.muli %arg1, %mul3A : i32
    %add3A = arith.addi %mul3A_0, %arg0 : i32
    %iota3A = tpu.iota {dimensions = array<i32: 0>} : vector<16xi32>
    %broadcast_in_dim3A = arith.constant 0 : i32
    %broadcast_in_dim3A_1 = vector.broadcast %broadcast_in_dim3A : i32 to vector<16xi32>
    %broadcast_in_dim3A_2 = arith.constant 1 : i32
    %broadcast_in_dim3A_3 = vector.broadcast %broadcast_in_dim3A_2 : i32 to vector<16xi32>
    %broadcast_in_dim3A_4 = arith.constant 15 : i32
    %broadcast_in_dim3A_5 = vector.broadcast %broadcast_in_dim3A_4 : i32 to vector<16xi32>
    %mul3A_6 = arith.constant 4 : i32
    %mul3A_7 = arith.muli %add3A, %mul3A_6 : i32
    %dma_start3A = arith.constant 0 : i32
    %dma_start3A_8 = tpu.memref_slice %arg2[%mul3A_7, %dma_start3A] : memref<128x32768xf32, #tpu.memory_space<hbm>> -> memref<1x32768xf32, #tpu.memory_space<hbm>>
    %dma_start3A_9 = tpu.memref_squeeze %dma_start3A_8 : memref<1x32768xf32, #tpu.memory_space<hbm>> -> memref<32768xf32, #tpu.memory_space<hbm>>
    %dma_start3A_10 = arith.constant 0 : i32
    %dma_start3A_11 = tpu.memref_slice %arg2[%mul3A_7, %dma_start3A_10] : memref<128x32768xf32, #tpu.memory_space<hbm>> -> memref<1x32768xf32, #tpu.memory_space<hbm>>
    %dma_start3A_12 = tpu.memref_squeeze %dma_start3A_11 : memref<1x32768xf32, #tpu.memory_space<hbm>> -> memref<32768xf32, #tpu.memory_space<hbm>>
    tpu.enqueue_dma source(%dma_start3A_12 : memref<32768xf32, #tpu.memory_space<hbm>>) target(%arg4 : memref<32768xf32, #tpu.memory_space<vmem>>) target_semaphore(%arg10 : memref<!tpu.dma_semaphore, #tpu.memory_space<semaphore_mem>>)
    %add3A_13 = arith.constant 1 : i32
    %add3A_14 = arith.addi %mul3A_7, %add3A_13 : i32
    %dma_start3A_15 = arith.constant 0 : i32
    %dma_start3A_16 = tpu.memref_slice %arg2[%add3A_14, %dma_start3A_15] : memref<128x32768xf32, #tpu.memory_space<hbm>> -> memref<1x32768xf32, #tpu.memory_space<hbm>>
    %dma_start3A_17 = tpu.memref_squeeze %dma_start3A_16 : memref<1x32768xf32, #tpu.memory_space<hbm>> -> memref<32768xf32, #tpu.memory_space<hbm>>
    %dma_start3A_18 = arith.constant 0 : i32
    %dma_start3A_19 = tpu.memref_slice %arg2[%add3A_14, %dma_start3A_18] : memref<128x32768xf32, #tpu.memory_space<hbm>> -> memref<1x32768xf32, #tpu.memory_space<hbm>>
    %dma_start3A_20 = tpu.memref_squeeze %dma_start3A_19 : memref<1x32768xf32, #tpu.memory_space<hbm>> -> memref<32768xf32, #tpu.memory_space<hbm>>
    tpu.enqueue_dma source(%dma_start3A_20 : memref<32768xf32, #tpu.memory_space<hbm>>) target(%arg5 : memref<32768xf32, #tpu.memory_space<vmem>>) target_semaphore(%arg11 : memref<!tpu.dma_semaphore, #tpu.memory_space<semaphore_mem>>)
    %scan3A = arith.constant 0 : i32
    %scan3A_21 = arith.constant 0 : i32
    %scan3A_22 = arith.constant 2 : i32
    %scan3A_23 = arith.addi %scan3A_21, %scan3A_22 : i32
    %scan3A_24 = arith.constant 1 : i32
    scf.for %scan3A_77 = %scan3A_21 to %scan3A_23 step %scan3A_24  : i32 {
      %mul3A_78 = arith.constant 2 : i32
      %mul3A_79 = arith.muli %mul3A_78, %scan3A_77 : i32
      %add3A_80 = arith.addi %mul3A_7, %mul3A_79 : i32
      %dma_wait3A_81 = arith.constant 0 : i32
      %dma_wait3A_82 = tpu.memref_slice %arg2[%add3A_80, %dma_wait3A_81] : memref<128x32768xf32, #tpu.memory_space<hbm>> -> memref<1x32768xf32, #tpu.memory_space<hbm>>
      %dma_wait3A_83 = tpu.memref_squeeze %dma_wait3A_82 : memref<1x32768xf32, #tpu.memory_space<hbm>> -> memref<32768xf32, #tpu.memory_space<hbm>>
      %dma_wait3A_84 = arith.constant 0 : i32
      %dma_wait3A_85 = tpu.memref_slice %arg2[%add3A_80, %dma_wait3A_84] : memref<128x32768xf32, #tpu.memory_space<hbm>> -> memref<1x32768xf32, #tpu.memory_space<hbm>>
      %dma_wait3A_86 = tpu.memref_squeeze %dma_wait3A_85 : memref<1x32768xf32, #tpu.memory_space<hbm>> -> memref<32768xf32, #tpu.memory_space<hbm>>
      tpu.wait_dma2 semaphore(%arg10 : memref<!tpu.dma_semaphore, #tpu.memory_space<semaphore_mem>>) src(%dma_wait3A_86 : memref<32768xf32, #tpu.memory_space<hbm>>) dst(%arg4 : memref<32768xf32, #tpu.memory_space<vmem>>)
      %mul3A_87 = arith.constant 2 : i32
      %mul3A_88 = arith.muli %mul3A_87, %scan3A_77 : i32
      %swap3A = arith.constant 0 : index
      %swap3A_89 = tpu.vector_load %arg7[%swap3A] {strides = array<i32>} : memref<256xi32, #tpu.memory_space<vmem>>, vector<16xi32>,
      tpu.vector_store %arg7[%swap3A], %broadcast_in_dim3A_1 {strides = array<i32>} : memref<256xi32, #tpu.memory_space<vmem>>, vector<16xi32>,
      %swap3A_90 = arith.constant 16 : index
      %swap3A_91 = tpu.vector_load %arg7[%swap3A_90] {strides = array<i32>} : memref<256xi32, #tpu.memory_space<vmem>>, vector<16xi32>,
      tpu.vector_store %arg7[%swap3A_90], %broadcast_in_dim3A_1 {strides = array<i32>} : memref<256xi32, #tpu.memory_space<vmem>>, vector<16xi32>,
      %swap3A_92 = arith.constant 32 : index
      %swap3A_93 = tpu.vector_load %arg7[%swap3A_92] {strides = array<i32>} : memref<256xi32, #tpu.memory_space<vmem>>, vector<16xi32>,
      tpu.vector_store %arg7[%swap3A_92], %broadcast_in_dim3A_1 {strides = array<i32>} : memref<256xi32, #tpu.memory_space<vmem>>, vector<16xi32>,
      %swap3A_94 = arith.constant 48 : index
      %swap3A_95 = tpu.vector_load %arg7[%swap3A_94] {strides = array<i32>} : memref<256xi32, #tpu.memory_space<vmem>>, vector<16xi32>,
      tpu.vector_store %arg7[%swap3A_94], %broadcast_in_dim3A_1 {strides = array<i32>} : memref<256xi32, #tpu.memory_space<vmem>>, vector<16xi32>,
      %swap3A_96 = arith.constant 64 : index
      %swap3A_97 = tpu.vector_load %arg7[%swap3A_96] {strides = array<i32>} : memref<256xi32, #tpu.memory_space<vmem>>, vector<16xi32>,
      tpu.vector_store %arg7[%swap3A_96], %broadcast_in_dim3A_1 {strides = array<i32>} : memref<256xi32, #tpu.memory_space<vmem>>, vector<16xi32>,
      %swap3A_98 = arith.constant 80 : index
      %swap3A_99 = tpu.vector_load %arg7[%swap3A_98] {strides = array<i32>} : memref<256xi32, #tpu.memory_space<vmem>>, vector<16xi32>,
      tpu.vector_store %arg7[%swap3A_98], %broadcast_in_dim3A_1 {strides = array<i32>} : memref<256xi32, #tpu.memory_space<vmem>>, vector<16xi32>,
      %swap3A_100 = arith.constant 96 : index
      %swap3A_101 = tpu.vector_load %arg7[%swap3A_100] {strides = array<i32>} : memref<256xi32, #tpu.memory_space<vmem>>, vector<16xi32>,
      tpu.vector_store %arg7[%swap3A_100], %broadcast_in_dim3A_1 {strides = array<i32>} : memref<256xi32, #tpu.memory_space<vmem>>, vector<16xi32>,
      %swap3A_102 = arith.constant 112 : index
      %swap3A_103 = tpu.vector_load %arg7[%swap3A_102] {strides = array<i32>} : memref<256xi32, #tpu.memory_space<vmem>>, vector<16xi32>,
      tpu.vector_store %arg7[%swap3A_102], %broadcast_in_dim3A_1 {strides = array<i32>} : memref<256xi32, #tpu.memory_space<vmem>>, vector<16xi32>,
      %swap3A_104 = arith.constant 128 : index
      %swap3A_105 = tpu.vector_load %arg7[%swap3A_104] {strides = array<i32>} : memref<256xi32, #tpu.memory_space<vmem>>, vector<16xi32>,
      tpu.vector_store %arg7[%swap3A_104], %broadcast_in_dim3A_1 {strides = array<i32>} : memref<256xi32, #tpu.memory_space<vmem>>, vector<16xi32>,
      %swap3A_106 = arith.constant 144 : index
      %swap3A_107 = tpu.vector_load %arg7[%swap3A_106] {strides = array<i32>} : memref<256xi32, #tpu.memory_space<vmem>>, vector<16xi32>,
      tpu.vector_store %arg7[%swap3A_106], %broadcast_in_dim3A_1 {strides = array<i32>} : memref<256xi32, #tpu.memory_space<vmem>>, vector<16xi32>,
      %swap3A_108 = arith.constant 160 : index
      %swap3A_109 = tpu.vector_load %arg7[%swap3A_108] {strides = array<i32>} : memref<256xi32, #tpu.memory_space<vmem>>, vector<16xi32>,
      tpu.vector_store %arg7[%swap3A_108], %broadcast_in_dim3A_1 {strides = array<i32>} : memref<256xi32, #tpu.memory_space<vmem>>, vector<16xi32>,
      %swap3A_110 = arith.constant 176 : index
      %swap3A_111 = tpu.vector_load %arg7[%swap3A_110] {strides = array<i32>} : memref<256xi32, #tpu.memory_space<vmem>>, vector<16xi32>,
      tpu.vector_store %arg7[%swap3A_110], %broadcast_in_dim3A_1 {strides = array<i32>} : memref<256xi32, #tpu.memory_space<vmem>>, vector<16xi32>,
      %swap3A_112 = arith.constant 192 : index
      %swap3A_113 = tpu.vector_load %arg7[%swap3A_112] {strides = array<i32>} : memref<256xi32, #tpu.memory_space<vmem>>, vector<16xi32>,
      tpu.vector_store %arg7[%swap3A_112], %broadcast_in_dim3A_1 {strides = array<i32>} : memref<256xi32, #tpu.memory_space<vmem>>, vector<16xi32>,
      %swap3A_114 = arith.constant 208 : index
      %swap3A_115 = tpu.vector_load %arg7[%swap3A_114] {strides = array<i32>} : memref<256xi32, #tpu.memory_space<vmem>>, vector<16xi32>,
      tpu.vector_store %arg7[%swap3A_114], %broadcast_in_dim3A_1 {strides = array<i32>} : memref<256xi32, #tpu.memory_space<vmem>>, vector<16xi32>,
      %swap3A_116 = arith.constant 224 : index
      %swap3A_117 = tpu.vector_load %arg7[%swap3A_116] {strides = array<i32>} : memref<256xi32, #tpu.memory_space<vmem>>, vector<16xi32>,
      tpu.vector_store %arg7[%swap3A_116], %broadcast_in_dim3A_1 {strides = array<i32>} : memref<256xi32, #tpu.memory_space<vmem>>, vector<16xi32>,
      %swap3A_118 = arith.constant 240 : index
      %swap3A_119 = tpu.vector_load %arg7[%swap3A_118] {strides = array<i32>} : memref<256xi32, #tpu.memory_space<vmem>>, vector<16xi32>,
      tpu.vector_store %arg7[%swap3A_118], %broadcast_in_dim3A_1 {strides = array<i32>} : memref<256xi32, #tpu.memory_space<vmem>>, vector<16xi32>,
      %parallel_loop3A = arith.constant 0 : i32
      %parallel_loop3A_120 = arith.constant 128 : i32
      %parallel_loop3A_121 = arith.constant 1 : i32
      scf.for %parallel_loop3A_2425 = %parallel_loop3A to %parallel_loop3A_120 step %parallel_loop3A_121  : i32 {
        %parallel_loop3A_2426 = arith.constant 256 : i32
        %parallel_loop3A_2427 = arith.muli %parallel_loop3A_2425, %parallel_loop3A_2426 : i32
        %parallel_loop3A_2428 = arith.index_cast %parallel_loop3A_2427 : i32 to index
        %parallel_loop3A_2429 = tpu.vector_load %arg4[%parallel_loop3A_2428] {strides = array<i32>} : memref<32768xf32, #tpu.memory_space<vmem>>, vector<16xf32>,
        %parallel_loop3A_2430 = tpu.bitcast %parallel_loop3A_2429 : vector<16xf32> -> vector<16xi32>
        %parallel_loop3A_2431 = arith.constant 31 : i32
        %parallel_loop3A_2432 = vector.broadcast %parallel_loop3A_2431 : i32 to vector<16xi32>
        %parallel_loop3A_2433 = arith.shrsi %parallel_loop3A_2430, %parallel_loop3A_2432 : vector<16xi32>
        %parallel_loop3A_2434 = arith.constant 2147483647 : i32
        %parallel_loop3A_2435 = vector.broadcast %parallel_loop3A_2434 : i32 to vector<16xi32>
        %parallel_loop3A_2436 = arith.andi %parallel_loop3A_2433, %parallel_loop3A_2435 : vector<16xi32>
        %parallel_loop3A_2437 = arith.xori %parallel_loop3A_2430, %parallel_loop3A_2436 : vector<16xi32>
        %parallel_loop3A_2438 = arith.constant 24 : i32
        %parallel_loop3A_2439 = vector.broadcast %parallel_loop3A_2438 : i32 to vector<16xi32>
        %parallel_loop3A_2440 = arith.shrsi %parallel_loop3A_2437, %parallel_loop3A_2439 : vector<16xi32>
        %parallel_loop3A_2441 = arith.constant 128 : i32
        %parallel_loop3A_2442 = vector.broadcast %parallel_loop3A_2441 : i32 to vector<16xi32>
        %parallel_loop3A_2443 = arith.addi %parallel_loop3A_2440, %parallel_loop3A_2442 : vector<16xi32>
        tpu.vector_store_idx %arg7[%parallel_loop3A_2443], %broadcast_in_dim3A_3 {add = true} : memref<256xi32, #tpu.memory_space<vmem>>[vector<16xi32>], vector<16xi32>,
      } {sc.loop_unroll_factor = 4 : i64, sc.parallel_access}
      %broadcast_in_dim3A_122 = arith.constant 16 : i32
      %broadcast_in_dim3A_123 = vector.broadcast %broadcast_in_dim3A_122 : i32 to vector<16xi32>
      %parallel_loop3A_124 = arith.constant 0 : i32
      %parallel_loop3A_125 = arith.constant 16 : i32
      %parallel_loop3A_126 = arith.constant 1 : i32
      %parallel_loop3A_127 = scf.for %parallel_loop3A_2425 = %parallel_loop3A_124 to %parallel_loop3A_125 step %parallel_loop3A_126 iter_args(%parallel_loop3A_2426 = %broadcast_in_dim3A_1) -> (vector<16xi32>)  : i32 {
        %parallel_loop3A_2427 = arith.constant 16 : i32
        %parallel_loop3A_2428 = arith.muli %parallel_loop3A_2425, %parallel_loop3A_2427 : i32
        %parallel_loop3A_2429 = arith.index_cast %parallel_loop3A_2428 : i32 to index
        %parallel_loop3A_2430 = tpu.vector_load %arg7[%parallel_loop3A_2429] {strides = array<i32>} : memref<256xi32, #tpu.memory_space<vmem>>, vector<16xi32>,
        %parallel_loop3A_2431 = arith.constant true
        %parallel_loop3A_2432 = vector.broadcast %parallel_loop3A_2431 : i1 to vector<16xi1>
        %parallel_loop3A_2433 = tpu.scan <sum>, %parallel_loop3A_2430 masked %parallel_loop3A_2432 : vector<16xi32>, vector<16xi1> -> vector<16xi32>
        %parallel_loop3A_2434 = vector.broadcast %parallel_loop3A_2425 : i32 to vector<16xi32>
        %parallel_loop3A_2435 = arith.cmpi eq, %iota3A, %parallel_loop3A_2434 : vector<16xi32>
        %parallel_loop3A_2436 = arith.constant 0 : i32
        %parallel_loop3A_2437 = vector.broadcast %parallel_loop3A_2436 : i32 to vector<16xi32>
        %parallel_loop3A_2438 = arith.cmpi slt, %broadcast_in_dim3A_5, %parallel_loop3A_2437 : vector<16xi32>
        %parallel_loop3A_2439 = arith.constant 16 : i32
        %parallel_loop3A_2440 = vector.broadcast %parallel_loop3A_2439 : i32 to vector<16xi32>
        %parallel_loop3A_2441 = arith.addi %broadcast_in_dim3A_5, %parallel_loop3A_2440 : vector<16xi32>
        %parallel_loop3A_2442 = arith.select %parallel_loop3A_2438, %parallel_loop3A_2441, %broadcast_in_dim3A_5 : vector<16xi1>, vector<16xi32>
        %parallel_loop3A_2443 = vector.shape_cast %parallel_loop3A_2442 : vector<16xi32> to vector<16x1xi32>
        %parallel_loop3A_2444 = vector.shape_cast %parallel_loop3A_2443 : vector<16x1xi32> to vector<16xi32>
        %parallel_loop3A_2445 = tpu.dynamic_gather %parallel_loop3A_2433[%parallel_loop3A_2444] in [0] : vector<16xi32>, vector<16xi32> -> vector<16xi32>
        %parallel_loop3A_2446 = arith.constant 0 : i32
        %parallel_loop3A_2447 = vector.broadcast %parallel_loop3A_2446 : i32 to vector<16xi32>
        %parallel_loop3A_2448 = arith.select %parallel_loop3A_2435, %parallel_loop3A_2445, %parallel_loop3A_2447 : vector<16xi1>, vector<16xi32>
        %parallel_loop3A_2449 = arith.addi %parallel_loop3A_2426, %parallel_loop3A_2448 : vector<16xi32>
        scf.yield %parallel_loop3A_2449 : vector<16xi32>
      } {sc.loop_unroll_factor = 4 : i64, sc.parallel_access}
      %rev3A = arith.constant 15 : i32
      %rev3A_128 = vector.broadcast %rev3A : i32 to vector<16xi32>
      %rev3A_129 = tpu.iota {dimensions = array<i32: 0>} : vector<16xi32>
      %rev3A_130 = arith.subi %rev3A_128, %rev3A_129 : vector<16xi32>
      %rev3A_131 = tpu.dynamic_gather %parallel_loop3A_127[%rev3A_130] in [0] : vector<16xi32>, vector<16xi32> -> vector<16xi32>
      %broadcast_in_dim3A_132 = arith.constant true
      %broadcast_in_dim3A_133 = vector.broadcast %broadcast_in_dim3A_132 : i1 to vector<16xi1>
      %masked_cumsum3A = tpu.scan <sum>, %rev3A_131 masked %broadcast_in_dim3A_133 : vector<16xi32>, vector<16xi1> -> vector<16xi32>
      %ge3A = arith.cmpi sge, %masked_cumsum3A, %broadcast_in_dim3A_123 : vector<16xi32>
      %all_reduce_ffs3A = tpu.all_reduce %ge3A {dim = 0 : i64, kind = #tpu.reduction_kind<find_first_set>} : vector<16xi1> -> vector<16xi32>
      %sub3A = arith.constant 15 : i32
      %sub3A_134 = vector.broadcast %sub3A : i32 to vector<16xi32>
      %sub3A_135 = arith.subi %sub3A_134, %all_reduce_ffs3A : vector<16xi32>
      %lt3A = arith.constant 0 : i32
      %lt3A_136 = vector.broadcast %lt3A : i32 to vector<16xi32>
      %lt3A_137 = arith.cmpi slt, %all_reduce_ffs3A, %lt3A_136 : vector<16xi32>
      %add3A_138 = arith.constant 16 : i32
      %add3A_139 = vector.broadcast %add3A_138 : i32 to vector<16xi32>
      %add3A_140 = arith.addi %all_reduce_ffs3A, %add3A_139 : vector<16xi32>
      %select_n3A = arith.select %lt3A_137, %add3A_140, %all_reduce_ffs3A : vector<16xi1>, vector<16xi32>
      %broadcast_in_dim3A_141 = vector.shape_cast %select_n3A : vector<16xi32> to vector<16x1xi32>
      %gather3A = vector.shape_cast %broadcast_in_dim3A_141 : vector<16x1xi32> to vector<16xi32>
      %gather3A_142 = tpu.dynamic_gather %masked_cumsum3A[%gather3A] in [0] : vector<16xi32>, vector<16xi32> -> vector<16xi32>
      %lt3A_143 = arith.constant 0 : i32
      %lt3A_144 = vector.broadcast %lt3A_143 : i32 to vector<16xi32>
      %lt3A_145 = arith.cmpi slt, %all_reduce_ffs3A, %lt3A_144 : vector<16xi32>
      %add3A_146 = arith.constant 16 : i32
      %add3A_147 = vector.broadcast %add3A_146 : i32 to vector<16xi32>
      %add3A_148 = arith.addi %all_reduce_ffs3A, %add3A_147 : vector<16xi32>
      %select_n3A_149 = arith.select %lt3A_145, %add3A_148, %all_reduce_ffs3A : vector<16xi1>, vector<16xi32>
      %broadcast_in_dim3A_150 = vector.shape_cast %select_n3A_149 : vector<16xi32> to vector<16x1xi32>
      %gather3A_151 = vector.shape_cast %broadcast_in_dim3A_150 : vector<16x1xi32> to vector<16xi32>
      %gather3A_152 = tpu.dynamic_gather %rev3A_131[%gather3A_151] in [0] : vector<16xi32>, vector<16xi32> -> vector<16xi32>
      %sub3A_153 = arith.subi %gather3A_142, %gather3A_152 : vector<16xi32>
      %mul3A_154 = arith.constant 16 : i32
      %mul3A_155 = vector.broadcast %mul3A_154 : i32 to vector<16xi32>
      %mul3A_156 = arith.muli %sub3A_135, %mul3A_155 : vector<16xi32>
      %add3A_157 = arith.addi %mul3A_156, %iota3A : vector<16xi32>
      %gather3A_158 = tpu.vector_load_idx %arg7[%add3A_157] : memref<256xi32, #tpu.memory_space<vmem>>[vector<16xi32>], vector<16xi32>,
      %rev3A_159 = arith.constant 15 : i32
      %rev3A_160 = vector.broadcast %rev3A_159 : i32 to vector<16xi32>
      %rev3A_161 = tpu.iota {dimensions = array<i32: 0>} : vector<16xi32>
      %rev3A_162 = arith.subi %rev3A_160, %rev3A_161 : vector<16xi32>
      %rev3A_163 = tpu.dynamic_gather %gather3A_158[%rev3A_162] in [0] : vector<16xi32>, vector<16xi32> -> vector<16xi32>
      %broadcast_in_dim3A_164 = arith.constant true
      %broadcast_in_dim3A_165 = vector.broadcast %broadcast_in_dim3A_164 : i1 to vector<16xi1>
      %masked_cumsum3A_166 = tpu.scan <sum>, %rev3A_163 masked %broadcast_in_dim3A_165 : vector<16xi32>, vector<16xi1> -> vector<16xi32>
      %add3A_167 = arith.addi %sub3A_153, %masked_cumsum3A_166 : vector<16xi32>
      %ge3A_168 = arith.cmpi sge, %add3A_167, %broadcast_in_dim3A_123 : vector<16xi32>
      %all_reduce_ffs3A_169 = tpu.all_reduce %ge3A_168 {dim = 0 : i64, kind = #tpu.reduction_kind<find_first_set>} : vector<16xi1> -> vector<16xi32>
      %mul3A_170 = arith.constant 16 : i32
      %mul3A_171 = vector.broadcast %mul3A_170 : i32 to vector<16xi32>
      %mul3A_172 = arith.muli %sub3A_135, %mul3A_171 : vector<16xi32>
      %add3A_173 = arith.constant 15 : i32
      %add3A_174 = vector.broadcast %add3A_173 : i32 to vector<16xi32>
      %add3A_175 = arith.addi %mul3A_172, %add3A_174 : vector<16xi32>
      %sub3A_176 = arith.subi %add3A_175, %all_reduce_ffs3A_169 : vector<16xi32>
      %lt3A_177 = arith.constant 0 : i32
      %lt3A_178 = vector.broadcast %lt3A_177 : i32 to vector<16xi32>
      %lt3A_179 = arith.cmpi slt, %all_reduce_ffs3A_169, %lt3A_178 : vector<16xi32>
      %add3A_180 = arith.constant 16 : i32
      %add3A_181 = vector.broadcast %add3A_180 : i32 to vector<16xi32>
      %add3A_182 = arith.addi %all_reduce_ffs3A_169, %add3A_181 : vector<16xi32>
      %select_n3A_183 = arith.select %lt3A_179, %add3A_182, %all_reduce_ffs3A_169 : vector<16xi1>, vector<16xi32>
      %broadcast_in_dim3A_184 = vector.shape_cast %select_n3A_183 : vector<16xi32> to vector<16x1xi32>
      %gather3A_185 = vector.shape_cast %broadcast_in_dim3A_184 : vector<16x1xi32> to vector<16xi32>
      %gather3A_186 = tpu.dynamic_gather %masked_cumsum3A_166[%gather3A_185] in [0] : vector<16xi32>, vector<16xi32> -> vector<16xi32>
      %add3A_187 = arith.addi %sub3A_153, %gather3A_186 : vector<16xi32>
      %lt3A_188 = arith.constant 0 : i32
      %lt3A_189 = vector.broadcast %lt3A_188 : i32 to vector<16xi32>
      %lt3A_190 = arith.cmpi slt, %all_reduce_ffs3A_169, %lt3A_189 : vector<16xi32>
      %add3A_191 = arith.constant 16 : i32
      %add3A_192 = vector.broadcast %add3A_191 : i32 to vector<16xi32>
      %add3A_193 = arith.addi %all_reduce_ffs3A_169, %add3A_192 : vector<16xi32>
      %select_n3A_194 = arith.select %lt3A_190, %add3A_193, %all_reduce_ffs3A_169 : vector<16xi1>, vector<16xi32>
      %broadcast_in_dim3A_195 = vector.shape_cast %select_n3A_194 : vector<16xi32> to vector<16x1xi32>
      %gather3A_196 = vector.shape_cast %broadcast_in_dim3A_195 : vector<16x1xi32> to vector<16xi32>
      %gather3A_197 = tpu.dynamic_gather %rev3A_163[%gather3A_196] in [0] : vector<16xi32>, vector<16xi32> -> vector<16xi32>
      %sub3A_198 = arith.subi %add3A_187, %gather3A_197 : vector<16xi32>
      %swap3A_199 = arith.constant 0 : index
      %swap3A_200 = tpu.vector_load %arg7[%swap3A_199] {strides = array<i32>} : memref<256xi32, #tpu.memory_space<vmem>>, vector<16xi32>,
      tpu.vector_store %arg7[%swap3A_199], %broadcast_in_dim3A_1 {strides = array<i32>} : memref<256xi32, #tpu.memory_space<vmem>>, vector<16xi32>,
      %swap3A_201 = arith.constant 16 : index
      %swap3A_202 = tpu.vector_load %arg7[%swap3A_201] {strides = array<i32>} : memref<256xi32, #tpu.memory_space<vmem>>, vector<16xi32>,
      tpu.vector_store %arg7[%swap3A_201], %broadcast_in_dim3A_1 {strides = array<i32>} : memref<256xi32, #tpu.memory_space<vmem>>, vector<16xi32>,
      %swap3A_203 = arith.constant 32 : index
      %swap3A_204 = tpu.vector_load %arg7[%swap3A_203] {strides = array<i32>} : memref<256xi32, #tpu.memory_space<vmem>>, vector<16xi32>,
      tpu.vector_store %arg7[%swap3A_203], %broadcast_in_dim3A_1 {strides = array<i32>} : memref<256xi32, #tpu.memory_space<vmem>>, vector<16xi32>,
      %swap3A_205 = arith.constant 48 : index
      %swap3A_206 = tpu.vector_load %arg7[%swap3A_205] {strides = array<i32>} : memref<256xi32, #tpu.memory_space<vmem>>, vector<16xi32>,
      tpu.vector_store %arg7[%swap3A_205], %broadcast_in_dim3A_1 {strides = array<i32>} : memref<256xi32, #tpu.memory_space<vmem>>, vector<16xi32>,
      %swap3A_207 = arith.constant 64 : index
      %swap3A_208 = tpu.vector_load %arg7[%swap3A_207] {strides = array<i32>} : memref<256xi32, #tpu.memory_space<vmem>>, vector<16xi32>,
      tpu.vector_store %arg7[%swap3A_207], %broadcast_in_dim3A_1 {strides = array<i32>} : memref<256xi32, #tpu.memory_space<vmem>>, vector<16xi32>,
      %swap3A_209 = arith.constant 80 : index
      %swap3A_210 = tpu.vector_load %arg7[%swap3A_209] {strides = array<i32>} : memref<256xi32, #tpu.memory_space<vmem>>, vector<16xi32>,
      tpu.vector_store %arg7[%swap3A_209], %broadcast_in_dim3A_1 {strides = array<i32>} : memref<256xi32, #tpu.memory_space<vmem>>, vector<16xi32>,
      %swap3A_211 = arith.constant 96 : index
      %swap3A_212 = tpu.vector_load %arg7[%swap3A_211] {strides = array<i32>} : memref<256xi32, #tpu.memory_space<vmem>>, vector<16xi32>,
      tpu.vector_store %arg7[%swap3A_211], %broadcast_in_dim3A_1 {strides = array<i32>} : memref<256xi32, #tpu.memory_space<vmem>>, vector<16xi32>,
      %swap3A_213 = arith.constant 112 : index
      %swap3A_214 = tpu.vector_load %arg7[%swap3A_213] {strides = array<i32>} : memref<256xi32, #tpu.memory_space<vmem>>, vector<16xi32>,
      tpu.vector_store %arg7[%swap3A_213], %broadcast_in_dim3A_1 {strides = array<i32>} : memref<256xi32, #tpu.memory_space<vmem>>, vector<16xi32>,
      %swap3A_215 = arith.constant 128 : index
      %swap3A_216 = tpu.vector_load %arg7[%swap3A_215] {strides = array<i32>} : memref<256xi32, #tpu.memory_space<vmem>>, vector<16xi32>,
      tpu.vector_store %arg7[%swap3A_215], %broadcast_in_dim3A_1 {strides = array<i32>} : memref<256xi32, #tpu.memory_space<vmem>>, vector<16xi32>,
      %swap3A_217 = arith.constant 144 : index
      %swap3A_218 = tpu.vector_load %arg7[%swap3A_217] {strides = array<i32>} : memref<256xi32, #tpu.memory_space<vmem>>, vector<16xi32>,
      tpu.vector_store %arg7[%swap3A_217], %broadcast_in_dim3A_1 {strides = array<i32>} : memref<256xi32, #tpu.memory_space<vmem>>, vector<16xi32>,
      %swap3A_219 = arith.constant 160 : index
      %swap3A_220 = tpu.vector_load %arg7[%swap3A_219] {strides = array<i32>} : memref<256xi32, #tpu.memory_space<vmem>>, vector<16xi32>,
      tpu.vector_store %arg7[%swap3A_219], %broadcast_in_dim3A_1 {strides = array<i32>} : memref<256xi32, #tpu.memory_space<vmem>>, vector<16xi32>,
      %swap3A_221 = arith.constant 176 : index
      %swap3A_222 = tpu.vector_load %arg7[%swap3A_221] {strides = array<i32>} : memref<256xi32, #tpu.memory_space<vmem>>, vector<16xi32>,
      tpu.vector_store %arg7[%swap3A_221], %broadcast_in_dim3A_1 {strides = array<i32>} : memref<256xi32, #tpu.memory_space<vmem>>, vector<16xi32>,
      %swap3A_223 = arith.constant 192 : index
      %swap3A_224 = tpu.vector_load %arg7[%swap3A_223] {strides = array<i32>} : memref<256xi32, #tpu.memory_space<vmem>>, vector<16xi32>,
      tpu.vector_store %arg7[%swap3A_223], %broadcast_in_dim3A_1 {strides = array<i32>} : memref<256xi32, #tpu.memory_space<vmem>>, vector<16xi32>,
      %swap3A_225 = arith.constant 208 : index
      %swap3A_226 = tpu.vector_load %arg7[%swap3A_225] {strides = array<i32>} : memref<256xi32, #tpu.memory_space<vmem>>, vector<16xi32>,
      tpu.vector_store %arg7[%swap3A_225], %broadcast_in_dim3A_1 {strides = array<i32>} : memref<256xi32, #tpu.memory_space<vmem>>, vector<16xi32>,
      %swap3A_227 = arith.constant 224 : index
      %swap3A_228 = tpu.vector_load %arg7[%swap3A_227] {strides = array<i32>} : memref<256xi32, #tpu.memory_space<vmem>>, vector<16xi32>,
      tpu.vector_store %arg7[%swap3A_227], %broadcast_in_dim3A_1 {strides = array<i32>} : memref<256xi32, #tpu.memory_space<vmem>>, vector<16xi32>,
      %swap3A_229 = arith.constant 240 : index
      %swap3A_230 = tpu.vector_load %arg7[%swap3A_229] {strides = array<i32>} : memref<256xi32, #tpu.memory_space<vmem>>, vector<16xi32>,
      tpu.vector_store %arg7[%swap3A_229], %broadcast_in_dim3A_1 {strides = array<i32>} : memref<256xi32, #tpu.memory_space<vmem>>, vector<16xi32>,
      %parallel_loop3A_231 = arith.constant 0 : i32
      %parallel_loop3A_232 = arith.constant 128 : i32
      %parallel_loop3A_233 = arith.constant 1 : i32
      scf.for %parallel_loop3A_2425 = %parallel_loop3A_231 to %parallel_loop3A_232 step %parallel_loop3A_233  : i32 {
        %parallel_loop3A_2426 = arith.constant 256 : i32
        %parallel_loop3A_2427 = arith.muli %parallel_loop3A_2425, %parallel_loop3A_2426 : i32
        %parallel_loop3A_2428 = arith.index_cast %parallel_loop3A_2427 : i32 to index
        %parallel_loop3A_2429 = tpu.vector_load %arg4[%parallel_loop3A_2428] {strides = array<i32>} : memref<32768xf32, #tpu.memory_space<vmem>>, vector<16xf32>,
        %parallel_loop3A_2430 = tpu.bitcast %parallel_loop3A_2429 : vector<16xf32> -> vector<16xi32>
        %parallel_loop3A_2431 = arith.constant 31 : i32
        %parallel_loop3A_2432 = vector.broadcast %parallel_loop3A_2431 : i32 to vector<16xi32>
        %parallel_loop3A_2433 = arith.shrsi %parallel_loop3A_2430, %parallel_loop3A_2432 : vector<16xi32>
        %parallel_loop3A_2434 = arith.constant 2147483647 : i32
        %parallel_loop3A_2435 = vector.broadcast %parallel_loop3A_2434 : i32 to vector<16xi32>
        %parallel_loop3A_2436 = arith.andi %parallel_loop3A_2433, %parallel_loop3A_2435 : vector<16xi32>
        %parallel_loop3A_2437 = arith.xori %parallel_loop3A_2430, %parallel_loop3A_2436 : vector<16xi32>
        %parallel_loop3A_2438 = arith.constant 24 : i32
        %parallel_loop3A_2439 = vector.broadcast %parallel_loop3A_2438 : i32 to vector<16xi32>
        %parallel_loop3A_2440 = arith.shrsi %parallel_loop3A_2437, %parallel_loop3A_2439 : vector<16xi32>
        %parallel_loop3A_2441 = arith.constant 128 : i32
        %parallel_loop3A_2442 = vector.broadcast %parallel_loop3A_2441 : i32 to vector<16xi32>
        %parallel_loop3A_2443 = arith.addi %parallel_loop3A_2440, %parallel_loop3A_2442 : vector<16xi32>
        %parallel_loop3A_2444 = arith.cmpi eq, %parallel_loop3A_2443, %sub3A_176 : vector<16xi32>
        %parallel_loop3A_2445 = arith.constant 16 : i32
        %parallel_loop3A_2446 = vector.broadcast %parallel_loop3A_2445 : i32 to vector<16xi32>
        %parallel_loop3A_2447 = arith.shrsi %parallel_loop3A_2437, %parallel_loop3A_2446 : vector<16xi32>
        %parallel_loop3A_2448 = arith.constant 255 : i32
        %parallel_loop3A_2449 = vector.broadcast %parallel_loop3A_2448 : i32 to vector<16xi32>
        %parallel_loop3A_2450 = arith.andi %parallel_loop3A_2447, %parallel_loop3A_2449 : vector<16xi32>
        tpu.vector_store_idx %arg7[%parallel_loop3A_2450], %broadcast_in_dim3A_3 masked %parallel_loop3A_2444 {add = true} : memref<256xi32, #tpu.memory_space<vmem>>[vector<16xi32>], vector<16xi32>, vector<16xi1>
      } {sc.loop_unroll_factor = 4 : i64, sc.parallel_access}
      %sub3A_234 = arith.constant 16 : i32
      %sub3A_235 = vector.broadcast %sub3A_234 : i32 to vector<16xi32>
      %sub3A_236 = arith.subi %sub3A_235, %sub3A_198 : vector<16xi32>
      %parallel_loop3A_237 = arith.constant 0 : i32
      %parallel_loop3A_238 = arith.constant 16 : i32
      %parallel_loop3A_239 = arith.constant 1 : i32
      %parallel_loop3A_240 = scf.for %parallel_loop3A_2425 = %parallel_loop3A_237 to %parallel_loop3A_238 step %parallel_loop3A_239 iter_args(%parallel_loop3A_2426 = %broadcast_in_dim3A_1) -> (vector<16xi32>)  : i32 {
        %parallel_loop3A_2427 = arith.constant 16 : i32
        %parallel_loop3A_2428 = arith.muli %parallel_loop3A_2425, %parallel_loop3A_2427 : i32
        %parallel_loop3A_2429 = arith.index_cast %parallel_loop3A_2428 : i32 to index
        %parallel_loop3A_2430 = tpu.vector_load %arg7[%parallel_loop3A_2429] {strides = array<i32>} : memref<256xi32, #tpu.memory_space<vmem>>, vector<16xi32>,
        %parallel_loop3A_2431 = arith.constant true
        %parallel_loop3A_2432 = vector.broadcast %parallel_loop3A_2431 : i1 to vector<16xi1>
        %parallel_loop3A_2433 = tpu.scan <sum>, %parallel_loop3A_2430 masked %parallel_loop3A_2432 : vector<16xi32>, vector<16xi1> -> vector<16xi32>
        %parallel_loop3A_2434 = vector.broadcast %parallel_loop3A_2425 : i32 to vector<16xi32>
        %parallel_loop3A_2435 = arith.cmpi eq, %iota3A, %parallel_loop3A_2434 : vector<16xi32>
        %parallel_loop3A_2436 = arith.constant 0 : i32
        %parallel_loop3A_2437 = vector.broadcast %parallel_loop3A_2436 : i32 to vector<16xi32>
        %parallel_loop3A_2438 = arith.cmpi slt, %broadcast_in_dim3A_5, %parallel_loop3A_2437 : vector<16xi32>
        %parallel_loop3A_2439 = arith.constant 16 : i32
        %parallel_loop3A_2440 = vector.broadcast %parallel_loop3A_2439 : i32 to vector<16xi32>
        %parallel_loop3A_2441 = arith.addi %broadcast_in_dim3A_5, %parallel_loop3A_2440 : vector<16xi32>
        %parallel_loop3A_2442 = arith.select %parallel_loop3A_2438, %parallel_loop3A_2441, %broadcast_in_dim3A_5 : vector<16xi1>, vector<16xi32>
        %parallel_loop3A_2443 = vector.shape_cast %parallel_loop3A_2442 : vector<16xi32> to vector<16x1xi32>
        %parallel_loop3A_2444 = vector.shape_cast %parallel_loop3A_2443 : vector<16x1xi32> to vector<16xi32>
        %parallel_loop3A_2445 = tpu.dynamic_gather %parallel_loop3A_2433[%parallel_loop3A_2444] in [0] : vector<16xi32>, vector<16xi32> -> vector<16xi32>
        %parallel_loop3A_2446 = arith.constant 0 : i32
        %parallel_loop3A_2447 = vector.broadcast %parallel_loop3A_2446 : i32 to vector<16xi32>
        %parallel_loop3A_2448 = arith.select %parallel_loop3A_2435, %parallel_loop3A_2445, %parallel_loop3A_2447 : vector<16xi1>, vector<16xi32>
        %parallel_loop3A_2449 = arith.addi %parallel_loop3A_2426, %parallel_loop3A_2448 : vector<16xi32>
        scf.yield %parallel_loop3A_2449 : vector<16xi32>
      } {sc.loop_unroll_factor = 4 : i64, sc.parallel_access}
      %rev3A_241 = arith.constant 15 : i32
      %rev3A_242 = vector.broadcast %rev3A_241 : i32 to vector<16xi32>
      %rev3A_243 = tpu.iota {dimensions = array<i32: 0>} : vector<16xi32>
      %rev3A_244 = arith.subi %rev3A_242, %rev3A_243 : vector<16xi32>
      %rev3A_245 = tpu.dynamic_gather %parallel_loop3A_240[%rev3A_244] in [0] : vector<16xi32>, vector<16xi32> -> vector<16xi32>
      %broadcast_in_dim3A_246 = arith.constant true
      %broadcast_in_dim3A_247 = vector.broadcast %broadcast_in_dim3A_246 : i1 to vector<16xi1>
      %masked_cumsum3A_248 = tpu.scan <sum>, %rev3A_245 masked %broadcast_in_dim3A_247 : vector<16xi32>, vector<16xi1> -> vector<16xi32>
      %ge3A_249 = arith.cmpi sge, %masked_cumsum3A_248, %sub3A_236 : vector<16xi32>
      %all_reduce_ffs3A_250 = tpu.all_reduce %ge3A_249 {dim = 0 : i64, kind = #tpu.reduction_kind<find_first_set>} : vector<16xi1> -> vector<16xi32>
      %sub3A_251 = arith.constant 15 : i32
      %sub3A_252 = vector.broadcast %sub3A_251 : i32 to vector<16xi32>
      %sub3A_253 = arith.subi %sub3A_252, %all_reduce_ffs3A_250 : vector<16xi32>
      %lt3A_254 = arith.constant 0 : i32
      %lt3A_255 = vector.broadcast %lt3A_254 : i32 to vector<16xi32>
      %lt3A_256 = arith.cmpi slt, %all_reduce_ffs3A_250, %lt3A_255 : vector<16xi32>
      %add3A_257 = arith.constant 16 : i32
      %add3A_258 = vector.broadcast %add3A_257 : i32 to vector<16xi32>
      %add3A_259 = arith.addi %all_reduce_ffs3A_250, %add3A_258 : vector<16xi32>
      %select_n3A_260 = arith.select %lt3A_256, %add3A_259, %all_reduce_ffs3A_250 : vector<16xi1>, vector<16xi32>
      %broadcast_in_dim3A_261 = vector.shape_cast %select_n3A_260 : vector<16xi32> to vector<16x1xi32>
      %gather3A_262 = vector.shape_cast %broadcast_in_dim3A_261 : vector<16x1xi32> to vector<16xi32>
      %gather3A_263 = tpu.dynamic_gather %masked_cumsum3A_248[%gather3A_262] in [0] : vector<16xi32>, vector<16xi32> -> vector<16xi32>
      %lt3A_264 = arith.constant 0 : i32
      %lt3A_265 = vector.broadcast %lt3A_264 : i32 to vector<16xi32>
      %lt3A_266 = arith.cmpi slt, %all_reduce_ffs3A_250, %lt3A_265 : vector<16xi32>
      %add3A_267 = arith.constant 16 : i32
      %add3A_268 = vector.broadcast %add3A_267 : i32 to vector<16xi32>
      %add3A_269 = arith.addi %all_reduce_ffs3A_250, %add3A_268 : vector<16xi32>
      %select_n3A_270 = arith.select %lt3A_266, %add3A_269, %all_reduce_ffs3A_250 : vector<16xi1>, vector<16xi32>
      %broadcast_in_dim3A_271 = vector.shape_cast %select_n3A_270 : vector<16xi32> to vector<16x1xi32>
      %gather3A_272 = vector.shape_cast %broadcast_in_dim3A_271 : vector<16x1xi32> to vector<16xi32>
      %gather3A_273 = tpu.dynamic_gather %rev3A_245[%gather3A_272] in [0] : vector<16xi32>, vector<16xi32> -> vector<16xi32>
      %sub3A_274 = arith.subi %gather3A_263, %gather3A_273 : vector<16xi32>
      %mul3A_275 = arith.constant 16 : i32
      %mul3A_276 = vector.broadcast %mul3A_275 : i32 to vector<16xi32>
      %mul3A_277 = arith.muli %sub3A_253, %mul3A_276 : vector<16xi32>
      %add3A_278 = arith.addi %mul3A_277, %iota3A : vector<16xi32>
      %gather3A_279 = tpu.vector_load_idx %arg7[%add3A_278] : memref<256xi32, #tpu.memory_space<vmem>>[vector<16xi32>], vector<16xi32>,
      %rev3A_280 = arith.constant 15 : i32
      %rev3A_281 = vector.broadcast %rev3A_280 : i32 to vector<16xi32>
      %rev3A_282 = tpu.iota {dimensions = array<i32: 0>} : vector<16xi32>
      %rev3A_283 = arith.subi %rev3A_281, %rev3A_282 : vector<16xi32>
      %rev3A_284 = tpu.dynamic_gather %gather3A_279[%rev3A_283] in [0] : vector<16xi32>, vector<16xi32> -> vector<16xi32>
      %broadcast_in_dim3A_285 = arith.constant true
      %broadcast_in_dim3A_286 = vector.broadcast %broadcast_in_dim3A_285 : i1 to vector<16xi1>
      %masked_cumsum3A_287 = tpu.scan <sum>, %rev3A_284 masked %broadcast_in_dim3A_286 : vector<16xi32>, vector<16xi1> -> vector<16xi32>
      %add3A_288 = arith.addi %sub3A_274, %masked_cumsum3A_287 : vector<16xi32>
      %ge3A_289 = arith.cmpi sge, %add3A_288, %sub3A_236 : vector<16xi32>
      %all_reduce_ffs3A_290 = tpu.all_reduce %ge3A_289 {dim = 0 : i64, kind = #tpu.reduction_kind<find_first_set>} : vector<16xi1> -> vector<16xi32>
      %mul3A_291 = arith.constant 16 : i32
      %mul3A_292 = vector.broadcast %mul3A_291 : i32 to vector<16xi32>
      %mul3A_293 = arith.muli %sub3A_253, %mul3A_292 : vector<16xi32>
      %add3A_294 = arith.constant 15 : i32
      %add3A_295 = vector.broadcast %add3A_294 : i32 to vector<16xi32>
      %add3A_296 = arith.addi %mul3A_293, %add3A_295 : vector<16xi32>
      %sub3A_297 = arith.subi %add3A_296, %all_reduce_ffs3A_290 : vector<16xi32>
      %lt3A_298 = arith.constant 0 : i32
      %lt3A_299 = vector.broadcast %lt3A_298 : i32 to vector<16xi32>
      %lt3A_300 = arith.cmpi slt, %all_reduce_ffs3A_290, %lt3A_299 : vector<16xi32>
      %add3A_301 = arith.constant 16 : i32
      %add3A_302 = vector.broadcast %add3A_301 : i32 to vector<16xi32>
      %add3A_303 = arith.addi %all_reduce_ffs3A_290, %add3A_302 : vector<16xi32>
      %select_n3A_304 = arith.select %lt3A_300, %add3A_303, %all_reduce_ffs3A_290 : vector<16xi1>, vector<16xi32>
      %broadcast_in_dim3A_305 = vector.shape_cast %select_n3A_304 : vector<16xi32> to vector<16x1xi32>
      %gather3A_306 = vector.shape_cast %broadcast_in_dim3A_305 : vector<16x1xi32> to vector<16xi32>
      %gather3A_307 = tpu.dynamic_gather %masked_cumsum3A_287[%gather3A_306] in [0] : vector<16xi32>, vector<16xi32> -> vector<16xi32>
      %add3A_308 = arith.addi %sub3A_274, %gather3A_307 : vector<16xi32>
      %lt3A_309 = arith.constant 0 : i32
      %lt3A_310 = vector.broadcast %lt3A_309 : i32 to vector<16xi32>
      %lt3A_311 = arith.cmpi slt, %all_reduce_ffs3A_290, %lt3A_310 : vector<16xi32>
      %add3A_312 = arith.constant 16 : i32
      %add3A_313 = vector.broadcast %add3A_312 : i32 to vector<16xi32>
      %add3A_314 = arith.addi %all_reduce_ffs3A_290, %add3A_313 : vector<16xi32>
      %select_n3A_315 = arith.select %lt3A_311, %add3A_314, %all_reduce_ffs3A_290 : vector<16xi1>, vector<16xi32>
      %broadcast_in_dim3A_316 = vector.shape_cast %select_n3A_315 : vector<16xi32> to vector<16x1xi32>
      %gather3A_317 = vector.shape_cast %broadcast_in_dim3A_316 : vector<16x1xi32> to vector<16xi32>
      %gather3A_318 = tpu.dynamic_gather %rev3A_284[%gather3A_317] in [0] : vector<16xi32>, vector<16xi32> -> vector<16xi32>
      %sub3A_319 = arith.subi %add3A_308, %gather3A_318 : vector<16xi32>
      %sub3A_320 = arith.constant 128 : i32
      %sub3A_321 = vector.broadcast %sub3A_320 : i32 to vector<16xi32>
      %sub3A_322 = arith.subi %sub3A_176, %sub3A_321 : vector<16xi32>
      %shift_left3A = arith.constant 24 : i32
      %shift_left3A_323 = vector.broadcast %shift_left3A : i32 to vector<16xi32>
      %shift_left3A_324 = arith.shli %sub3A_322, %shift_left3A_323 : vector<16xi32>
      %shift_left3A_325 = arith.constant 16 : i32
      %shift_left3A_326 = vector.broadcast %shift_left3A_325 : i32 to vector<16xi32>
      %shift_left3A_327 = arith.shli %sub3A_297, %shift_left3A_326 : vector<16xi32>
      %or3A = arith.ori %shift_left3A_324, %shift_left3A_327 : vector<16xi32>
      %shift_right_arithmetic3A = arith.constant 31 : i32
      %shift_right_arithmetic3A_328 = vector.broadcast %shift_right_arithmetic3A : i32 to vector<16xi32>
      %shift_right_arithmetic3A_329 = arith.shrsi %or3A, %shift_right_arithmetic3A_328 : vector<16xi32>
      %and3A = arith.constant 2147483647 : i32
      %and3A_330 = vector.broadcast %and3A : i32 to vector<16xi32>
      %and3A_331 = arith.andi %shift_right_arithmetic3A_329, %and3A_330 : vector<16xi32>
      %xor3A = arith.xori %or3A, %and3A_331 : vector<16xi32>
      %bitcast_convert_type3A = tpu.bitcast %xor3A : vector<16xi32> -> vector<16xf32>
      %scan3A_332 = arith.constant 0 : i32
      %scan3A_333 = arith.constant 0 : i32
      %scan3A_334 = arith.constant 2 : i32
      %scan3A_335 = arith.addi %scan3A_333, %scan3A_334 : i32
      %scan3A_336 = arith.constant 1 : i32
      %scan3A_337:2 = scf.for %scan3A_2425 = %scan3A_333 to %scan3A_335 step %scan3A_336 iter_args(%scan3A_2426 = %scan3A_332, %scan3A_2427 = %bitcast_convert_type3A) -> (i32, vector<16xf32>)  : i32 {
        %eq3A_2428 = arith.constant 0 : i32
        %eq3A_2429 = arith.cmpi eq, %scan3A_2425, %eq3A_2428 : i32
        %lt3A_2430 = arith.constant 64 : i32
        %lt3A_2431 = arith.cmpi slt, %scan3A_2426, %lt3A_2430 : i32
        %or3A_2432 = arith.ori %eq3A_2429, %lt3A_2431 : i1
        %convert_element_type3A_2433 = arith.extui %or3A_2432 : i1 to i32
        %cond3A_2434 = arith.constant 0 : i32
        %cond3A_2435 = arith.cmpi ne, %convert_element_type3A_2433, %cond3A_2434 : i32
        %cond3A_2436 = scf.if %cond3A_2435 -> (i32) {
          %sub3A_2439 = arith.constant 1 : i32
          %sub3A_2440 = vector.broadcast %sub3A_2439 : i32 to vector<16xi32>
          %sub3A_2441 = arith.subi %broadcast_in_dim3A_1, %sub3A_2440 : vector<16xi32>
          %parallel_loop3A_2442 = arith.constant 0 : i32
          %parallel_loop3A_2443 = arith.constant 2048 : i32
          %parallel_loop3A_2444 = arith.constant 1 : i32
          %parallel_loop3A_2445 = scf.for %parallel_loop3A_2455 = %parallel_loop3A_2442 to %parallel_loop3A_2443 step %parallel_loop3A_2444 iter_args(%parallel_loop3A_2456 = %sub3A_2441) -> (vector<16xi32>)  : i32 {
            %parallel_loop3A_2457 = arith.constant 16 : i32
            %parallel_loop3A_2458 = arith.muli %parallel_loop3A_2455, %parallel_loop3A_2457 : i32
            %parallel_loop3A_2459 = arith.index_cast %parallel_loop3A_2458 : i32 to index
            %parallel_loop3A_2460 = tpu.vector_load %arg4[%parallel_loop3A_2459] {strides = array<i32>} : memref<32768xf32, #tpu.memory_space<vmem>>, vector<16xf32>,
            %parallel_loop3A_2461 = arith.cmpf oge, %parallel_loop3A_2460, %scan3A_2427 : vector<16xf32>
            %parallel_loop3A_2462 = tpu.scan <sum>, %broadcast_in_dim3A_3 masked %parallel_loop3A_2461 : vector<16xi32>, vector<16xi1> -> vector<16xi32>
            %parallel_loop3A_2463 = arith.addi %parallel_loop3A_2456, %parallel_loop3A_2462 : vector<16xi32>
            %parallel_loop3A_2464 = tpu.bitcast %parallel_loop3A_2460 : vector<16xf32> -> vector<16xi32>
            tpu.vector_store_idx %arg6[%parallel_loop3A_2463], %parallel_loop3A_2464 masked %parallel_loop3A_2461 : memref<32768xi32, #tpu.memory_space<vmem>>[vector<16xi32>], vector<16xi32>, vector<16xi1>
            %parallel_loop3A_2465 = tpu.all_reduce %parallel_loop3A_2461 {dim = 0 : i64, kind = #tpu.reduction_kind<sum>} : vector<16xi1> -> vector<16xi32>
            %parallel_loop3A_2466 = arith.addi %parallel_loop3A_2456, %parallel_loop3A_2465 : vector<16xi32>
            scf.yield %parallel_loop3A_2466 : vector<16xi32>
          } {sc.loop_unroll_factor = 16 : i64, sc.parallel_access}
          %reduce_max3A = arith.constant true
          %reduce_max3A_2446 = vector.broadcast %reduce_max3A : i1 to vector<16xi1>
          %reduce_max3A_2447 = arith.constant -2147483648 : i32
          %reduce_max3A_2448 = vector.broadcast %reduce_max3A_2447 : i32 to vector<16xi32>
          %reduce_max3A_2449 = arith.xori %parallel_loop3A_2445, %reduce_max3A_2448 : vector<16xi32>
          %reduce_max3A_2450 = tpu.scan <max>, %reduce_max3A_2449 masked %reduce_max3A_2446 : vector<16xi32>, vector<16xi1> -> vector<16xi32>
          %reduce_max3A_2451 = arith.xori %reduce_max3A_2450, %reduce_max3A_2448 : vector<16xi32>
          %reduce_max3A_2452 = vector.extract %reduce_max3A_2451[15] : i32 from vector<16xi32>
          %add3A_2453 = arith.constant 1 : i32
          %add3A_2454 = arith.addi %reduce_max3A_2452, %add3A_2453 : i32
          scf.yield %add3A_2454 : i32
        } else {
          scf.yield %scan3A_2426 : i32
        }
        %broadcast_in_dim3A_2437 = arith.constant 0xFF800000 : f32
        %broadcast_in_dim3A_2438 = vector.broadcast %broadcast_in_dim3A_2437 : f32 to vector<16xf32>
        scf.yield %cond3A_2436, %broadcast_in_dim3A_2438 : i32, vector<16xf32>
      }
      %scan3A_338 = arith.constant 2 : i32
      %add3A_339 = arith.constant 15 : i32
      %add3A_340 = arith.addi %scan3A_337#0, %add3A_339 : i32
      %jit3A = arith.constant 16 : i32
      %div3A = arith.divsi %add3A_340, %jit3A : i32
      %sign3A = arith.constant 0 : i32
      %sign3A_341 = arith.cmpi sgt, %add3A_340, %sign3A : i32
      %sign3A_342 = arith.extui %sign3A_341 : i1 to i32
      %sign3A_343 = arith.constant 0 : i32
      %sign3A_344 = arith.cmpi slt, %add3A_340, %sign3A_343 : i32
      %sign3A_345 = arith.extui %sign3A_344 : i1 to i32
      %sign3A_346 = arith.subi %sign3A_342, %sign3A_345 : i32
      %sign3A_347 = arith.constant 0 : i32
      %sign3A_348 = arith.cmpi sgt, %jit3A, %sign3A_347 : i32
      %sign3A_349 = arith.extui %sign3A_348 : i1 to i32
      %sign3A_350 = arith.constant 0 : i32
      %sign3A_351 = arith.cmpi slt, %jit3A, %sign3A_350 : i32
      %sign3A_352 = arith.extui %sign3A_351 : i1 to i32
      %sign3A_353 = arith.subi %sign3A_349, %sign3A_352 : i32
      %ne3A = arith.cmpi ne, %sign3A_346, %sign3A_353 : i32
      %rem3A = arith.remsi %add3A_340, %jit3A : i32
      %ne3A_354 = arith.constant 0 : i32
      %ne3A_355 = arith.cmpi ne, %rem3A, %ne3A_354 : i32
      %and3A_356 = arith.andi %ne3A, %ne3A_355 : i1
      %sub3A_357 = arith.constant 1 : i32
      %sub3A_358 = arith.subi %div3A, %sub3A_357 : i32
      %select_n3A_359 = arith.select %and3A_356, %sub3A_358, %div3A : i32
      %parallel_loop3A_360 = arith.constant 0 : i32
      %parallel_loop3A_361 = arith.constant 1 : i32
      scf.for %parallel_loop3A_2425 = %parallel_loop3A_360 to %select_n3A_359 step %parallel_loop3A_361  : i32 {
        %parallel_loop3A_2426 = arith.constant 16 : i32
        %parallel_loop3A_2427 = arith.muli %parallel_loop3A_2425, %parallel_loop3A_2426 : i32
        %parallel_loop3A_2428 = arith.index_cast %parallel_loop3A_2427 : i32 to index
        %parallel_loop3A_2429 = tpu.vector_load %arg6[%parallel_loop3A_2428] {strides = array<i32>} : memref<32768xi32, #tpu.memory_space<vmem>>, vector<16xi32>,
        %parallel_loop3A_2430 = arith.constant 31 : i32
        %parallel_loop3A_2431 = vector.broadcast %parallel_loop3A_2430 : i32 to vector<16xi32>
        %parallel_loop3A_2432 = arith.shrsi %parallel_loop3A_2429, %parallel_loop3A_2431 : vector<16xi32>
        %parallel_loop3A_2433 = arith.constant 2147483647 : i32
        %parallel_loop3A_2434 = vector.broadcast %parallel_loop3A_2433 : i32 to vector<16xi32>
        %parallel_loop3A_2435 = arith.andi %parallel_loop3A_2432, %parallel_loop3A_2434 : vector<16xi32>
        %parallel_loop3A_2436 = arith.xori %parallel_loop3A_2429, %parallel_loop3A_2435 : vector<16xi32>
        %parallel_loop3A_2437 = arith.constant 16 : i32
        %parallel_loop3A_2438 = arith.muli %parallel_loop3A_2425, %parallel_loop3A_2437 : i32
        %parallel_loop3A_2439 = arith.index_cast %parallel_loop3A_2438 : i32 to index
        %parallel_loop3A_2440 = tpu.vector_load %arg6[%parallel_loop3A_2439] {strides = array<i32>} : memref<32768xi32, #tpu.memory_space<vmem>>, vector<16xi32>,
        tpu.vector_store %arg6[%parallel_loop3A_2439], %parallel_loop3A_2436 {strides = array<i32>} : memref<32768xi32, #tpu.memory_space<vmem>>, vector<16xi32>,
      } {sc.loop_unroll_factor = 4 : i64, sc.parallel_access}
      %broadcast_in_dim3A_362 = arith.constant 64 : i32
      %broadcast_in_dim3A_363 = vector.broadcast %broadcast_in_dim3A_362 : i32 to vector<16xi32>
      %scan3A_364 = arith.constant 0 : i32
      %scan3A_365 = arith.constant 4 : i32
      %scan3A_366 = arith.addi %scan3A_364, %scan3A_365 : i32
      %scan3A_367 = arith.constant 1 : i32
      %scan3A_368:4 = scf.for %scan3A_2425 = %scan3A_364 to %scan3A_366 step %scan3A_367 iter_args(%scan3A_2426 = %broadcast_in_dim3A_1, %scan3A_2427 = %scan3A_337#0, %scan3A_2428 = %broadcast_in_dim3A_363, %scan3A_2429 = %broadcast_in_dim3A_1) -> (vector<16xi32>, i32, vector<16xi32>, vector<16xi32>)  : i32 {
        %mul3A_2430 = arith.constant 8 : i32
        %mul3A_2431 = arith.muli %mul3A_2430, %scan3A_2425 : i32
        %sub3A_2432 = arith.constant 24 : i32
        %sub3A_2433 = arith.subi %sub3A_2432, %mul3A_2431 : i32
        %eq3A_2434 = arith.constant 0 : i32
        %eq3A_2435 = arith.cmpi eq, %scan3A_2425, %eq3A_2434 : i32
        %jit3A_2436 = arith.constant 128 : i32
        %jit3A_2437 = arith.constant 0 : i32
        %select_n3A_2438 = arith.select %eq3A_2435, %jit3A_2436, %jit3A_2437 : i32
        %swap3A_2439 = arith.constant 0 : index
        %swap3A_2440 = tpu.vector_load %arg7[%swap3A_2439] {strides = array<i32>} : memref<256xi32, #tpu.memory_space<vmem>>, vector<16xi32>,
        tpu.vector_store %arg7[%swap3A_2439], %broadcast_in_dim3A_1 {strides = array<i32>} : memref<256xi32, #tpu.memory_space<vmem>>, vector<16xi32>,
        %swap3A_2441 = arith.constant 16 : index
        %swap3A_2442 = tpu.vector_load %arg7[%swap3A_2441] {strides = array<i32>} : memref<256xi32, #tpu.memory_space<vmem>>, vector<16xi32>,
        tpu.vector_store %arg7[%swap3A_2441], %broadcast_in_dim3A_1 {strides = array<i32>} : memref<256xi32, #tpu.memory_space<vmem>>, vector<16xi32>,
        %swap3A_2443 = arith.constant 32 : index
        %swap3A_2444 = tpu.vector_load %arg7[%swap3A_2443] {strides = array<i32>} : memref<256xi32, #tpu.memory_space<vmem>>, vector<16xi32>,
        tpu.vector_store %arg7[%swap3A_2443], %broadcast_in_dim3A_1 {strides = array<i32>} : memref<256xi32, #tpu.memory_space<vmem>>, vector<16xi32>,
        %swap3A_2445 = arith.constant 48 : index
        %swap3A_2446 = tpu.vector_load %arg7[%swap3A_2445] {strides = array<i32>} : memref<256xi32, #tpu.memory_space<vmem>>, vector<16xi32>,
        tpu.vector_store %arg7[%swap3A_2445], %broadcast_in_dim3A_1 {strides = array<i32>} : memref<256xi32, #tpu.memory_space<vmem>>, vector<16xi32>,
        %swap3A_2447 = arith.constant 64 : index
        %swap3A_2448 = tpu.vector_load %arg7[%swap3A_2447] {strides = array<i32>} : memref<256xi32, #tpu.memory_space<vmem>>, vector<16xi32>,
        tpu.vector_store %arg7[%swap3A_2447], %broadcast_in_dim3A_1 {strides = array<i32>} : memref<256xi32, #tpu.memory_space<vmem>>, vector<16xi32>,
        %swap3A_2449 = arith.constant 80 : index
        %swap3A_2450 = tpu.vector_load %arg7[%swap3A_2449] {strides = array<i32>} : memref<256xi32, #tpu.memory_space<vmem>>, vector<16xi32>,
        tpu.vector_store %arg7[%swap3A_2449], %broadcast_in_dim3A_1 {strides = array<i32>} : memref<256xi32, #tpu.memory_space<vmem>>, vector<16xi32>,
        %swap3A_2451 = arith.constant 96 : index
        %swap3A_2452 = tpu.vector_load %arg7[%swap3A_2451] {strides = array<i32>} : memref<256xi32, #tpu.memory_space<vmem>>, vector<16xi32>,
        tpu.vector_store %arg7[%swap3A_2451], %broadcast_in_dim3A_1 {strides = array<i32>} : memref<256xi32, #tpu.memory_space<vmem>>, vector<16xi32>,
        %swap3A_2453 = arith.constant 112 : index
        %swap3A_2454 = tpu.vector_load %arg7[%swap3A_2453] {strides = array<i32>} : memref<256xi32, #tpu.memory_space<vmem>>, vector<16xi32>,
        tpu.vector_store %arg7[%swap3A_2453], %broadcast_in_dim3A_1 {strides = array<i32>} : memref<256xi32, #tpu.memory_space<vmem>>, vector<16xi32>,
        %swap3A_2455 = arith.constant 128 : index
        %swap3A_2456 = tpu.vector_load %arg7[%swap3A_2455] {strides = array<i32>} : memref<256xi32, #tpu.memory_space<vmem>>, vector<16xi32>,
        tpu.vector_store %arg7[%swap3A_2455], %broadcast_in_dim3A_1 {strides = array<i32>} : memref<256xi32, #tpu.memory_space<vmem>>, vector<16xi32>,
        %swap3A_2457 = arith.constant 144 : index
        %swap3A_2458 = tpu.vector_load %arg7[%swap3A_2457] {strides = array<i32>} : memref<256xi32, #tpu.memory_space<vmem>>, vector<16xi32>,
        tpu.vector_store %arg7[%swap3A_2457], %broadcast_in_dim3A_1 {strides = array<i32>} : memref<256xi32, #tpu.memory_space<vmem>>, vector<16xi32>,
        %swap3A_2459 = arith.constant 160 : index
        %swap3A_2460 = tpu.vector_load %arg7[%swap3A_2459] {strides = array<i32>} : memref<256xi32, #tpu.memory_space<vmem>>, vector<16xi32>,
        tpu.vector_store %arg7[%swap3A_2459], %broadcast_in_dim3A_1 {strides = array<i32>} : memref<256xi32, #tpu.memory_space<vmem>>, vector<16xi32>,
        %swap3A_2461 = arith.constant 176 : index
        %swap3A_2462 = tpu.vector_load %arg7[%swap3A_2461] {strides = array<i32>} : memref<256xi32, #tpu.memory_space<vmem>>, vector<16xi32>,
        tpu.vector_store %arg7[%swap3A_2461], %broadcast_in_dim3A_1 {strides = array<i32>} : memref<256xi32, #tpu.memory_space<vmem>>, vector<16xi32>,
        %swap3A_2463 = arith.constant 192 : index
        %swap3A_2464 = tpu.vector_load %arg7[%swap3A_2463] {strides = array<i32>} : memref<256xi32, #tpu.memory_space<vmem>>, vector<16xi32>,
        tpu.vector_store %arg7[%swap3A_2463], %broadcast_in_dim3A_1 {strides = array<i32>} : memref<256xi32, #tpu.memory_space<vmem>>, vector<16xi32>,
        %swap3A_2465 = arith.constant 208 : index
        %swap3A_2466 = tpu.vector_load %arg7[%swap3A_2465] {strides = array<i32>} : memref<256xi32, #tpu.memory_space<vmem>>, vector<16xi32>,
        tpu.vector_store %arg7[%swap3A_2465], %broadcast_in_dim3A_1 {strides = array<i32>} : memref<256xi32, #tpu.memory_space<vmem>>, vector<16xi32>,
        %swap3A_2467 = arith.constant 224 : index
        %swap3A_2468 = tpu.vector_load %arg7[%swap3A_2467] {strides = array<i32>} : memref<256xi32, #tpu.memory_space<vmem>>, vector<16xi32>,
        tpu.vector_store %arg7[%swap3A_2467], %broadcast_in_dim3A_1 {strides = array<i32>} : memref<256xi32, #tpu.memory_space<vmem>>, vector<16xi32>,
        %swap3A_2469 = arith.constant 240 : index
        %swap3A_2470 = tpu.vector_load %arg7[%swap3A_2469] {strides = array<i32>} : memref<256xi32, #tpu.memory_space<vmem>>, vector<16xi32>,
        tpu.vector_store %arg7[%swap3A_2469], %broadcast_in_dim3A_1 {strides = array<i32>} : memref<256xi32, #tpu.memory_space<vmem>>, vector<16xi32>,
        %add3A_2471 = arith.constant 15 : i32
        %add3A_2472 = arith.addi %scan3A_2427, %add3A_2471 : i32
        %jit3A_2473 = arith.constant 16 : i32
        %div3A_2474 = arith.divsi %add3A_2472, %jit3A_2473 : i32
        %sign3A_2475 = arith.constant 0 : i32
        %sign3A_2476 = arith.cmpi sgt, %add3A_2472, %sign3A_2475 : i32
        %sign3A_2477 = arith.extui %sign3A_2476 : i1 to i32
        %sign3A_2478 = arith.constant 0 : i32
        %sign3A_2479 = arith.cmpi slt, %add3A_2472, %sign3A_2478 : i32
        %sign3A_2480 = arith.extui %sign3A_2479 : i1 to i32
        %sign3A_2481 = arith.subi %sign3A_2477, %sign3A_2480 : i32
        %sign3A_2482 = arith.constant 0 : i32
        %sign3A_2483 = arith.cmpi sgt, %jit3A_2473, %sign3A_2482 : i32
        %sign3A_2484 = arith.extui %sign3A_2483 : i1 to i32
        %sign3A_2485 = arith.constant 0 : i32
        %sign3A_2486 = arith.cmpi slt, %jit3A_2473, %sign3A_2485 : i32
        %sign3A_2487 = arith.extui %sign3A_2486 : i1 to i32
        %sign3A_2488 = arith.subi %sign3A_2484, %sign3A_2487 : i32
        %ne3A_2489 = arith.cmpi ne, %sign3A_2481, %sign3A_2488 : i32
        %rem3A_2490 = arith.remsi %add3A_2472, %jit3A_2473 : i32
        %ne3A_2491 = arith.constant 0 : i32
        %ne3A_2492 = arith.cmpi ne, %rem3A_2490, %ne3A_2491 : i32
        %and3A_2493 = arith.andi %ne3A_2489, %ne3A_2492 : i1
        %sub3A_2494 = arith.constant 1 : i32
        %sub3A_2495 = arith.subi %div3A_2474, %sub3A_2494 : i32
        %select_n3A_2496 = arith.select %and3A_2493, %sub3A_2495, %div3A_2474 : i32
        %parallel_loop3A_2497 = arith.constant 0 : i32
        %parallel_loop3A_2498 = arith.constant 1 : i32
        scf.for %parallel_loop3A_2609 = %parallel_loop3A_2497 to %select_n3A_2496 step %parallel_loop3A_2498  : i32 {
          %parallel_loop3A_2610 = arith.constant 16 : i32
          %parallel_loop3A_2611 = arith.muli %parallel_loop3A_2609, %parallel_loop3A_2610 : i32
          %parallel_loop3A_2612 = arith.index_cast %parallel_loop3A_2611 : i32 to index
          %parallel_loop3A_2613 = tpu.vector_load %arg6[%parallel_loop3A_2612] {strides = array<i32>} : memref<32768xi32, #tpu.memory_space<vmem>>, vector<16xi32>,
          %parallel_loop3A_2614 = arith.constant 16 : i32
          %parallel_loop3A_2615 = arith.muli %parallel_loop3A_2609, %parallel_loop3A_2614 : i32
          %parallel_loop3A_2616 = vector.broadcast %parallel_loop3A_2615 : i32 to vector<16xi32>
          %parallel_loop3A_2617 = arith.addi %parallel_loop3A_2616, %iota3A : vector<16xi32>
          %parallel_loop3A_2618 = vector.broadcast %scan3A_2427 : i32 to vector<16xi32>
          %parallel_loop3A_2619 = arith.cmpi slt, %parallel_loop3A_2617, %parallel_loop3A_2618 : vector<16xi32>
          %parallel_loop3A_2620 = vector.broadcast %sub3A_2433 : i32 to vector<16xi32>
          %parallel_loop3A_2621 = arith.shrsi %parallel_loop3A_2613, %parallel_loop3A_2620 : vector<16xi32>
          %parallel_loop3A_2622 = arith.constant 255 : i32
          %parallel_loop3A_2623 = vector.broadcast %parallel_loop3A_2622 : i32 to vector<16xi32>
          %parallel_loop3A_2624 = arith.andi %parallel_loop3A_2621, %parallel_loop3A_2623 : vector<16xi32>
          %parallel_loop3A_2625 = vector.broadcast %select_n3A_2438 : i32 to vector<16xi32>
          %parallel_loop3A_2626 = arith.xori %parallel_loop3A_2624, %parallel_loop3A_2625 : vector<16xi32>
          tpu.vector_store_idx %arg7[%parallel_loop3A_2626], %broadcast_in_dim3A_3 masked %parallel_loop3A_2619 {add = true} : memref<256xi32, #tpu.memory_space<vmem>>[vector<16xi32>], vector<16xi32>, vector<16xi1>
        } {sc.loop_unroll_factor = 2 : i64, sc.parallel_access}
        %parallel_loop3A_2499 = arith.constant 0 : i32
        %parallel_loop3A_2500 = arith.constant 16 : i32
        %parallel_loop3A_2501 = arith.constant 1 : i32
        %parallel_loop3A_2502 = scf.for %parallel_loop3A_2609 = %parallel_loop3A_2499 to %parallel_loop3A_2500 step %parallel_loop3A_2501 iter_args(%parallel_loop3A_2610 = %broadcast_in_dim3A_1) -> (vector<16xi32>)  : i32 {
          %parallel_loop3A_2611 = arith.constant 16 : i32
          %parallel_loop3A_2612 = arith.muli %parallel_loop3A_2609, %parallel_loop3A_2611 : i32
          %parallel_loop3A_2613 = arith.index_cast %parallel_loop3A_2612 : i32 to index
          %parallel_loop3A_2614 = tpu.vector_load %arg7[%parallel_loop3A_2613] {strides = array<i32>} : memref<256xi32, #tpu.memory_space<vmem>>, vector<16xi32>,
          %parallel_loop3A_2615 = arith.constant true
          %parallel_loop3A_2616 = vector.broadcast %parallel_loop3A_2615 : i1 to vector<16xi1>
          %parallel_loop3A_2617 = tpu.scan <sum>, %parallel_loop3A_2614 masked %parallel_loop3A_2616 : vector<16xi32>, vector<16xi1> -> vector<16xi32>
          %parallel_loop3A_2618 = vector.broadcast %parallel_loop3A_2609 : i32 to vector<16xi32>
          %parallel_loop3A_2619 = arith.cmpi eq, %iota3A, %parallel_loop3A_2618 : vector<16xi32>
          %parallel_loop3A_2620 = arith.constant 0 : i32
          %parallel_loop3A_2621 = vector.broadcast %parallel_loop3A_2620 : i32 to vector<16xi32>
          %parallel_loop3A_2622 = arith.cmpi slt, %broadcast_in_dim3A_5, %parallel_loop3A_2621 : vector<16xi32>
          %parallel_loop3A_2623 = arith.constant 16 : i32
          %parallel_loop3A_2624 = vector.broadcast %parallel_loop3A_2623 : i32 to vector<16xi32>
          %parallel_loop3A_2625 = arith.addi %broadcast_in_dim3A_5, %parallel_loop3A_2624 : vector<16xi32>
          %parallel_loop3A_2626 = arith.select %parallel_loop3A_2622, %parallel_loop3A_2625, %broadcast_in_dim3A_5 : vector<16xi1>, vector<16xi32>
          %parallel_loop3A_2627 = vector.shape_cast %parallel_loop3A_2626 : vector<16xi32> to vector<16x1xi32>
          %parallel_loop3A_2628 = vector.shape_cast %parallel_loop3A_2627 : vector<16x1xi32> to vector<16xi32>
          %parallel_loop3A_2629 = tpu.dynamic_gather %parallel_loop3A_2617[%parallel_loop3A_2628] in [0] : vector<16xi32>, vector<16xi32> -> vector<16xi32>
          %parallel_loop3A_2630 = arith.constant 0 : i32
          %parallel_loop3A_2631 = vector.broadcast %parallel_loop3A_2630 : i32 to vector<16xi32>
          %parallel_loop3A_2632 = arith.select %parallel_loop3A_2619, %parallel_loop3A_2629, %parallel_loop3A_2631 : vector<16xi1>, vector<16xi32>
          %parallel_loop3A_2633 = arith.addi %parallel_loop3A_2610, %parallel_loop3A_2632 : vector<16xi32>
          scf.yield %parallel_loop3A_2633 : vector<16xi32>
        } {sc.loop_unroll_factor = 4 : i64, sc.parallel_access}
        %rev3A_2503 = arith.constant 15 : i32
        %rev3A_2504 = vector.broadcast %rev3A_2503 : i32 to vector<16xi32>
        %rev3A_2505 = tpu.iota {dimensions = array<i32: 0>} : vector<16xi32>
        %rev3A_2506 = arith.subi %rev3A_2504, %rev3A_2505 : vector<16xi32>
        %rev3A_2507 = tpu.dynamic_gather %parallel_loop3A_2502[%rev3A_2506] in [0] : vector<16xi32>, vector<16xi32> -> vector<16xi32>
        %broadcast_in_dim3A_2508 = arith.constant true
        %broadcast_in_dim3A_2509 = vector.broadcast %broadcast_in_dim3A_2508 : i1 to vector<16xi1>
        %masked_cumsum3A_2510 = tpu.scan <sum>, %rev3A_2507 masked %broadcast_in_dim3A_2509 : vector<16xi32>, vector<16xi1> -> vector<16xi32>
        %ge3A_2511 = arith.cmpi sge, %masked_cumsum3A_2510, %scan3A_2428 : vector<16xi32>
        %all_reduce_ffs3A_2512 = tpu.all_reduce %ge3A_2511 {dim = 0 : i64, kind = #tpu.reduction_kind<find_first_set>} : vector<16xi1> -> vector<16xi32>
        %sub3A_2513 = arith.constant 15 : i32
        %sub3A_2514 = vector.broadcast %sub3A_2513 : i32 to vector<16xi32>
        %sub3A_2515 = arith.subi %sub3A_2514, %all_reduce_ffs3A_2512 : vector<16xi32>
        %lt3A_2516 = arith.constant 0 : i32
        %lt3A_2517 = vector.broadcast %lt3A_2516 : i32 to vector<16xi32>
        %lt3A_2518 = arith.cmpi slt, %all_reduce_ffs3A_2512, %lt3A_2517 : vector<16xi32>
        %add3A_2519 = arith.constant 16 : i32
        %add3A_2520 = vector.broadcast %add3A_2519 : i32 to vector<16xi32>
        %add3A_2521 = arith.addi %all_reduce_ffs3A_2512, %add3A_2520 : vector<16xi32>
        %select_n3A_2522 = arith.select %lt3A_2518, %add3A_2521, %all_reduce_ffs3A_2512 : vector<16xi1>, vector<16xi32>
        %broadcast_in_dim3A_2523 = vector.shape_cast %select_n3A_2522 : vector<16xi32> to vector<16x1xi32>
        %gather3A_2524 = vector.shape_cast %broadcast_in_dim3A_2523 : vector<16x1xi32> to vector<16xi32>
        %gather3A_2525 = tpu.dynamic_gather %masked_cumsum3A_2510[%gather3A_2524] in [0] : vector<16xi32>, vector<16xi32> -> vector<16xi32>
        %lt3A_2526 = arith.constant 0 : i32
        %lt3A_2527 = vector.broadcast %lt3A_2526 : i32 to vector<16xi32>
        %lt3A_2528 = arith.cmpi slt, %all_reduce_ffs3A_2512, %lt3A_2527 : vector<16xi32>
        %add3A_2529 = arith.constant 16 : i32
        %add3A_2530 = vector.broadcast %add3A_2529 : i32 to vector<16xi32>
        %add3A_2531 = arith.addi %all_reduce_ffs3A_2512, %add3A_2530 : vector<16xi32>
        %select_n3A_2532 = arith.select %lt3A_2528, %add3A_2531, %all_reduce_ffs3A_2512 : vector<16xi1>, vector<16xi32>
        %broadcast_in_dim3A_2533 = vector.shape_cast %select_n3A_2532 : vector<16xi32> to vector<16x1xi32>
        %gather3A_2534 = vector.shape_cast %broadcast_in_dim3A_2533 : vector<16x1xi32> to vector<16xi32>
        %gather3A_2535 = tpu.dynamic_gather %rev3A_2507[%gather3A_2534] in [0] : vector<16xi32>, vector<16xi32> -> vector<16xi32>
        %sub3A_2536 = arith.subi %gather3A_2525, %gather3A_2535 : vector<16xi32>
        %mul3A_2537 = arith.constant 16 : i32
        %mul3A_2538 = vector.broadcast %mul3A_2537 : i32 to vector<16xi32>
        %mul3A_2539 = arith.muli %sub3A_2515, %mul3A_2538 : vector<16xi32>
        %add3A_2540 = arith.addi %mul3A_2539, %iota3A : vector<16xi32>
        %gather3A_2541 = tpu.vector_load_idx %arg7[%add3A_2540] : memref<256xi32, #tpu.memory_space<vmem>>[vector<16xi32>], vector<16xi32>,
        %rev3A_2542 = arith.constant 15 : i32
        %rev3A_2543 = vector.broadcast %rev3A_2542 : i32 to vector<16xi32>
        %rev3A_2544 = tpu.iota {dimensions = array<i32: 0>} : vector<16xi32>
        %rev3A_2545 = arith.subi %rev3A_2543, %rev3A_2544 : vector<16xi32>
        %rev3A_2546 = tpu.dynamic_gather %gather3A_2541[%rev3A_2545] in [0] : vector<16xi32>, vector<16xi32> -> vector<16xi32>
        %broadcast_in_dim3A_2547 = arith.constant true
        %broadcast_in_dim3A_2548 = vector.broadcast %broadcast_in_dim3A_2547 : i1 to vector<16xi1>
        %masked_cumsum3A_2549 = tpu.scan <sum>, %rev3A_2546 masked %broadcast_in_dim3A_2548 : vector<16xi32>, vector<16xi1> -> vector<16xi32>
        %add3A_2550 = arith.addi %sub3A_2536, %masked_cumsum3A_2549 : vector<16xi32>
        %ge3A_2551 = arith.cmpi sge, %add3A_2550, %scan3A_2428 : vector<16xi32>
        %all_reduce_ffs3A_2552 = tpu.all_reduce %ge3A_2551 {dim = 0 : i64, kind = #tpu.reduction_kind<find_first_set>} : vector<16xi1> -> vector<16xi32>
        %mul3A_2553 = arith.constant 16 : i32
        %mul3A_2554 = vector.broadcast %mul3A_2553 : i32 to vector<16xi32>
        %mul3A_2555 = arith.muli %sub3A_2515, %mul3A_2554 : vector<16xi32>
        %add3A_2556 = arith.constant 15 : i32
        %add3A_2557 = vector.broadcast %add3A_2556 : i32 to vector<16xi32>
        %add3A_2558 = arith.addi %mul3A_2555, %add3A_2557 : vector<16xi32>
        %sub3A_2559 = arith.subi %add3A_2558, %all_reduce_ffs3A_2552 : vector<16xi32>
        %lt3A_2560 = arith.constant 0 : i32
        %lt3A_2561 = vector.broadcast %lt3A_2560 : i32 to vector<16xi32>
        %lt3A_2562 = arith.cmpi slt, %all_reduce_ffs3A_2552, %lt3A_2561 : vector<16xi32>
        %add3A_2563 = arith.constant 16 : i32
        %add3A_2564 = vector.broadcast %add3A_2563 : i32 to vector<16xi32>
        %add3A_2565 = arith.addi %all_reduce_ffs3A_2552, %add3A_2564 : vector<16xi32>
        %select_n3A_2566 = arith.select %lt3A_2562, %add3A_2565, %all_reduce_ffs3A_2552 : vector<16xi1>, vector<16xi32>
        %broadcast_in_dim3A_2567 = vector.shape_cast %select_n3A_2566 : vector<16xi32> to vector<16x1xi32>
        %gather3A_2568 = vector.shape_cast %broadcast_in_dim3A_2567 : vector<16x1xi32> to vector<16xi32>
        %gather3A_2569 = tpu.dynamic_gather %masked_cumsum3A_2549[%gather3A_2568] in [0] : vector<16xi32>, vector<16xi32> -> vector<16xi32>
        %add3A_2570 = arith.addi %sub3A_2536, %gather3A_2569 : vector<16xi32>
        %lt3A_2571 = arith.constant 0 : i32
        %lt3A_2572 = vector.broadcast %lt3A_2571 : i32 to vector<16xi32>
        %lt3A_2573 = arith.cmpi slt, %all_reduce_ffs3A_2552, %lt3A_2572 : vector<16xi32>
        %add3A_2574 = arith.constant 16 : i32
        %add3A_2575 = vector.broadcast %add3A_2574 : i32 to vector<16xi32>
        %add3A_2576 = arith.addi %all_reduce_ffs3A_2552, %add3A_2575 : vector<16xi32>
        %select_n3A_2577 = arith.select %lt3A_2573, %add3A_2576, %all_reduce_ffs3A_2552 : vector<16xi1>, vector<16xi32>
        %broadcast_in_dim3A_2578 = vector.shape_cast %select_n3A_2577 : vector<16xi32> to vector<16x1xi32>
        %gather3A_2579 = vector.shape_cast %broadcast_in_dim3A_2578 : vector<16x1xi32> to vector<16xi32>
        %gather3A_2580 = tpu.dynamic_gather %rev3A_2546[%gather3A_2579] in [0] : vector<16xi32>, vector<16xi32> -> vector<16xi32>
        %sub3A_2581 = arith.subi %add3A_2570, %gather3A_2580 : vector<16xi32>
        %sub3A_2582 = arith.constant 1 : i32
        %sub3A_2583 = vector.broadcast %sub3A_2582 : i32 to vector<16xi32>
        %sub3A_2584 = arith.subi %scan3A_2426, %sub3A_2583 : vector<16xi32>
        %sub3A_2585 = arith.constant 1 : i32
        %sub3A_2586 = vector.broadcast %sub3A_2585 : i32 to vector<16xi32>
        %sub3A_2587 = arith.subi %broadcast_in_dim3A_1, %sub3A_2586 : vector<16xi32>
        %parallel_loop3A_2588 = arith.constant 0 : i32
        %parallel_loop3A_2589 = arith.constant 1 : i32
        %parallel_loop3A_2590:2 = scf.for %parallel_loop3A_2609 = %parallel_loop3A_2588 to %select_n3A_2496 step %parallel_loop3A_2589 iter_args(%parallel_loop3A_2610 = %sub3A_2584, %parallel_loop3A_2611 = %sub3A_2587) -> (vector<16xi32>, vector<16xi32>)  : i32 {
          %parallel_loop3A_2612 = arith.constant 16 : i32
          %parallel_loop3A_2613 = arith.muli %parallel_loop3A_2609, %parallel_loop3A_2612 : i32
          %parallel_loop3A_2614 = arith.index_cast %parallel_loop3A_2613 : i32 to index
          %parallel_loop3A_2615 = tpu.vector_load %arg6[%parallel_loop3A_2614] {strides = array<i32>} : memref<32768xi32, #tpu.memory_space<vmem>>, vector<16xi32>,
          %parallel_loop3A_2616 = arith.constant 16 : i32
          %parallel_loop3A_2617 = arith.muli %parallel_loop3A_2609, %parallel_loop3A_2616 : i32
          %parallel_loop3A_2618 = vector.broadcast %parallel_loop3A_2617 : i32 to vector<16xi32>
          %parallel_loop3A_2619 = arith.addi %parallel_loop3A_2618, %iota3A : vector<16xi32>
          %parallel_loop3A_2620 = vector.broadcast %scan3A_2427 : i32 to vector<16xi32>
          %parallel_loop3A_2621 = arith.cmpi slt, %parallel_loop3A_2619, %parallel_loop3A_2620 : vector<16xi32>
          %parallel_loop3A_2622 = vector.broadcast %sub3A_2433 : i32 to vector<16xi32>
          %parallel_loop3A_2623 = arith.shrsi %parallel_loop3A_2615, %parallel_loop3A_2622 : vector<16xi32>
          %parallel_loop3A_2624 = arith.constant 255 : i32
          %parallel_loop3A_2625 = vector.broadcast %parallel_loop3A_2624 : i32 to vector<16xi32>
          %parallel_loop3A_2626 = arith.andi %parallel_loop3A_2623, %parallel_loop3A_2625 : vector<16xi32>
          %parallel_loop3A_2627 = vector.broadcast %select_n3A_2438 : i32 to vector<16xi32>
          %parallel_loop3A_2628 = arith.xori %parallel_loop3A_2626, %parallel_loop3A_2627 : vector<16xi32>
          %parallel_loop3A_2629 = arith.cmpi sgt, %parallel_loop3A_2628, %sub3A_2559 : vector<16xi32>
          %parallel_loop3A_2630 = arith.andi %parallel_loop3A_2621, %parallel_loop3A_2629 : vector<16xi1>
          %parallel_loop3A_2631 = arith.cmpi eq, %parallel_loop3A_2628, %sub3A_2559 : vector<16xi32>
          %parallel_loop3A_2632 = arith.andi %parallel_loop3A_2621, %parallel_loop3A_2631 : vector<16xi1>
          %parallel_loop3A_2633 = tpu.scan <sum>, %broadcast_in_dim3A_3 masked %parallel_loop3A_2630 : vector<16xi32>, vector<16xi1> -> vector<16xi32>
          %parallel_loop3A_2634 = arith.addi %parallel_loop3A_2610, %parallel_loop3A_2633 : vector<16xi32>
          tpu.vector_store_idx %arg8[%parallel_loop3A_2634], %parallel_loop3A_2615 masked %parallel_loop3A_2630 : memref<128xi32, #tpu.memory_space<vmem>>[vector<16xi32>], vector<16xi32>, vector<16xi1>
          %parallel_loop3A_2635 = tpu.scan <sum>, %broadcast_in_dim3A_3 masked %parallel_loop3A_2632 : vector<16xi32>, vector<16xi1> -> vector<16xi32>
          %parallel_loop3A_2636 = arith.addi %parallel_loop3A_2611, %parallel_loop3A_2635 : vector<16xi32>
          tpu.vector_store_idx %arg6[%parallel_loop3A_2636], %parallel_loop3A_2615 masked %parallel_loop3A_2632 : memref<32768xi32, #tpu.memory_space<vmem>>[vector<16xi32>], vector<16xi32>, vector<16xi1>
          %parallel_loop3A_2637 = tpu.all_reduce %parallel_loop3A_2630 {dim = 0 : i64, kind = #tpu.reduction_kind<sum>} : vector<16xi1> -> vector<16xi32>
          %parallel_loop3A_2638 = arith.addi %parallel_loop3A_2610, %parallel_loop3A_2637 : vector<16xi32>
          %parallel_loop3A_2639 = tpu.all_reduce %parallel_loop3A_2632 {dim = 0 : i64, kind = #tpu.reduction_kind<sum>} : vector<16xi1> -> vector<16xi32>
          %parallel_loop3A_2640 = arith.addi %parallel_loop3A_2611, %parallel_loop3A_2639 : vector<16xi32>
          scf.yield %parallel_loop3A_2638, %parallel_loop3A_2640 : vector<16xi32>, vector<16xi32>
        } {sc.loop_unroll_factor = 2 : i64, sc.parallel_access}
        %add3A_2591 = arith.constant 1 : i32
        %add3A_2592 = vector.broadcast %add3A_2591 : i32 to vector<16xi32>
        %add3A_2593 = arith.addi %parallel_loop3A_2590#0, %add3A_2592 : vector<16xi32>
        %reduce_max3A = arith.constant true
        %reduce_max3A_2594 = vector.broadcast %reduce_max3A : i1 to vector<16xi1>
        %reduce_max3A_2595 = arith.constant -2147483648 : i32
        %reduce_max3A_2596 = vector.broadcast %reduce_max3A_2595 : i32 to vector<16xi32>
        %reduce_max3A_2597 = arith.xori %parallel_loop3A_2590#1, %reduce_max3A_2596 : vector<16xi32>
        %reduce_max3A_2598 = tpu.scan <max>, %reduce_max3A_2597 masked %reduce_max3A_2594 : vector<16xi32>, vector<16xi1> -> vector<16xi32>
        %reduce_max3A_2599 = arith.xori %reduce_max3A_2598, %reduce_max3A_2596 : vector<16xi32>
        %reduce_max3A_2600 = vector.extract %reduce_max3A_2599[15] : i32 from vector<16xi32>
        %add3A_2601 = arith.constant 1 : i32
        %add3A_2602 = arith.addi %reduce_max3A_2600, %add3A_2601 : i32
        %xor3A_2603 = vector.broadcast %select_n3A_2438 : i32 to vector<16xi32>
        %xor3A_2604 = arith.xori %sub3A_2559, %xor3A_2603 : vector<16xi32>
        %shift_left3A_2605 = vector.broadcast %sub3A_2433 : i32 to vector<16xi32>
        %shift_left3A_2606 = arith.shli %xor3A_2604, %shift_left3A_2605 : vector<16xi32>
        %or3A_2607 = arith.ori %scan3A_2429, %shift_left3A_2606 : vector<16xi32>
        %sub3A_2608 = arith.subi %scan3A_2428, %sub3A_2581 : vector<16xi32>
        scf.yield %add3A_2593, %add3A_2602, %sub3A_2608, %or3A_2607 : vector<16xi32>, i32, vector<16xi32>, vector<16xi32>
      }
      %scan3A_369 = arith.constant 4 : i32
      %add3A_370 = arith.constant 0 : i32
      %add3A_371 = vector.broadcast %add3A_370 : i32 to vector<16xi32>
      %add3A_372 = arith.addi %add3A_371, %iota3A : vector<16xi32>
      %lt3A_373 = arith.cmpi slt, %add3A_372, %scan3A_368#2 : vector<16xi32>
      %add3A_374 = arith.constant 0 : i32
      %add3A_375 = vector.broadcast %add3A_374 : i32 to vector<16xi32>
      %add3A_376 = arith.addi %scan3A_368#0, %add3A_375 : vector<16xi32>
      %add3A_377 = arith.addi %add3A_376, %iota3A : vector<16xi32>
      tpu.vector_store_idx %arg8[%add3A_377], %scan3A_368#3 masked %lt3A_373 : memref<128xi32, #tpu.memory_space<vmem>>[vector<16xi32>], vector<16xi32>, vector<16xi1>
      %add3A_378 = arith.constant 16 : i32
      %add3A_379 = vector.broadcast %add3A_378 : i32 to vector<16xi32>
      %add3A_380 = arith.addi %add3A_379, %iota3A : vector<16xi32>
      %lt3A_381 = arith.cmpi slt, %add3A_380, %scan3A_368#2 : vector<16xi32>
      %add3A_382 = arith.constant 16 : i32
      %add3A_383 = vector.broadcast %add3A_382 : i32 to vector<16xi32>
      %add3A_384 = arith.addi %scan3A_368#0, %add3A_383 : vector<16xi32>
      %add3A_385 = arith.addi %add3A_384, %iota3A : vector<16xi32>
      tpu.vector_store_idx %arg8[%add3A_385], %scan3A_368#3 masked %lt3A_381 : memref<128xi32, #tpu.memory_space<vmem>>[vector<16xi32>], vector<16xi32>, vector<16xi1>
      %add3A_386 = arith.constant 32 : i32
      %add3A_387 = vector.broadcast %add3A_386 : i32 to vector<16xi32>
      %add3A_388 = arith.addi %add3A_387, %iota3A : vector<16xi32>
      %lt3A_389 = arith.cmpi slt, %add3A_388, %scan3A_368#2 : vector<16xi32>
      %add3A_390 = arith.constant 32 : i32
      %add3A_391 = vector.broadcast %add3A_390 : i32 to vector<16xi32>
      %add3A_392 = arith.addi %scan3A_368#0, %add3A_391 : vector<16xi32>
      %add3A_393 = arith.addi %add3A_392, %iota3A : vector<16xi32>
      tpu.vector_store_idx %arg8[%add3A_393], %scan3A_368#3 masked %lt3A_389 : memref<128xi32, #tpu.memory_space<vmem>>[vector<16xi32>], vector<16xi32>, vector<16xi1>
      %add3A_394 = arith.constant 48 : i32
      %add3A_395 = vector.broadcast %add3A_394 : i32 to vector<16xi32>
      %add3A_396 = arith.addi %add3A_395, %iota3A : vector<16xi32>
      %lt3A_397 = arith.cmpi slt, %add3A_396, %scan3A_368#2 : vector<16xi32>
      %add3A_398 = arith.constant 48 : i32
      %add3A_399 = vector.broadcast %add3A_398 : i32 to vector<16xi32>
      %add3A_400 = arith.addi %scan3A_368#0, %add3A_399 : vector<16xi32>
      %add3A_401 = arith.addi %add3A_400, %iota3A : vector<16xi32>
      tpu.vector_store_idx %arg8[%add3A_401], %scan3A_368#3 masked %lt3A_397 : memref<128xi32, #tpu.memory_space<vmem>>[vector<16xi32>], vector<16xi32>, vector<16xi1>
      %get3A = arith.constant 0 : index
      %get3A_402 = tpu.vector_load %arg8[%get3A] {strides = array<i32>} : memref<128xi32, #tpu.memory_space<vmem>>, vector<16xi32>,
      %get3A_403 = arith.constant 16 : index
      %get3A_404 = tpu.vector_load %arg8[%get3A_403] {strides = array<i32>} : memref<128xi32, #tpu.memory_space<vmem>>, vector<16xi32>,
      %get3A_405 = arith.constant 32 : index
      %get3A_406 = tpu.vector_load %arg8[%get3A_405] {strides = array<i32>} : memref<128xi32, #tpu.memory_space<vmem>>, vector<16xi32>,
      %get3A_407 = arith.constant 48 : index
      %get3A_408 = tpu.vector_load %arg8[%get3A_407] {strides = array<i32>} : memref<128xi32, #tpu.memory_space<vmem>>, vector<16xi32>,
      %sort3A = arith.constant dense<true> : vector<16xi1>
      %sort3A_409, %sort3A_410, %sort3A_411 = tpu.sort %get3A_402, %get3A_402 masked %sort3A : (vector<16xi32>, vector<16xi32>, vector<16xi1>) -> (vector<16xi1>, vector<16xi32>, vector<16xi32>)
      %sort3A_412 = arith.constant dense<true> : vector<16xi1>
      %sort3A_413, %sort3A_414, %sort3A_415 = tpu.sort %get3A_404, %get3A_404 masked %sort3A_412 : (vector<16xi32>, vector<16xi32>, vector<16xi1>) -> (vector<16xi1>, vector<16xi32>, vector<16xi32>)
      %sort3A_416 = arith.constant dense<true> : vector<16xi1>
      %sort3A_417, %sort3A_418, %sort3A_419 = tpu.sort %get3A_406, %get3A_406 masked %sort3A_416 : (vector<16xi32>, vector<16xi32>, vector<16xi1>) -> (vector<16xi1>, vector<16xi32>, vector<16xi32>)
      %sort3A_420 = arith.constant dense<true> : vector<16xi1>
      %sort3A_421, %sort3A_422, %sort3A_423 = tpu.sort %get3A_408, %get3A_408 masked %sort3A_420 : (vector<16xi32>, vector<16xi32>, vector<16xi1>) -> (vector<16xi1>, vector<16xi32>, vector<16xi32>)
      %rev3A_424 = arith.constant 15 : i32
      %rev3A_425 = vector.broadcast %rev3A_424 : i32 to vector<16xi32>
      %rev3A_426 = tpu.iota {dimensions = array<i32: 0>} : vector<16xi32>
      %rev3A_427 = arith.subi %rev3A_425, %rev3A_426 : vector<16xi32>
      %rev3A_428 = tpu.dynamic_gather %sort3A_414[%rev3A_427] in [0] : vector<16xi32>, vector<16xi32> -> vector<16xi32>
      %min3A = arith.minsi %sort3A_410, %rev3A_428 : vector<16xi32>
      %max3A = arith.maxsi %sort3A_410, %rev3A_428 : vector<16xi32>
      %xor3A_429 = arith.constant 8 : i32
      %xor3A_430 = vector.broadcast %xor3A_429 : i32 to vector<16xi32>
      %xor3A_431 = arith.xori %iota3A, %xor3A_430 : vector<16xi32>
      %lt3A_432 = arith.constant 0 : i32
      %lt3A_433 = vector.broadcast %lt3A_432 : i32 to vector<16xi32>
      %lt3A_434 = arith.cmpi slt, %xor3A_431, %lt3A_433 : vector<16xi32>
      %add3A_435 = arith.constant 16 : i32
      %add3A_436 = vector.broadcast %add3A_435 : i32 to vector<16xi32>
      %add3A_437 = arith.addi %xor3A_431, %add3A_436 : vector<16xi32>
      %select_n3A_438 = arith.select %lt3A_434, %add3A_437, %xor3A_431 : vector<16xi1>, vector<16xi32>
      %broadcast_in_dim3A_439 = vector.shape_cast %select_n3A_438 : vector<16xi32> to vector<16x1xi32>
      %gather3A_440 = vector.shape_cast %broadcast_in_dim3A_439 : vector<16x1xi32> to vector<16xi32>
      %gather3A_441 = tpu.dynamic_gather %min3A[%gather3A_440] in [0] : vector<16xi32>, vector<16xi32> -> vector<16xi32>
      %and3A_442 = arith.constant 8 : i32
      %and3A_443 = vector.broadcast %and3A_442 : i32 to vector<16xi32>
      %and3A_444 = arith.andi %iota3A, %and3A_443 : vector<16xi32>
      %eq3A = arith.constant 0 : i32
      %eq3A_445 = vector.broadcast %eq3A : i32 to vector<16xi32>
      %eq3A_446 = arith.cmpi eq, %and3A_444, %eq3A_445 : vector<16xi32>
      %min3A_447 = arith.minsi %min3A, %gather3A_441 : vector<16xi32>
      %max3A_448 = arith.maxsi %min3A, %gather3A_441 : vector<16xi32>
      %select_n3A_449 = arith.select %eq3A_446, %min3A_447, %max3A_448 : vector<16xi1>, vector<16xi32>
      %xor3A_450 = arith.constant 4 : i32
      %xor3A_451 = vector.broadcast %xor3A_450 : i32 to vector<16xi32>
      %xor3A_452 = arith.xori %iota3A, %xor3A_451 : vector<16xi32>
      %lt3A_453 = arith.constant 0 : i32
      %lt3A_454 = vector.broadcast %lt3A_453 : i32 to vector<16xi32>
      %lt3A_455 = arith.cmpi slt, %xor3A_452, %lt3A_454 : vector<16xi32>
      %add3A_456 = arith.constant 16 : i32
      %add3A_457 = vector.broadcast %add3A_456 : i32 to vector<16xi32>
      %add3A_458 = arith.addi %xor3A_452, %add3A_457 : vector<16xi32>
      %select_n3A_459 = arith.select %lt3A_455, %add3A_458, %xor3A_452 : vector<16xi1>, vector<16xi32>
      %broadcast_in_dim3A_460 = vector.shape_cast %select_n3A_459 : vector<16xi32> to vector<16x1xi32>
      %gather3A_461 = vector.shape_cast %broadcast_in_dim3A_460 : vector<16x1xi32> to vector<16xi32>
      %gather3A_462 = tpu.dynamic_gather %select_n3A_449[%gather3A_461] in [0] : vector<16xi32>, vector<16xi32> -> vector<16xi32>
      %and3A_463 = arith.constant 4 : i32
      %and3A_464 = vector.broadcast %and3A_463 : i32 to vector<16xi32>
      %and3A_465 = arith.andi %iota3A, %and3A_464 : vector<16xi32>
      %eq3A_466 = arith.constant 0 : i32
      %eq3A_467 = vector.broadcast %eq3A_466 : i32 to vector<16xi32>
      %eq3A_468 = arith.cmpi eq, %and3A_465, %eq3A_467 : vector<16xi32>
      %min3A_469 = arith.minsi %select_n3A_449, %gather3A_462 : vector<16xi32>
      %max3A_470 = arith.maxsi %select_n3A_449, %gather3A_462 : vector<16xi32>
      %select_n3A_471 = arith.select %eq3A_468, %min3A_469, %max3A_470 : vector<16xi1>, vector<16xi32>
      %xor3A_472 = arith.constant 2 : i32
      %xor3A_473 = vector.broadcast %xor3A_472 : i32 to vector<16xi32>
      %xor3A_474 = arith.xori %iota3A, %xor3A_473 : vector<16xi32>
      %lt3A_475 = arith.constant 0 : i32
      %lt3A_476 = vector.broadcast %lt3A_475 : i32 to vector<16xi32>
      %lt3A_477 = arith.cmpi slt, %xor3A_474, %lt3A_476 : vector<16xi32>
      %add3A_478 = arith.constant 16 : i32
      %add3A_479 = vector.broadcast %add3A_478 : i32 to vector<16xi32>
      %add3A_480 = arith.addi %xor3A_474, %add3A_479 : vector<16xi32>
      %select_n3A_481 = arith.select %lt3A_477, %add3A_480, %xor3A_474 : vector<16xi1>, vector<16xi32>
      %broadcast_in_dim3A_482 = vector.shape_cast %select_n3A_481 : vector<16xi32> to vector<16x1xi32>
      %gather3A_483 = vector.shape_cast %broadcast_in_dim3A_482 : vector<16x1xi32> to vector<16xi32>
      %gather3A_484 = tpu.dynamic_gather %select_n3A_471[%gather3A_483] in [0] : vector<16xi32>, vector<16xi32> -> vector<16xi32>
      %and3A_485 = arith.constant 2 : i32
      %and3A_486 = vector.broadcast %and3A_485 : i32 to vector<16xi32>
      %and3A_487 = arith.andi %iota3A, %and3A_486 : vector<16xi32>
      %eq3A_488 = arith.constant 0 : i32
      %eq3A_489 = vector.broadcast %eq3A_488 : i32 to vector<16xi32>
      %eq3A_490 = arith.cmpi eq, %and3A_487, %eq3A_489 : vector<16xi32>
      %min3A_491 = arith.minsi %select_n3A_471, %gather3A_484 : vector<16xi32>
      %max3A_492 = arith.maxsi %select_n3A_471, %gather3A_484 : vector<16xi32>
      %select_n3A_493 = arith.select %eq3A_490, %min3A_491, %max3A_492 : vector<16xi1>, vector<16xi32>
      %xor3A_494 = arith.constant 1 : i32
      %xor3A_495 = vector.broadcast %xor3A_494 : i32 to vector<16xi32>
      %xor3A_496 = arith.xori %iota3A, %xor3A_495 : vector<16xi32>
      %lt3A_497 = arith.constant 0 : i32
      %lt3A_498 = vector.broadcast %lt3A_497 : i32 to vector<16xi32>
      %lt3A_499 = arith.cmpi slt, %xor3A_496, %lt3A_498 : vector<16xi32>
      %add3A_500 = arith.constant 16 : i32
      %add3A_501 = vector.broadcast %add3A_500 : i32 to vector<16xi32>
      %add3A_502 = arith.addi %xor3A_496, %add3A_501 : vector<16xi32>
      %select_n3A_503 = arith.select %lt3A_499, %add3A_502, %xor3A_496 : vector<16xi1>, vector<16xi32>
      %broadcast_in_dim3A_504 = vector.shape_cast %select_n3A_503 : vector<16xi32> to vector<16x1xi32>
      %gather3A_505 = vector.shape_cast %broadcast_in_dim3A_504 : vector<16x1xi32> to vector<16xi32>
      %gather3A_506 = tpu.dynamic_gather %select_n3A_493[%gather3A_505] in [0] : vector<16xi32>, vector<16xi32> -> vector<16xi32>
      %and3A_507 = arith.constant 1 : i32
      %and3A_508 = vector.broadcast %and3A_507 : i32 to vector<16xi32>
      %and3A_509 = arith.andi %iota3A, %and3A_508 : vector<16xi32>
      %eq3A_510 = arith.constant 0 : i32
      %eq3A_511 = vector.broadcast %eq3A_510 : i32 to vector<16xi32>
      %eq3A_512 = arith.cmpi eq, %and3A_509, %eq3A_511 : vector<16xi32>
      %min3A_513 = arith.minsi %select_n3A_493, %gather3A_506 : vector<16xi32>
      %max3A_514 = arith.maxsi %select_n3A_493, %gather3A_506 : vector<16xi32>
      %select_n3A_515 = arith.select %eq3A_512, %min3A_513, %max3A_514 : vector<16xi1>, vector<16xi32>
      %xor3A_516 = arith.constant 8 : i32
      %xor3A_517 = vector.broadcast %xor3A_516 : i32 to vector<16xi32>
      %xor3A_518 = arith.xori %iota3A, %xor3A_517 : vector<16xi32>
      %lt3A_519 = arith.constant 0 : i32
      %lt3A_520 = vector.broadcast %lt3A_519 : i32 to vector<16xi32>
      %lt3A_521 = arith.cmpi slt, %xor3A_518, %lt3A_520 : vector<16xi32>
      %add3A_522 = arith.constant 16 : i32
      %add3A_523 = vector.broadcast %add3A_522 : i32 to vector<16xi32>
      %add3A_524 = arith.addi %xor3A_518, %add3A_523 : vector<16xi32>
      %select_n3A_525 = arith.select %lt3A_521, %add3A_524, %xor3A_518 : vector<16xi1>, vector<16xi32>
      %broadcast_in_dim3A_526 = vector.shape_cast %select_n3A_525 : vector<16xi32> to vector<16x1xi32>
      %gather3A_527 = vector.shape_cast %broadcast_in_dim3A_526 : vector<16x1xi32> to vector<16xi32>
      %gather3A_528 = tpu.dynamic_gather %max3A[%gather3A_527] in [0] : vector<16xi32>, vector<16xi32> -> vector<16xi32>
      %and3A_529 = arith.constant 8 : i32
      %and3A_530 = vector.broadcast %and3A_529 : i32 to vector<16xi32>
      %and3A_531 = arith.andi %iota3A, %and3A_530 : vector<16xi32>
      %eq3A_532 = arith.constant 0 : i32
      %eq3A_533 = vector.broadcast %eq3A_532 : i32 to vector<16xi32>
      %eq3A_534 = arith.cmpi eq, %and3A_531, %eq3A_533 : vector<16xi32>
      %min3A_535 = arith.minsi %max3A, %gather3A_528 : vector<16xi32>
      %max3A_536 = arith.maxsi %max3A, %gather3A_528 : vector<16xi32>
      %select_n3A_537 = arith.select %eq3A_534, %min3A_535, %max3A_536 : vector<16xi1>, vector<16xi32>
      %xor3A_538 = arith.constant 4 : i32
      %xor3A_539 = vector.broadcast %xor3A_538 : i32 to vector<16xi32>
      %xor3A_540 = arith.xori %iota3A, %xor3A_539 : vector<16xi32>
      %lt3A_541 = arith.constant 0 : i32
      %lt3A_542 = vector.broadcast %lt3A_541 : i32 to vector<16xi32>
      %lt3A_543 = arith.cmpi slt, %xor3A_540, %lt3A_542 : vector<16xi32>
      %add3A_544 = arith.constant 16 : i32
      %add3A_545 = vector.broadcast %add3A_544 : i32 to vector<16xi32>
      %add3A_546 = arith.addi %xor3A_540, %add3A_545 : vector<16xi32>
      %select_n3A_547 = arith.select %lt3A_543, %add3A_546, %xor3A_540 : vector<16xi1>, vector<16xi32>
      %broadcast_in_dim3A_548 = vector.shape_cast %select_n3A_547 : vector<16xi32> to vector<16x1xi32>
      %gather3A_549 = vector.shape_cast %broadcast_in_dim3A_548 : vector<16x1xi32> to vector<16xi32>
      %gather3A_550 = tpu.dynamic_gather %select_n3A_537[%gather3A_549] in [0] : vector<16xi32>, vector<16xi32> -> vector<16xi32>
      %and3A_551 = arith.constant 4 : i32
      %and3A_552 = vector.broadcast %and3A_551 : i32 to vector<16xi32>
      %and3A_553 = arith.andi %iota3A, %and3A_552 : vector<16xi32>
      %eq3A_554 = arith.constant 0 : i32
      %eq3A_555 = vector.broadcast %eq3A_554 : i32 to vector<16xi32>
      %eq3A_556 = arith.cmpi eq, %and3A_553, %eq3A_555 : vector<16xi32>
      %min3A_557 = arith.minsi %select_n3A_537, %gather3A_550 : vector<16xi32>
      %max3A_558 = arith.maxsi %select_n3A_537, %gather3A_550 : vector<16xi32>
      %select_n3A_559 = arith.select %eq3A_556, %min3A_557, %max3A_558 : vector<16xi1>, vector<16xi32>
      %xor3A_560 = arith.constant 2 : i32
      %xor3A_561 = vector.broadcast %xor3A_560 : i32 to vector<16xi32>
      %xor3A_562 = arith.xori %iota3A, %xor3A_561 : vector<16xi32>
      %lt3A_563 = arith.constant 0 : i32
      %lt3A_564 = vector.broadcast %lt3A_563 : i32 to vector<16xi32>
      %lt3A_565 = arith.cmpi slt, %xor3A_562, %lt3A_564 : vector<16xi32>
      %add3A_566 = arith.constant 16 : i32
      %add3A_567 = vector.broadcast %add3A_566 : i32 to vector<16xi32>
      %add3A_568 = arith.addi %xor3A_562, %add3A_567 : vector<16xi32>
      %select_n3A_569 = arith.select %lt3A_565, %add3A_568, %xor3A_562 : vector<16xi1>, vector<16xi32>
      %broadcast_in_dim3A_570 = vector.shape_cast %select_n3A_569 : vector<16xi32> to vector<16x1xi32>
      %gather3A_571 = vector.shape_cast %broadcast_in_dim3A_570 : vector<16x1xi32> to vector<16xi32>
      %gather3A_572 = tpu.dynamic_gather %select_n3A_559[%gather3A_571] in [0] : vector<16xi32>, vector<16xi32> -> vector<16xi32>
      %and3A_573 = arith.constant 2 : i32
      %and3A_574 = vector.broadcast %and3A_573 : i32 to vector<16xi32>
      %and3A_575 = arith.andi %iota3A, %and3A_574 : vector<16xi32>
      %eq3A_576 = arith.constant 0 : i32
      %eq3A_577 = vector.broadcast %eq3A_576 : i32 to vector<16xi32>
      %eq3A_578 = arith.cmpi eq, %and3A_575, %eq3A_577 : vector<16xi32>
      %min3A_579 = arith.minsi %select_n3A_559, %gather3A_572 : vector<16xi32>
      %max3A_580 = arith.maxsi %select_n3A_559, %gather3A_572 : vector<16xi32>
      %select_n3A_581 = arith.select %eq3A_578, %min3A_579, %max3A_580 : vector<16xi1>, vector<16xi32>
      %xor3A_582 = arith.constant 1 : i32
      %xor3A_583 = vector.broadcast %xor3A_582 : i32 to vector<16xi32>
      %xor3A_584 = arith.xori %iota3A, %xor3A_583 : vector<16xi32>
      %lt3A_585 = arith.constant 0 : i32
      %lt3A_586 = vector.broadcast %lt3A_585 : i32 to vector<16xi32>
      %lt3A_587 = arith.cmpi slt, %xor3A_584, %lt3A_586 : vector<16xi32>
      %add3A_588 = arith.constant 16 : i32
      %add3A_589 = vector.broadcast %add3A_588 : i32 to vector<16xi32>
      %add3A_590 = arith.addi %xor3A_584, %add3A_589 : vector<16xi32>
      %select_n3A_591 = arith.select %lt3A_587, %add3A_590, %xor3A_584 : vector<16xi1>, vector<16xi32>
      %broadcast_in_dim3A_592 = vector.shape_cast %select_n3A_591 : vector<16xi32> to vector<16x1xi32>
      %gather3A_593 = vector.shape_cast %broadcast_in_dim3A_592 : vector<16x1xi32> to vector<16xi32>
      %gather3A_594 = tpu.dynamic_gather %select_n3A_581[%gather3A_593] in [0] : vector<16xi32>, vector<16xi32> -> vector<16xi32>
      %and3A_595 = arith.constant 1 : i32
      %and3A_596 = vector.broadcast %and3A_595 : i32 to vector<16xi32>
      %and3A_597 = arith.andi %iota3A, %and3A_596 : vector<16xi32>
      %eq3A_598 = arith.constant 0 : i32
      %eq3A_599 = vector.broadcast %eq3A_598 : i32 to vector<16xi32>
      %eq3A_600 = arith.cmpi eq, %and3A_597, %eq3A_599 : vector<16xi32>
      %min3A_601 = arith.minsi %select_n3A_581, %gather3A_594 : vector<16xi32>
      %max3A_602 = arith.maxsi %select_n3A_581, %gather3A_594 : vector<16xi32>
      %select_n3A_603 = arith.select %eq3A_600, %min3A_601, %max3A_602 : vector<16xi1>, vector<16xi32>
      %rev3A_604 = arith.constant 15 : i32
      %rev3A_605 = vector.broadcast %rev3A_604 : i32 to vector<16xi32>
      %rev3A_606 = tpu.iota {dimensions = array<i32: 0>} : vector<16xi32>
      %rev3A_607 = arith.subi %rev3A_605, %rev3A_606 : vector<16xi32>
      %rev3A_608 = tpu.dynamic_gather %sort3A_422[%rev3A_607] in [0] : vector<16xi32>, vector<16xi32> -> vector<16xi32>
      %min3A_609 = arith.minsi %sort3A_418, %rev3A_608 : vector<16xi32>
      %max3A_610 = arith.maxsi %sort3A_418, %rev3A_608 : vector<16xi32>
      %xor3A_611 = arith.constant 8 : i32
      %xor3A_612 = vector.broadcast %xor3A_611 : i32 to vector<16xi32>
      %xor3A_613 = arith.xori %iota3A, %xor3A_612 : vector<16xi32>
      %lt3A_614 = arith.constant 0 : i32
      %lt3A_615 = vector.broadcast %lt3A_614 : i32 to vector<16xi32>
      %lt3A_616 = arith.cmpi slt, %xor3A_613, %lt3A_615 : vector<16xi32>
      %add3A_617 = arith.constant 16 : i32
      %add3A_618 = vector.broadcast %add3A_617 : i32 to vector<16xi32>
      %add3A_619 = arith.addi %xor3A_613, %add3A_618 : vector<16xi32>
      %select_n3A_620 = arith.select %lt3A_616, %add3A_619, %xor3A_613 : vector<16xi1>, vector<16xi32>
      %broadcast_in_dim3A_621 = vector.shape_cast %select_n3A_620 : vector<16xi32> to vector<16x1xi32>
      %gather3A_622 = vector.shape_cast %broadcast_in_dim3A_621 : vector<16x1xi32> to vector<16xi32>
      %gather3A_623 = tpu.dynamic_gather %min3A_609[%gather3A_622] in [0] : vector<16xi32>, vector<16xi32> -> vector<16xi32>
      %and3A_624 = arith.constant 8 : i32
      %and3A_625 = vector.broadcast %and3A_624 : i32 to vector<16xi32>
      %and3A_626 = arith.andi %iota3A, %and3A_625 : vector<16xi32>
      %eq3A_627 = arith.constant 0 : i32
      %eq3A_628 = vector.broadcast %eq3A_627 : i32 to vector<16xi32>
      %eq3A_629 = arith.cmpi eq, %and3A_626, %eq3A_628 : vector<16xi32>
      %min3A_630 = arith.minsi %min3A_609, %gather3A_623 : vector<16xi32>
      %max3A_631 = arith.maxsi %min3A_609, %gather3A_623 : vector<16xi32>
      %select_n3A_632 = arith.select %eq3A_629, %min3A_630, %max3A_631 : vector<16xi1>, vector<16xi32>
      %xor3A_633 = arith.constant 4 : i32
      %xor3A_634 = vector.broadcast %xor3A_633 : i32 to vector<16xi32>
      %xor3A_635 = arith.xori %iota3A, %xor3A_634 : vector<16xi32>
      %lt3A_636 = arith.constant 0 : i32
      %lt3A_637 = vector.broadcast %lt3A_636 : i32 to vector<16xi32>
      %lt3A_638 = arith.cmpi slt, %xor3A_635, %lt3A_637 : vector<16xi32>
      %add3A_639 = arith.constant 16 : i32
      %add3A_640 = vector.broadcast %add3A_639 : i32 to vector<16xi32>
      %add3A_641 = arith.addi %xor3A_635, %add3A_640 : vector<16xi32>
      %select_n3A_642 = arith.select %lt3A_638, %add3A_641, %xor3A_635 : vector<16xi1>, vector<16xi32>
      %broadcast_in_dim3A_643 = vector.shape_cast %select_n3A_642 : vector<16xi32> to vector<16x1xi32>
      %gather3A_644 = vector.shape_cast %broadcast_in_dim3A_643 : vector<16x1xi32> to vector<16xi32>
      %gather3A_645 = tpu.dynamic_gather %select_n3A_632[%gather3A_644] in [0] : vector<16xi32>, vector<16xi32> -> vector<16xi32>
      %and3A_646 = arith.constant 4 : i32
      %and3A_647 = vector.broadcast %and3A_646 : i32 to vector<16xi32>
      %and3A_648 = arith.andi %iota3A, %and3A_647 : vector<16xi32>
      %eq3A_649 = arith.constant 0 : i32
      %eq3A_650 = vector.broadcast %eq3A_649 : i32 to vector<16xi32>
      %eq3A_651 = arith.cmpi eq, %and3A_648, %eq3A_650 : vector<16xi32>
      %min3A_652 = arith.minsi %select_n3A_632, %gather3A_645 : vector<16xi32>
      %max3A_653 = arith.maxsi %select_n3A_632, %gather3A_645 : vector<16xi32>
      %select_n3A_654 = arith.select %eq3A_651, %min3A_652, %max3A_653 : vector<16xi1>, vector<16xi32>
      %xor3A_655 = arith.constant 2 : i32
      %xor3A_656 = vector.broadcast %xor3A_655 : i32 to vector<16xi32>
      %xor3A_657 = arith.xori %iota3A, %xor3A_656 : vector<16xi32>
      %lt3A_658 = arith.constant 0 : i32
      %lt3A_659 = vector.broadcast %lt3A_658 : i32 to vector<16xi32>
      %lt3A_660 = arith.cmpi slt, %xor3A_657, %lt3A_659 : vector<16xi32>
      %add3A_661 = arith.constant 16 : i32
      %add3A_662 = vector.broadcast %add3A_661 : i32 to vector<16xi32>
      %add3A_663 = arith.addi %xor3A_657, %add3A_662 : vector<16xi32>
      %select_n3A_664 = arith.select %lt3A_660, %add3A_663, %xor3A_657 : vector<16xi1>, vector<16xi32>
      %broadcast_in_dim3A_665 = vector.shape_cast %select_n3A_664 : vector<16xi32> to vector<16x1xi32>
      %gather3A_666 = vector.shape_cast %broadcast_in_dim3A_665 : vector<16x1xi32> to vector<16xi32>
      %gather3A_667 = tpu.dynamic_gather %select_n3A_654[%gather3A_666] in [0] : vector<16xi32>, vector<16xi32> -> vector<16xi32>
      %and3A_668 = arith.constant 2 : i32
      %and3A_669 = vector.broadcast %and3A_668 : i32 to vector<16xi32>
      %and3A_670 = arith.andi %iota3A, %and3A_669 : vector<16xi32>
      %eq3A_671 = arith.constant 0 : i32
      %eq3A_672 = vector.broadcast %eq3A_671 : i32 to vector<16xi32>
      %eq3A_673 = arith.cmpi eq, %and3A_670, %eq3A_672 : vector<16xi32>
      %min3A_674 = arith.minsi %select_n3A_654, %gather3A_667 : vector<16xi32>
      %max3A_675 = arith.maxsi %select_n3A_654, %gather3A_667 : vector<16xi32>
      %select_n3A_676 = arith.select %eq3A_673, %min3A_674, %max3A_675 : vector<16xi1>, vector<16xi32>
      %xor3A_677 = arith.constant 1 : i32
      %xor3A_678 = vector.broadcast %xor3A_677 : i32 to vector<16xi32>
      %xor3A_679 = arith.xori %iota3A, %xor3A_678 : vector<16xi32>
      %lt3A_680 = arith.constant 0 : i32
      %lt3A_681 = vector.broadcast %lt3A_680 : i32 to vector<16xi32>
      %lt3A_682 = arith.cmpi slt, %xor3A_679, %lt3A_681 : vector<16xi32>
      %add3A_683 = arith.constant 16 : i32
      %add3A_684 = vector.broadcast %add3A_683 : i32 to vector<16xi32>
      %add3A_685 = arith.addi %xor3A_679, %add3A_684 : vector<16xi32>
      %select_n3A_686 = arith.select %lt3A_682, %add3A_685, %xor3A_679 : vector<16xi1>, vector<16xi32>
      %broadcast_in_dim3A_687 = vector.shape_cast %select_n3A_686 : vector<16xi32> to vector<16x1xi32>
      %gather3A_688 = vector.shape_cast %broadcast_in_dim3A_687 : vector<16x1xi32> to vector<16xi32>
      %gather3A_689 = tpu.dynamic_gather %select_n3A_676[%gather3A_688] in [0] : vector<16xi32>, vector<16xi32> -> vector<16xi32>
      %and3A_690 = arith.constant 1 : i32
      %and3A_691 = vector.broadcast %and3A_690 : i32 to vector<16xi32>
      %and3A_692 = arith.andi %iota3A, %and3A_691 : vector<16xi32>
      %eq3A_693 = arith.constant 0 : i32
      %eq3A_694 = vector.broadcast %eq3A_693 : i32 to vector<16xi32>
      %eq3A_695 = arith.cmpi eq, %and3A_692, %eq3A_694 : vector<16xi32>
      %min3A_696 = arith.minsi %select_n3A_676, %gather3A_689 : vector<16xi32>
      %max3A_697 = arith.maxsi %select_n3A_676, %gather3A_689 : vector<16xi32>
      %select_n3A_698 = arith.select %eq3A_695, %min3A_696, %max3A_697 : vector<16xi1>, vector<16xi32>
      %xor3A_699 = arith.constant 8 : i32
      %xor3A_700 = vector.broadcast %xor3A_699 : i32 to vector<16xi32>
      %xor3A_701 = arith.xori %iota3A, %xor3A_700 : vector<16xi32>
      %lt3A_702 = arith.constant 0 : i32
      %lt3A_703 = vector.broadcast %lt3A_702 : i32 to vector<16xi32>
      %lt3A_704 = arith.cmpi slt, %xor3A_701, %lt3A_703 : vector<16xi32>
      %add3A_705 = arith.constant 16 : i32
      %add3A_706 = vector.broadcast %add3A_705 : i32 to vector<16xi32>
      %add3A_707 = arith.addi %xor3A_701, %add3A_706 : vector<16xi32>
      %select_n3A_708 = arith.select %lt3A_704, %add3A_707, %xor3A_701 : vector<16xi1>, vector<16xi32>
      %broadcast_in_dim3A_709 = vector.shape_cast %select_n3A_708 : vector<16xi32> to vector<16x1xi32>
      %gather3A_710 = vector.shape_cast %broadcast_in_dim3A_709 : vector<16x1xi32> to vector<16xi32>
      %gather3A_711 = tpu.dynamic_gather %max3A_610[%gather3A_710] in [0] : vector<16xi32>, vector<16xi32> -> vector<16xi32>
      %and3A_712 = arith.constant 8 : i32
      %and3A_713 = vector.broadcast %and3A_712 : i32 to vector<16xi32>
      %and3A_714 = arith.andi %iota3A, %and3A_713 : vector<16xi32>
      %eq3A_715 = arith.constant 0 : i32
      %eq3A_716 = vector.broadcast %eq3A_715 : i32 to vector<16xi32>
      %eq3A_717 = arith.cmpi eq, %and3A_714, %eq3A_716 : vector<16xi32>
      %min3A_718 = arith.minsi %max3A_610, %gather3A_711 : vector<16xi32>
      %max3A_719 = arith.maxsi %max3A_610, %gather3A_711 : vector<16xi32>
      %select_n3A_720 = arith.select %eq3A_717, %min3A_718, %max3A_719 : vector<16xi1>, vector<16xi32>
      %xor3A_721 = arith.constant 4 : i32
      %xor3A_722 = vector.broadcast %xor3A_721 : i32 to vector<16xi32>
      %xor3A_723 = arith.xori %iota3A, %xor3A_722 : vector<16xi32>
      %lt3A_724 = arith.constant 0 : i32
      %lt3A_725 = vector.broadcast %lt3A_724 : i32 to vector<16xi32>
      %lt3A_726 = arith.cmpi slt, %xor3A_723, %lt3A_725 : vector<16xi32>
      %add3A_727 = arith.constant 16 : i32
      %add3A_728 = vector.broadcast %add3A_727 : i32 to vector<16xi32>
      %add3A_729 = arith.addi %xor3A_723, %add3A_728 : vector<16xi32>
      %select_n3A_730 = arith.select %lt3A_726, %add3A_729, %xor3A_723 : vector<16xi1>, vector<16xi32>
      %broadcast_in_dim3A_731 = vector.shape_cast %select_n3A_730 : vector<16xi32> to vector<16x1xi32>
      %gather3A_732 = vector.shape_cast %broadcast_in_dim3A_731 : vector<16x1xi32> to vector<16xi32>
      %gather3A_733 = tpu.dynamic_gather %select_n3A_720[%gather3A_732] in [0] : vector<16xi32>, vector<16xi32> -> vector<16xi32>
      %and3A_734 = arith.constant 4 : i32
      %and3A_735 = vector.broadcast %and3A_734 : i32 to vector<16xi32>
      %and3A_736 = arith.andi %iota3A, %and3A_735 : vector<16xi32>
      %eq3A_737 = arith.constant 0 : i32
      %eq3A_738 = vector.broadcast %eq3A_737 : i32 to vector<16xi32>
      %eq3A_739 = arith.cmpi eq, %and3A_736, %eq3A_738 : vector<16xi32>
      %min3A_740 = arith.minsi %select_n3A_720, %gather3A_733 : vector<16xi32>
      %max3A_741 = arith.maxsi %select_n3A_720, %gather3A_733 : vector<16xi32>
      %select_n3A_742 = arith.select %eq3A_739, %min3A_740, %max3A_741 : vector<16xi1>, vector<16xi32>
      %xor3A_743 = arith.constant 2 : i32
      %xor3A_744 = vector.broadcast %xor3A_743 : i32 to vector<16xi32>
      %xor3A_745 = arith.xori %iota3A, %xor3A_744 : vector<16xi32>
      %lt3A_746 = arith.constant 0 : i32
      %lt3A_747 = vector.broadcast %lt3A_746 : i32 to vector<16xi32>
      %lt3A_748 = arith.cmpi slt, %xor3A_745, %lt3A_747 : vector<16xi32>
      %add3A_749 = arith.constant 16 : i32
      %add3A_750 = vector.broadcast %add3A_749 : i32 to vector<16xi32>
      %add3A_751 = arith.addi %xor3A_745, %add3A_750 : vector<16xi32>
      %select_n3A_752 = arith.select %lt3A_748, %add3A_751, %xor3A_745 : vector<16xi1>, vector<16xi32>
      %broadcast_in_dim3A_753 = vector.shape_cast %select_n3A_752 : vector<16xi32> to vector<16x1xi32>
      %gather3A_754 = vector.shape_cast %broadcast_in_dim3A_753 : vector<16x1xi32> to vector<16xi32>
      %gather3A_755 = tpu.dynamic_gather %select_n3A_742[%gather3A_754] in [0] : vector<16xi32>, vector<16xi32> -> vector<16xi32>
      %and3A_756 = arith.constant 2 : i32
      %and3A_757 = vector.broadcast %and3A_756 : i32 to vector<16xi32>
      %and3A_758 = arith.andi %iota3A, %and3A_757 : vector<16xi32>
      %eq3A_759 = arith.constant 0 : i32
      %eq3A_760 = vector.broadcast %eq3A_759 : i32 to vector<16xi32>
      %eq3A_761 = arith.cmpi eq, %and3A_758, %eq3A_760 : vector<16xi32>
      %min3A_762 = arith.minsi %select_n3A_742, %gather3A_755 : vector<16xi32>
      %max3A_763 = arith.maxsi %select_n3A_742, %gather3A_755 : vector<16xi32>
      %select_n3A_764 = arith.select %eq3A_761, %min3A_762, %max3A_763 : vector<16xi1>, vector<16xi32>
      %xor3A_765 = arith.constant 1 : i32
      %xor3A_766 = vector.broadcast %xor3A_765 : i32 to vector<16xi32>
      %xor3A_767 = arith.xori %iota3A, %xor3A_766 : vector<16xi32>
      %lt3A_768 = arith.constant 0 : i32
      %lt3A_769 = vector.broadcast %lt3A_768 : i32 to vector<16xi32>
      %lt3A_770 = arith.cmpi slt, %xor3A_767, %lt3A_769 : vector<16xi32>
      %add3A_771 = arith.constant 16 : i32
      %add3A_772 = vector.broadcast %add3A_771 : i32 to vector<16xi32>
      %add3A_773 = arith.addi %xor3A_767, %add3A_772 : vector<16xi32>
      %select_n3A_774 = arith.select %lt3A_770, %add3A_773, %xor3A_767 : vector<16xi1>, vector<16xi32>
      %broadcast_in_dim3A_775 = vector.shape_cast %select_n3A_774 : vector<16xi32> to vector<16x1xi32>
      %gather3A_776 = vector.shape_cast %broadcast_in_dim3A_775 : vector<16x1xi32> to vector<16xi32>
      %gather3A_777 = tpu.dynamic_gather %select_n3A_764[%gather3A_776] in [0] : vector<16xi32>, vector<16xi32> -> vector<16xi32>
      %and3A_778 = arith.constant 1 : i32
      %and3A_779 = vector.broadcast %and3A_778 : i32 to vector<16xi32>
      %and3A_780 = arith.andi %iota3A, %and3A_779 : vector<16xi32>
      %eq3A_781 = arith.constant 0 : i32
      %eq3A_782 = vector.broadcast %eq3A_781 : i32 to vector<16xi32>
      %eq3A_783 = arith.cmpi eq, %and3A_780, %eq3A_782 : vector<16xi32>
      %min3A_784 = arith.minsi %select_n3A_764, %gather3A_777 : vector<16xi32>
      %max3A_785 = arith.maxsi %select_n3A_764, %gather3A_777 : vector<16xi32>
      %select_n3A_786 = arith.select %eq3A_783, %min3A_784, %max3A_785 : vector<16xi1>, vector<16xi32>
      %rev3A_787 = arith.constant 15 : i32
      %rev3A_788 = vector.broadcast %rev3A_787 : i32 to vector<16xi32>
      %rev3A_789 = tpu.iota {dimensions = array<i32: 0>} : vector<16xi32>
      %rev3A_790 = arith.subi %rev3A_788, %rev3A_789 : vector<16xi32>
      %rev3A_791 = tpu.dynamic_gather %select_n3A_786[%rev3A_790] in [0] : vector<16xi32>, vector<16xi32> -> vector<16xi32>
      %rev3A_792 = arith.constant 15 : i32
      %rev3A_793 = vector.broadcast %rev3A_792 : i32 to vector<16xi32>
      %rev3A_794 = tpu.iota {dimensions = array<i32: 0>} : vector<16xi32>
      %rev3A_795 = arith.subi %rev3A_793, %rev3A_794 : vector<16xi32>
      %rev3A_796 = tpu.dynamic_gather %select_n3A_698[%rev3A_795] in [0] : vector<16xi32>, vector<16xi32> -> vector<16xi32>
      %min3A_797 = arith.minsi %select_n3A_515, %rev3A_791 : vector<16xi32>
      %min3A_798 = arith.minsi %select_n3A_603, %rev3A_796 : vector<16xi32>
      %max3A_799 = arith.maxsi %select_n3A_515, %rev3A_791 : vector<16xi32>
      %max3A_800 = arith.maxsi %select_n3A_603, %rev3A_796 : vector<16xi32>
      %min3A_801 = arith.minsi %min3A_797, %min3A_798 : vector<16xi32>
      %xor3A_802 = arith.constant 8 : i32
      %xor3A_803 = vector.broadcast %xor3A_802 : i32 to vector<16xi32>
      %xor3A_804 = arith.xori %iota3A, %xor3A_803 : vector<16xi32>
      %lt3A_805 = arith.constant 0 : i32
      %lt3A_806 = vector.broadcast %lt3A_805 : i32 to vector<16xi32>
      %lt3A_807 = arith.cmpi slt, %xor3A_804, %lt3A_806 : vector<16xi32>
      %add3A_808 = arith.constant 16 : i32
      %add3A_809 = vector.broadcast %add3A_808 : i32 to vector<16xi32>
      %add3A_810 = arith.addi %xor3A_804, %add3A_809 : vector<16xi32>
      %select_n3A_811 = arith.select %lt3A_807, %add3A_810, %xor3A_804 : vector<16xi1>, vector<16xi32>
      %broadcast_in_dim3A_812 = vector.shape_cast %select_n3A_811 : vector<16xi32> to vector<16x1xi32>
      %gather3A_813 = vector.shape_cast %broadcast_in_dim3A_812 : vector<16x1xi32> to vector<16xi32>
      %gather3A_814 = tpu.dynamic_gather %min3A_801[%gather3A_813] in [0] : vector<16xi32>, vector<16xi32> -> vector<16xi32>
      %and3A_815 = arith.constant 8 : i32
      %and3A_816 = vector.broadcast %and3A_815 : i32 to vector<16xi32>
      %and3A_817 = arith.andi %iota3A, %and3A_816 : vector<16xi32>
      %eq3A_818 = arith.constant 0 : i32
      %eq3A_819 = vector.broadcast %eq3A_818 : i32 to vector<16xi32>
      %eq3A_820 = arith.cmpi eq, %and3A_817, %eq3A_819 : vector<16xi32>
      %min3A_821 = arith.minsi %min3A_801, %gather3A_814 : vector<16xi32>
      %max3A_822 = arith.maxsi %min3A_801, %gather3A_814 : vector<16xi32>
      %select_n3A_823 = arith.select %eq3A_820, %min3A_821, %max3A_822 : vector<16xi1>, vector<16xi32>
      %xor3A_824 = arith.constant 4 : i32
      %xor3A_825 = vector.broadcast %xor3A_824 : i32 to vector<16xi32>
      %xor3A_826 = arith.xori %iota3A, %xor3A_825 : vector<16xi32>
      %lt3A_827 = arith.constant 0 : i32
      %lt3A_828 = vector.broadcast %lt3A_827 : i32 to vector<16xi32>
      %lt3A_829 = arith.cmpi slt, %xor3A_826, %lt3A_828 : vector<16xi32>
      %add3A_830 = arith.constant 16 : i32
      %add3A_831 = vector.broadcast %add3A_830 : i32 to vector<16xi32>
      %add3A_832 = arith.addi %xor3A_826, %add3A_831 : vector<16xi32>
      %select_n3A_833 = arith.select %lt3A_829, %add3A_832, %xor3A_826 : vector<16xi1>, vector<16xi32>
      %broadcast_in_dim3A_834 = vector.shape_cast %select_n3A_833 : vector<16xi32> to vector<16x1xi32>
      %gather3A_835 = vector.shape_cast %broadcast_in_dim3A_834 : vector<16x1xi32> to vector<16xi32>
      %gather3A_836 = tpu.dynamic_gather %select_n3A_823[%gather3A_835] in [0] : vector<16xi32>, vector<16xi32> -> vector<16xi32>
      %and3A_837 = arith.constant 4 : i32
      %and3A_838 = vector.broadcast %and3A_837 : i32 to vector<16xi32>
      %and3A_839 = arith.andi %iota3A, %and3A_838 : vector<16xi32>
      %eq3A_840 = arith.constant 0 : i32
      %eq3A_841 = vector.broadcast %eq3A_840 : i32 to vector<16xi32>
      %eq3A_842 = arith.cmpi eq, %and3A_839, %eq3A_841 : vector<16xi32>
      %min3A_843 = arith.minsi %select_n3A_823, %gather3A_836 : vector<16xi32>
      %max3A_844 = arith.maxsi %select_n3A_823, %gather3A_836 : vector<16xi32>
      %select_n3A_845 = arith.select %eq3A_842, %min3A_843, %max3A_844 : vector<16xi1>, vector<16xi32>
      %xor3A_846 = arith.constant 2 : i32
      %xor3A_847 = vector.broadcast %xor3A_846 : i32 to vector<16xi32>
      %xor3A_848 = arith.xori %iota3A, %xor3A_847 : vector<16xi32>
      %lt3A_849 = arith.constant 0 : i32
      %lt3A_850 = vector.broadcast %lt3A_849 : i32 to vector<16xi32>
      %lt3A_851 = arith.cmpi slt, %xor3A_848, %lt3A_850 : vector<16xi32>
      %add3A_852 = arith.constant 16 : i32
      %add3A_853 = vector.broadcast %add3A_852 : i32 to vector<16xi32>
      %add3A_854 = arith.addi %xor3A_848, %add3A_853 : vector<16xi32>
      %select_n3A_855 = arith.select %lt3A_851, %add3A_854, %xor3A_848 : vector<16xi1>, vector<16xi32>
      %broadcast_in_dim3A_856 = vector.shape_cast %select_n3A_855 : vector<16xi32> to vector<16x1xi32>
      %gather3A_857 = vector.shape_cast %broadcast_in_dim3A_856 : vector<16x1xi32> to vector<16xi32>
      %gather3A_858 = tpu.dynamic_gather %select_n3A_845[%gather3A_857] in [0] : vector<16xi32>, vector<16xi32> -> vector<16xi32>
      %and3A_859 = arith.constant 2 : i32
      %and3A_860 = vector.broadcast %and3A_859 : i32 to vector<16xi32>
      %and3A_861 = arith.andi %iota3A, %and3A_860 : vector<16xi32>
      %eq3A_862 = arith.constant 0 : i32
      %eq3A_863 = vector.broadcast %eq3A_862 : i32 to vector<16xi32>
      %eq3A_864 = arith.cmpi eq, %and3A_861, %eq3A_863 : vector<16xi32>
      %min3A_865 = arith.minsi %select_n3A_845, %gather3A_858 : vector<16xi32>
      %max3A_866 = arith.maxsi %select_n3A_845, %gather3A_858 : vector<16xi32>
      %select_n3A_867 = arith.select %eq3A_864, %min3A_865, %max3A_866 : vector<16xi1>, vector<16xi32>
      %xor3A_868 = arith.constant 1 : i32
      %xor3A_869 = vector.broadcast %xor3A_868 : i32 to vector<16xi32>
      %xor3A_870 = arith.xori %iota3A, %xor3A_869 : vector<16xi32>
      %lt3A_871 = arith.constant 0 : i32
      %lt3A_872 = vector.broadcast %lt3A_871 : i32 to vector<16xi32>
      %lt3A_873 = arith.cmpi slt, %xor3A_870, %lt3A_872 : vector<16xi32>
      %add3A_874 = arith.constant 16 : i32
      %add3A_875 = vector.broadcast %add3A_874 : i32 to vector<16xi32>
      %add3A_876 = arith.addi %xor3A_870, %add3A_875 : vector<16xi32>
      %select_n3A_877 = arith.select %lt3A_873, %add3A_876, %xor3A_870 : vector<16xi1>, vector<16xi32>
      %broadcast_in_dim3A_878 = vector.shape_cast %select_n3A_877 : vector<16xi32> to vector<16x1xi32>
      %gather3A_879 = vector.shape_cast %broadcast_in_dim3A_878 : vector<16x1xi32> to vector<16xi32>
      %gather3A_880 = tpu.dynamic_gather %select_n3A_867[%gather3A_879] in [0] : vector<16xi32>, vector<16xi32> -> vector<16xi32>
      %and3A_881 = arith.constant 1 : i32
      %and3A_882 = vector.broadcast %and3A_881 : i32 to vector<16xi32>
      %and3A_883 = arith.andi %iota3A, %and3A_882 : vector<16xi32>
      %eq3A_884 = arith.constant 0 : i32
      %eq3A_885 = vector.broadcast %eq3A_884 : i32 to vector<16xi32>
      %eq3A_886 = arith.cmpi eq, %and3A_883, %eq3A_885 : vector<16xi32>
      %min3A_887 = arith.minsi %select_n3A_867, %gather3A_880 : vector<16xi32>
      %max3A_888 = arith.maxsi %select_n3A_867, %gather3A_880 : vector<16xi32>
      %select_n3A_889 = arith.select %eq3A_886, %min3A_887, %max3A_888 : vector<16xi1>, vector<16xi32>
      %max3A_890 = arith.maxsi %min3A_797, %min3A_798 : vector<16xi32>
      %xor3A_891 = arith.constant 8 : i32
      %xor3A_892 = vector.broadcast %xor3A_891 : i32 to vector<16xi32>
      %xor3A_893 = arith.xori %iota3A, %xor3A_892 : vector<16xi32>
      %lt3A_894 = arith.constant 0 : i32
      %lt3A_895 = vector.broadcast %lt3A_894 : i32 to vector<16xi32>
      %lt3A_896 = arith.cmpi slt, %xor3A_893, %lt3A_895 : vector<16xi32>
      %add3A_897 = arith.constant 16 : i32
      %add3A_898 = vector.broadcast %add3A_897 : i32 to vector<16xi32>
      %add3A_899 = arith.addi %xor3A_893, %add3A_898 : vector<16xi32>
      %select_n3A_900 = arith.select %lt3A_896, %add3A_899, %xor3A_893 : vector<16xi1>, vector<16xi32>
      %broadcast_in_dim3A_901 = vector.shape_cast %select_n3A_900 : vector<16xi32> to vector<16x1xi32>
      %gather3A_902 = vector.shape_cast %broadcast_in_dim3A_901 : vector<16x1xi32> to vector<16xi32>
      %gather3A_903 = tpu.dynamic_gather %max3A_890[%gather3A_902] in [0] : vector<16xi32>, vector<16xi32> -> vector<16xi32>
      %and3A_904 = arith.constant 8 : i32
      %and3A_905 = vector.broadcast %and3A_904 : i32 to vector<16xi32>
      %and3A_906 = arith.andi %iota3A, %and3A_905 : vector<16xi32>
      %eq3A_907 = arith.constant 0 : i32
      %eq3A_908 = vector.broadcast %eq3A_907 : i32 to vector<16xi32>
      %eq3A_909 = arith.cmpi eq, %and3A_906, %eq3A_908 : vector<16xi32>
      %min3A_910 = arith.minsi %max3A_890, %gather3A_903 : vector<16xi32>
      %max3A_911 = arith.maxsi %max3A_890, %gather3A_903 : vector<16xi32>
      %select_n3A_912 = arith.select %eq3A_909, %min3A_910, %max3A_911 : vector<16xi1>, vector<16xi32>
      %xor3A_913 = arith.constant 4 : i32
      %xor3A_914 = vector.broadcast %xor3A_913 : i32 to vector<16xi32>
      %xor3A_915 = arith.xori %iota3A, %xor3A_914 : vector<16xi32>
      %lt3A_916 = arith.constant 0 : i32
      %lt3A_917 = vector.broadcast %lt3A_916 : i32 to vector<16xi32>
      %lt3A_918 = arith.cmpi slt, %xor3A_915, %lt3A_917 : vector<16xi32>
      %add3A_919 = arith.constant 16 : i32
      %add3A_920 = vector.broadcast %add3A_919 : i32 to vector<16xi32>
      %add3A_921 = arith.addi %xor3A_915, %add3A_920 : vector<16xi32>
      %select_n3A_922 = arith.select %lt3A_918, %add3A_921, %xor3A_915 : vector<16xi1>, vector<16xi32>
      %broadcast_in_dim3A_923 = vector.shape_cast %select_n3A_922 : vector<16xi32> to vector<16x1xi32>
      %gather3A_924 = vector.shape_cast %broadcast_in_dim3A_923 : vector<16x1xi32> to vector<16xi32>
      %gather3A_925 = tpu.dynamic_gather %select_n3A_912[%gather3A_924] in [0] : vector<16xi32>, vector<16xi32> -> vector<16xi32>
      %and3A_926 = arith.constant 4 : i32
      %and3A_927 = vector.broadcast %and3A_926 : i32 to vector<16xi32>
      %and3A_928 = arith.andi %iota3A, %and3A_927 : vector<16xi32>
      %eq3A_929 = arith.constant 0 : i32
      %eq3A_930 = vector.broadcast %eq3A_929 : i32 to vector<16xi32>
      %eq3A_931 = arith.cmpi eq, %and3A_928, %eq3A_930 : vector<16xi32>
      %min3A_932 = arith.minsi %select_n3A_912, %gather3A_925 : vector<16xi32>
      %max3A_933 = arith.maxsi %select_n3A_912, %gather3A_925 : vector<16xi32>
      %select_n3A_934 = arith.select %eq3A_931, %min3A_932, %max3A_933 : vector<16xi1>, vector<16xi32>
      %xor3A_935 = arith.constant 2 : i32
      %xor3A_936 = vector.broadcast %xor3A_935 : i32 to vector<16xi32>
      %xor3A_937 = arith.xori %iota3A, %xor3A_936 : vector<16xi32>
      %lt3A_938 = arith.constant 0 : i32
      %lt3A_939 = vector.broadcast %lt3A_938 : i32 to vector<16xi32>
      %lt3A_940 = arith.cmpi slt, %xor3A_937, %lt3A_939 : vector<16xi32>
      %add3A_941 = arith.constant 16 : i32
      %add3A_942 = vector.broadcast %add3A_941 : i32 to vector<16xi32>
      %add3A_943 = arith.addi %xor3A_937, %add3A_942 : vector<16xi32>
      %select_n3A_944 = arith.select %lt3A_940, %add3A_943, %xor3A_937 : vector<16xi1>, vector<16xi32>
      %broadcast_in_dim3A_945 = vector.shape_cast %select_n3A_944 : vector<16xi32> to vector<16x1xi32>
      %gather3A_946 = vector.shape_cast %broadcast_in_dim3A_945 : vector<16x1xi32> to vector<16xi32>
      %gather3A_947 = tpu.dynamic_gather %select_n3A_934[%gather3A_946] in [0] : vector<16xi32>, vector<16xi32> -> vector<16xi32>
      %and3A_948 = arith.constant 2 : i32
      %and3A_949 = vector.broadcast %and3A_948 : i32 to vector<16xi32>
      %and3A_950 = arith.andi %iota3A, %and3A_949 : vector<16xi32>
      %eq3A_951 = arith.constant 0 : i32
      %eq3A_952 = vector.broadcast %eq3A_951 : i32 to vector<16xi32>
      %eq3A_953 = arith.cmpi eq, %and3A_950, %eq3A_952 : vector<16xi32>
      %min3A_954 = arith.minsi %select_n3A_934, %gather3A_947 : vector<16xi32>
      %max3A_955 = arith.maxsi %select_n3A_934, %gather3A_947 : vector<16xi32>
      %select_n3A_956 = arith.select %eq3A_953, %min3A_954, %max3A_955 : vector<16xi1>, vector<16xi32>
      %xor3A_957 = arith.constant 1 : i32
      %xor3A_958 = vector.broadcast %xor3A_957 : i32 to vector<16xi32>
      %xor3A_959 = arith.xori %iota3A, %xor3A_958 : vector<16xi32>
      %lt3A_960 = arith.constant 0 : i32
      %lt3A_961 = vector.broadcast %lt3A_960 : i32 to vector<16xi32>
      %lt3A_962 = arith.cmpi slt, %xor3A_959, %lt3A_961 : vector<16xi32>
      %add3A_963 = arith.constant 16 : i32
      %add3A_964 = vector.broadcast %add3A_963 : i32 to vector<16xi32>
      %add3A_965 = arith.addi %xor3A_959, %add3A_964 : vector<16xi32>
      %select_n3A_966 = arith.select %lt3A_962, %add3A_965, %xor3A_959 : vector<16xi1>, vector<16xi32>
      %broadcast_in_dim3A_967 = vector.shape_cast %select_n3A_966 : vector<16xi32> to vector<16x1xi32>
      %gather3A_968 = vector.shape_cast %broadcast_in_dim3A_967 : vector<16x1xi32> to vector<16xi32>
      %gather3A_969 = tpu.dynamic_gather %select_n3A_956[%gather3A_968] in [0] : vector<16xi32>, vector<16xi32> -> vector<16xi32>
      %and3A_970 = arith.constant 1 : i32
      %and3A_971 = vector.broadcast %and3A_970 : i32 to vector<16xi32>
      %and3A_972 = arith.andi %iota3A, %and3A_971 : vector<16xi32>
      %eq3A_973 = arith.constant 0 : i32
      %eq3A_974 = vector.broadcast %eq3A_973 : i32 to vector<16xi32>
      %eq3A_975 = arith.cmpi eq, %and3A_972, %eq3A_974 : vector<16xi32>
      %min3A_976 = arith.minsi %select_n3A_956, %gather3A_969 : vector<16xi32>
      %max3A_977 = arith.maxsi %select_n3A_956, %gather3A_969 : vector<16xi32>
      %select_n3A_978 = arith.select %eq3A_975, %min3A_976, %max3A_977 : vector<16xi1>, vector<16xi32>
      %min3A_979 = arith.minsi %max3A_799, %max3A_800 : vector<16xi32>
      %xor3A_980 = arith.constant 8 : i32
      %xor3A_981 = vector.broadcast %xor3A_980 : i32 to vector<16xi32>
      %xor3A_982 = arith.xori %iota3A, %xor3A_981 : vector<16xi32>
      %lt3A_983 = arith.constant 0 : i32
      %lt3A_984 = vector.broadcast %lt3A_983 : i32 to vector<16xi32>
      %lt3A_985 = arith.cmpi slt, %xor3A_982, %lt3A_984 : vector<16xi32>
      %add3A_986 = arith.constant 16 : i32
      %add3A_987 = vector.broadcast %add3A_986 : i32 to vector<16xi32>
      %add3A_988 = arith.addi %xor3A_982, %add3A_987 : vector<16xi32>
      %select_n3A_989 = arith.select %lt3A_985, %add3A_988, %xor3A_982 : vector<16xi1>, vector<16xi32>
      %broadcast_in_dim3A_990 = vector.shape_cast %select_n3A_989 : vector<16xi32> to vector<16x1xi32>
      %gather3A_991 = vector.shape_cast %broadcast_in_dim3A_990 : vector<16x1xi32> to vector<16xi32>
      %gather3A_992 = tpu.dynamic_gather %min3A_979[%gather3A_991] in [0] : vector<16xi32>, vector<16xi32> -> vector<16xi32>
      %and3A_993 = arith.constant 8 : i32
      %and3A_994 = vector.broadcast %and3A_993 : i32 to vector<16xi32>
      %and3A_995 = arith.andi %iota3A, %and3A_994 : vector<16xi32>
      %eq3A_996 = arith.constant 0 : i32
      %eq3A_997 = vector.broadcast %eq3A_996 : i32 to vector<16xi32>
      %eq3A_998 = arith.cmpi eq, %and3A_995, %eq3A_997 : vector<16xi32>
      %min3A_999 = arith.minsi %min3A_979, %gather3A_992 : vector<16xi32>
      %max3A_1000 = arith.maxsi %min3A_979, %gather3A_992 : vector<16xi32>
      %select_n3A_1001 = arith.select %eq3A_998, %min3A_999, %max3A_1000 : vector<16xi1>, vector<16xi32>
      %xor3A_1002 = arith.constant 4 : i32
      %xor3A_1003 = vector.broadcast %xor3A_1002 : i32 to vector<16xi32>
      %xor3A_1004 = arith.xori %iota3A, %xor3A_1003 : vector<16xi32>
      %lt3A_1005 = arith.constant 0 : i32
      %lt3A_1006 = vector.broadcast %lt3A_1005 : i32 to vector<16xi32>
      %lt3A_1007 = arith.cmpi slt, %xor3A_1004, %lt3A_1006 : vector<16xi32>
      %add3A_1008 = arith.constant 16 : i32
      %add3A_1009 = vector.broadcast %add3A_1008 : i32 to vector<16xi32>
      %add3A_1010 = arith.addi %xor3A_1004, %add3A_1009 : vector<16xi32>
      %select_n3A_1011 = arith.select %lt3A_1007, %add3A_1010, %xor3A_1004 : vector<16xi1>, vector<16xi32>
      %broadcast_in_dim3A_1012 = vector.shape_cast %select_n3A_1011 : vector<16xi32> to vector<16x1xi32>
      %gather3A_1013 = vector.shape_cast %broadcast_in_dim3A_1012 : vector<16x1xi32> to vector<16xi32>
      %gather3A_1014 = tpu.dynamic_gather %select_n3A_1001[%gather3A_1013] in [0] : vector<16xi32>, vector<16xi32> -> vector<16xi32>
      %and3A_1015 = arith.constant 4 : i32
      %and3A_1016 = vector.broadcast %and3A_1015 : i32 to vector<16xi32>
      %and3A_1017 = arith.andi %iota3A, %and3A_1016 : vector<16xi32>
      %eq3A_1018 = arith.constant 0 : i32
      %eq3A_1019 = vector.broadcast %eq3A_1018 : i32 to vector<16xi32>
      %eq3A_1020 = arith.cmpi eq, %and3A_1017, %eq3A_1019 : vector<16xi32>
      %min3A_1021 = arith.minsi %select_n3A_1001, %gather3A_1014 : vector<16xi32>
      %max3A_1022 = arith.maxsi %select_n3A_1001, %gather3A_1014 : vector<16xi32>
      %select_n3A_1023 = arith.select %eq3A_1020, %min3A_1021, %max3A_1022 : vector<16xi1>, vector<16xi32>
      %xor3A_1024 = arith.constant 2 : i32
      %xor3A_1025 = vector.broadcast %xor3A_1024 : i32 to vector<16xi32>
      %xor3A_1026 = arith.xori %iota3A, %xor3A_1025 : vector<16xi32>
      %lt3A_1027 = arith.constant 0 : i32
      %lt3A_1028 = vector.broadcast %lt3A_1027 : i32 to vector<16xi32>
      %lt3A_1029 = arith.cmpi slt, %xor3A_1026, %lt3A_1028 : vector<16xi32>
      %add3A_1030 = arith.constant 16 : i32
      %add3A_1031 = vector.broadcast %add3A_1030 : i32 to vector<16xi32>
      %add3A_1032 = arith.addi %xor3A_1026, %add3A_1031 : vector<16xi32>
      %select_n3A_1033 = arith.select %lt3A_1029, %add3A_1032, %xor3A_1026 : vector<16xi1>, vector<16xi32>
      %broadcast_in_dim3A_1034 = vector.shape_cast %select_n3A_1033 : vector<16xi32> to vector<16x1xi32>
      %gather3A_1035 = vector.shape_cast %broadcast_in_dim3A_1034 : vector<16x1xi32> to vector<16xi32>
      %gather3A_1036 = tpu.dynamic_gather %select_n3A_1023[%gather3A_1035] in [0] : vector<16xi32>, vector<16xi32> -> vector<16xi32>
      %and3A_1037 = arith.constant 2 : i32
      %and3A_1038 = vector.broadcast %and3A_1037 : i32 to vector<16xi32>
      %and3A_1039 = arith.andi %iota3A, %and3A_1038 : vector<16xi32>
      %eq3A_1040 = arith.constant 0 : i32
      %eq3A_1041 = vector.broadcast %eq3A_1040 : i32 to vector<16xi32>
      %eq3A_1042 = arith.cmpi eq, %and3A_1039, %eq3A_1041 : vector<16xi32>
      %min3A_1043 = arith.minsi %select_n3A_1023, %gather3A_1036 : vector<16xi32>
      %max3A_1044 = arith.maxsi %select_n3A_1023, %gather3A_1036 : vector<16xi32>
      %select_n3A_1045 = arith.select %eq3A_1042, %min3A_1043, %max3A_1044 : vector<16xi1>, vector<16xi32>
      %xor3A_1046 = arith.constant 1 : i32
      %xor3A_1047 = vector.broadcast %xor3A_1046 : i32 to vector<16xi32>
      %xor3A_1048 = arith.xori %iota3A, %xor3A_1047 : vector<16xi32>
      %lt3A_1049 = arith.constant 0 : i32
      %lt3A_1050 = vector.broadcast %lt3A_1049 : i32 to vector<16xi32>
      %lt3A_1051 = arith.cmpi slt, %xor3A_1048, %lt3A_1050 : vector<16xi32>
      %add3A_1052 = arith.constant 16 : i32
      %add3A_1053 = vector.broadcast %add3A_1052 : i32 to vector<16xi32>
      %add3A_1054 = arith.addi %xor3A_1048, %add3A_1053 : vector<16xi32>
      %select_n3A_1055 = arith.select %lt3A_1051, %add3A_1054, %xor3A_1048 : vector<16xi1>, vector<16xi32>
      %broadcast_in_dim3A_1056 = vector.shape_cast %select_n3A_1055 : vector<16xi32> to vector<16x1xi32>
      %gather3A_1057 = vector.shape_cast %broadcast_in_dim3A_1056 : vector<16x1xi32> to vector<16xi32>
      %gather3A_1058 = tpu.dynamic_gather %select_n3A_1045[%gather3A_1057] in [0] : vector<16xi32>, vector<16xi32> -> vector<16xi32>
      %and3A_1059 = arith.constant 1 : i32
      %and3A_1060 = vector.broadcast %and3A_1059 : i32 to vector<16xi32>
      %and3A_1061 = arith.andi %iota3A, %and3A_1060 : vector<16xi32>
      %eq3A_1062 = arith.constant 0 : i32
      %eq3A_1063 = vector.broadcast %eq3A_1062 : i32 to vector<16xi32>
      %eq3A_1064 = arith.cmpi eq, %and3A_1061, %eq3A_1063 : vector<16xi32>
      %min3A_1065 = arith.minsi %select_n3A_1045, %gather3A_1058 : vector<16xi32>
      %max3A_1066 = arith.maxsi %select_n3A_1045, %gather3A_1058 : vector<16xi32>
      %select_n3A_1067 = arith.select %eq3A_1064, %min3A_1065, %max3A_1066 : vector<16xi1>, vector<16xi32>
      %max3A_1068 = arith.maxsi %max3A_799, %max3A_800 : vector<16xi32>
      %xor3A_1069 = arith.constant 8 : i32
      %xor3A_1070 = vector.broadcast %xor3A_1069 : i32 to vector<16xi32>
      %xor3A_1071 = arith.xori %iota3A, %xor3A_1070 : vector<16xi32>
      %lt3A_1072 = arith.constant 0 : i32
      %lt3A_1073 = vector.broadcast %lt3A_1072 : i32 to vector<16xi32>
      %lt3A_1074 = arith.cmpi slt, %xor3A_1071, %lt3A_1073 : vector<16xi32>
      %add3A_1075 = arith.constant 16 : i32
      %add3A_1076 = vector.broadcast %add3A_1075 : i32 to vector<16xi32>
      %add3A_1077 = arith.addi %xor3A_1071, %add3A_1076 : vector<16xi32>
      %select_n3A_1078 = arith.select %lt3A_1074, %add3A_1077, %xor3A_1071 : vector<16xi1>, vector<16xi32>
      %broadcast_in_dim3A_1079 = vector.shape_cast %select_n3A_1078 : vector<16xi32> to vector<16x1xi32>
      %gather3A_1080 = vector.shape_cast %broadcast_in_dim3A_1079 : vector<16x1xi32> to vector<16xi32>
      %gather3A_1081 = tpu.dynamic_gather %max3A_1068[%gather3A_1080] in [0] : vector<16xi32>, vector<16xi32> -> vector<16xi32>
      %and3A_1082 = arith.constant 8 : i32
      %and3A_1083 = vector.broadcast %and3A_1082 : i32 to vector<16xi32>
      %and3A_1084 = arith.andi %iota3A, %and3A_1083 : vector<16xi32>
      %eq3A_1085 = arith.constant 0 : i32
      %eq3A_1086 = vector.broadcast %eq3A_1085 : i32 to vector<16xi32>
      %eq3A_1087 = arith.cmpi eq, %and3A_1084, %eq3A_1086 : vector<16xi32>
      %min3A_1088 = arith.minsi %max3A_1068, %gather3A_1081 : vector<16xi32>
      %max3A_1089 = arith.maxsi %max3A_1068, %gather3A_1081 : vector<16xi32>
      %select_n3A_1090 = arith.select %eq3A_1087, %min3A_1088, %max3A_1089 : vector<16xi1>, vector<16xi32>
      %xor3A_1091 = arith.constant 4 : i32
      %xor3A_1092 = vector.broadcast %xor3A_1091 : i32 to vector<16xi32>
      %xor3A_1093 = arith.xori %iota3A, %xor3A_1092 : vector<16xi32>
      %lt3A_1094 = arith.constant 0 : i32
      %lt3A_1095 = vector.broadcast %lt3A_1094 : i32 to vector<16xi32>
      %lt3A_1096 = arith.cmpi slt, %xor3A_1093, %lt3A_1095 : vector<16xi32>
      %add3A_1097 = arith.constant 16 : i32
      %add3A_1098 = vector.broadcast %add3A_1097 : i32 to vector<16xi32>
      %add3A_1099 = arith.addi %xor3A_1093, %add3A_1098 : vector<16xi32>
      %select_n3A_1100 = arith.select %lt3A_1096, %add3A_1099, %xor3A_1093 : vector<16xi1>, vector<16xi32>
      %broadcast_in_dim3A_1101 = vector.shape_cast %select_n3A_1100 : vector<16xi32> to vector<16x1xi32>
      %gather3A_1102 = vector.shape_cast %broadcast_in_dim3A_1101 : vector<16x1xi32> to vector<16xi32>
      %gather3A_1103 = tpu.dynamic_gather %select_n3A_1090[%gather3A_1102] in [0] : vector<16xi32>, vector<16xi32> -> vector<16xi32>
      %and3A_1104 = arith.constant 4 : i32
      %and3A_1105 = vector.broadcast %and3A_1104 : i32 to vector<16xi32>
      %and3A_1106 = arith.andi %iota3A, %and3A_1105 : vector<16xi32>
      %eq3A_1107 = arith.constant 0 : i32
      %eq3A_1108 = vector.broadcast %eq3A_1107 : i32 to vector<16xi32>
      %eq3A_1109 = arith.cmpi eq, %and3A_1106, %eq3A_1108 : vector<16xi32>
      %min3A_1110 = arith.minsi %select_n3A_1090, %gather3A_1103 : vector<16xi32>
      %max3A_1111 = arith.maxsi %select_n3A_1090, %gather3A_1103 : vector<16xi32>
      %select_n3A_1112 = arith.select %eq3A_1109, %min3A_1110, %max3A_1111 : vector<16xi1>, vector<16xi32>
      %xor3A_1113 = arith.constant 2 : i32
      %xor3A_1114 = vector.broadcast %xor3A_1113 : i32 to vector<16xi32>
      %xor3A_1115 = arith.xori %iota3A, %xor3A_1114 : vector<16xi32>
      %lt3A_1116 = arith.constant 0 : i32
      %lt3A_1117 = vector.broadcast %lt3A_1116 : i32 to vector<16xi32>
      %lt3A_1118 = arith.cmpi slt, %xor3A_1115, %lt3A_1117 : vector<16xi32>
      %add3A_1119 = arith.constant 16 : i32
      %add3A_1120 = vector.broadcast %add3A_1119 : i32 to vector<16xi32>
      %add3A_1121 = arith.addi %xor3A_1115, %add3A_1120 : vector<16xi32>
      %select_n3A_1122 = arith.select %lt3A_1118, %add3A_1121, %xor3A_1115 : vector<16xi1>, vector<16xi32>
      %broadcast_in_dim3A_1123 = vector.shape_cast %select_n3A_1122 : vector<16xi32> to vector<16x1xi32>
      %gather3A_1124 = vector.shape_cast %broadcast_in_dim3A_1123 : vector<16x1xi32> to vector<16xi32>
      %gather3A_1125 = tpu.dynamic_gather %select_n3A_1112[%gather3A_1124] in [0] : vector<16xi32>, vector<16xi32> -> vector<16xi32>
      %and3A_1126 = arith.constant 2 : i32
      %and3A_1127 = vector.broadcast %and3A_1126 : i32 to vector<16xi32>
      %and3A_1128 = arith.andi %iota3A, %and3A_1127 : vector<16xi32>
      %eq3A_1129 = arith.constant 0 : i32
      %eq3A_1130 = vector.broadcast %eq3A_1129 : i32 to vector<16xi32>
      %eq3A_1131 = arith.cmpi eq, %and3A_1128, %eq3A_1130 : vector<16xi32>
      %min3A_1132 = arith.minsi %select_n3A_1112, %gather3A_1125 : vector<16xi32>
      %max3A_1133 = arith.maxsi %select_n3A_1112, %gather3A_1125 : vector<16xi32>
      %select_n3A_1134 = arith.select %eq3A_1131, %min3A_1132, %max3A_1133 : vector<16xi1>, vector<16xi32>
      %xor3A_1135 = arith.constant 1 : i32
      %xor3A_1136 = vector.broadcast %xor3A_1135 : i32 to vector<16xi32>
      %xor3A_1137 = arith.xori %iota3A, %xor3A_1136 : vector<16xi32>
      %lt3A_1138 = arith.constant 0 : i32
      %lt3A_1139 = vector.broadcast %lt3A_1138 : i32 to vector<16xi32>
      %lt3A_1140 = arith.cmpi slt, %xor3A_1137, %lt3A_1139 : vector<16xi32>
      %add3A_1141 = arith.constant 16 : i32
      %add3A_1142 = vector.broadcast %add3A_1141 : i32 to vector<16xi32>
      %add3A_1143 = arith.addi %xor3A_1137, %add3A_1142 : vector<16xi32>
      %select_n3A_1144 = arith.select %lt3A_1140, %add3A_1143, %xor3A_1137 : vector<16xi1>, vector<16xi32>
      %broadcast_in_dim3A_1145 = vector.shape_cast %select_n3A_1144 : vector<16xi32> to vector<16x1xi32>
      %gather3A_1146 = vector.shape_cast %broadcast_in_dim3A_1145 : vector<16x1xi32> to vector<16xi32>
      %gather3A_1147 = tpu.dynamic_gather %select_n3A_1134[%gather3A_1146] in [0] : vector<16xi32>, vector<16xi32> -> vector<16xi32>
      %and3A_1148 = arith.constant 1 : i32
      %and3A_1149 = vector.broadcast %and3A_1148 : i32 to vector<16xi32>
      %and3A_1150 = arith.andi %iota3A, %and3A_1149 : vector<16xi32>
      %eq3A_1151 = arith.constant 0 : i32
      %eq3A_1152 = vector.broadcast %eq3A_1151 : i32 to vector<16xi32>
      %eq3A_1153 = arith.cmpi eq, %and3A_1150, %eq3A_1152 : vector<16xi32>
      %min3A_1154 = arith.minsi %select_n3A_1134, %gather3A_1147 : vector<16xi32>
      %max3A_1155 = arith.maxsi %select_n3A_1134, %gather3A_1147 : vector<16xi32>
      %select_n3A_1156 = arith.select %eq3A_1153, %min3A_1154, %max3A_1155 : vector<16xi1>, vector<16xi32>
      %rev3A_1157 = arith.constant 15 : i32
      %rev3A_1158 = vector.broadcast %rev3A_1157 : i32 to vector<16xi32>
      %rev3A_1159 = tpu.iota {dimensions = array<i32: 0>} : vector<16xi32>
      %rev3A_1160 = arith.subi %rev3A_1158, %rev3A_1159 : vector<16xi32>
      %rev3A_1161 = tpu.dynamic_gather %select_n3A_1156[%rev3A_1160] in [0] : vector<16xi32>, vector<16xi32> -> vector<16xi32>
      %shift_right_arithmetic3A_1162 = arith.constant 31 : i32
      %shift_right_arithmetic3A_1163 = vector.broadcast %shift_right_arithmetic3A_1162 : i32 to vector<16xi32>
      %shift_right_arithmetic3A_1164 = arith.shrsi %rev3A_1161, %shift_right_arithmetic3A_1163 : vector<16xi32>
      %and3A_1165 = arith.constant 2147483647 : i32
      %and3A_1166 = vector.broadcast %and3A_1165 : i32 to vector<16xi32>
      %and3A_1167 = arith.andi %shift_right_arithmetic3A_1164, %and3A_1166 : vector<16xi32>
      %xor3A_1168 = arith.xori %rev3A_1161, %and3A_1167 : vector<16xi32>
      %bitcast_convert_type3A_1169 = tpu.bitcast %xor3A_1168 : vector<16xi32> -> vector<16xf32>
      %swap3A_1170 = arith.index_cast %mul3A_88 : i32 to index
      %swap3A_1171 = arith.constant 0 : index
      %swap3A_1172 = tpu.vector_load %arg9[%swap3A_1170, %swap3A_1171] {strides = array<i32>} : memref<4x64xf32, #tpu.memory_space<vmem>>, vector<16xf32>,
      tpu.vector_store %arg9[%swap3A_1170, %swap3A_1171], %bitcast_convert_type3A_1169 {strides = array<i32>} : memref<4x64xf32, #tpu.memory_space<vmem>>, vector<16xf32>,
      %rev3A_1173 = arith.constant 15 : i32
      %rev3A_1174 = vector.broadcast %rev3A_1173 : i32 to vector<16xi32>
      %rev3A_1175 = tpu.iota {dimensions = array<i32: 0>} : vector<16xi32>
      %rev3A_1176 = arith.subi %rev3A_1174, %rev3A_1175 : vector<16xi32>
      %rev3A_1177 = tpu.dynamic_gather %select_n3A_1067[%rev3A_1176] in [0] : vector<16xi32>, vector<16xi32> -> vector<16xi32>
      %shift_right_arithmetic3A_1178 = arith.constant 31 : i32
      %shift_right_arithmetic3A_1179 = vector.broadcast %shift_right_arithmetic3A_1178 : i32 to vector<16xi32>
      %shift_right_arithmetic3A_1180 = arith.shrsi %rev3A_1177, %shift_right_arithmetic3A_1179 : vector<16xi32>
      %and3A_1181 = arith.constant 2147483647 : i32
      %and3A_1182 = vector.broadcast %and3A_1181 : i32 to vector<16xi32>
      %and3A_1183 = arith.andi %shift_right_arithmetic3A_1180, %and3A_1182 : vector<16xi32>
      %xor3A_1184 = arith.xori %rev3A_1177, %and3A_1183 : vector<16xi32>
      %bitcast_convert_type3A_1185 = tpu.bitcast %xor3A_1184 : vector<16xi32> -> vector<16xf32>
      %swap3A_1186 = arith.index_cast %mul3A_88 : i32 to index
      %swap3A_1187 = arith.constant 16 : index
      %swap3A_1188 = tpu.vector_load %arg9[%swap3A_1186, %swap3A_1187] {strides = array<i32>} : memref<4x64xf32, #tpu.memory_space<vmem>>, vector<16xf32>,
      tpu.vector_store %arg9[%swap3A_1186, %swap3A_1187], %bitcast_convert_type3A_1185 {strides = array<i32>} : memref<4x64xf32, #tpu.memory_space<vmem>>, vector<16xf32>,
      %rev3A_1189 = arith.constant 15 : i32
      %rev3A_1190 = vector.broadcast %rev3A_1189 : i32 to vector<16xi32>
      %rev3A_1191 = tpu.iota {dimensions = array<i32: 0>} : vector<16xi32>
      %rev3A_1192 = arith.subi %rev3A_1190, %rev3A_1191 : vector<16xi32>
      %rev3A_1193 = tpu.dynamic_gather %select_n3A_978[%rev3A_1192] in [0] : vector<16xi32>, vector<16xi32> -> vector<16xi32>
      %shift_right_arithmetic3A_1194 = arith.constant 31 : i32
      %shift_right_arithmetic3A_1195 = vector.broadcast %shift_right_arithmetic3A_1194 : i32 to vector<16xi32>
      %shift_right_arithmetic3A_1196 = arith.shrsi %rev3A_1193, %shift_right_arithmetic3A_1195 : vector<16xi32>
      %and3A_1197 = arith.constant 2147483647 : i32
      %and3A_1198 = vector.broadcast %and3A_1197 : i32 to vector<16xi32>
      %and3A_1199 = arith.andi %shift_right_arithmetic3A_1196, %and3A_1198 : vector<16xi32>
      %xor3A_1200 = arith.xori %rev3A_1193, %and3A_1199 : vector<16xi32>
      %bitcast_convert_type3A_1201 = tpu.bitcast %xor3A_1200 : vector<16xi32> -> vector<16xf32>
      %swap3A_1202 = arith.index_cast %mul3A_88 : i32 to index
      %swap3A_1203 = arith.constant 32 : index
      %swap3A_1204 = tpu.vector_load %arg9[%swap3A_1202, %swap3A_1203] {strides = array<i32>} : memref<4x64xf32, #tpu.memory_space<vmem>>, vector<16xf32>,
      tpu.vector_store %arg9[%swap3A_1202, %swap3A_1203], %bitcast_convert_type3A_1201 {strides = array<i32>} : memref<4x64xf32, #tpu.memory_space<vmem>>, vector<16xf32>,
      %rev3A_1205 = arith.constant 15 : i32
      %rev3A_1206 = vector.broadcast %rev3A_1205 : i32 to vector<16xi32>
      %rev3A_1207 = tpu.iota {dimensions = array<i32: 0>} : vector<16xi32>
      %rev3A_1208 = arith.subi %rev3A_1206, %rev3A_1207 : vector<16xi32>
      %rev3A_1209 = tpu.dynamic_gather %select_n3A_889[%rev3A_1208] in [0] : vector<16xi32>, vector<16xi32> -> vector<16xi32>
      %shift_right_arithmetic3A_1210 = arith.constant 31 : i32
      %shift_right_arithmetic3A_1211 = vector.broadcast %shift_right_arithmetic3A_1210 : i32 to vector<16xi32>
      %shift_right_arithmetic3A_1212 = arith.shrsi %rev3A_1209, %shift_right_arithmetic3A_1211 : vector<16xi32>
      %and3A_1213 = arith.constant 2147483647 : i32
      %and3A_1214 = vector.broadcast %and3A_1213 : i32 to vector<16xi32>
      %and3A_1215 = arith.andi %shift_right_arithmetic3A_1212, %and3A_1214 : vector<16xi32>
      %xor3A_1216 = arith.xori %rev3A_1209, %and3A_1215 : vector<16xi32>
      %bitcast_convert_type3A_1217 = tpu.bitcast %xor3A_1216 : vector<16xi32> -> vector<16xf32>
      %swap3A_1218 = arith.index_cast %mul3A_88 : i32 to index
      %swap3A_1219 = arith.constant 48 : index
      %swap3A_1220 = tpu.vector_load %arg9[%swap3A_1218, %swap3A_1219] {strides = array<i32>} : memref<4x64xf32, #tpu.memory_space<vmem>>, vector<16xf32>,
      tpu.vector_store %arg9[%swap3A_1218, %swap3A_1219], %bitcast_convert_type3A_1217 {strides = array<i32>} : memref<4x64xf32, #tpu.memory_space<vmem>>, vector<16xf32>,
      %dma_start3A_1221 = arith.constant 0 : i32
      %dma_start3A_1222 = tpu.memref_slice %arg9[%mul3A_88, %dma_start3A_1221] : memref<4x64xf32, #tpu.memory_space<vmem>> -> memref<1x64xf32, #tpu.memory_space<vmem>>
      %dma_start3A_1223 = tpu.memref_squeeze %dma_start3A_1222 : memref<1x64xf32, #tpu.memory_space<vmem>> -> memref<64xf32, #tpu.memory_space<vmem>>
      %dma_start3A_1224 = arith.constant 0 : i32
      %dma_start3A_1225 = tpu.memref_slice %arg3[%add3A_80, %dma_start3A_1224] : memref<128x64xf32, #tpu.memory_space<hbm>> -> memref<1x64xf32, #tpu.memory_space<hbm>>
      %dma_start3A_1226 = tpu.memref_squeeze %dma_start3A_1225 : memref<1x64xf32, #tpu.memory_space<hbm>> -> memref<64xf32, #tpu.memory_space<hbm>>
      %dma_start3A_1227 = arith.constant 0 : i32
      %dma_start3A_1228 = tpu.memref_slice %arg3[%add3A_80, %dma_start3A_1227] : memref<128x64xf32, #tpu.memory_space<hbm>> -> memref<1x64xf32, #tpu.memory_space<hbm>>
      %dma_start3A_1229 = tpu.memref_squeeze %dma_start3A_1228 : memref<1x64xf32, #tpu.memory_space<hbm>> -> memref<64xf32, #tpu.memory_space<hbm>>
      %dma_start3A_1230 = arith.constant 0 : i32
      %dma_start3A_1231 = tpu.memref_slice %arg9[%mul3A_88, %dma_start3A_1230] : memref<4x64xf32, #tpu.memory_space<vmem>> -> memref<1x64xf32, #tpu.memory_space<vmem>>
      %dma_start3A_1232 = tpu.memref_squeeze %dma_start3A_1231 : memref<1x64xf32, #tpu.memory_space<vmem>> -> memref<64xf32, #tpu.memory_space<vmem>>
      tpu.enqueue_dma source(%dma_start3A_1232 : memref<64xf32, #tpu.memory_space<vmem>>) target(%dma_start3A_1229 : memref<64xf32, #tpu.memory_space<hbm>>) target_semaphore(%arg12 : memref<!tpu.dma_semaphore, #tpu.memory_space<semaphore_mem>>)
      %lt3A_1233 = arith.constant 1 : i32
      %lt3A_1234 = arith.cmpi slt, %scan3A_77, %lt3A_1233 : i32
      %convert_element_type3A = arith.extui %lt3A_1234 : i1 to i32
      %cond3A = arith.constant 0 : i32
      %cond3A_1235 = arith.cmpi ne, %convert_element_type3A, %cond3A : i32
      scf.if %cond3A_1235 {
        %add3A_2425 = arith.constant 2 : i32
        %add3A_2426 = arith.addi %add3A_80, %add3A_2425 : i32
        %dma_start3A_2427 = arith.constant 0 : i32
        %dma_start3A_2428 = tpu.memref_slice %arg2[%add3A_2426, %dma_start3A_2427] : memref<128x32768xf32, #tpu.memory_space<hbm>> -> memref<1x32768xf32, #tpu.memory_space<hbm>>
        %dma_start3A_2429 = tpu.memref_squeeze %dma_start3A_2428 : memref<1x32768xf32, #tpu.memory_space<hbm>> -> memref<32768xf32, #tpu.memory_space<hbm>>
        %dma_start3A_2430 = arith.constant 0 : i32
        %dma_start3A_2431 = tpu.memref_slice %arg2[%add3A_2426, %dma_start3A_2430] : memref<128x32768xf32, #tpu.memory_space<hbm>> -> memref<1x32768xf32, #tpu.memory_space<hbm>>
        %dma_start3A_2432 = tpu.memref_squeeze %dma_start3A_2431 : memref<1x32768xf32, #tpu.memory_space<hbm>> -> memref<32768xf32, #tpu.memory_space<hbm>>
        tpu.enqueue_dma source(%dma_start3A_2432 : memref<32768xf32, #tpu.memory_space<hbm>>) target(%arg4 : memref<32768xf32, #tpu.memory_space<vmem>>) target_semaphore(%arg10 : memref<!tpu.dma_semaphore, #tpu.memory_space<semaphore_mem>>)
      } else {
      }
      %add3A_1236 = arith.constant 1 : i32
      %add3A_1237 = arith.addi %add3A_80, %add3A_1236 : i32
      %dma_wait3A_1238 = arith.constant 0 : i32
      %dma_wait3A_1239 = tpu.memref_slice %arg2[%add3A_1237, %dma_wait3A_1238] : memref<128x32768xf32, #tpu.memory_space<hbm>> -> memref<1x32768xf32, #tpu.memory_space<hbm>>
      %dma_wait3A_1240 = tpu.memref_squeeze %dma_wait3A_1239 : memref<1x32768xf32, #tpu.memory_space<hbm>> -> memref<32768xf32, #tpu.memory_space<hbm>>
      %dma_wait3A_1241 = arith.constant 0 : i32
      %dma_wait3A_1242 = tpu.memref_slice %arg2[%add3A_1237, %dma_wait3A_1241] : memref<128x32768xf32, #tpu.memory_space<hbm>> -> memref<1x32768xf32, #tpu.memory_space<hbm>>
      %dma_wait3A_1243 = tpu.memref_squeeze %dma_wait3A_1242 : memref<1x32768xf32, #tpu.memory_space<hbm>> -> memref<32768xf32, #tpu.memory_space<hbm>>
      tpu.wait_dma2 semaphore(%arg11 : memref<!tpu.dma_semaphore, #tpu.memory_space<semaphore_mem>>) src(%dma_wait3A_1243 : memref<32768xf32, #tpu.memory_space<hbm>>) dst(%arg5 : memref<32768xf32, #tpu.memory_space<vmem>>)
      %add3A_1244 = arith.constant 1 : i32
      %add3A_1245 = arith.addi %add3A_80, %add3A_1244 : i32
      %mul3A_1246 = arith.constant 2 : i32
      %mul3A_1247 = arith.muli %mul3A_1246, %scan3A_77 : i32
      %add3A_1248 = arith.constant 1 : i32
      %add3A_1249 = arith.addi %mul3A_1247, %add3A_1248 : i32
      %swap3A_1250 = arith.constant 0 : index
      %swap3A_1251 = tpu.vector_load %arg7[%swap3A_1250] {strides = array<i32>} : memref<256xi32, #tpu.memory_space<vmem>>, vector<16xi32>,
      tpu.vector_store %arg7[%swap3A_1250], %broadcast_in_dim3A_1 {strides = array<i32>} : memref<256xi32, #tpu.memory_space<vmem>>, vector<16xi32>,
      %swap3A_1252 = arith.constant 16 : index
      %swap3A_1253 = tpu.vector_load %arg7[%swap3A_1252] {strides = array<i32>} : memref<256xi32, #tpu.memory_space<vmem>>, vector<16xi32>,
      tpu.vector_store %arg7[%swap3A_1252], %broadcast_in_dim3A_1 {strides = array<i32>} : memref<256xi32, #tpu.memory_space<vmem>>, vector<16xi32>,
      %swap3A_1254 = arith.constant 32 : index
      %swap3A_1255 = tpu.vector_load %arg7[%swap3A_1254] {strides = array<i32>} : memref<256xi32, #tpu.memory_space<vmem>>, vector<16xi32>,
      tpu.vector_store %arg7[%swap3A_1254], %broadcast_in_dim3A_1 {strides = array<i32>} : memref<256xi32, #tpu.memory_space<vmem>>, vector<16xi32>,
      %swap3A_1256 = arith.constant 48 : index
      %swap3A_1257 = tpu.vector_load %arg7[%swap3A_1256] {strides = array<i32>} : memref<256xi32, #tpu.memory_space<vmem>>, vector<16xi32>,
      tpu.vector_store %arg7[%swap3A_1256], %broadcast_in_dim3A_1 {strides = array<i32>} : memref<256xi32, #tpu.memory_space<vmem>>, vector<16xi32>,
      %swap3A_1258 = arith.constant 64 : index
      %swap3A_1259 = tpu.vector_load %arg7[%swap3A_1258] {strides = array<i32>} : memref<256xi32, #tpu.memory_space<vmem>>, vector<16xi32>,
      tpu.vector_store %arg7[%swap3A_1258], %broadcast_in_dim3A_1 {strides = array<i32>} : memref<256xi32, #tpu.memory_space<vmem>>, vector<16xi32>,
      %swap3A_1260 = arith.constant 80 : index
      %swap3A_1261 = tpu.vector_load %arg7[%swap3A_1260] {strides = array<i32>} : memref<256xi32, #tpu.memory_space<vmem>>, vector<16xi32>,
      tpu.vector_store %arg7[%swap3A_1260], %broadcast_in_dim3A_1 {strides = array<i32>} : memref<256xi32, #tpu.memory_space<vmem>>, vector<16xi32>,
      %swap3A_1262 = arith.constant 96 : index
      %swap3A_1263 = tpu.vector_load %arg7[%swap3A_1262] {strides = array<i32>} : memref<256xi32, #tpu.memory_space<vmem>>, vector<16xi32>,
      tpu.vector_store %arg7[%swap3A_1262], %broadcast_in_dim3A_1 {strides = array<i32>} : memref<256xi32, #tpu.memory_space<vmem>>, vector<16xi32>,
      %swap3A_1264 = arith.constant 112 : index
      %swap3A_1265 = tpu.vector_load %arg7[%swap3A_1264] {strides = array<i32>} : memref<256xi32, #tpu.memory_space<vmem>>, vector<16xi32>,
      tpu.vector_store %arg7[%swap3A_1264], %broadcast_in_dim3A_1 {strides = array<i32>} : memref<256xi32, #tpu.memory_space<vmem>>, vector<16xi32>,
      %swap3A_1266 = arith.constant 128 : index
      %swap3A_1267 = tpu.vector_load %arg7[%swap3A_1266] {strides = array<i32>} : memref<256xi32, #tpu.memory_space<vmem>>, vector<16xi32>,
      tpu.vector_store %arg7[%swap3A_1266], %broadcast_in_dim3A_1 {strides = array<i32>} : memref<256xi32, #tpu.memory_space<vmem>>, vector<16xi32>,
      %swap3A_1268 = arith.constant 144 : index
      %swap3A_1269 = tpu.vector_load %arg7[%swap3A_1268] {strides = array<i32>} : memref<256xi32, #tpu.memory_space<vmem>>, vector<16xi32>,
      tpu.vector_store %arg7[%swap3A_1268], %broadcast_in_dim3A_1 {strides = array<i32>} : memref<256xi32, #tpu.memory_space<vmem>>, vector<16xi32>,
      %swap3A_1270 = arith.constant 160 : index
      %swap3A_1271 = tpu.vector_load %arg7[%swap3A_1270] {strides = array<i32>} : memref<256xi32, #tpu.memory_space<vmem>>, vector<16xi32>,
      tpu.vector_store %arg7[%swap3A_1270], %broadcast_in_dim3A_1 {strides = array<i32>} : memref<256xi32, #tpu.memory_space<vmem>>, vector<16xi32>,
      %swap3A_1272 = arith.constant 176 : index
      %swap3A_1273 = tpu.vector_load %arg7[%swap3A_1272] {strides = array<i32>} : memref<256xi32, #tpu.memory_space<vmem>>, vector<16xi32>,
      tpu.vector_store %arg7[%swap3A_1272], %broadcast_in_dim3A_1 {strides = array<i32>} : memref<256xi32, #tpu.memory_space<vmem>>, vector<16xi32>,
      %swap3A_1274 = arith.constant 192 : index
      %swap3A_1275 = tpu.vector_load %arg7[%swap3A_1274] {strides = array<i32>} : memref<256xi32, #tpu.memory_space<vmem>>, vector<16xi32>,
      tpu.vector_store %arg7[%swap3A_1274], %broadcast_in_dim3A_1 {strides = array<i32>} : memref<256xi32, #tpu.memory_space<vmem>>, vector<16xi32>,
      %swap3A_1276 = arith.constant 208 : index
      %swap3A_1277 = tpu.vector_load %arg7[%swap3A_1276] {strides = array<i32>} : memref<256xi32, #tpu.memory_space<vmem>>, vector<16xi32>,
      tpu.vector_store %arg7[%swap3A_1276], %broadcast_in_dim3A_1 {strides = array<i32>} : memref<256xi32, #tpu.memory_space<vmem>>, vector<16xi32>,
      %swap3A_1278 = arith.constant 224 : index
      %swap3A_1279 = tpu.vector_load %arg7[%swap3A_1278] {strides = array<i32>} : memref<256xi32, #tpu.memory_space<vmem>>, vector<16xi32>,
      tpu.vector_store %arg7[%swap3A_1278], %broadcast_in_dim3A_1 {strides = array<i32>} : memref<256xi32, #tpu.memory_space<vmem>>, vector<16xi32>,
      %swap3A_1280 = arith.constant 240 : index
      %swap3A_1281 = tpu.vector_load %arg7[%swap3A_1280] {strides = array<i32>} : memref<256xi32, #tpu.memory_space<vmem>>, vector<16xi32>,
      tpu.vector_store %arg7[%swap3A_1280], %broadcast_in_dim3A_1 {strides = array<i32>} : memref<256xi32, #tpu.memory_space<vmem>>, vector<16xi32>,
      %parallel_loop3A_1282 = arith.constant 0 : i32
      %parallel_loop3A_1283 = arith.constant 128 : i32
      %parallel_loop3A_1284 = arith.constant 1 : i32
      scf.for %parallel_loop3A_2425 = %parallel_loop3A_1282 to %parallel_loop3A_1283 step %parallel_loop3A_1284  : i32 {
        %parallel_loop3A_2426 = arith.constant 256 : i32
        %parallel_loop3A_2427 = arith.muli %parallel_loop3A_2425, %parallel_loop3A_2426 : i32
        %parallel_loop3A_2428 = arith.index_cast %parallel_loop3A_2427 : i32 to index
        %parallel_loop3A_2429 = tpu.vector_load %arg5[%parallel_loop3A_2428] {strides = array<i32>} : memref<32768xf32, #tpu.memory_space<vmem>>, vector<16xf32>,
        %parallel_loop3A_2430 = tpu.bitcast %parallel_loop3A_2429 : vector<16xf32> -> vector<16xi32>
        %parallel_loop3A_2431 = arith.constant 31 : i32
        %parallel_loop3A_2432 = vector.broadcast %parallel_loop3A_2431 : i32 to vector<16xi32>
        %parallel_loop3A_2433 = arith.shrsi %parallel_loop3A_2430, %parallel_loop3A_2432 : vector<16xi32>
        %parallel_loop3A_2434 = arith.constant 2147483647 : i32
        %parallel_loop3A_2435 = vector.broadcast %parallel_loop3A_2434 : i32 to vector<16xi32>
        %parallel_loop3A_2436 = arith.andi %parallel_loop3A_2433, %parallel_loop3A_2435 : vector<16xi32>
        %parallel_loop3A_2437 = arith.xori %parallel_loop3A_2430, %parallel_loop3A_2436 : vector<16xi32>
        %parallel_loop3A_2438 = arith.constant 24 : i32
        %parallel_loop3A_2439 = vector.broadcast %parallel_loop3A_2438 : i32 to vector<16xi32>
        %parallel_loop3A_2440 = arith.shrsi %parallel_loop3A_2437, %parallel_loop3A_2439 : vector<16xi32>
        %parallel_loop3A_2441 = arith.constant 128 : i32
        %parallel_loop3A_2442 = vector.broadcast %parallel_loop3A_2441 : i32 to vector<16xi32>
        %parallel_loop3A_2443 = arith.addi %parallel_loop3A_2440, %parallel_loop3A_2442 : vector<16xi32>
        tpu.vector_store_idx %arg7[%parallel_loop3A_2443], %broadcast_in_dim3A_3 {add = true} : memref<256xi32, #tpu.memory_space<vmem>>[vector<16xi32>], vector<16xi32>,
      } {sc.loop_unroll_factor = 4 : i64, sc.parallel_access}
      %broadcast_in_dim3A_1285 = arith.constant 16 : i32
      %broadcast_in_dim3A_1286 = vector.broadcast %broadcast_in_dim3A_1285 : i32 to vector<16xi32>
      %parallel_loop3A_1287 = arith.constant 0 : i32
      %parallel_loop3A_1288 = arith.constant 16 : i32
      %parallel_loop3A_1289 = arith.constant 1 : i32
      %parallel_loop3A_1290 = scf.for %parallel_loop3A_2425 = %parallel_loop3A_1287 to %parallel_loop3A_1288 step %parallel_loop3A_1289 iter_args(%parallel_loop3A_2426 = %broadcast_in_dim3A_1) -> (vector<16xi32>)  : i32 {
        %parallel_loop3A_2427 = arith.constant 16 : i32
        %parallel_loop3A_2428 = arith.muli %parallel_loop3A_2425, %parallel_loop3A_2427 : i32
        %parallel_loop3A_2429 = arith.index_cast %parallel_loop3A_2428 : i32 to index
        %parallel_loop3A_2430 = tpu.vector_load %arg7[%parallel_loop3A_2429] {strides = array<i32>} : memref<256xi32, #tpu.memory_space<vmem>>, vector<16xi32>,
        %parallel_loop3A_2431 = arith.constant true
        %parallel_loop3A_2432 = vector.broadcast %parallel_loop3A_2431 : i1 to vector<16xi1>
        %parallel_loop3A_2433 = tpu.scan <sum>, %parallel_loop3A_2430 masked %parallel_loop3A_2432 : vector<16xi32>, vector<16xi1> -> vector<16xi32>
        %parallel_loop3A_2434 = vector.broadcast %parallel_loop3A_2425 : i32 to vector<16xi32>
        %parallel_loop3A_2435 = arith.cmpi eq, %iota3A, %parallel_loop3A_2434 : vector<16xi32>
        %parallel_loop3A_2436 = arith.constant 0 : i32
        %parallel_loop3A_2437 = vector.broadcast %parallel_loop3A_2436 : i32 to vector<16xi32>
        %parallel_loop3A_2438 = arith.cmpi slt, %broadcast_in_dim3A_5, %parallel_loop3A_2437 : vector<16xi32>
        %parallel_loop3A_2439 = arith.constant 16 : i32
        %parallel_loop3A_2440 = vector.broadcast %parallel_loop3A_2439 : i32 to vector<16xi32>
        %parallel_loop3A_2441 = arith.addi %broadcast_in_dim3A_5, %parallel_loop3A_2440 : vector<16xi32>
        %parallel_loop3A_2442 = arith.select %parallel_loop3A_2438, %parallel_loop3A_2441, %broadcast_in_dim3A_5 : vector<16xi1>, vector<16xi32>
        %parallel_loop3A_2443 = vector.shape_cast %parallel_loop3A_2442 : vector<16xi32> to vector<16x1xi32>
        %parallel_loop3A_2444 = vector.shape_cast %parallel_loop3A_2443 : vector<16x1xi32> to vector<16xi32>
        %parallel_loop3A_2445 = tpu.dynamic_gather %parallel_loop3A_2433[%parallel_loop3A_2444] in [0] : vector<16xi32>, vector<16xi32> -> vector<16xi32>
        %parallel_loop3A_2446 = arith.constant 0 : i32
        %parallel_loop3A_2447 = vector.broadcast %parallel_loop3A_2446 : i32 to vector<16xi32>
        %parallel_loop3A_2448 = arith.select %parallel_loop3A_2435, %parallel_loop3A_2445, %parallel_loop3A_2447 : vector<16xi1>, vector<16xi32>
        %parallel_loop3A_2449 = arith.addi %parallel_loop3A_2426, %parallel_loop3A_2448 : vector<16xi32>
        scf.yield %parallel_loop3A_2449 : vector<16xi32>
      } {sc.loop_unroll_factor = 4 : i64, sc.parallel_access}
      %rev3A_1291 = arith.constant 15 : i32
      %rev3A_1292 = vector.broadcast %rev3A_1291 : i32 to vector<16xi32>
      %rev3A_1293 = tpu.iota {dimensions = array<i32: 0>} : vector<16xi32>
      %rev3A_1294 = arith.subi %rev3A_1292, %rev3A_1293 : vector<16xi32>
      %rev3A_1295 = tpu.dynamic_gather %parallel_loop3A_1290[%rev3A_1294] in [0] : vector<16xi32>, vector<16xi32> -> vector<16xi32>
      %broadcast_in_dim3A_1296 = arith.constant true
      %broadcast_in_dim3A_1297 = vector.broadcast %broadcast_in_dim3A_1296 : i1 to vector<16xi1>
      %masked_cumsum3A_1298 = tpu.scan <sum>, %rev3A_1295 masked %broadcast_in_dim3A_1297 : vector<16xi32>, vector<16xi1> -> vector<16xi32>
      %ge3A_1299 = arith.cmpi sge, %masked_cumsum3A_1298, %broadcast_in_dim3A_1286 : vector<16xi32>
      %all_reduce_ffs3A_1300 = tpu.all_reduce %ge3A_1299 {dim = 0 : i64, kind = #tpu.reduction_kind<find_first_set>} : vector<16xi1> -> vector<16xi32>
      %sub3A_1301 = arith.constant 15 : i32
      %sub3A_1302 = vector.broadcast %sub3A_1301 : i32 to vector<16xi32>
      %sub3A_1303 = arith.subi %sub3A_1302, %all_reduce_ffs3A_1300 : vector<16xi32>
      %lt3A_1304 = arith.constant 0 : i32
      %lt3A_1305 = vector.broadcast %lt3A_1304 : i32 to vector<16xi32>
      %lt3A_1306 = arith.cmpi slt, %all_reduce_ffs3A_1300, %lt3A_1305 : vector<16xi32>
      %add3A_1307 = arith.constant 16 : i32
      %add3A_1308 = vector.broadcast %add3A_1307 : i32 to vector<16xi32>
      %add3A_1309 = arith.addi %all_reduce_ffs3A_1300, %add3A_1308 : vector<16xi32>
      %select_n3A_1310 = arith.select %lt3A_1306, %add3A_1309, %all_reduce_ffs3A_1300 : vector<16xi1>, vector<16xi32>
      %broadcast_in_dim3A_1311 = vector.shape_cast %select_n3A_1310 : vector<16xi32> to vector<16x1xi32>
      %gather3A_1312 = vector.shape_cast %broadcast_in_dim3A_1311 : vector<16x1xi32> to vector<16xi32>
      %gather3A_1313 = tpu.dynamic_gather %masked_cumsum3A_1298[%gather3A_1312] in [0] : vector<16xi32>, vector<16xi32> -> vector<16xi32>
      %lt3A_1314 = arith.constant 0 : i32
      %lt3A_1315 = vector.broadcast %lt3A_1314 : i32 to vector<16xi32>
      %lt3A_1316 = arith.cmpi slt, %all_reduce_ffs3A_1300, %lt3A_1315 : vector<16xi32>
      %add3A_1317 = arith.constant 16 : i32
      %add3A_1318 = vector.broadcast %add3A_1317 : i32 to vector<16xi32>
      %add3A_1319 = arith.addi %all_reduce_ffs3A_1300, %add3A_1318 : vector<16xi32>
      %select_n3A_1320 = arith.select %lt3A_1316, %add3A_1319, %all_reduce_ffs3A_1300 : vector<16xi1>, vector<16xi32>
      %broadcast_in_dim3A_1321 = vector.shape_cast %select_n3A_1320 : vector<16xi32> to vector<16x1xi32>
      %gather3A_1322 = vector.shape_cast %broadcast_in_dim3A_1321 : vector<16x1xi32> to vector<16xi32>
      %gather3A_1323 = tpu.dynamic_gather %rev3A_1295[%gather3A_1322] in [0] : vector<16xi32>, vector<16xi32> -> vector<16xi32>
      %sub3A_1324 = arith.subi %gather3A_1313, %gather3A_1323 : vector<16xi32>
      %mul3A_1325 = arith.constant 16 : i32
      %mul3A_1326 = vector.broadcast %mul3A_1325 : i32 to vector<16xi32>
      %mul3A_1327 = arith.muli %sub3A_1303, %mul3A_1326 : vector<16xi32>
      %add3A_1328 = arith.addi %mul3A_1327, %iota3A : vector<16xi32>
      %gather3A_1329 = tpu.vector_load_idx %arg7[%add3A_1328] : memref<256xi32, #tpu.memory_space<vmem>>[vector<16xi32>], vector<16xi32>,
      %rev3A_1330 = arith.constant 15 : i32
      %rev3A_1331 = vector.broadcast %rev3A_1330 : i32 to vector<16xi32>
      %rev3A_1332 = tpu.iota {dimensions = array<i32: 0>} : vector<16xi32>
      %rev3A_1333 = arith.subi %rev3A_1331, %rev3A_1332 : vector<16xi32>
      %rev3A_1334 = tpu.dynamic_gather %gather3A_1329[%rev3A_1333] in [0] : vector<16xi32>, vector<16xi32> -> vector<16xi32>
      %broadcast_in_dim3A_1335 = arith.constant true
      %broadcast_in_dim3A_1336 = vector.broadcast %broadcast_in_dim3A_1335 : i1 to vector<16xi1>
      %masked_cumsum3A_1337 = tpu.scan <sum>, %rev3A_1334 masked %broadcast_in_dim3A_1336 : vector<16xi32>, vector<16xi1> -> vector<16xi32>
      %add3A_1338 = arith.addi %sub3A_1324, %masked_cumsum3A_1337 : vector<16xi32>
      %ge3A_1339 = arith.cmpi sge, %add3A_1338, %broadcast_in_dim3A_1286 : vector<16xi32>
      %all_reduce_ffs3A_1340 = tpu.all_reduce %ge3A_1339 {dim = 0 : i64, kind = #tpu.reduction_kind<find_first_set>} : vector<16xi1> -> vector<16xi32>
      %mul3A_1341 = arith.constant 16 : i32
      %mul3A_1342 = vector.broadcast %mul3A_1341 : i32 to vector<16xi32>
      %mul3A_1343 = arith.muli %sub3A_1303, %mul3A_1342 : vector<16xi32>
      %add3A_1344 = arith.constant 15 : i32
      %add3A_1345 = vector.broadcast %add3A_1344 : i32 to vector<16xi32>
      %add3A_1346 = arith.addi %mul3A_1343, %add3A_1345 : vector<16xi32>
      %sub3A_1347 = arith.subi %add3A_1346, %all_reduce_ffs3A_1340 : vector<16xi32>
      %lt3A_1348 = arith.constant 0 : i32
      %lt3A_1349 = vector.broadcast %lt3A_1348 : i32 to vector<16xi32>
      %lt3A_1350 = arith.cmpi slt, %all_reduce_ffs3A_1340, %lt3A_1349 : vector<16xi32>
      %add3A_1351 = arith.constant 16 : i32
      %add3A_1352 = vector.broadcast %add3A_1351 : i32 to vector<16xi32>
      %add3A_1353 = arith.addi %all_reduce_ffs3A_1340, %add3A_1352 : vector<16xi32>
      %select_n3A_1354 = arith.select %lt3A_1350, %add3A_1353, %all_reduce_ffs3A_1340 : vector<16xi1>, vector<16xi32>
      %broadcast_in_dim3A_1355 = vector.shape_cast %select_n3A_1354 : vector<16xi32> to vector<16x1xi32>
      %gather3A_1356 = vector.shape_cast %broadcast_in_dim3A_1355 : vector<16x1xi32> to vector<16xi32>
      %gather3A_1357 = tpu.dynamic_gather %masked_cumsum3A_1337[%gather3A_1356] in [0] : vector<16xi32>, vector<16xi32> -> vector<16xi32>
      %add3A_1358 = arith.addi %sub3A_1324, %gather3A_1357 : vector<16xi32>
      %lt3A_1359 = arith.constant 0 : i32
      %lt3A_1360 = vector.broadcast %lt3A_1359 : i32 to vector<16xi32>
      %lt3A_1361 = arith.cmpi slt, %all_reduce_ffs3A_1340, %lt3A_1360 : vector<16xi32>
      %add3A_1362 = arith.constant 16 : i32
      %add3A_1363 = vector.broadcast %add3A_1362 : i32 to vector<16xi32>
      %add3A_1364 = arith.addi %all_reduce_ffs3A_1340, %add3A_1363 : vector<16xi32>
      %select_n3A_1365 = arith.select %lt3A_1361, %add3A_1364, %all_reduce_ffs3A_1340 : vector<16xi1>, vector<16xi32>
      %broadcast_in_dim3A_1366 = vector.shape_cast %select_n3A_1365 : vector<16xi32> to vector<16x1xi32>
      %gather3A_1367 = vector.shape_cast %broadcast_in_dim3A_1366 : vector<16x1xi32> to vector<16xi32>
      %gather3A_1368 = tpu.dynamic_gather %rev3A_1334[%gather3A_1367] in [0] : vector<16xi32>, vector<16xi32> -> vector<16xi32>
      %sub3A_1369 = arith.subi %add3A_1358, %gather3A_1368 : vector<16xi32>
      %swap3A_1370 = arith.constant 0 : index
      %swap3A_1371 = tpu.vector_load %arg7[%swap3A_1370] {strides = array<i32>} : memref<256xi32, #tpu.memory_space<vmem>>, vector<16xi32>,
      tpu.vector_store %arg7[%swap3A_1370], %broadcast_in_dim3A_1 {strides = array<i32>} : memref<256xi32, #tpu.memory_space<vmem>>, vector<16xi32>,
      %swap3A_1372 = arith.constant 16 : index
      %swap3A_1373 = tpu.vector_load %arg7[%swap3A_1372] {strides = array<i32>} : memref<256xi32, #tpu.memory_space<vmem>>, vector<16xi32>,
      tpu.vector_store %arg7[%swap3A_1372], %broadcast_in_dim3A_1 {strides = array<i32>} : memref<256xi32, #tpu.memory_space<vmem>>, vector<16xi32>,
      %swap3A_1374 = arith.constant 32 : index
      %swap3A_1375 = tpu.vector_load %arg7[%swap3A_1374] {strides = array<i32>} : memref<256xi32, #tpu.memory_space<vmem>>, vector<16xi32>,
      tpu.vector_store %arg7[%swap3A_1374], %broadcast_in_dim3A_1 {strides = array<i32>} : memref<256xi32, #tpu.memory_space<vmem>>, vector<16xi32>,
      %swap3A_1376 = arith.constant 48 : index
      %swap3A_1377 = tpu.vector_load %arg7[%swap3A_1376] {strides = array<i32>} : memref<256xi32, #tpu.memory_space<vmem>>, vector<16xi32>,
      tpu.vector_store %arg7[%swap3A_1376], %broadcast_in_dim3A_1 {strides = array<i32>} : memref<256xi32, #tpu.memory_space<vmem>>, vector<16xi32>,
      %swap3A_1378 = arith.constant 64 : index
      %swap3A_1379 = tpu.vector_load %arg7[%swap3A_1378] {strides = array<i32>} : memref<256xi32, #tpu.memory_space<vmem>>, vector<16xi32>,
      tpu.vector_store %arg7[%swap3A_1378], %broadcast_in_dim3A_1 {strides = array<i32>} : memref<256xi32, #tpu.memory_space<vmem>>, vector<16xi32>,
      %swap3A_1380 = arith.constant 80 : index
      %swap3A_1381 = tpu.vector_load %arg7[%swap3A_1380] {strides = array<i32>} : memref<256xi32, #tpu.memory_space<vmem>>, vector<16xi32>,
      tpu.vector_store %arg7[%swap3A_1380], %broadcast_in_dim3A_1 {strides = array<i32>} : memref<256xi32, #tpu.memory_space<vmem>>, vector<16xi32>,
      %swap3A_1382 = arith.constant 96 : index
      %swap3A_1383 = tpu.vector_load %arg7[%swap3A_1382] {strides = array<i32>} : memref<256xi32, #tpu.memory_space<vmem>>, vector<16xi32>,
      tpu.vector_store %arg7[%swap3A_1382], %broadcast_in_dim3A_1 {strides = array<i32>} : memref<256xi32, #tpu.memory_space<vmem>>, vector<16xi32>,
      %swap3A_1384 = arith.constant 112 : index
      %swap3A_1385 = tpu.vector_load %arg7[%swap3A_1384] {strides = array<i32>} : memref<256xi32, #tpu.memory_space<vmem>>, vector<16xi32>,
      tpu.vector_store %arg7[%swap3A_1384], %broadcast_in_dim3A_1 {strides = array<i32>} : memref<256xi32, #tpu.memory_space<vmem>>, vector<16xi32>,
      %swap3A_1386 = arith.constant 128 : index
      %swap3A_1387 = tpu.vector_load %arg7[%swap3A_1386] {strides = array<i32>} : memref<256xi32, #tpu.memory_space<vmem>>, vector<16xi32>,
      tpu.vector_store %arg7[%swap3A_1386], %broadcast_in_dim3A_1 {strides = array<i32>} : memref<256xi32, #tpu.memory_space<vmem>>, vector<16xi32>,
      %swap3A_1388 = arith.constant 144 : index
      %swap3A_1389 = tpu.vector_load %arg7[%swap3A_1388] {strides = array<i32>} : memref<256xi32, #tpu.memory_space<vmem>>, vector<16xi32>,
      tpu.vector_store %arg7[%swap3A_1388], %broadcast_in_dim3A_1 {strides = array<i32>} : memref<256xi32, #tpu.memory_space<vmem>>, vector<16xi32>,
      %swap3A_1390 = arith.constant 160 : index
      %swap3A_1391 = tpu.vector_load %arg7[%swap3A_1390] {strides = array<i32>} : memref<256xi32, #tpu.memory_space<vmem>>, vector<16xi32>,
      tpu.vector_store %arg7[%swap3A_1390], %broadcast_in_dim3A_1 {strides = array<i32>} : memref<256xi32, #tpu.memory_space<vmem>>, vector<16xi32>,
      %swap3A_1392 = arith.constant 176 : index
      %swap3A_1393 = tpu.vector_load %arg7[%swap3A_1392] {strides = array<i32>} : memref<256xi32, #tpu.memory_space<vmem>>, vector<16xi32>,
      tpu.vector_store %arg7[%swap3A_1392], %broadcast_in_dim3A_1 {strides = array<i32>} : memref<256xi32, #tpu.memory_space<vmem>>, vector<16xi32>,
      %swap3A_1394 = arith.constant 192 : index
      %swap3A_1395 = tpu.vector_load %arg7[%swap3A_1394] {strides = array<i32>} : memref<256xi32, #tpu.memory_space<vmem>>, vector<16xi32>,
      tpu.vector_store %arg7[%swap3A_1394], %broadcast_in_dim3A_1 {strides = array<i32>} : memref<256xi32, #tpu.memory_space<vmem>>, vector<16xi32>,
      %swap3A_1396 = arith.constant 208 : index
      %swap3A_1397 = tpu.vector_load %arg7[%swap3A_1396] {strides = array<i32>} : memref<256xi32, #tpu.memory_space<vmem>>, vector<16xi32>,
      tpu.vector_store %arg7[%swap3A_1396], %broadcast_in_dim3A_1 {strides = array<i32>} : memref<256xi32, #tpu.memory_space<vmem>>, vector<16xi32>,
      %swap3A_1398 = arith.constant 224 : index
      %swap3A_1399 = tpu.vector_load %arg7[%swap3A_1398] {strides = array<i32>} : memref<256xi32, #tpu.memory_space<vmem>>, vector<16xi32>,
      tpu.vector_store %arg7[%swap3A_1398], %broadcast_in_dim3A_1 {strides = array<i32>} : memref<256xi32, #tpu.memory_space<vmem>>, vector<16xi32>,
      %swap3A_1400 = arith.constant 240 : index
      %swap3A_1401 = tpu.vector_load %arg7[%swap3A_1400] {strides = array<i32>} : memref<256xi32, #tpu.memory_space<vmem>>, vector<16xi32>,
      tpu.vector_store %arg7[%swap3A_1400], %broadcast_in_dim3A_1 {strides = array<i32>} : memref<256xi32, #tpu.memory_space<vmem>>, vector<16xi32>,
      %parallel_loop3A_1402 = arith.constant 0 : i32
      %parallel_loop3A_1403 = arith.constant 128 : i32
      %parallel_loop3A_1404 = arith.constant 1 : i32
      scf.for %parallel_loop3A_2425 = %parallel_loop3A_1402 to %parallel_loop3A_1403 step %parallel_loop3A_1404  : i32 {
        %parallel_loop3A_2426 = arith.constant 256 : i32
        %parallel_loop3A_2427 = arith.muli %parallel_loop3A_2425, %parallel_loop3A_2426 : i32
        %parallel_loop3A_2428 = arith.index_cast %parallel_loop3A_2427 : i32 to index
        %parallel_loop3A_2429 = tpu.vector_load %arg5[%parallel_loop3A_2428] {strides = array<i32>} : memref<32768xf32, #tpu.memory_space<vmem>>, vector<16xf32>,
        %parallel_loop3A_2430 = tpu.bitcast %parallel_loop3A_2429 : vector<16xf32> -> vector<16xi32>
        %parallel_loop3A_2431 = arith.constant 31 : i32
        %parallel_loop3A_2432 = vector.broadcast %parallel_loop3A_2431 : i32 to vector<16xi32>
        %parallel_loop3A_2433 = arith.shrsi %parallel_loop3A_2430, %parallel_loop3A_2432 : vector<16xi32>
        %parallel_loop3A_2434 = arith.constant 2147483647 : i32
        %parallel_loop3A_2435 = vector.broadcast %parallel_loop3A_2434 : i32 to vector<16xi32>
        %parallel_loop3A_2436 = arith.andi %parallel_loop3A_2433, %parallel_loop3A_2435 : vector<16xi32>
        %parallel_loop3A_2437 = arith.xori %parallel_loop3A_2430, %parallel_loop3A_2436 : vector<16xi32>
        %parallel_loop3A_2438 = arith.constant 24 : i32
        %parallel_loop3A_2439 = vector.broadcast %parallel_loop3A_2438 : i32 to vector<16xi32>
        %parallel_loop3A_2440 = arith.shrsi %parallel_loop3A_2437, %parallel_loop3A_2439 : vector<16xi32>
        %parallel_loop3A_2441 = arith.constant 128 : i32
        %parallel_loop3A_2442 = vector.broadcast %parallel_loop3A_2441 : i32 to vector<16xi32>
        %parallel_loop3A_2443 = arith.addi %parallel_loop3A_2440, %parallel_loop3A_2442 : vector<16xi32>
        %parallel_loop3A_2444 = arith.cmpi eq, %parallel_loop3A_2443, %sub3A_1347 : vector<16xi32>
        %parallel_loop3A_2445 = arith.constant 16 : i32
        %parallel_loop3A_2446 = vector.broadcast %parallel_loop3A_2445 : i32 to vector<16xi32>
        %parallel_loop3A_2447 = arith.shrsi %parallel_loop3A_2437, %parallel_loop3A_2446 : vector<16xi32>
        %parallel_loop3A_2448 = arith.constant 255 : i32
        %parallel_loop3A_2449 = vector.broadcast %parallel_loop3A_2448 : i32 to vector<16xi32>
        %parallel_loop3A_2450 = arith.andi %parallel_loop3A_2447, %parallel_loop3A_2449 : vector<16xi32>
        tpu.vector_store_idx %arg7[%parallel_loop3A_2450], %broadcast_in_dim3A_3 masked %parallel_loop3A_2444 {add = true} : memref<256xi32, #tpu.memory_space<vmem>>[vector<16xi32>], vector<16xi32>, vector<16xi1>
      } {sc.loop_unroll_factor = 4 : i64, sc.parallel_access}
      %sub3A_1405 = arith.constant 16 : i32
      %sub3A_1406 = vector.broadcast %sub3A_1405 : i32 to vector<16xi32>
      %sub3A_1407 = arith.subi %sub3A_1406, %sub3A_1369 : vector<16xi32>
      %parallel_loop3A_1408 = arith.constant 0 : i32
      %parallel_loop3A_1409 = arith.constant 16 : i32
      %parallel_loop3A_1410 = arith.constant 1 : i32
      %parallel_loop3A_1411 = scf.for %parallel_loop3A_2425 = %parallel_loop3A_1408 to %parallel_loop3A_1409 step %parallel_loop3A_1410 iter_args(%parallel_loop3A_2426 = %broadcast_in_dim3A_1) -> (vector<16xi32>)  : i32 {
        %parallel_loop3A_2427 = arith.constant 16 : i32
        %parallel_loop3A_2428 = arith.muli %parallel_loop3A_2425, %parallel_loop3A_2427 : i32
        %parallel_loop3A_2429 = arith.index_cast %parallel_loop3A_2428 : i32 to index
        %parallel_loop3A_2430 = tpu.vector_load %arg7[%parallel_loop3A_2429] {strides = array<i32>} : memref<256xi32, #tpu.memory_space<vmem>>, vector<16xi32>,
        %parallel_loop3A_2431 = arith.constant true
        %parallel_loop3A_2432 = vector.broadcast %parallel_loop3A_2431 : i1 to vector<16xi1>
        %parallel_loop3A_2433 = tpu.scan <sum>, %parallel_loop3A_2430 masked %parallel_loop3A_2432 : vector<16xi32>, vector<16xi1> -> vector<16xi32>
        %parallel_loop3A_2434 = vector.broadcast %parallel_loop3A_2425 : i32 to vector<16xi32>
        %parallel_loop3A_2435 = arith.cmpi eq, %iota3A, %parallel_loop3A_2434 : vector<16xi32>
        %parallel_loop3A_2436 = arith.constant 0 : i32
        %parallel_loop3A_2437 = vector.broadcast %parallel_loop3A_2436 : i32 to vector<16xi32>
        %parallel_loop3A_2438 = arith.cmpi slt, %broadcast_in_dim3A_5, %parallel_loop3A_2437 : vector<16xi32>
        %parallel_loop3A_2439 = arith.constant 16 : i32
        %parallel_loop3A_2440 = vector.broadcast %parallel_loop3A_2439 : i32 to vector<16xi32>
        %parallel_loop3A_2441 = arith.addi %broadcast_in_dim3A_5, %parallel_loop3A_2440 : vector<16xi32>
        %parallel_loop3A_2442 = arith.select %parallel_loop3A_2438, %parallel_loop3A_2441, %broadcast_in_dim3A_5 : vector<16xi1>, vector<16xi32>
        %parallel_loop3A_2443 = vector.shape_cast %parallel_loop3A_2442 : vector<16xi32> to vector<16x1xi32>
        %parallel_loop3A_2444 = vector.shape_cast %parallel_loop3A_2443 : vector<16x1xi32> to vector<16xi32>
        %parallel_loop3A_2445 = tpu.dynamic_gather %parallel_loop3A_2433[%parallel_loop3A_2444] in [0] : vector<16xi32>, vector<16xi32> -> vector<16xi32>
        %parallel_loop3A_2446 = arith.constant 0 : i32
        %parallel_loop3A_2447 = vector.broadcast %parallel_loop3A_2446 : i32 to vector<16xi32>
        %parallel_loop3A_2448 = arith.select %parallel_loop3A_2435, %parallel_loop3A_2445, %parallel_loop3A_2447 : vector<16xi1>, vector<16xi32>
        %parallel_loop3A_2449 = arith.addi %parallel_loop3A_2426, %parallel_loop3A_2448 : vector<16xi32>
        scf.yield %parallel_loop3A_2449 : vector<16xi32>
      } {sc.loop_unroll_factor = 4 : i64, sc.parallel_access}
      %rev3A_1412 = arith.constant 15 : i32
      %rev3A_1413 = vector.broadcast %rev3A_1412 : i32 to vector<16xi32>
      %rev3A_1414 = tpu.iota {dimensions = array<i32: 0>} : vector<16xi32>
      %rev3A_1415 = arith.subi %rev3A_1413, %rev3A_1414 : vector<16xi32>
      %rev3A_1416 = tpu.dynamic_gather %parallel_loop3A_1411[%rev3A_1415] in [0] : vector<16xi32>, vector<16xi32> -> vector<16xi32>
      %broadcast_in_dim3A_1417 = arith.constant true
      %broadcast_in_dim3A_1418 = vector.broadcast %broadcast_in_dim3A_1417 : i1 to vector<16xi1>
      %masked_cumsum3A_1419 = tpu.scan <sum>, %rev3A_1416 masked %broadcast_in_dim3A_1418 : vector<16xi32>, vector<16xi1> -> vector<16xi32>
      %ge3A_1420 = arith.cmpi sge, %masked_cumsum3A_1419, %sub3A_1407 : vector<16xi32>
      %all_reduce_ffs3A_1421 = tpu.all_reduce %ge3A_1420 {dim = 0 : i64, kind = #tpu.reduction_kind<find_first_set>} : vector<16xi1> -> vector<16xi32>
      %sub3A_1422 = arith.constant 15 : i32
      %sub3A_1423 = vector.broadcast %sub3A_1422 : i32 to vector<16xi32>
      %sub3A_1424 = arith.subi %sub3A_1423, %all_reduce_ffs3A_1421 : vector<16xi32>
      %lt3A_1425 = arith.constant 0 : i32
      %lt3A_1426 = vector.broadcast %lt3A_1425 : i32 to vector<16xi32>
      %lt3A_1427 = arith.cmpi slt, %all_reduce_ffs3A_1421, %lt3A_1426 : vector<16xi32>
      %add3A_1428 = arith.constant 16 : i32
      %add3A_1429 = vector.broadcast %add3A_1428 : i32 to vector<16xi32>
      %add3A_1430 = arith.addi %all_reduce_ffs3A_1421, %add3A_1429 : vector<16xi32>
      %select_n3A_1431 = arith.select %lt3A_1427, %add3A_1430, %all_reduce_ffs3A_1421 : vector<16xi1>, vector<16xi32>
      %broadcast_in_dim3A_1432 = vector.shape_cast %select_n3A_1431 : vector<16xi32> to vector<16x1xi32>
      %gather3A_1433 = vector.shape_cast %broadcast_in_dim3A_1432 : vector<16x1xi32> to vector<16xi32>
      %gather3A_1434 = tpu.dynamic_gather %masked_cumsum3A_1419[%gather3A_1433] in [0] : vector<16xi32>, vector<16xi32> -> vector<16xi32>
      %lt3A_1435 = arith.constant 0 : i32
      %lt3A_1436 = vector.broadcast %lt3A_1435 : i32 to vector<16xi32>
      %lt3A_1437 = arith.cmpi slt, %all_reduce_ffs3A_1421, %lt3A_1436 : vector<16xi32>
      %add3A_1438 = arith.constant 16 : i32
      %add3A_1439 = vector.broadcast %add3A_1438 : i32 to vector<16xi32>
      %add3A_1440 = arith.addi %all_reduce_ffs3A_1421, %add3A_1439 : vector<16xi32>
      %select_n3A_1441 = arith.select %lt3A_1437, %add3A_1440, %all_reduce_ffs3A_1421 : vector<16xi1>, vector<16xi32>
      %broadcast_in_dim3A_1442 = vector.shape_cast %select_n3A_1441 : vector<16xi32> to vector<16x1xi32>
      %gather3A_1443 = vector.shape_cast %broadcast_in_dim3A_1442 : vector<16x1xi32> to vector<16xi32>
      %gather3A_1444 = tpu.dynamic_gather %rev3A_1416[%gather3A_1443] in [0] : vector<16xi32>, vector<16xi32> -> vector<16xi32>
      %sub3A_1445 = arith.subi %gather3A_1434, %gather3A_1444 : vector<16xi32>
      %mul3A_1446 = arith.constant 16 : i32
      %mul3A_1447 = vector.broadcast %mul3A_1446 : i32 to vector<16xi32>
      %mul3A_1448 = arith.muli %sub3A_1424, %mul3A_1447 : vector<16xi32>
      %add3A_1449 = arith.addi %mul3A_1448, %iota3A : vector<16xi32>
      %gather3A_1450 = tpu.vector_load_idx %arg7[%add3A_1449] : memref<256xi32, #tpu.memory_space<vmem>>[vector<16xi32>], vector<16xi32>,
      %rev3A_1451 = arith.constant 15 : i32
      %rev3A_1452 = vector.broadcast %rev3A_1451 : i32 to vector<16xi32>
      %rev3A_1453 = tpu.iota {dimensions = array<i32: 0>} : vector<16xi32>
      %rev3A_1454 = arith.subi %rev3A_1452, %rev3A_1453 : vector<16xi32>
      %rev3A_1455 = tpu.dynamic_gather %gather3A_1450[%rev3A_1454] in [0] : vector<16xi32>, vector<16xi32> -> vector<16xi32>
      %broadcast_in_dim3A_1456 = arith.constant true
      %broadcast_in_dim3A_1457 = vector.broadcast %broadcast_in_dim3A_1456 : i1 to vector<16xi1>
      %masked_cumsum3A_1458 = tpu.scan <sum>, %rev3A_1455 masked %broadcast_in_dim3A_1457 : vector<16xi32>, vector<16xi1> -> vector<16xi32>
      %add3A_1459 = arith.addi %sub3A_1445, %masked_cumsum3A_1458 : vector<16xi32>
      %ge3A_1460 = arith.cmpi sge, %add3A_1459, %sub3A_1407 : vector<16xi32>
      %all_reduce_ffs3A_1461 = tpu.all_reduce %ge3A_1460 {dim = 0 : i64, kind = #tpu.reduction_kind<find_first_set>} : vector<16xi1> -> vector<16xi32>
      %mul3A_1462 = arith.constant 16 : i32
      %mul3A_1463 = vector.broadcast %mul3A_1462 : i32 to vector<16xi32>
      %mul3A_1464 = arith.muli %sub3A_1424, %mul3A_1463 : vector<16xi32>
      %add3A_1465 = arith.constant 15 : i32
      %add3A_1466 = vector.broadcast %add3A_1465 : i32 to vector<16xi32>
      %add3A_1467 = arith.addi %mul3A_1464, %add3A_1466 : vector<16xi32>
      %sub3A_1468 = arith.subi %add3A_1467, %all_reduce_ffs3A_1461 : vector<16xi32>
      %lt3A_1469 = arith.constant 0 : i32
      %lt3A_1470 = vector.broadcast %lt3A_1469 : i32 to vector<16xi32>
      %lt3A_1471 = arith.cmpi slt, %all_reduce_ffs3A_1461, %lt3A_1470 : vector<16xi32>
      %add3A_1472 = arith.constant 16 : i32
      %add3A_1473 = vector.broadcast %add3A_1472 : i32 to vector<16xi32>
      %add3A_1474 = arith.addi %all_reduce_ffs3A_1461, %add3A_1473 : vector<16xi32>
      %select_n3A_1475 = arith.select %lt3A_1471, %add3A_1474, %all_reduce_ffs3A_1461 : vector<16xi1>, vector<16xi32>
      %broadcast_in_dim3A_1476 = vector.shape_cast %select_n3A_1475 : vector<16xi32> to vector<16x1xi32>
      %gather3A_1477 = vector.shape_cast %broadcast_in_dim3A_1476 : vector<16x1xi32> to vector<16xi32>
      %gather3A_1478 = tpu.dynamic_gather %masked_cumsum3A_1458[%gather3A_1477] in [0] : vector<16xi32>, vector<16xi32> -> vector<16xi32>
      %add3A_1479 = arith.addi %sub3A_1445, %gather3A_1478 : vector<16xi32>
      %lt3A_1480 = arith.constant 0 : i32
      %lt3A_1481 = vector.broadcast %lt3A_1480 : i32 to vector<16xi32>
      %lt3A_1482 = arith.cmpi slt, %all_reduce_ffs3A_1461, %lt3A_1481 : vector<16xi32>
      %add3A_1483 = arith.constant 16 : i32
      %add3A_1484 = vector.broadcast %add3A_1483 : i32 to vector<16xi32>
      %add3A_1485 = arith.addi %all_reduce_ffs3A_1461, %add3A_1484 : vector<16xi32>
      %select_n3A_1486 = arith.select %lt3A_1482, %add3A_1485, %all_reduce_ffs3A_1461 : vector<16xi1>, vector<16xi32>
      %broadcast_in_dim3A_1487 = vector.shape_cast %select_n3A_1486 : vector<16xi32> to vector<16x1xi32>
      %gather3A_1488 = vector.shape_cast %broadcast_in_dim3A_1487 : vector<16x1xi32> to vector<16xi32>
      %gather3A_1489 = tpu.dynamic_gather %rev3A_1455[%gather3A_1488] in [0] : vector<16xi32>, vector<16xi32> -> vector<16xi32>
      %sub3A_1490 = arith.subi %add3A_1479, %gather3A_1489 : vector<16xi32>
      %sub3A_1491 = arith.constant 128 : i32
      %sub3A_1492 = vector.broadcast %sub3A_1491 : i32 to vector<16xi32>
      %sub3A_1493 = arith.subi %sub3A_1347, %sub3A_1492 : vector<16xi32>
      %shift_left3A_1494 = arith.constant 24 : i32
      %shift_left3A_1495 = vector.broadcast %shift_left3A_1494 : i32 to vector<16xi32>
      %shift_left3A_1496 = arith.shli %sub3A_1493, %shift_left3A_1495 : vector<16xi32>
      %shift_left3A_1497 = arith.constant 16 : i32
      %shift_left3A_1498 = vector.broadcast %shift_left3A_1497 : i32 to vector<16xi32>
      %shift_left3A_1499 = arith.shli %sub3A_1468, %shift_left3A_1498 : vector<16xi32>
      %or3A_1500 = arith.ori %shift_left3A_1496, %shift_left3A_1499 : vector<16xi32>
      %shift_right_arithmetic3A_1501 = arith.constant 31 : i32
      %shift_right_arithmetic3A_1502 = vector.broadcast %shift_right_arithmetic3A_1501 : i32 to vector<16xi32>
      %shift_right_arithmetic3A_1503 = arith.shrsi %or3A_1500, %shift_right_arithmetic3A_1502 : vector<16xi32>
      %and3A_1504 = arith.constant 2147483647 : i32
      %and3A_1505 = vector.broadcast %and3A_1504 : i32 to vector<16xi32>
      %and3A_1506 = arith.andi %shift_right_arithmetic3A_1503, %and3A_1505 : vector<16xi32>
      %xor3A_1507 = arith.xori %or3A_1500, %and3A_1506 : vector<16xi32>
      %bitcast_convert_type3A_1508 = tpu.bitcast %xor3A_1507 : vector<16xi32> -> vector<16xf32>
      %scan3A_1509 = arith.constant 0 : i32
      %scan3A_1510 = arith.constant 0 : i32
      %scan3A_1511 = arith.constant 2 : i32
      %scan3A_1512 = arith.addi %scan3A_1510, %scan3A_1511 : i32
      %scan3A_1513 = arith.constant 1 : i32
      %scan3A_1514:2 = scf.for %scan3A_2425 = %scan3A_1510 to %scan3A_1512 step %scan3A_1513 iter_args(%scan3A_2426 = %scan3A_1509, %scan3A_2427 = %bitcast_convert_type3A_1508) -> (i32, vector<16xf32>)  : i32 {
        %eq3A_2428 = arith.constant 0 : i32
        %eq3A_2429 = arith.cmpi eq, %scan3A_2425, %eq3A_2428 : i32
        %lt3A_2430 = arith.constant 64 : i32
        %lt3A_2431 = arith.cmpi slt, %scan3A_2426, %lt3A_2430 : i32
        %or3A_2432 = arith.ori %eq3A_2429, %lt3A_2431 : i1
        %convert_element_type3A_2433 = arith.extui %or3A_2432 : i1 to i32
        %cond3A_2434 = arith.constant 0 : i32
        %cond3A_2435 = arith.cmpi ne, %convert_element_type3A_2433, %cond3A_2434 : i32
        %cond3A_2436 = scf.if %cond3A_2435 -> (i32) {
          %sub3A_2439 = arith.constant 1 : i32
          %sub3A_2440 = vector.broadcast %sub3A_2439 : i32 to vector<16xi32>
          %sub3A_2441 = arith.subi %broadcast_in_dim3A_1, %sub3A_2440 : vector<16xi32>
          %parallel_loop3A_2442 = arith.constant 0 : i32
          %parallel_loop3A_2443 = arith.constant 2048 : i32
          %parallel_loop3A_2444 = arith.constant 1 : i32
          %parallel_loop3A_2445 = scf.for %parallel_loop3A_2455 = %parallel_loop3A_2442 to %parallel_loop3A_2443 step %parallel_loop3A_2444 iter_args(%parallel_loop3A_2456 = %sub3A_2441) -> (vector<16xi32>)  : i32 {
            %parallel_loop3A_2457 = arith.constant 16 : i32
            %parallel_loop3A_2458 = arith.muli %parallel_loop3A_2455, %parallel_loop3A_2457 : i32
            %parallel_loop3A_2459 = arith.index_cast %parallel_loop3A_2458 : i32 to index
            %parallel_loop3A_2460 = tpu.vector_load %arg5[%parallel_loop3A_2459] {strides = array<i32>} : memref<32768xf32, #tpu.memory_space<vmem>>, vector<16xf32>,
            %parallel_loop3A_2461 = arith.cmpf oge, %parallel_loop3A_2460, %scan3A_2427 : vector<16xf32>
            %parallel_loop3A_2462 = tpu.scan <sum>, %broadcast_in_dim3A_3 masked %parallel_loop3A_2461 : vector<16xi32>, vector<16xi1> -> vector<16xi32>
            %parallel_loop3A_2463 = arith.addi %parallel_loop3A_2456, %parallel_loop3A_2462 : vector<16xi32>
            %parallel_loop3A_2464 = tpu.bitcast %parallel_loop3A_2460 : vector<16xf32> -> vector<16xi32>
            tpu.vector_store_idx %arg6[%parallel_loop3A_2463], %parallel_loop3A_2464 masked %parallel_loop3A_2461 : memref<32768xi32, #tpu.memory_space<vmem>>[vector<16xi32>], vector<16xi32>, vector<16xi1>
            %parallel_loop3A_2465 = tpu.all_reduce %parallel_loop3A_2461 {dim = 0 : i64, kind = #tpu.reduction_kind<sum>} : vector<16xi1> -> vector<16xi32>
            %parallel_loop3A_2466 = arith.addi %parallel_loop3A_2456, %parallel_loop3A_2465 : vector<16xi32>
            scf.yield %parallel_loop3A_2466 : vector<16xi32>
          } {sc.loop_unroll_factor = 16 : i64, sc.parallel_access}
          %reduce_max3A = arith.constant true
          %reduce_max3A_2446 = vector.broadcast %reduce_max3A : i1 to vector<16xi1>
          %reduce_max3A_2447 = arith.constant -2147483648 : i32
          %reduce_max3A_2448 = vector.broadcast %reduce_max3A_2447 : i32 to vector<16xi32>
          %reduce_max3A_2449 = arith.xori %parallel_loop3A_2445, %reduce_max3A_2448 : vector<16xi32>
          %reduce_max3A_2450 = tpu.scan <max>, %reduce_max3A_2449 masked %reduce_max3A_2446 : vector<16xi32>, vector<16xi1> -> vector<16xi32>
          %reduce_max3A_2451 = arith.xori %reduce_max3A_2450, %reduce_max3A_2448 : vector<16xi32>
          %reduce_max3A_2452 = vector.extract %reduce_max3A_2451[15] : i32 from vector<16xi32>
          %add3A_2453 = arith.constant 1 : i32
          %add3A_2454 = arith.addi %reduce_max3A_2452, %add3A_2453 : i32
          scf.yield %add3A_2454 : i32
        } else {
          scf.yield %scan3A_2426 : i32
        }
        %broadcast_in_dim3A_2437 = arith.constant 0xFF800000 : f32
        %broadcast_in_dim3A_2438 = vector.broadcast %broadcast_in_dim3A_2437 : f32 to vector<16xf32>
        scf.yield %cond3A_2436, %broadcast_in_dim3A_2438 : i32, vector<16xf32>
      }
      %scan3A_1515 = arith.constant 2 : i32
      %add3A_1516 = arith.constant 15 : i32
      %add3A_1517 = arith.addi %scan3A_1514#0, %add3A_1516 : i32
      %jit3A_1518 = arith.constant 16 : i32
      %div3A_1519 = arith.divsi %add3A_1517, %jit3A_1518 : i32
      %sign3A_1520 = arith.constant 0 : i32
      %sign3A_1521 = arith.cmpi sgt, %add3A_1517, %sign3A_1520 : i32
      %sign3A_1522 = arith.extui %sign3A_1521 : i1 to i32
      %sign3A_1523 = arith.constant 0 : i32
      %sign3A_1524 = arith.cmpi slt, %add3A_1517, %sign3A_1523 : i32
      %sign3A_1525 = arith.extui %sign3A_1524 : i1 to i32
      %sign3A_1526 = arith.subi %sign3A_1522, %sign3A_1525 : i32
      %sign3A_1527 = arith.constant 0 : i32
      %sign3A_1528 = arith.cmpi sgt, %jit3A_1518, %sign3A_1527 : i32
      %sign3A_1529 = arith.extui %sign3A_1528 : i1 to i32
      %sign3A_1530 = arith.constant 0 : i32
      %sign3A_1531 = arith.cmpi slt, %jit3A_1518, %sign3A_1530 : i32
      %sign3A_1532 = arith.extui %sign3A_1531 : i1 to i32
      %sign3A_1533 = arith.subi %sign3A_1529, %sign3A_1532 : i32
      %ne3A_1534 = arith.cmpi ne, %sign3A_1526, %sign3A_1533 : i32
      %rem3A_1535 = arith.remsi %add3A_1517, %jit3A_1518 : i32
      %ne3A_1536 = arith.constant 0 : i32
      %ne3A_1537 = arith.cmpi ne, %rem3A_1535, %ne3A_1536 : i32
      %and3A_1538 = arith.andi %ne3A_1534, %ne3A_1537 : i1
      %sub3A_1539 = arith.constant 1 : i32
      %sub3A_1540 = arith.subi %div3A_1519, %sub3A_1539 : i32
      %select_n3A_1541 = arith.select %and3A_1538, %sub3A_1540, %div3A_1519 : i32
      %parallel_loop3A_1542 = arith.constant 0 : i32
      %parallel_loop3A_1543 = arith.constant 1 : i32
      scf.for %parallel_loop3A_2425 = %parallel_loop3A_1542 to %select_n3A_1541 step %parallel_loop3A_1543  : i32 {
        %parallel_loop3A_2426 = arith.constant 16 : i32
        %parallel_loop3A_2427 = arith.muli %parallel_loop3A_2425, %parallel_loop3A_2426 : i32
        %parallel_loop3A_2428 = arith.index_cast %parallel_loop3A_2427 : i32 to index
        %parallel_loop3A_2429 = tpu.vector_load %arg6[%parallel_loop3A_2428] {strides = array<i32>} : memref<32768xi32, #tpu.memory_space<vmem>>, vector<16xi32>,
        %parallel_loop3A_2430 = arith.constant 31 : i32
        %parallel_loop3A_2431 = vector.broadcast %parallel_loop3A_2430 : i32 to vector<16xi32>
        %parallel_loop3A_2432 = arith.shrsi %parallel_loop3A_2429, %parallel_loop3A_2431 : vector<16xi32>
        %parallel_loop3A_2433 = arith.constant 2147483647 : i32
        %parallel_loop3A_2434 = vector.broadcast %parallel_loop3A_2433 : i32 to vector<16xi32>
        %parallel_loop3A_2435 = arith.andi %parallel_loop3A_2432, %parallel_loop3A_2434 : vector<16xi32>
        %parallel_loop3A_2436 = arith.xori %parallel_loop3A_2429, %parallel_loop3A_2435 : vector<16xi32>
        %parallel_loop3A_2437 = arith.constant 16 : i32
        %parallel_loop3A_2438 = arith.muli %parallel_loop3A_2425, %parallel_loop3A_2437 : i32
        %parallel_loop3A_2439 = arith.index_cast %parallel_loop3A_2438 : i32 to index
        %parallel_loop3A_2440 = tpu.vector_load %arg6[%parallel_loop3A_2439] {strides = array<i32>} : memref<32768xi32, #tpu.memory_space<vmem>>, vector<16xi32>,
        tpu.vector_store %arg6[%parallel_loop3A_2439], %parallel_loop3A_2436 {strides = array<i32>} : memref<32768xi32, #tpu.memory_space<vmem>>, vector<16xi32>,
      } {sc.loop_unroll_factor = 4 : i64, sc.parallel_access}
      %broadcast_in_dim3A_1544 = arith.constant 64 : i32
      %broadcast_in_dim3A_1545 = vector.broadcast %broadcast_in_dim3A_1544 : i32 to vector<16xi32>
      %scan3A_1546 = arith.constant 0 : i32
      %scan3A_1547 = arith.constant 4 : i32
      %scan3A_1548 = arith.addi %scan3A_1546, %scan3A_1547 : i32
      %scan3A_1549 = arith.constant 1 : i32
      %scan3A_1550:4 = scf.for %scan3A_2425 = %scan3A_1546 to %scan3A_1548 step %scan3A_1549 iter_args(%scan3A_2426 = %broadcast_in_dim3A_1, %scan3A_2427 = %scan3A_1514#0, %scan3A_2428 = %broadcast_in_dim3A_1545, %scan3A_2429 = %broadcast_in_dim3A_1) -> (vector<16xi32>, i32, vector<16xi32>, vector<16xi32>)  : i32 {
        %mul3A_2430 = arith.constant 8 : i32
        %mul3A_2431 = arith.muli %mul3A_2430, %scan3A_2425 : i32
        %sub3A_2432 = arith.constant 24 : i32
        %sub3A_2433 = arith.subi %sub3A_2432, %mul3A_2431 : i32
        %eq3A_2434 = arith.constant 0 : i32
        %eq3A_2435 = arith.cmpi eq, %scan3A_2425, %eq3A_2434 : i32
        %jit3A_2436 = arith.constant 128 : i32
        %jit3A_2437 = arith.constant 0 : i32
        %select_n3A_2438 = arith.select %eq3A_2435, %jit3A_2436, %jit3A_2437 : i32
        %swap3A_2439 = arith.constant 0 : index
        %swap3A_2440 = tpu.vector_load %arg7[%swap3A_2439] {strides = array<i32>} : memref<256xi32, #tpu.memory_space<vmem>>, vector<16xi32>,
        tpu.vector_store %arg7[%swap3A_2439], %broadcast_in_dim3A_1 {strides = array<i32>} : memref<256xi32, #tpu.memory_space<vmem>>, vector<16xi32>,
        %swap3A_2441 = arith.constant 16 : index
        %swap3A_2442 = tpu.vector_load %arg7[%swap3A_2441] {strides = array<i32>} : memref<256xi32, #tpu.memory_space<vmem>>, vector<16xi32>,
        tpu.vector_store %arg7[%swap3A_2441], %broadcast_in_dim3A_1 {strides = array<i32>} : memref<256xi32, #tpu.memory_space<vmem>>, vector<16xi32>,
        %swap3A_2443 = arith.constant 32 : index
        %swap3A_2444 = tpu.vector_load %arg7[%swap3A_2443] {strides = array<i32>} : memref<256xi32, #tpu.memory_space<vmem>>, vector<16xi32>,
        tpu.vector_store %arg7[%swap3A_2443], %broadcast_in_dim3A_1 {strides = array<i32>} : memref<256xi32, #tpu.memory_space<vmem>>, vector<16xi32>,
        %swap3A_2445 = arith.constant 48 : index
        %swap3A_2446 = tpu.vector_load %arg7[%swap3A_2445] {strides = array<i32>} : memref<256xi32, #tpu.memory_space<vmem>>, vector<16xi32>,
        tpu.vector_store %arg7[%swap3A_2445], %broadcast_in_dim3A_1 {strides = array<i32>} : memref<256xi32, #tpu.memory_space<vmem>>, vector<16xi32>,
        %swap3A_2447 = arith.constant 64 : index
        %swap3A_2448 = tpu.vector_load %arg7[%swap3A_2447] {strides = array<i32>} : memref<256xi32, #tpu.memory_space<vmem>>, vector<16xi32>,
        tpu.vector_store %arg7[%swap3A_2447], %broadcast_in_dim3A_1 {strides = array<i32>} : memref<256xi32, #tpu.memory_space<vmem>>, vector<16xi32>,
        %swap3A_2449 = arith.constant 80 : index
        %swap3A_2450 = tpu.vector_load %arg7[%swap3A_2449] {strides = array<i32>} : memref<256xi32, #tpu.memory_space<vmem>>, vector<16xi32>,
        tpu.vector_store %arg7[%swap3A_2449], %broadcast_in_dim3A_1 {strides = array<i32>} : memref<256xi32, #tpu.memory_space<vmem>>, vector<16xi32>,
        %swap3A_2451 = arith.constant 96 : index
        %swap3A_2452 = tpu.vector_load %arg7[%swap3A_2451] {strides = array<i32>} : memref<256xi32, #tpu.memory_space<vmem>>, vector<16xi32>,
        tpu.vector_store %arg7[%swap3A_2451], %broadcast_in_dim3A_1 {strides = array<i32>} : memref<256xi32, #tpu.memory_space<vmem>>, vector<16xi32>,
        %swap3A_2453 = arith.constant 112 : index
        %swap3A_2454 = tpu.vector_load %arg7[%swap3A_2453] {strides = array<i32>} : memref<256xi32, #tpu.memory_space<vmem>>, vector<16xi32>,
        tpu.vector_store %arg7[%swap3A_2453], %broadcast_in_dim3A_1 {strides = array<i32>} : memref<256xi32, #tpu.memory_space<vmem>>, vector<16xi32>,
        %swap3A_2455 = arith.constant 128 : index
        %swap3A_2456 = tpu.vector_load %arg7[%swap3A_2455] {strides = array<i32>} : memref<256xi32, #tpu.memory_space<vmem>>, vector<16xi32>,
        tpu.vector_store %arg7[%swap3A_2455], %broadcast_in_dim3A_1 {strides = array<i32>} : memref<256xi32, #tpu.memory_space<vmem>>, vector<16xi32>,
        %swap3A_2457 = arith.constant 144 : index
        %swap3A_2458 = tpu.vector_load %arg7[%swap3A_2457] {strides = array<i32>} : memref<256xi32, #tpu.memory_space<vmem>>, vector<16xi32>,
        tpu.vector_store %arg7[%swap3A_2457], %broadcast_in_dim3A_1 {strides = array<i32>} : memref<256xi32, #tpu.memory_space<vmem>>, vector<16xi32>,
        %swap3A_2459 = arith.constant 160 : index
        %swap3A_2460 = tpu.vector_load %arg7[%swap3A_2459] {strides = array<i32>} : memref<256xi32, #tpu.memory_space<vmem>>, vector<16xi32>,
        tpu.vector_store %arg7[%swap3A_2459], %broadcast_in_dim3A_1 {strides = array<i32>} : memref<256xi32, #tpu.memory_space<vmem>>, vector<16xi32>,
        %swap3A_2461 = arith.constant 176 : index
        %swap3A_2462 = tpu.vector_load %arg7[%swap3A_2461] {strides = array<i32>} : memref<256xi32, #tpu.memory_space<vmem>>, vector<16xi32>,
        tpu.vector_store %arg7[%swap3A_2461], %broadcast_in_dim3A_1 {strides = array<i32>} : memref<256xi32, #tpu.memory_space<vmem>>, vector<16xi32>,
        %swap3A_2463 = arith.constant 192 : index
        %swap3A_2464 = tpu.vector_load %arg7[%swap3A_2463] {strides = array<i32>} : memref<256xi32, #tpu.memory_space<vmem>>, vector<16xi32>,
        tpu.vector_store %arg7[%swap3A_2463], %broadcast_in_dim3A_1 {strides = array<i32>} : memref<256xi32, #tpu.memory_space<vmem>>, vector<16xi32>,
        %swap3A_2465 = arith.constant 208 : index
        %swap3A_2466 = tpu.vector_load %arg7[%swap3A_2465] {strides = array<i32>} : memref<256xi32, #tpu.memory_space<vmem>>, vector<16xi32>,
        tpu.vector_store %arg7[%swap3A_2465], %broadcast_in_dim3A_1 {strides = array<i32>} : memref<256xi32, #tpu.memory_space<vmem>>, vector<16xi32>,
        %swap3A_2467 = arith.constant 224 : index
        %swap3A_2468 = tpu.vector_load %arg7[%swap3A_2467] {strides = array<i32>} : memref<256xi32, #tpu.memory_space<vmem>>, vector<16xi32>,
        tpu.vector_store %arg7[%swap3A_2467], %broadcast_in_dim3A_1 {strides = array<i32>} : memref<256xi32, #tpu.memory_space<vmem>>, vector<16xi32>,
        %swap3A_2469 = arith.constant 240 : index
        %swap3A_2470 = tpu.vector_load %arg7[%swap3A_2469] {strides = array<i32>} : memref<256xi32, #tpu.memory_space<vmem>>, vector<16xi32>,
        tpu.vector_store %arg7[%swap3A_2469], %broadcast_in_dim3A_1 {strides = array<i32>} : memref<256xi32, #tpu.memory_space<vmem>>, vector<16xi32>,
        %add3A_2471 = arith.constant 15 : i32
        %add3A_2472 = arith.addi %scan3A_2427, %add3A_2471 : i32
        %jit3A_2473 = arith.constant 16 : i32
        %div3A_2474 = arith.divsi %add3A_2472, %jit3A_2473 : i32
        %sign3A_2475 = arith.constant 0 : i32
        %sign3A_2476 = arith.cmpi sgt, %add3A_2472, %sign3A_2475 : i32
        %sign3A_2477 = arith.extui %sign3A_2476 : i1 to i32
        %sign3A_2478 = arith.constant 0 : i32
        %sign3A_2479 = arith.cmpi slt, %add3A_2472, %sign3A_2478 : i32
        %sign3A_2480 = arith.extui %sign3A_2479 : i1 to i32
        %sign3A_2481 = arith.subi %sign3A_2477, %sign3A_2480 : i32
        %sign3A_2482 = arith.constant 0 : i32
        %sign3A_2483 = arith.cmpi sgt, %jit3A_2473, %sign3A_2482 : i32
        %sign3A_2484 = arith.extui %sign3A_2483 : i1 to i32
        %sign3A_2485 = arith.constant 0 : i32
        %sign3A_2486 = arith.cmpi slt, %jit3A_2473, %sign3A_2485 : i32
        %sign3A_2487 = arith.extui %sign3A_2486 : i1 to i32
        %sign3A_2488 = arith.subi %sign3A_2484, %sign3A_2487 : i32
        %ne3A_2489 = arith.cmpi ne, %sign3A_2481, %sign3A_2488 : i32
        %rem3A_2490 = arith.remsi %add3A_2472, %jit3A_2473 : i32
        %ne3A_2491 = arith.constant 0 : i32
        %ne3A_2492 = arith.cmpi ne, %rem3A_2490, %ne3A_2491 : i32
        %and3A_2493 = arith.andi %ne3A_2489, %ne3A_2492 : i1
        %sub3A_2494 = arith.constant 1 : i32
        %sub3A_2495 = arith.subi %div3A_2474, %sub3A_2494 : i32
        %select_n3A_2496 = arith.select %and3A_2493, %sub3A_2495, %div3A_2474 : i32
        %parallel_loop3A_2497 = arith.constant 0 : i32
        %parallel_loop3A_2498 = arith.constant 1 : i32
        scf.for %parallel_loop3A_2609 = %parallel_loop3A_2497 to %select_n3A_2496 step %parallel_loop3A_2498  : i32 {
          %parallel_loop3A_2610 = arith.constant 16 : i32
          %parallel_loop3A_2611 = arith.muli %parallel_loop3A_2609, %parallel_loop3A_2610 : i32
          %parallel_loop3A_2612 = arith.index_cast %parallel_loop3A_2611 : i32 to index
          %parallel_loop3A_2613 = tpu.vector_load %arg6[%parallel_loop3A_2612] {strides = array<i32>} : memref<32768xi32, #tpu.memory_space<vmem>>, vector<16xi32>,
          %parallel_loop3A_2614 = arith.constant 16 : i32
          %parallel_loop3A_2615 = arith.muli %parallel_loop3A_2609, %parallel_loop3A_2614 : i32
          %parallel_loop3A_2616 = vector.broadcast %parallel_loop3A_2615 : i32 to vector<16xi32>
          %parallel_loop3A_2617 = arith.addi %parallel_loop3A_2616, %iota3A : vector<16xi32>
          %parallel_loop3A_2618 = vector.broadcast %scan3A_2427 : i32 to vector<16xi32>
          %parallel_loop3A_2619 = arith.cmpi slt, %parallel_loop3A_2617, %parallel_loop3A_2618 : vector<16xi32>
          %parallel_loop3A_2620 = vector.broadcast %sub3A_2433 : i32 to vector<16xi32>
          %parallel_loop3A_2621 = arith.shrsi %parallel_loop3A_2613, %parallel_loop3A_2620 : vector<16xi32>
          %parallel_loop3A_2622 = arith.constant 255 : i32
          %parallel_loop3A_2623 = vector.broadcast %parallel_loop3A_2622 : i32 to vector<16xi32>
          %parallel_loop3A_2624 = arith.andi %parallel_loop3A_2621, %parallel_loop3A_2623 : vector<16xi32>
          %parallel_loop3A_2625 = vector.broadcast %select_n3A_2438 : i32 to vector<16xi32>
          %parallel_loop3A_2626 = arith.xori %parallel_loop3A_2624, %parallel_loop3A_2625 : vector<16xi32>
          tpu.vector_store_idx %arg7[%parallel_loop3A_2626], %broadcast_in_dim3A_3 masked %parallel_loop3A_2619 {add = true} : memref<256xi32, #tpu.memory_space<vmem>>[vector<16xi32>], vector<16xi32>, vector<16xi1>
        } {sc.loop_unroll_factor = 2 : i64, sc.parallel_access}
        %parallel_loop3A_2499 = arith.constant 0 : i32
        %parallel_loop3A_2500 = arith.constant 16 : i32
        %parallel_loop3A_2501 = arith.constant 1 : i32
        %parallel_loop3A_2502 = scf.for %parallel_loop3A_2609 = %parallel_loop3A_2499 to %parallel_loop3A_2500 step %parallel_loop3A_2501 iter_args(%parallel_loop3A_2610 = %broadcast_in_dim3A_1) -> (vector<16xi32>)  : i32 {
          %parallel_loop3A_2611 = arith.constant 16 : i32
          %parallel_loop3A_2612 = arith.muli %parallel_loop3A_2609, %parallel_loop3A_2611 : i32
          %parallel_loop3A_2613 = arith.index_cast %parallel_loop3A_2612 : i32 to index
          %parallel_loop3A_2614 = tpu.vector_load %arg7[%parallel_loop3A_2613] {strides = array<i32>} : memref<256xi32, #tpu.memory_space<vmem>>, vector<16xi32>,
          %parallel_loop3A_2615 = arith.constant true
          %parallel_loop3A_2616 = vector.broadcast %parallel_loop3A_2615 : i1 to vector<16xi1>
          %parallel_loop3A_2617 = tpu.scan <sum>, %parallel_loop3A_2614 masked %parallel_loop3A_2616 : vector<16xi32>, vector<16xi1> -> vector<16xi32>
          %parallel_loop3A_2618 = vector.broadcast %parallel_loop3A_2609 : i32 to vector<16xi32>
          %parallel_loop3A_2619 = arith.cmpi eq, %iota3A, %parallel_loop3A_2618 : vector<16xi32>
          %parallel_loop3A_2620 = arith.constant 0 : i32
          %parallel_loop3A_2621 = vector.broadcast %parallel_loop3A_2620 : i32 to vector<16xi32>
          %parallel_loop3A_2622 = arith.cmpi slt, %broadcast_in_dim3A_5, %parallel_loop3A_2621 : vector<16xi32>
          %parallel_loop3A_2623 = arith.constant 16 : i32
          %parallel_loop3A_2624 = vector.broadcast %parallel_loop3A_2623 : i32 to vector<16xi32>
          %parallel_loop3A_2625 = arith.addi %broadcast_in_dim3A_5, %parallel_loop3A_2624 : vector<16xi32>
          %parallel_loop3A_2626 = arith.select %parallel_loop3A_2622, %parallel_loop3A_2625, %broadcast_in_dim3A_5 : vector<16xi1>, vector<16xi32>
          %parallel_loop3A_2627 = vector.shape_cast %parallel_loop3A_2626 : vector<16xi32> to vector<16x1xi32>
          %parallel_loop3A_2628 = vector.shape_cast %parallel_loop3A_2627 : vector<16x1xi32> to vector<16xi32>
          %parallel_loop3A_2629 = tpu.dynamic_gather %parallel_loop3A_2617[%parallel_loop3A_2628] in [0] : vector<16xi32>, vector<16xi32> -> vector<16xi32>
          %parallel_loop3A_2630 = arith.constant 0 : i32
          %parallel_loop3A_2631 = vector.broadcast %parallel_loop3A_2630 : i32 to vector<16xi32>
          %parallel_loop3A_2632 = arith.select %parallel_loop3A_2619, %parallel_loop3A_2629, %parallel_loop3A_2631 : vector<16xi1>, vector<16xi32>
          %parallel_loop3A_2633 = arith.addi %parallel_loop3A_2610, %parallel_loop3A_2632 : vector<16xi32>
          scf.yield %parallel_loop3A_2633 : vector<16xi32>
        } {sc.loop_unroll_factor = 4 : i64, sc.parallel_access}
        %rev3A_2503 = arith.constant 15 : i32
        %rev3A_2504 = vector.broadcast %rev3A_2503 : i32 to vector<16xi32>
        %rev3A_2505 = tpu.iota {dimensions = array<i32: 0>} : vector<16xi32>
        %rev3A_2506 = arith.subi %rev3A_2504, %rev3A_2505 : vector<16xi32>
        %rev3A_2507 = tpu.dynamic_gather %parallel_loop3A_2502[%rev3A_2506] in [0] : vector<16xi32>, vector<16xi32> -> vector<16xi32>
        %broadcast_in_dim3A_2508 = arith.constant true
        %broadcast_in_dim3A_2509 = vector.broadcast %broadcast_in_dim3A_2508 : i1 to vector<16xi1>
        %masked_cumsum3A_2510 = tpu.scan <sum>, %rev3A_2507 masked %broadcast_in_dim3A_2509 : vector<16xi32>, vector<16xi1> -> vector<16xi32>
        %ge3A_2511 = arith.cmpi sge, %masked_cumsum3A_2510, %scan3A_2428 : vector<16xi32>
        %all_reduce_ffs3A_2512 = tpu.all_reduce %ge3A_2511 {dim = 0 : i64, kind = #tpu.reduction_kind<find_first_set>} : vector<16xi1> -> vector<16xi32>
        %sub3A_2513 = arith.constant 15 : i32
        %sub3A_2514 = vector.broadcast %sub3A_2513 : i32 to vector<16xi32>
        %sub3A_2515 = arith.subi %sub3A_2514, %all_reduce_ffs3A_2512 : vector<16xi32>
        %lt3A_2516 = arith.constant 0 : i32
        %lt3A_2517 = vector.broadcast %lt3A_2516 : i32 to vector<16xi32>
        %lt3A_2518 = arith.cmpi slt, %all_reduce_ffs3A_2512, %lt3A_2517 : vector<16xi32>
        %add3A_2519 = arith.constant 16 : i32
        %add3A_2520 = vector.broadcast %add3A_2519 : i32 to vector<16xi32>
        %add3A_2521 = arith.addi %all_reduce_ffs3A_2512, %add3A_2520 : vector<16xi32>
        %select_n3A_2522 = arith.select %lt3A_2518, %add3A_2521, %all_reduce_ffs3A_2512 : vector<16xi1>, vector<16xi32>
        %broadcast_in_dim3A_2523 = vector.shape_cast %select_n3A_2522 : vector<16xi32> to vector<16x1xi32>
        %gather3A_2524 = vector.shape_cast %broadcast_in_dim3A_2523 : vector<16x1xi32> to vector<16xi32>
        %gather3A_2525 = tpu.dynamic_gather %masked_cumsum3A_2510[%gather3A_2524] in [0] : vector<16xi32>, vector<16xi32> -> vector<16xi32>
        %lt3A_2526 = arith.constant 0 : i32
        %lt3A_2527 = vector.broadcast %lt3A_2526 : i32 to vector<16xi32>
        %lt3A_2528 = arith.cmpi slt, %all_reduce_ffs3A_2512, %lt3A_2527 : vector<16xi32>
        %add3A_2529 = arith.constant 16 : i32
        %add3A_2530 = vector.broadcast %add3A_2529 : i32 to vector<16xi32>
        %add3A_2531 = arith.addi %all_reduce_ffs3A_2512, %add3A_2530 : vector<16xi32>
        %select_n3A_2532 = arith.select %lt3A_2528, %add3A_2531, %all_reduce_ffs3A_2512 : vector<16xi1>, vector<16xi32>
        %broadcast_in_dim3A_2533 = vector.shape_cast %select_n3A_2532 : vector<16xi32> to vector<16x1xi32>
        %gather3A_2534 = vector.shape_cast %broadcast_in_dim3A_2533 : vector<16x1xi32> to vector<16xi32>
        %gather3A_2535 = tpu.dynamic_gather %rev3A_2507[%gather3A_2534] in [0] : vector<16xi32>, vector<16xi32> -> vector<16xi32>
        %sub3A_2536 = arith.subi %gather3A_2525, %gather3A_2535 : vector<16xi32>
        %mul3A_2537 = arith.constant 16 : i32
        %mul3A_2538 = vector.broadcast %mul3A_2537 : i32 to vector<16xi32>
        %mul3A_2539 = arith.muli %sub3A_2515, %mul3A_2538 : vector<16xi32>
        %add3A_2540 = arith.addi %mul3A_2539, %iota3A : vector<16xi32>
        %gather3A_2541 = tpu.vector_load_idx %arg7[%add3A_2540] : memref<256xi32, #tpu.memory_space<vmem>>[vector<16xi32>], vector<16xi32>,
        %rev3A_2542 = arith.constant 15 : i32
        %rev3A_2543 = vector.broadcast %rev3A_2542 : i32 to vector<16xi32>
        %rev3A_2544 = tpu.iota {dimensions = array<i32: 0>} : vector<16xi32>
        %rev3A_2545 = arith.subi %rev3A_2543, %rev3A_2544 : vector<16xi32>
        %rev3A_2546 = tpu.dynamic_gather %gather3A_2541[%rev3A_2545] in [0] : vector<16xi32>, vector<16xi32> -> vector<16xi32>
        %broadcast_in_dim3A_2547 = arith.constant true
        %broadcast_in_dim3A_2548 = vector.broadcast %broadcast_in_dim3A_2547 : i1 to vector<16xi1>
        %masked_cumsum3A_2549 = tpu.scan <sum>, %rev3A_2546 masked %broadcast_in_dim3A_2548 : vector<16xi32>, vector<16xi1> -> vector<16xi32>
        %add3A_2550 = arith.addi %sub3A_2536, %masked_cumsum3A_2549 : vector<16xi32>
        %ge3A_2551 = arith.cmpi sge, %add3A_2550, %scan3A_2428 : vector<16xi32>
        %all_reduce_ffs3A_2552 = tpu.all_reduce %ge3A_2551 {dim = 0 : i64, kind = #tpu.reduction_kind<find_first_set>} : vector<16xi1> -> vector<16xi32>
        %mul3A_2553 = arith.constant 16 : i32
        %mul3A_2554 = vector.broadcast %mul3A_2553 : i32 to vector<16xi32>
        %mul3A_2555 = arith.muli %sub3A_2515, %mul3A_2554 : vector<16xi32>
        %add3A_2556 = arith.constant 15 : i32
        %add3A_2557 = vector.broadcast %add3A_2556 : i32 to vector<16xi32>
        %add3A_2558 = arith.addi %mul3A_2555, %add3A_2557 : vector<16xi32>
        %sub3A_2559 = arith.subi %add3A_2558, %all_reduce_ffs3A_2552 : vector<16xi32>
        %lt3A_2560 = arith.constant 0 : i32
        %lt3A_2561 = vector.broadcast %lt3A_2560 : i32 to vector<16xi32>
        %lt3A_2562 = arith.cmpi slt, %all_reduce_ffs3A_2552, %lt3A_2561 : vector<16xi32>
        %add3A_2563 = arith.constant 16 : i32
        %add3A_2564 = vector.broadcast %add3A_2563 : i32 to vector<16xi32>
        %add3A_2565 = arith.addi %all_reduce_ffs3A_2552, %add3A_2564 : vector<16xi32>
        %select_n3A_2566 = arith.select %lt3A_2562, %add3A_2565, %all_reduce_ffs3A_2552 : vector<16xi1>, vector<16xi32>
        %broadcast_in_dim3A_2567 = vector.shape_cast %select_n3A_2566 : vector<16xi32> to vector<16x1xi32>
        %gather3A_2568 = vector.shape_cast %broadcast_in_dim3A_2567 : vector<16x1xi32> to vector<16xi32>
        %gather3A_2569 = tpu.dynamic_gather %masked_cumsum3A_2549[%gather3A_2568] in [0] : vector<16xi32>, vector<16xi32> -> vector<16xi32>
        %add3A_2570 = arith.addi %sub3A_2536, %gather3A_2569 : vector<16xi32>
        %lt3A_2571 = arith.constant 0 : i32
        %lt3A_2572 = vector.broadcast %lt3A_2571 : i32 to vector<16xi32>
        %lt3A_2573 = arith.cmpi slt, %all_reduce_ffs3A_2552, %lt3A_2572 : vector<16xi32>
        %add3A_2574 = arith.constant 16 : i32
        %add3A_2575 = vector.broadcast %add3A_2574 : i32 to vector<16xi32>
        %add3A_2576 = arith.addi %all_reduce_ffs3A_2552, %add3A_2575 : vector<16xi32>
        %select_n3A_2577 = arith.select %lt3A_2573, %add3A_2576, %all_reduce_ffs3A_2552 : vector<16xi1>, vector<16xi32>
        %broadcast_in_dim3A_2578 = vector.shape_cast %select_n3A_2577 : vector<16xi32> to vector<16x1xi32>
        %gather3A_2579 = vector.shape_cast %broadcast_in_dim3A_2578 : vector<16x1xi32> to vector<16xi32>
        %gather3A_2580 = tpu.dynamic_gather %rev3A_2546[%gather3A_2579] in [0] : vector<16xi32>, vector<16xi32> -> vector<16xi32>
        %sub3A_2581 = arith.subi %add3A_2570, %gather3A_2580 : vector<16xi32>
        %sub3A_2582 = arith.constant 1 : i32
        %sub3A_2583 = vector.broadcast %sub3A_2582 : i32 to vector<16xi32>
        %sub3A_2584 = arith.subi %scan3A_2426, %sub3A_2583 : vector<16xi32>
        %sub3A_2585 = arith.constant 1 : i32
        %sub3A_2586 = vector.broadcast %sub3A_2585 : i32 to vector<16xi32>
        %sub3A_2587 = arith.subi %broadcast_in_dim3A_1, %sub3A_2586 : vector<16xi32>
        %parallel_loop3A_2588 = arith.constant 0 : i32
        %parallel_loop3A_2589 = arith.constant 1 : i32
        %parallel_loop3A_2590:2 = scf.for %parallel_loop3A_2609 = %parallel_loop3A_2588 to %select_n3A_2496 step %parallel_loop3A_2589 iter_args(%parallel_loop3A_2610 = %sub3A_2584, %parallel_loop3A_2611 = %sub3A_2587) -> (vector<16xi32>, vector<16xi32>)  : i32 {
          %parallel_loop3A_2612 = arith.constant 16 : i32
          %parallel_loop3A_2613 = arith.muli %parallel_loop3A_2609, %parallel_loop3A_2612 : i32
          %parallel_loop3A_2614 = arith.index_cast %parallel_loop3A_2613 : i32 to index
          %parallel_loop3A_2615 = tpu.vector_load %arg6[%parallel_loop3A_2614] {strides = array<i32>} : memref<32768xi32, #tpu.memory_space<vmem>>, vector<16xi32>,
          %parallel_loop3A_2616 = arith.constant 16 : i32
          %parallel_loop3A_2617 = arith.muli %parallel_loop3A_2609, %parallel_loop3A_2616 : i32
          %parallel_loop3A_2618 = vector.broadcast %parallel_loop3A_2617 : i32 to vector<16xi32>
          %parallel_loop3A_2619 = arith.addi %parallel_loop3A_2618, %iota3A : vector<16xi32>
          %parallel_loop3A_2620 = vector.broadcast %scan3A_2427 : i32 to vector<16xi32>
          %parallel_loop3A_2621 = arith.cmpi slt, %parallel_loop3A_2619, %parallel_loop3A_2620 : vector<16xi32>
          %parallel_loop3A_2622 = vector.broadcast %sub3A_2433 : i32 to vector<16xi32>
          %parallel_loop3A_2623 = arith.shrsi %parallel_loop3A_2615, %parallel_loop3A_2622 : vector<16xi32>
          %parallel_loop3A_2624 = arith.constant 255 : i32
          %parallel_loop3A_2625 = vector.broadcast %parallel_loop3A_2624 : i32 to vector<16xi32>
          %parallel_loop3A_2626 = arith.andi %parallel_loop3A_2623, %parallel_loop3A_2625 : vector<16xi32>
          %parallel_loop3A_2627 = vector.broadcast %select_n3A_2438 : i32 to vector<16xi32>
          %parallel_loop3A_2628 = arith.xori %parallel_loop3A_2626, %parallel_loop3A_2627 : vector<16xi32>
          %parallel_loop3A_2629 = arith.cmpi sgt, %parallel_loop3A_2628, %sub3A_2559 : vector<16xi32>
          %parallel_loop3A_2630 = arith.andi %parallel_loop3A_2621, %parallel_loop3A_2629 : vector<16xi1>
          %parallel_loop3A_2631 = arith.cmpi eq, %parallel_loop3A_2628, %sub3A_2559 : vector<16xi32>
          %parallel_loop3A_2632 = arith.andi %parallel_loop3A_2621, %parallel_loop3A_2631 : vector<16xi1>
          %parallel_loop3A_2633 = tpu.scan <sum>, %broadcast_in_dim3A_3 masked %parallel_loop3A_2630 : vector<16xi32>, vector<16xi1> -> vector<16xi32>
          %parallel_loop3A_2634 = arith.addi %parallel_loop3A_2610, %parallel_loop3A_2633 : vector<16xi32>
          tpu.vector_store_idx %arg8[%parallel_loop3A_2634], %parallel_loop3A_2615 masked %parallel_loop3A_2630 : memref<128xi32, #tpu.memory_space<vmem>>[vector<16xi32>], vector<16xi32>, vector<16xi1>
          %parallel_loop3A_2635 = tpu.scan <sum>, %broadcast_in_dim3A_3 masked %parallel_loop3A_2632 : vector<16xi32>, vector<16xi1> -> vector<16xi32>
          %parallel_loop3A_2636 = arith.addi %parallel_loop3A_2611, %parallel_loop3A_2635 : vector<16xi32>
          tpu.vector_store_idx %arg6[%parallel_loop3A_2636], %parallel_loop3A_2615 masked %parallel_loop3A_2632 : memref<32768xi32, #tpu.memory_space<vmem>>[vector<16xi32>], vector<16xi32>, vector<16xi1>
          %parallel_loop3A_2637 = tpu.all_reduce %parallel_loop3A_2630 {dim = 0 : i64, kind = #tpu.reduction_kind<sum>} : vector<16xi1> -> vector<16xi32>
          %parallel_loop3A_2638 = arith.addi %parallel_loop3A_2610, %parallel_loop3A_2637 : vector<16xi32>
          %parallel_loop3A_2639 = tpu.all_reduce %parallel_loop3A_2632 {dim = 0 : i64, kind = #tpu.reduction_kind<sum>} : vector<16xi1> -> vector<16xi32>
          %parallel_loop3A_2640 = arith.addi %parallel_loop3A_2611, %parallel_loop3A_2639 : vector<16xi32>
          scf.yield %parallel_loop3A_2638, %parallel_loop3A_2640 : vector<16xi32>, vector<16xi32>
        } {sc.loop_unroll_factor = 2 : i64, sc.parallel_access}
        %add3A_2591 = arith.constant 1 : i32
        %add3A_2592 = vector.broadcast %add3A_2591 : i32 to vector<16xi32>
        %add3A_2593 = arith.addi %parallel_loop3A_2590#0, %add3A_2592 : vector<16xi32>
        %reduce_max3A = arith.constant true
        %reduce_max3A_2594 = vector.broadcast %reduce_max3A : i1 to vector<16xi1>
        %reduce_max3A_2595 = arith.constant -2147483648 : i32
        %reduce_max3A_2596 = vector.broadcast %reduce_max3A_2595 : i32 to vector<16xi32>
        %reduce_max3A_2597 = arith.xori %parallel_loop3A_2590#1, %reduce_max3A_2596 : vector<16xi32>
        %reduce_max3A_2598 = tpu.scan <max>, %reduce_max3A_2597 masked %reduce_max3A_2594 : vector<16xi32>, vector<16xi1> -> vector<16xi32>
        %reduce_max3A_2599 = arith.xori %reduce_max3A_2598, %reduce_max3A_2596 : vector<16xi32>
        %reduce_max3A_2600 = vector.extract %reduce_max3A_2599[15] : i32 from vector<16xi32>
        %add3A_2601 = arith.constant 1 : i32
        %add3A_2602 = arith.addi %reduce_max3A_2600, %add3A_2601 : i32
        %xor3A_2603 = vector.broadcast %select_n3A_2438 : i32 to vector<16xi32>
        %xor3A_2604 = arith.xori %sub3A_2559, %xor3A_2603 : vector<16xi32>
        %shift_left3A_2605 = vector.broadcast %sub3A_2433 : i32 to vector<16xi32>
        %shift_left3A_2606 = arith.shli %xor3A_2604, %shift_left3A_2605 : vector<16xi32>
        %or3A_2607 = arith.ori %scan3A_2429, %shift_left3A_2606 : vector<16xi32>
        %sub3A_2608 = arith.subi %scan3A_2428, %sub3A_2581 : vector<16xi32>
        scf.yield %add3A_2593, %add3A_2602, %sub3A_2608, %or3A_2607 : vector<16xi32>, i32, vector<16xi32>, vector<16xi32>
      }
      %scan3A_1551 = arith.constant 4 : i32
      %add3A_1552 = arith.constant 0 : i32
      %add3A_1553 = vector.broadcast %add3A_1552 : i32 to vector<16xi32>
      %add3A_1554 = arith.addi %add3A_1553, %iota3A : vector<16xi32>
      %lt3A_1555 = arith.cmpi slt, %add3A_1554, %scan3A_1550#2 : vector<16xi32>
      %add3A_1556 = arith.constant 0 : i32
      %add3A_1557 = vector.broadcast %add3A_1556 : i32 to vector<16xi32>
      %add3A_1558 = arith.addi %scan3A_1550#0, %add3A_1557 : vector<16xi32>
      %add3A_1559 = arith.addi %add3A_1558, %iota3A : vector<16xi32>
      tpu.vector_store_idx %arg8[%add3A_1559], %scan3A_1550#3 masked %lt3A_1555 : memref<128xi32, #tpu.memory_space<vmem>>[vector<16xi32>], vector<16xi32>, vector<16xi1>
      %add3A_1560 = arith.constant 16 : i32
      %add3A_1561 = vector.broadcast %add3A_1560 : i32 to vector<16xi32>
      %add3A_1562 = arith.addi %add3A_1561, %iota3A : vector<16xi32>
      %lt3A_1563 = arith.cmpi slt, %add3A_1562, %scan3A_1550#2 : vector<16xi32>
      %add3A_1564 = arith.constant 16 : i32
      %add3A_1565 = vector.broadcast %add3A_1564 : i32 to vector<16xi32>
      %add3A_1566 = arith.addi %scan3A_1550#0, %add3A_1565 : vector<16xi32>
      %add3A_1567 = arith.addi %add3A_1566, %iota3A : vector<16xi32>
      tpu.vector_store_idx %arg8[%add3A_1567], %scan3A_1550#3 masked %lt3A_1563 : memref<128xi32, #tpu.memory_space<vmem>>[vector<16xi32>], vector<16xi32>, vector<16xi1>
      %add3A_1568 = arith.constant 32 : i32
      %add3A_1569 = vector.broadcast %add3A_1568 : i32 to vector<16xi32>
      %add3A_1570 = arith.addi %add3A_1569, %iota3A : vector<16xi32>
      %lt3A_1571 = arith.cmpi slt, %add3A_1570, %scan3A_1550#2 : vector<16xi32>
      %add3A_1572 = arith.constant 32 : i32
      %add3A_1573 = vector.broadcast %add3A_1572 : i32 to vector<16xi32>
      %add3A_1574 = arith.addi %scan3A_1550#0, %add3A_1573 : vector<16xi32>
      %add3A_1575 = arith.addi %add3A_1574, %iota3A : vector<16xi32>
      tpu.vector_store_idx %arg8[%add3A_1575], %scan3A_1550#3 masked %lt3A_1571 : memref<128xi32, #tpu.memory_space<vmem>>[vector<16xi32>], vector<16xi32>, vector<16xi1>
      %add3A_1576 = arith.constant 48 : i32
      %add3A_1577 = vector.broadcast %add3A_1576 : i32 to vector<16xi32>
      %add3A_1578 = arith.addi %add3A_1577, %iota3A : vector<16xi32>
      %lt3A_1579 = arith.cmpi slt, %add3A_1578, %scan3A_1550#2 : vector<16xi32>
      %add3A_1580 = arith.constant 48 : i32
      %add3A_1581 = vector.broadcast %add3A_1580 : i32 to vector<16xi32>
      %add3A_1582 = arith.addi %scan3A_1550#0, %add3A_1581 : vector<16xi32>
      %add3A_1583 = arith.addi %add3A_1582, %iota3A : vector<16xi32>
      tpu.vector_store_idx %arg8[%add3A_1583], %scan3A_1550#3 masked %lt3A_1579 : memref<128xi32, #tpu.memory_space<vmem>>[vector<16xi32>], vector<16xi32>, vector<16xi1>
      %get3A_1584 = arith.constant 0 : index
      %get3A_1585 = tpu.vector_load %arg8[%get3A_1584] {strides = array<i32>} : memref<128xi32, #tpu.memory_space<vmem>>, vector<16xi32>,
      %get3A_1586 = arith.constant 16 : index
      %get3A_1587 = tpu.vector_load %arg8[%get3A_1586] {strides = array<i32>} : memref<128xi32, #tpu.memory_space<vmem>>, vector<16xi32>,
      %get3A_1588 = arith.constant 32 : index
      %get3A_1589 = tpu.vector_load %arg8[%get3A_1588] {strides = array<i32>} : memref<128xi32, #tpu.memory_space<vmem>>, vector<16xi32>,
      %get3A_1590 = arith.constant 48 : index
      %get3A_1591 = tpu.vector_load %arg8[%get3A_1590] {strides = array<i32>} : memref<128xi32, #tpu.memory_space<vmem>>, vector<16xi32>,
      %sort3A_1592 = arith.constant dense<true> : vector<16xi1>
      %sort3A_1593, %sort3A_1594, %sort3A_1595 = tpu.sort %get3A_1585, %get3A_1585 masked %sort3A_1592 : (vector<16xi32>, vector<16xi32>, vector<16xi1>) -> (vector<16xi1>, vector<16xi32>, vector<16xi32>)
      %sort3A_1596 = arith.constant dense<true> : vector<16xi1>
      %sort3A_1597, %sort3A_1598, %sort3A_1599 = tpu.sort %get3A_1587, %get3A_1587 masked %sort3A_1596 : (vector<16xi32>, vector<16xi32>, vector<16xi1>) -> (vector<16xi1>, vector<16xi32>, vector<16xi32>)
      %sort3A_1600 = arith.constant dense<true> : vector<16xi1>
      %sort3A_1601, %sort3A_1602, %sort3A_1603 = tpu.sort %get3A_1589, %get3A_1589 masked %sort3A_1600 : (vector<16xi32>, vector<16xi32>, vector<16xi1>) -> (vector<16xi1>, vector<16xi32>, vector<16xi32>)
      %sort3A_1604 = arith.constant dense<true> : vector<16xi1>
      %sort3A_1605, %sort3A_1606, %sort3A_1607 = tpu.sort %get3A_1591, %get3A_1591 masked %sort3A_1604 : (vector<16xi32>, vector<16xi32>, vector<16xi1>) -> (vector<16xi1>, vector<16xi32>, vector<16xi32>)
      %rev3A_1608 = arith.constant 15 : i32
      %rev3A_1609 = vector.broadcast %rev3A_1608 : i32 to vector<16xi32>
      %rev3A_1610 = tpu.iota {dimensions = array<i32: 0>} : vector<16xi32>
      %rev3A_1611 = arith.subi %rev3A_1609, %rev3A_1610 : vector<16xi32>
      %rev3A_1612 = tpu.dynamic_gather %sort3A_1598[%rev3A_1611] in [0] : vector<16xi32>, vector<16xi32> -> vector<16xi32>
      %min3A_1613 = arith.minsi %sort3A_1594, %rev3A_1612 : vector<16xi32>
      %max3A_1614 = arith.maxsi %sort3A_1594, %rev3A_1612 : vector<16xi32>
      %xor3A_1615 = arith.constant 8 : i32
      %xor3A_1616 = vector.broadcast %xor3A_1615 : i32 to vector<16xi32>
      %xor3A_1617 = arith.xori %iota3A, %xor3A_1616 : vector<16xi32>
      %lt3A_1618 = arith.constant 0 : i32
      %lt3A_1619 = vector.broadcast %lt3A_1618 : i32 to vector<16xi32>
      %lt3A_1620 = arith.cmpi slt, %xor3A_1617, %lt3A_1619 : vector<16xi32>
      %add3A_1621 = arith.constant 16 : i32
      %add3A_1622 = vector.broadcast %add3A_1621 : i32 to vector<16xi32>
      %add3A_1623 = arith.addi %xor3A_1617, %add3A_1622 : vector<16xi32>
      %select_n3A_1624 = arith.select %lt3A_1620, %add3A_1623, %xor3A_1617 : vector<16xi1>, vector<16xi32>
      %broadcast_in_dim3A_1625 = vector.shape_cast %select_n3A_1624 : vector<16xi32> to vector<16x1xi32>
      %gather3A_1626 = vector.shape_cast %broadcast_in_dim3A_1625 : vector<16x1xi32> to vector<16xi32>
      %gather3A_1627 = tpu.dynamic_gather %min3A_1613[%gather3A_1626] in [0] : vector<16xi32>, vector<16xi32> -> vector<16xi32>
      %and3A_1628 = arith.constant 8 : i32
      %and3A_1629 = vector.broadcast %and3A_1628 : i32 to vector<16xi32>
      %and3A_1630 = arith.andi %iota3A, %and3A_1629 : vector<16xi32>
      %eq3A_1631 = arith.constant 0 : i32
      %eq3A_1632 = vector.broadcast %eq3A_1631 : i32 to vector<16xi32>
      %eq3A_1633 = arith.cmpi eq, %and3A_1630, %eq3A_1632 : vector<16xi32>
      %min3A_1634 = arith.minsi %min3A_1613, %gather3A_1627 : vector<16xi32>
      %max3A_1635 = arith.maxsi %min3A_1613, %gather3A_1627 : vector<16xi32>
      %select_n3A_1636 = arith.select %eq3A_1633, %min3A_1634, %max3A_1635 : vector<16xi1>, vector<16xi32>
      %xor3A_1637 = arith.constant 4 : i32
      %xor3A_1638 = vector.broadcast %xor3A_1637 : i32 to vector<16xi32>
      %xor3A_1639 = arith.xori %iota3A, %xor3A_1638 : vector<16xi32>
      %lt3A_1640 = arith.constant 0 : i32
      %lt3A_1641 = vector.broadcast %lt3A_1640 : i32 to vector<16xi32>
      %lt3A_1642 = arith.cmpi slt, %xor3A_1639, %lt3A_1641 : vector<16xi32>
      %add3A_1643 = arith.constant 16 : i32
      %add3A_1644 = vector.broadcast %add3A_1643 : i32 to vector<16xi32>
      %add3A_1645 = arith.addi %xor3A_1639, %add3A_1644 : vector<16xi32>
      %select_n3A_1646 = arith.select %lt3A_1642, %add3A_1645, %xor3A_1639 : vector<16xi1>, vector<16xi32>
      %broadcast_in_dim3A_1647 = vector.shape_cast %select_n3A_1646 : vector<16xi32> to vector<16x1xi32>
      %gather3A_1648 = vector.shape_cast %broadcast_in_dim3A_1647 : vector<16x1xi32> to vector<16xi32>
      %gather3A_1649 = tpu.dynamic_gather %select_n3A_1636[%gather3A_1648] in [0] : vector<16xi32>, vector<16xi32> -> vector<16xi32>
      %and3A_1650 = arith.constant 4 : i32
      %and3A_1651 = vector.broadcast %and3A_1650 : i32 to vector<16xi32>
      %and3A_1652 = arith.andi %iota3A, %and3A_1651 : vector<16xi32>
      %eq3A_1653 = arith.constant 0 : i32
      %eq3A_1654 = vector.broadcast %eq3A_1653 : i32 to vector<16xi32>
      %eq3A_1655 = arith.cmpi eq, %and3A_1652, %eq3A_1654 : vector<16xi32>
      %min3A_1656 = arith.minsi %select_n3A_1636, %gather3A_1649 : vector<16xi32>
      %max3A_1657 = arith.maxsi %select_n3A_1636, %gather3A_1649 : vector<16xi32>
      %select_n3A_1658 = arith.select %eq3A_1655, %min3A_1656, %max3A_1657 : vector<16xi1>, vector<16xi32>
      %xor3A_1659 = arith.constant 2 : i32
      %xor3A_1660 = vector.broadcast %xor3A_1659 : i32 to vector<16xi32>
      %xor3A_1661 = arith.xori %iota3A, %xor3A_1660 : vector<16xi32>
      %lt3A_1662 = arith.constant 0 : i32
      %lt3A_1663 = vector.broadcast %lt3A_1662 : i32 to vector<16xi32>
      %lt3A_1664 = arith.cmpi slt, %xor3A_1661, %lt3A_1663 : vector<16xi32>
      %add3A_1665 = arith.constant 16 : i32
      %add3A_1666 = vector.broadcast %add3A_1665 : i32 to vector<16xi32>
      %add3A_1667 = arith.addi %xor3A_1661, %add3A_1666 : vector<16xi32>
      %select_n3A_1668 = arith.select %lt3A_1664, %add3A_1667, %xor3A_1661 : vector<16xi1>, vector<16xi32>
      %broadcast_in_dim3A_1669 = vector.shape_cast %select_n3A_1668 : vector<16xi32> to vector<16x1xi32>
      %gather3A_1670 = vector.shape_cast %broadcast_in_dim3A_1669 : vector<16x1xi32> to vector<16xi32>
      %gather3A_1671 = tpu.dynamic_gather %select_n3A_1658[%gather3A_1670] in [0] : vector<16xi32>, vector<16xi32> -> vector<16xi32>
      %and3A_1672 = arith.constant 2 : i32
      %and3A_1673 = vector.broadcast %and3A_1672 : i32 to vector<16xi32>
      %and3A_1674 = arith.andi %iota3A, %and3A_1673 : vector<16xi32>
      %eq3A_1675 = arith.constant 0 : i32
      %eq3A_1676 = vector.broadcast %eq3A_1675 : i32 to vector<16xi32>
      %eq3A_1677 = arith.cmpi eq, %and3A_1674, %eq3A_1676 : vector<16xi32>
      %min3A_1678 = arith.minsi %select_n3A_1658, %gather3A_1671 : vector<16xi32>
      %max3A_1679 = arith.maxsi %select_n3A_1658, %gather3A_1671 : vector<16xi32>
      %select_n3A_1680 = arith.select %eq3A_1677, %min3A_1678, %max3A_1679 : vector<16xi1>, vector<16xi32>
      %xor3A_1681 = arith.constant 1 : i32
      %xor3A_1682 = vector.broadcast %xor3A_1681 : i32 to vector<16xi32>
      %xor3A_1683 = arith.xori %iota3A, %xor3A_1682 : vector<16xi32>
      %lt3A_1684 = arith.constant 0 : i32
      %lt3A_1685 = vector.broadcast %lt3A_1684 : i32 to vector<16xi32>
      %lt3A_1686 = arith.cmpi slt, %xor3A_1683, %lt3A_1685 : vector<16xi32>
      %add3A_1687 = arith.constant 16 : i32
      %add3A_1688 = vector.broadcast %add3A_1687 : i32 to vector<16xi32>
      %add3A_1689 = arith.addi %xor3A_1683, %add3A_1688 : vector<16xi32>
      %select_n3A_1690 = arith.select %lt3A_1686, %add3A_1689, %xor3A_1683 : vector<16xi1>, vector<16xi32>
      %broadcast_in_dim3A_1691 = vector.shape_cast %select_n3A_1690 : vector<16xi32> to vector<16x1xi32>
      %gather3A_1692 = vector.shape_cast %broadcast_in_dim3A_1691 : vector<16x1xi32> to vector<16xi32>
      %gather3A_1693 = tpu.dynamic_gather %select_n3A_1680[%gather3A_1692] in [0] : vector<16xi32>, vector<16xi32> -> vector<16xi32>
      %and3A_1694 = arith.constant 1 : i32
      %and3A_1695 = vector.broadcast %and3A_1694 : i32 to vector<16xi32>
      %and3A_1696 = arith.andi %iota3A, %and3A_1695 : vector<16xi32>
      %eq3A_1697 = arith.constant 0 : i32
      %eq3A_1698 = vector.broadcast %eq3A_1697 : i32 to vector<16xi32>
      %eq3A_1699 = arith.cmpi eq, %and3A_1696, %eq3A_1698 : vector<16xi32>
      %min3A_1700 = arith.minsi %select_n3A_1680, %gather3A_1693 : vector<16xi32>
      %max3A_1701 = arith.maxsi %select_n3A_1680, %gather3A_1693 : vector<16xi32>
      %select_n3A_1702 = arith.select %eq3A_1699, %min3A_1700, %max3A_1701 : vector<16xi1>, vector<16xi32>
      %xor3A_1703 = arith.constant 8 : i32
      %xor3A_1704 = vector.broadcast %xor3A_1703 : i32 to vector<16xi32>
      %xor3A_1705 = arith.xori %iota3A, %xor3A_1704 : vector<16xi32>
      %lt3A_1706 = arith.constant 0 : i32
      %lt3A_1707 = vector.broadcast %lt3A_1706 : i32 to vector<16xi32>
      %lt3A_1708 = arith.cmpi slt, %xor3A_1705, %lt3A_1707 : vector<16xi32>
      %add3A_1709 = arith.constant 16 : i32
      %add3A_1710 = vector.broadcast %add3A_1709 : i32 to vector<16xi32>
      %add3A_1711 = arith.addi %xor3A_1705, %add3A_1710 : vector<16xi32>
      %select_n3A_1712 = arith.select %lt3A_1708, %add3A_1711, %xor3A_1705 : vector<16xi1>, vector<16xi32>
      %broadcast_in_dim3A_1713 = vector.shape_cast %select_n3A_1712 : vector<16xi32> to vector<16x1xi32>
      %gather3A_1714 = vector.shape_cast %broadcast_in_dim3A_1713 : vector<16x1xi32> to vector<16xi32>
      %gather3A_1715 = tpu.dynamic_gather %max3A_1614[%gather3A_1714] in [0] : vector<16xi32>, vector<16xi32> -> vector<16xi32>
      %and3A_1716 = arith.constant 8 : i32
      %and3A_1717 = vector.broadcast %and3A_1716 : i32 to vector<16xi32>
      %and3A_1718 = arith.andi %iota3A, %and3A_1717 : vector<16xi32>
      %eq3A_1719 = arith.constant 0 : i32
      %eq3A_1720 = vector.broadcast %eq3A_1719 : i32 to vector<16xi32>
      %eq3A_1721 = arith.cmpi eq, %and3A_1718, %eq3A_1720 : vector<16xi32>
      %min3A_1722 = arith.minsi %max3A_1614, %gather3A_1715 : vector<16xi32>
      %max3A_1723 = arith.maxsi %max3A_1614, %gather3A_1715 : vector<16xi32>
      %select_n3A_1724 = arith.select %eq3A_1721, %min3A_1722, %max3A_1723 : vector<16xi1>, vector<16xi32>
      %xor3A_1725 = arith.constant 4 : i32
      %xor3A_1726 = vector.broadcast %xor3A_1725 : i32 to vector<16xi32>
      %xor3A_1727 = arith.xori %iota3A, %xor3A_1726 : vector<16xi32>
      %lt3A_1728 = arith.constant 0 : i32
      %lt3A_1729 = vector.broadcast %lt3A_1728 : i32 to vector<16xi32>
      %lt3A_1730 = arith.cmpi slt, %xor3A_1727, %lt3A_1729 : vector<16xi32>
      %add3A_1731 = arith.constant 16 : i32
      %add3A_1732 = vector.broadcast %add3A_1731 : i32 to vector<16xi32>
      %add3A_1733 = arith.addi %xor3A_1727, %add3A_1732 : vector<16xi32>
      %select_n3A_1734 = arith.select %lt3A_1730, %add3A_1733, %xor3A_1727 : vector<16xi1>, vector<16xi32>
      %broadcast_in_dim3A_1735 = vector.shape_cast %select_n3A_1734 : vector<16xi32> to vector<16x1xi32>
      %gather3A_1736 = vector.shape_cast %broadcast_in_dim3A_1735 : vector<16x1xi32> to vector<16xi32>
      %gather3A_1737 = tpu.dynamic_gather %select_n3A_1724[%gather3A_1736] in [0] : vector<16xi32>, vector<16xi32> -> vector<16xi32>
      %and3A_1738 = arith.constant 4 : i32
      %and3A_1739 = vector.broadcast %and3A_1738 : i32 to vector<16xi32>
      %and3A_1740 = arith.andi %iota3A, %and3A_1739 : vector<16xi32>
      %eq3A_1741 = arith.constant 0 : i32
      %eq3A_1742 = vector.broadcast %eq3A_1741 : i32 to vector<16xi32>
      %eq3A_1743 = arith.cmpi eq, %and3A_1740, %eq3A_1742 : vector<16xi32>
      %min3A_1744 = arith.minsi %select_n3A_1724, %gather3A_1737 : vector<16xi32>
      %max3A_1745 = arith.maxsi %select_n3A_1724, %gather3A_1737 : vector<16xi32>
      %select_n3A_1746 = arith.select %eq3A_1743, %min3A_1744, %max3A_1745 : vector<16xi1>, vector<16xi32>
      %xor3A_1747 = arith.constant 2 : i32
      %xor3A_1748 = vector.broadcast %xor3A_1747 : i32 to vector<16xi32>
      %xor3A_1749 = arith.xori %iota3A, %xor3A_1748 : vector<16xi32>
      %lt3A_1750 = arith.constant 0 : i32
      %lt3A_1751 = vector.broadcast %lt3A_1750 : i32 to vector<16xi32>
      %lt3A_1752 = arith.cmpi slt, %xor3A_1749, %lt3A_1751 : vector<16xi32>
      %add3A_1753 = arith.constant 16 : i32
      %add3A_1754 = vector.broadcast %add3A_1753 : i32 to vector<16xi32>
      %add3A_1755 = arith.addi %xor3A_1749, %add3A_1754 : vector<16xi32>
      %select_n3A_1756 = arith.select %lt3A_1752, %add3A_1755, %xor3A_1749 : vector<16xi1>, vector<16xi32>
      %broadcast_in_dim3A_1757 = vector.shape_cast %select_n3A_1756 : vector<16xi32> to vector<16x1xi32>
      %gather3A_1758 = vector.shape_cast %broadcast_in_dim3A_1757 : vector<16x1xi32> to vector<16xi32>
      %gather3A_1759 = tpu.dynamic_gather %select_n3A_1746[%gather3A_1758] in [0] : vector<16xi32>, vector<16xi32> -> vector<16xi32>
      %and3A_1760 = arith.constant 2 : i32
      %and3A_1761 = vector.broadcast %and3A_1760 : i32 to vector<16xi32>
      %and3A_1762 = arith.andi %iota3A, %and3A_1761 : vector<16xi32>
      %eq3A_1763 = arith.constant 0 : i32
      %eq3A_1764 = vector.broadcast %eq3A_1763 : i32 to vector<16xi32>
      %eq3A_1765 = arith.cmpi eq, %and3A_1762, %eq3A_1764 : vector<16xi32>
      %min3A_1766 = arith.minsi %select_n3A_1746, %gather3A_1759 : vector<16xi32>
      %max3A_1767 = arith.maxsi %select_n3A_1746, %gather3A_1759 : vector<16xi32>
      %select_n3A_1768 = arith.select %eq3A_1765, %min3A_1766, %max3A_1767 : vector<16xi1>, vector<16xi32>
      %xor3A_1769 = arith.constant 1 : i32
      %xor3A_1770 = vector.broadcast %xor3A_1769 : i32 to vector<16xi32>
      %xor3A_1771 = arith.xori %iota3A, %xor3A_1770 : vector<16xi32>
      %lt3A_1772 = arith.constant 0 : i32
      %lt3A_1773 = vector.broadcast %lt3A_1772 : i32 to vector<16xi32>
      %lt3A_1774 = arith.cmpi slt, %xor3A_1771, %lt3A_1773 : vector<16xi32>
      %add3A_1775 = arith.constant 16 : i32
      %add3A_1776 = vector.broadcast %add3A_1775 : i32 to vector<16xi32>
      %add3A_1777 = arith.addi %xor3A_1771, %add3A_1776 : vector<16xi32>
      %select_n3A_1778 = arith.select %lt3A_1774, %add3A_1777, %xor3A_1771 : vector<16xi1>, vector<16xi32>
      %broadcast_in_dim3A_1779 = vector.shape_cast %select_n3A_1778 : vector<16xi32> to vector<16x1xi32>
      %gather3A_1780 = vector.shape_cast %broadcast_in_dim3A_1779 : vector<16x1xi32> to vector<16xi32>
      %gather3A_1781 = tpu.dynamic_gather %select_n3A_1768[%gather3A_1780] in [0] : vector<16xi32>, vector<16xi32> -> vector<16xi32>
      %and3A_1782 = arith.constant 1 : i32
      %and3A_1783 = vector.broadcast %and3A_1782 : i32 to vector<16xi32>
      %and3A_1784 = arith.andi %iota3A, %and3A_1783 : vector<16xi32>
      %eq3A_1785 = arith.constant 0 : i32
      %eq3A_1786 = vector.broadcast %eq3A_1785 : i32 to vector<16xi32>
      %eq3A_1787 = arith.cmpi eq, %and3A_1784, %eq3A_1786 : vector<16xi32>
      %min3A_1788 = arith.minsi %select_n3A_1768, %gather3A_1781 : vector<16xi32>
      %max3A_1789 = arith.maxsi %select_n3A_1768, %gather3A_1781 : vector<16xi32>
      %select_n3A_1790 = arith.select %eq3A_1787, %min3A_1788, %max3A_1789 : vector<16xi1>, vector<16xi32>
      %rev3A_1791 = arith.constant 15 : i32
      %rev3A_1792 = vector.broadcast %rev3A_1791 : i32 to vector<16xi32>
      %rev3A_1793 = tpu.iota {dimensions = array<i32: 0>} : vector<16xi32>
      %rev3A_1794 = arith.subi %rev3A_1792, %rev3A_1793 : vector<16xi32>
      %rev3A_1795 = tpu.dynamic_gather %sort3A_1606[%rev3A_1794] in [0] : vector<16xi32>, vector<16xi32> -> vector<16xi32>
      %min3A_1796 = arith.minsi %sort3A_1602, %rev3A_1795 : vector<16xi32>
      %max3A_1797 = arith.maxsi %sort3A_1602, %rev3A_1795 : vector<16xi32>
      %xor3A_1798 = arith.constant 8 : i32
      %xor3A_1799 = vector.broadcast %xor3A_1798 : i32 to vector<16xi32>
      %xor3A_1800 = arith.xori %iota3A, %xor3A_1799 : vector<16xi32>
      %lt3A_1801 = arith.constant 0 : i32
      %lt3A_1802 = vector.broadcast %lt3A_1801 : i32 to vector<16xi32>
      %lt3A_1803 = arith.cmpi slt, %xor3A_1800, %lt3A_1802 : vector<16xi32>
      %add3A_1804 = arith.constant 16 : i32
      %add3A_1805 = vector.broadcast %add3A_1804 : i32 to vector<16xi32>
      %add3A_1806 = arith.addi %xor3A_1800, %add3A_1805 : vector<16xi32>
      %select_n3A_1807 = arith.select %lt3A_1803, %add3A_1806, %xor3A_1800 : vector<16xi1>, vector<16xi32>
      %broadcast_in_dim3A_1808 = vector.shape_cast %select_n3A_1807 : vector<16xi32> to vector<16x1xi32>
      %gather3A_1809 = vector.shape_cast %broadcast_in_dim3A_1808 : vector<16x1xi32> to vector<16xi32>
      %gather3A_1810 = tpu.dynamic_gather %min3A_1796[%gather3A_1809] in [0] : vector<16xi32>, vector<16xi32> -> vector<16xi32>
      %and3A_1811 = arith.constant 8 : i32
      %and3A_1812 = vector.broadcast %and3A_1811 : i32 to vector<16xi32>
      %and3A_1813 = arith.andi %iota3A, %and3A_1812 : vector<16xi32>
      %eq3A_1814 = arith.constant 0 : i32
      %eq3A_1815 = vector.broadcast %eq3A_1814 : i32 to vector<16xi32>
      %eq3A_1816 = arith.cmpi eq, %and3A_1813, %eq3A_1815 : vector<16xi32>
      %min3A_1817 = arith.minsi %min3A_1796, %gather3A_1810 : vector<16xi32>
      %max3A_1818 = arith.maxsi %min3A_1796, %gather3A_1810 : vector<16xi32>
      %select_n3A_1819 = arith.select %eq3A_1816, %min3A_1817, %max3A_1818 : vector<16xi1>, vector<16xi32>
      %xor3A_1820 = arith.constant 4 : i32
      %xor3A_1821 = vector.broadcast %xor3A_1820 : i32 to vector<16xi32>
      %xor3A_1822 = arith.xori %iota3A, %xor3A_1821 : vector<16xi32>
      %lt3A_1823 = arith.constant 0 : i32
      %lt3A_1824 = vector.broadcast %lt3A_1823 : i32 to vector<16xi32>
      %lt3A_1825 = arith.cmpi slt, %xor3A_1822, %lt3A_1824 : vector<16xi32>
      %add3A_1826 = arith.constant 16 : i32
      %add3A_1827 = vector.broadcast %add3A_1826 : i32 to vector<16xi32>
      %add3A_1828 = arith.addi %xor3A_1822, %add3A_1827 : vector<16xi32>
      %select_n3A_1829 = arith.select %lt3A_1825, %add3A_1828, %xor3A_1822 : vector<16xi1>, vector<16xi32>
      %broadcast_in_dim3A_1830 = vector.shape_cast %select_n3A_1829 : vector<16xi32> to vector<16x1xi32>
      %gather3A_1831 = vector.shape_cast %broadcast_in_dim3A_1830 : vector<16x1xi32> to vector<16xi32>
      %gather3A_1832 = tpu.dynamic_gather %select_n3A_1819[%gather3A_1831] in [0] : vector<16xi32>, vector<16xi32> -> vector<16xi32>
      %and3A_1833 = arith.constant 4 : i32
      %and3A_1834 = vector.broadcast %and3A_1833 : i32 to vector<16xi32>
      %and3A_1835 = arith.andi %iota3A, %and3A_1834 : vector<16xi32>
      %eq3A_1836 = arith.constant 0 : i32
      %eq3A_1837 = vector.broadcast %eq3A_1836 : i32 to vector<16xi32>
      %eq3A_1838 = arith.cmpi eq, %and3A_1835, %eq3A_1837 : vector<16xi32>
      %min3A_1839 = arith.minsi %select_n3A_1819, %gather3A_1832 : vector<16xi32>
      %max3A_1840 = arith.maxsi %select_n3A_1819, %gather3A_1832 : vector<16xi32>
      %select_n3A_1841 = arith.select %eq3A_1838, %min3A_1839, %max3A_1840 : vector<16xi1>, vector<16xi32>
      %xor3A_1842 = arith.constant 2 : i32
      %xor3A_1843 = vector.broadcast %xor3A_1842 : i32 to vector<16xi32>
      %xor3A_1844 = arith.xori %iota3A, %xor3A_1843 : vector<16xi32>
      %lt3A_1845 = arith.constant 0 : i32
      %lt3A_1846 = vector.broadcast %lt3A_1845 : i32 to vector<16xi32>
      %lt3A_1847 = arith.cmpi slt, %xor3A_1844, %lt3A_1846 : vector<16xi32>
      %add3A_1848 = arith.constant 16 : i32
      %add3A_1849 = vector.broadcast %add3A_1848 : i32 to vector<16xi32>
      %add3A_1850 = arith.addi %xor3A_1844, %add3A_1849 : vector<16xi32>
      %select_n3A_1851 = arith.select %lt3A_1847, %add3A_1850, %xor3A_1844 : vector<16xi1>, vector<16xi32>
      %broadcast_in_dim3A_1852 = vector.shape_cast %select_n3A_1851 : vector<16xi32> to vector<16x1xi32>
      %gather3A_1853 = vector.shape_cast %broadcast_in_dim3A_1852 : vector<16x1xi32> to vector<16xi32>
      %gather3A_1854 = tpu.dynamic_gather %select_n3A_1841[%gather3A_1853] in [0] : vector<16xi32>, vector<16xi32> -> vector<16xi32>
      %and3A_1855 = arith.constant 2 : i32
      %and3A_1856 = vector.broadcast %and3A_1855 : i32 to vector<16xi32>
      %and3A_1857 = arith.andi %iota3A, %and3A_1856 : vector<16xi32>
      %eq3A_1858 = arith.constant 0 : i32
      %eq3A_1859 = vector.broadcast %eq3A_1858 : i32 to vector<16xi32>
      %eq3A_1860 = arith.cmpi eq, %and3A_1857, %eq3A_1859 : vector<16xi32>
      %min3A_1861 = arith.minsi %select_n3A_1841, %gather3A_1854 : vector<16xi32>
      %max3A_1862 = arith.maxsi %select_n3A_1841, %gather3A_1854 : vector<16xi32>
      %select_n3A_1863 = arith.select %eq3A_1860, %min3A_1861, %max3A_1862 : vector<16xi1>, vector<16xi32>
      %xor3A_1864 = arith.constant 1 : i32
      %xor3A_1865 = vector.broadcast %xor3A_1864 : i32 to vector<16xi32>
      %xor3A_1866 = arith.xori %iota3A, %xor3A_1865 : vector<16xi32>
      %lt3A_1867 = arith.constant 0 : i32
      %lt3A_1868 = vector.broadcast %lt3A_1867 : i32 to vector<16xi32>
      %lt3A_1869 = arith.cmpi slt, %xor3A_1866, %lt3A_1868 : vector<16xi32>
      %add3A_1870 = arith.constant 16 : i32
      %add3A_1871 = vector.broadcast %add3A_1870 : i32 to vector<16xi32>
      %add3A_1872 = arith.addi %xor3A_1866, %add3A_1871 : vector<16xi32>
      %select_n3A_1873 = arith.select %lt3A_1869, %add3A_1872, %xor3A_1866 : vector<16xi1>, vector<16xi32>
      %broadcast_in_dim3A_1874 = vector.shape_cast %select_n3A_1873 : vector<16xi32> to vector<16x1xi32>
      %gather3A_1875 = vector.shape_cast %broadcast_in_dim3A_1874 : vector<16x1xi32> to vector<16xi32>
      %gather3A_1876 = tpu.dynamic_gather %select_n3A_1863[%gather3A_1875] in [0] : vector<16xi32>, vector<16xi32> -> vector<16xi32>
      %and3A_1877 = arith.constant 1 : i32
      %and3A_1878 = vector.broadcast %and3A_1877 : i32 to vector<16xi32>
      %and3A_1879 = arith.andi %iota3A, %and3A_1878 : vector<16xi32>
      %eq3A_1880 = arith.constant 0 : i32
      %eq3A_1881 = vector.broadcast %eq3A_1880 : i32 to vector<16xi32>
      %eq3A_1882 = arith.cmpi eq, %and3A_1879, %eq3A_1881 : vector<16xi32>
      %min3A_1883 = arith.minsi %select_n3A_1863, %gather3A_1876 : vector<16xi32>
      %max3A_1884 = arith.maxsi %select_n3A_1863, %gather3A_1876 : vector<16xi32>
      %select_n3A_1885 = arith.select %eq3A_1882, %min3A_1883, %max3A_1884 : vector<16xi1>, vector<16xi32>
      %xor3A_1886 = arith.constant 8 : i32
      %xor3A_1887 = vector.broadcast %xor3A_1886 : i32 to vector<16xi32>
      %xor3A_1888 = arith.xori %iota3A, %xor3A_1887 : vector<16xi32>
      %lt3A_1889 = arith.constant 0 : i32
      %lt3A_1890 = vector.broadcast %lt3A_1889 : i32 to vector<16xi32>
      %lt3A_1891 = arith.cmpi slt, %xor3A_1888, %lt3A_1890 : vector<16xi32>
      %add3A_1892 = arith.constant 16 : i32
      %add3A_1893 = vector.broadcast %add3A_1892 : i32 to vector<16xi32>
      %add3A_1894 = arith.addi %xor3A_1888, %add3A_1893 : vector<16xi32>
      %select_n3A_1895 = arith.select %lt3A_1891, %add3A_1894, %xor3A_1888 : vector<16xi1>, vector<16xi32>
      %broadcast_in_dim3A_1896 = vector.shape_cast %select_n3A_1895 : vector<16xi32> to vector<16x1xi32>
      %gather3A_1897 = vector.shape_cast %broadcast_in_dim3A_1896 : vector<16x1xi32> to vector<16xi32>
      %gather3A_1898 = tpu.dynamic_gather %max3A_1797[%gather3A_1897] in [0] : vector<16xi32>, vector<16xi32> -> vector<16xi32>
      %and3A_1899 = arith.constant 8 : i32
      %and3A_1900 = vector.broadcast %and3A_1899 : i32 to vector<16xi32>
      %and3A_1901 = arith.andi %iota3A, %and3A_1900 : vector<16xi32>
      %eq3A_1902 = arith.constant 0 : i32
      %eq3A_1903 = vector.broadcast %eq3A_1902 : i32 to vector<16xi32>
      %eq3A_1904 = arith.cmpi eq, %and3A_1901, %eq3A_1903 : vector<16xi32>
      %min3A_1905 = arith.minsi %max3A_1797, %gather3A_1898 : vector<16xi32>
      %max3A_1906 = arith.maxsi %max3A_1797, %gather3A_1898 : vector<16xi32>
      %select_n3A_1907 = arith.select %eq3A_1904, %min3A_1905, %max3A_1906 : vector<16xi1>, vector<16xi32>
      %xor3A_1908 = arith.constant 4 : i32
      %xor3A_1909 = vector.broadcast %xor3A_1908 : i32 to vector<16xi32>
      %xor3A_1910 = arith.xori %iota3A, %xor3A_1909 : vector<16xi32>
      %lt3A_1911 = arith.constant 0 : i32
      %lt3A_1912 = vector.broadcast %lt3A_1911 : i32 to vector<16xi32>
      %lt3A_1913 = arith.cmpi slt, %xor3A_1910, %lt3A_1912 : vector<16xi32>
      %add3A_1914 = arith.constant 16 : i32
      %add3A_1915 = vector.broadcast %add3A_1914 : i32 to vector<16xi32>
      %add3A_1916 = arith.addi %xor3A_1910, %add3A_1915 : vector<16xi32>
      %select_n3A_1917 = arith.select %lt3A_1913, %add3A_1916, %xor3A_1910 : vector<16xi1>, vector<16xi32>
      %broadcast_in_dim3A_1918 = vector.shape_cast %select_n3A_1917 : vector<16xi32> to vector<16x1xi32>
      %gather3A_1919 = vector.shape_cast %broadcast_in_dim3A_1918 : vector<16x1xi32> to vector<16xi32>
      %gather3A_1920 = tpu.dynamic_gather %select_n3A_1907[%gather3A_1919] in [0] : vector<16xi32>, vector<16xi32> -> vector<16xi32>
      %and3A_1921 = arith.constant 4 : i32
      %and3A_1922 = vector.broadcast %and3A_1921 : i32 to vector<16xi32>
      %and3A_1923 = arith.andi %iota3A, %and3A_1922 : vector<16xi32>
      %eq3A_1924 = arith.constant 0 : i32
      %eq3A_1925 = vector.broadcast %eq3A_1924 : i32 to vector<16xi32>
      %eq3A_1926 = arith.cmpi eq, %and3A_1923, %eq3A_1925 : vector<16xi32>
      %min3A_1927 = arith.minsi %select_n3A_1907, %gather3A_1920 : vector<16xi32>
      %max3A_1928 = arith.maxsi %select_n3A_1907, %gather3A_1920 : vector<16xi32>
      %select_n3A_1929 = arith.select %eq3A_1926, %min3A_1927, %max3A_1928 : vector<16xi1>, vector<16xi32>
      %xor3A_1930 = arith.constant 2 : i32
      %xor3A_1931 = vector.broadcast %xor3A_1930 : i32 to vector<16xi32>
      %xor3A_1932 = arith.xori %iota3A, %xor3A_1931 : vector<16xi32>
      %lt3A_1933 = arith.constant 0 : i32
      %lt3A_1934 = vector.broadcast %lt3A_1933 : i32 to vector<16xi32>
      %lt3A_1935 = arith.cmpi slt, %xor3A_1932, %lt3A_1934 : vector<16xi32>
      %add3A_1936 = arith.constant 16 : i32
      %add3A_1937 = vector.broadcast %add3A_1936 : i32 to vector<16xi32>
      %add3A_1938 = arith.addi %xor3A_1932, %add3A_1937 : vector<16xi32>
      %select_n3A_1939 = arith.select %lt3A_1935, %add3A_1938, %xor3A_1932 : vector<16xi1>, vector<16xi32>
      %broadcast_in_dim3A_1940 = vector.shape_cast %select_n3A_1939 : vector<16xi32> to vector<16x1xi32>
      %gather3A_1941 = vector.shape_cast %broadcast_in_dim3A_1940 : vector<16x1xi32> to vector<16xi32>
      %gather3A_1942 = tpu.dynamic_gather %select_n3A_1929[%gather3A_1941] in [0] : vector<16xi32>, vector<16xi32> -> vector<16xi32>
      %and3A_1943 = arith.constant 2 : i32
      %and3A_1944 = vector.broadcast %and3A_1943 : i32 to vector<16xi32>
      %and3A_1945 = arith.andi %iota3A, %and3A_1944 : vector<16xi32>
      %eq3A_1946 = arith.constant 0 : i32
      %eq3A_1947 = vector.broadcast %eq3A_1946 : i32 to vector<16xi32>
      %eq3A_1948 = arith.cmpi eq, %and3A_1945, %eq3A_1947 : vector<16xi32>
      %min3A_1949 = arith.minsi %select_n3A_1929, %gather3A_1942 : vector<16xi32>
      %max3A_1950 = arith.maxsi %select_n3A_1929, %gather3A_1942 : vector<16xi32>
      %select_n3A_1951 = arith.select %eq3A_1948, %min3A_1949, %max3A_1950 : vector<16xi1>, vector<16xi32>
      %xor3A_1952 = arith.constant 1 : i32
      %xor3A_1953 = vector.broadcast %xor3A_1952 : i32 to vector<16xi32>
      %xor3A_1954 = arith.xori %iota3A, %xor3A_1953 : vector<16xi32>
      %lt3A_1955 = arith.constant 0 : i32
      %lt3A_1956 = vector.broadcast %lt3A_1955 : i32 to vector<16xi32>
      %lt3A_1957 = arith.cmpi slt, %xor3A_1954, %lt3A_1956 : vector<16xi32>
      %add3A_1958 = arith.constant 16 : i32
      %add3A_1959 = vector.broadcast %add3A_1958 : i32 to vector<16xi32>
      %add3A_1960 = arith.addi %xor3A_1954, %add3A_1959 : vector<16xi32>
      %select_n3A_1961 = arith.select %lt3A_1957, %add3A_1960, %xor3A_1954 : vector<16xi1>, vector<16xi32>
      %broadcast_in_dim3A_1962 = vector.shape_cast %select_n3A_1961 : vector<16xi32> to vector<16x1xi32>
      %gather3A_1963 = vector.shape_cast %broadcast_in_dim3A_1962 : vector<16x1xi32> to vector<16xi32>
      %gather3A_1964 = tpu.dynamic_gather %select_n3A_1951[%gather3A_1963] in [0] : vector<16xi32>, vector<16xi32> -> vector<16xi32>
      %and3A_1965 = arith.constant 1 : i32
      %and3A_1966 = vector.broadcast %and3A_1965 : i32 to vector<16xi32>
      %and3A_1967 = arith.andi %iota3A, %and3A_1966 : vector<16xi32>
      %eq3A_1968 = arith.constant 0 : i32
      %eq3A_1969 = vector.broadcast %eq3A_1968 : i32 to vector<16xi32>
      %eq3A_1970 = arith.cmpi eq, %and3A_1967, %eq3A_1969 : vector<16xi32>
      %min3A_1971 = arith.minsi %select_n3A_1951, %gather3A_1964 : vector<16xi32>
      %max3A_1972 = arith.maxsi %select_n3A_1951, %gather3A_1964 : vector<16xi32>
      %select_n3A_1973 = arith.select %eq3A_1970, %min3A_1971, %max3A_1972 : vector<16xi1>, vector<16xi32>
      %rev3A_1974 = arith.constant 15 : i32
      %rev3A_1975 = vector.broadcast %rev3A_1974 : i32 to vector<16xi32>
      %rev3A_1976 = tpu.iota {dimensions = array<i32: 0>} : vector<16xi32>
      %rev3A_1977 = arith.subi %rev3A_1975, %rev3A_1976 : vector<16xi32>
      %rev3A_1978 = tpu.dynamic_gather %select_n3A_1973[%rev3A_1977] in [0] : vector<16xi32>, vector<16xi32> -> vector<16xi32>
      %rev3A_1979 = arith.constant 15 : i32
      %rev3A_1980 = vector.broadcast %rev3A_1979 : i32 to vector<16xi32>
      %rev3A_1981 = tpu.iota {dimensions = array<i32: 0>} : vector<16xi32>
      %rev3A_1982 = arith.subi %rev3A_1980, %rev3A_1981 : vector<16xi32>
      %rev3A_1983 = tpu.dynamic_gather %select_n3A_1885[%rev3A_1982] in [0] : vector<16xi32>, vector<16xi32> -> vector<16xi32>
      %min3A_1984 = arith.minsi %select_n3A_1702, %rev3A_1978 : vector<16xi32>
      %min3A_1985 = arith.minsi %select_n3A_1790, %rev3A_1983 : vector<16xi32>
      %max3A_1986 = arith.maxsi %select_n3A_1702, %rev3A_1978 : vector<16xi32>
      %max3A_1987 = arith.maxsi %select_n3A_1790, %rev3A_1983 : vector<16xi32>
      %min3A_1988 = arith.minsi %min3A_1984, %min3A_1985 : vector<16xi32>
      %xor3A_1989 = arith.constant 8 : i32
      %xor3A_1990 = vector.broadcast %xor3A_1989 : i32 to vector<16xi32>
      %xor3A_1991 = arith.xori %iota3A, %xor3A_1990 : vector<16xi32>
      %lt3A_1992 = arith.constant 0 : i32
      %lt3A_1993 = vector.broadcast %lt3A_1992 : i32 to vector<16xi32>
      %lt3A_1994 = arith.cmpi slt, %xor3A_1991, %lt3A_1993 : vector<16xi32>
      %add3A_1995 = arith.constant 16 : i32
      %add3A_1996 = vector.broadcast %add3A_1995 : i32 to vector<16xi32>
      %add3A_1997 = arith.addi %xor3A_1991, %add3A_1996 : vector<16xi32>
      %select_n3A_1998 = arith.select %lt3A_1994, %add3A_1997, %xor3A_1991 : vector<16xi1>, vector<16xi32>
      %broadcast_in_dim3A_1999 = vector.shape_cast %select_n3A_1998 : vector<16xi32> to vector<16x1xi32>
      %gather3A_2000 = vector.shape_cast %broadcast_in_dim3A_1999 : vector<16x1xi32> to vector<16xi32>
      %gather3A_2001 = tpu.dynamic_gather %min3A_1988[%gather3A_2000] in [0] : vector<16xi32>, vector<16xi32> -> vector<16xi32>
      %and3A_2002 = arith.constant 8 : i32
      %and3A_2003 = vector.broadcast %and3A_2002 : i32 to vector<16xi32>
      %and3A_2004 = arith.andi %iota3A, %and3A_2003 : vector<16xi32>
      %eq3A_2005 = arith.constant 0 : i32
      %eq3A_2006 = vector.broadcast %eq3A_2005 : i32 to vector<16xi32>
      %eq3A_2007 = arith.cmpi eq, %and3A_2004, %eq3A_2006 : vector<16xi32>
      %min3A_2008 = arith.minsi %min3A_1988, %gather3A_2001 : vector<16xi32>
      %max3A_2009 = arith.maxsi %min3A_1988, %gather3A_2001 : vector<16xi32>
      %select_n3A_2010 = arith.select %eq3A_2007, %min3A_2008, %max3A_2009 : vector<16xi1>, vector<16xi32>
      %xor3A_2011 = arith.constant 4 : i32
      %xor3A_2012 = vector.broadcast %xor3A_2011 : i32 to vector<16xi32>
      %xor3A_2013 = arith.xori %iota3A, %xor3A_2012 : vector<16xi32>
      %lt3A_2014 = arith.constant 0 : i32
      %lt3A_2015 = vector.broadcast %lt3A_2014 : i32 to vector<16xi32>
      %lt3A_2016 = arith.cmpi slt, %xor3A_2013, %lt3A_2015 : vector<16xi32>
      %add3A_2017 = arith.constant 16 : i32
      %add3A_2018 = vector.broadcast %add3A_2017 : i32 to vector<16xi32>
      %add3A_2019 = arith.addi %xor3A_2013, %add3A_2018 : vector<16xi32>
      %select_n3A_2020 = arith.select %lt3A_2016, %add3A_2019, %xor3A_2013 : vector<16xi1>, vector<16xi32>
      %broadcast_in_dim3A_2021 = vector.shape_cast %select_n3A_2020 : vector<16xi32> to vector<16x1xi32>
      %gather3A_2022 = vector.shape_cast %broadcast_in_dim3A_2021 : vector<16x1xi32> to vector<16xi32>
      %gather3A_2023 = tpu.dynamic_gather %select_n3A_2010[%gather3A_2022] in [0] : vector<16xi32>, vector<16xi32> -> vector<16xi32>
      %and3A_2024 = arith.constant 4 : i32
      %and3A_2025 = vector.broadcast %and3A_2024 : i32 to vector<16xi32>
      %and3A_2026 = arith.andi %iota3A, %and3A_2025 : vector<16xi32>
      %eq3A_2027 = arith.constant 0 : i32
      %eq3A_2028 = vector.broadcast %eq3A_2027 : i32 to vector<16xi32>
      %eq3A_2029 = arith.cmpi eq, %and3A_2026, %eq3A_2028 : vector<16xi32>
      %min3A_2030 = arith.minsi %select_n3A_2010, %gather3A_2023 : vector<16xi32>
      %max3A_2031 = arith.maxsi %select_n3A_2010, %gather3A_2023 : vector<16xi32>
      %select_n3A_2032 = arith.select %eq3A_2029, %min3A_2030, %max3A_2031 : vector<16xi1>, vector<16xi32>
      %xor3A_2033 = arith.constant 2 : i32
      %xor3A_2034 = vector.broadcast %xor3A_2033 : i32 to vector<16xi32>
      %xor3A_2035 = arith.xori %iota3A, %xor3A_2034 : vector<16xi32>
      %lt3A_2036 = arith.constant 0 : i32
      %lt3A_2037 = vector.broadcast %lt3A_2036 : i32 to vector<16xi32>
      %lt3A_2038 = arith.cmpi slt, %xor3A_2035, %lt3A_2037 : vector<16xi32>
      %add3A_2039 = arith.constant 16 : i32
      %add3A_2040 = vector.broadcast %add3A_2039 : i32 to vector<16xi32>
      %add3A_2041 = arith.addi %xor3A_2035, %add3A_2040 : vector<16xi32>
      %select_n3A_2042 = arith.select %lt3A_2038, %add3A_2041, %xor3A_2035 : vector<16xi1>, vector<16xi32>
      %broadcast_in_dim3A_2043 = vector.shape_cast %select_n3A_2042 : vector<16xi32> to vector<16x1xi32>
      %gather3A_2044 = vector.shape_cast %broadcast_in_dim3A_2043 : vector<16x1xi32> to vector<16xi32>
      %gather3A_2045 = tpu.dynamic_gather %select_n3A_2032[%gather3A_2044] in [0] : vector<16xi32>, vector<16xi32> -> vector<16xi32>
      %and3A_2046 = arith.constant 2 : i32
      %and3A_2047 = vector.broadcast %and3A_2046 : i32 to vector<16xi32>
      %and3A_2048 = arith.andi %iota3A, %and3A_2047 : vector<16xi32>
      %eq3A_2049 = arith.constant 0 : i32
      %eq3A_2050 = vector.broadcast %eq3A_2049 : i32 to vector<16xi32>
      %eq3A_2051 = arith.cmpi eq, %and3A_2048, %eq3A_2050 : vector<16xi32>
      %min3A_2052 = arith.minsi %select_n3A_2032, %gather3A_2045 : vector<16xi32>
      %max3A_2053 = arith.maxsi %select_n3A_2032, %gather3A_2045 : vector<16xi32>
      %select_n3A_2054 = arith.select %eq3A_2051, %min3A_2052, %max3A_2053 : vector<16xi1>, vector<16xi32>
      %xor3A_2055 = arith.constant 1 : i32
      %xor3A_2056 = vector.broadcast %xor3A_2055 : i32 to vector<16xi32>
      %xor3A_2057 = arith.xori %iota3A, %xor3A_2056 : vector<16xi32>
      %lt3A_2058 = arith.constant 0 : i32
      %lt3A_2059 = vector.broadcast %lt3A_2058 : i32 to vector<16xi32>
      %lt3A_2060 = arith.cmpi slt, %xor3A_2057, %lt3A_2059 : vector<16xi32>
      %add3A_2061 = arith.constant 16 : i32
      %add3A_2062 = vector.broadcast %add3A_2061 : i32 to vector<16xi32>
      %add3A_2063 = arith.addi %xor3A_2057, %add3A_2062 : vector<16xi32>
      %select_n3A_2064 = arith.select %lt3A_2060, %add3A_2063, %xor3A_2057 : vector<16xi1>, vector<16xi32>
      %broadcast_in_dim3A_2065 = vector.shape_cast %select_n3A_2064 : vector<16xi32> to vector<16x1xi32>
      %gather3A_2066 = vector.shape_cast %broadcast_in_dim3A_2065 : vector<16x1xi32> to vector<16xi32>
      %gather3A_2067 = tpu.dynamic_gather %select_n3A_2054[%gather3A_2066] in [0] : vector<16xi32>, vector<16xi32> -> vector<16xi32>
      %and3A_2068 = arith.constant 1 : i32
      %and3A_2069 = vector.broadcast %and3A_2068 : i32 to vector<16xi32>
      %and3A_2070 = arith.andi %iota3A, %and3A_2069 : vector<16xi32>
      %eq3A_2071 = arith.constant 0 : i32
      %eq3A_2072 = vector.broadcast %eq3A_2071 : i32 to vector<16xi32>
      %eq3A_2073 = arith.cmpi eq, %and3A_2070, %eq3A_2072 : vector<16xi32>
      %min3A_2074 = arith.minsi %select_n3A_2054, %gather3A_2067 : vector<16xi32>
      %max3A_2075 = arith.maxsi %select_n3A_2054, %gather3A_2067 : vector<16xi32>
      %select_n3A_2076 = arith.select %eq3A_2073, %min3A_2074, %max3A_2075 : vector<16xi1>, vector<16xi32>
      %max3A_2077 = arith.maxsi %min3A_1984, %min3A_1985 : vector<16xi32>
      %xor3A_2078 = arith.constant 8 : i32
      %xor3A_2079 = vector.broadcast %xor3A_2078 : i32 to vector<16xi32>
      %xor3A_2080 = arith.xori %iota3A, %xor3A_2079 : vector<16xi32>
      %lt3A_2081 = arith.constant 0 : i32
      %lt3A_2082 = vector.broadcast %lt3A_2081 : i32 to vector<16xi32>
      %lt3A_2083 = arith.cmpi slt, %xor3A_2080, %lt3A_2082 : vector<16xi32>
      %add3A_2084 = arith.constant 16 : i32
      %add3A_2085 = vector.broadcast %add3A_2084 : i32 to vector<16xi32>
      %add3A_2086 = arith.addi %xor3A_2080, %add3A_2085 : vector<16xi32>
      %select_n3A_2087 = arith.select %lt3A_2083, %add3A_2086, %xor3A_2080 : vector<16xi1>, vector<16xi32>
      %broadcast_in_dim3A_2088 = vector.shape_cast %select_n3A_2087 : vector<16xi32> to vector<16x1xi32>
      %gather3A_2089 = vector.shape_cast %broadcast_in_dim3A_2088 : vector<16x1xi32> to vector<16xi32>
      %gather3A_2090 = tpu.dynamic_gather %max3A_2077[%gather3A_2089] in [0] : vector<16xi32>, vector<16xi32> -> vector<16xi32>
      %and3A_2091 = arith.constant 8 : i32
      %and3A_2092 = vector.broadcast %and3A_2091 : i32 to vector<16xi32>
      %and3A_2093 = arith.andi %iota3A, %and3A_2092 : vector<16xi32>
      %eq3A_2094 = arith.constant 0 : i32
      %eq3A_2095 = vector.broadcast %eq3A_2094 : i32 to vector<16xi32>
      %eq3A_2096 = arith.cmpi eq, %and3A_2093, %eq3A_2095 : vector<16xi32>
      %min3A_2097 = arith.minsi %max3A_2077, %gather3A_2090 : vector<16xi32>
      %max3A_2098 = arith.maxsi %max3A_2077, %gather3A_2090 : vector<16xi32>
      %select_n3A_2099 = arith.select %eq3A_2096, %min3A_2097, %max3A_2098 : vector<16xi1>, vector<16xi32>
      %xor3A_2100 = arith.constant 4 : i32
      %xor3A_2101 = vector.broadcast %xor3A_2100 : i32 to vector<16xi32>
      %xor3A_2102 = arith.xori %iota3A, %xor3A_2101 : vector<16xi32>
      %lt3A_2103 = arith.constant 0 : i32
      %lt3A_2104 = vector.broadcast %lt3A_2103 : i32 to vector<16xi32>
      %lt3A_2105 = arith.cmpi slt, %xor3A_2102, %lt3A_2104 : vector<16xi32>
      %add3A_2106 = arith.constant 16 : i32
      %add3A_2107 = vector.broadcast %add3A_2106 : i32 to vector<16xi32>
      %add3A_2108 = arith.addi %xor3A_2102, %add3A_2107 : vector<16xi32>
      %select_n3A_2109 = arith.select %lt3A_2105, %add3A_2108, %xor3A_2102 : vector<16xi1>, vector<16xi32>
      %broadcast_in_dim3A_2110 = vector.shape_cast %select_n3A_2109 : vector<16xi32> to vector<16x1xi32>
      %gather3A_2111 = vector.shape_cast %broadcast_in_dim3A_2110 : vector<16x1xi32> to vector<16xi32>
      %gather3A_2112 = tpu.dynamic_gather %select_n3A_2099[%gather3A_2111] in [0] : vector<16xi32>, vector<16xi32> -> vector<16xi32>
      %and3A_2113 = arith.constant 4 : i32
      %and3A_2114 = vector.broadcast %and3A_2113 : i32 to vector<16xi32>
      %and3A_2115 = arith.andi %iota3A, %and3A_2114 : vector<16xi32>
      %eq3A_2116 = arith.constant 0 : i32
      %eq3A_2117 = vector.broadcast %eq3A_2116 : i32 to vector<16xi32>
      %eq3A_2118 = arith.cmpi eq, %and3A_2115, %eq3A_2117 : vector<16xi32>
      %min3A_2119 = arith.minsi %select_n3A_2099, %gather3A_2112 : vector<16xi32>
      %max3A_2120 = arith.maxsi %select_n3A_2099, %gather3A_2112 : vector<16xi32>
      %select_n3A_2121 = arith.select %eq3A_2118, %min3A_2119, %max3A_2120 : vector<16xi1>, vector<16xi32>
      %xor3A_2122 = arith.constant 2 : i32
      %xor3A_2123 = vector.broadcast %xor3A_2122 : i32 to vector<16xi32>
      %xor3A_2124 = arith.xori %iota3A, %xor3A_2123 : vector<16xi32>
      %lt3A_2125 = arith.constant 0 : i32
      %lt3A_2126 = vector.broadcast %lt3A_2125 : i32 to vector<16xi32>
      %lt3A_2127 = arith.cmpi slt, %xor3A_2124, %lt3A_2126 : vector<16xi32>
      %add3A_2128 = arith.constant 16 : i32
      %add3A_2129 = vector.broadcast %add3A_2128 : i32 to vector<16xi32>
      %add3A_2130 = arith.addi %xor3A_2124, %add3A_2129 : vector<16xi32>
      %select_n3A_2131 = arith.select %lt3A_2127, %add3A_2130, %xor3A_2124 : vector<16xi1>, vector<16xi32>
      %broadcast_in_dim3A_2132 = vector.shape_cast %select_n3A_2131 : vector<16xi32> to vector<16x1xi32>
      %gather3A_2133 = vector.shape_cast %broadcast_in_dim3A_2132 : vector<16x1xi32> to vector<16xi32>
      %gather3A_2134 = tpu.dynamic_gather %select_n3A_2121[%gather3A_2133] in [0] : vector<16xi32>, vector<16xi32> -> vector<16xi32>
      %and3A_2135 = arith.constant 2 : i32
      %and3A_2136 = vector.broadcast %and3A_2135 : i32 to vector<16xi32>
      %and3A_2137 = arith.andi %iota3A, %and3A_2136 : vector<16xi32>
      %eq3A_2138 = arith.constant 0 : i32
      %eq3A_2139 = vector.broadcast %eq3A_2138 : i32 to vector<16xi32>
      %eq3A_2140 = arith.cmpi eq, %and3A_2137, %eq3A_2139 : vector<16xi32>
      %min3A_2141 = arith.minsi %select_n3A_2121, %gather3A_2134 : vector<16xi32>
      %max3A_2142 = arith.maxsi %select_n3A_2121, %gather3A_2134 : vector<16xi32>
      %select_n3A_2143 = arith.select %eq3A_2140, %min3A_2141, %max3A_2142 : vector<16xi1>, vector<16xi32>
      %xor3A_2144 = arith.constant 1 : i32
      %xor3A_2145 = vector.broadcast %xor3A_2144 : i32 to vector<16xi32>
      %xor3A_2146 = arith.xori %iota3A, %xor3A_2145 : vector<16xi32>
      %lt3A_2147 = arith.constant 0 : i32
      %lt3A_2148 = vector.broadcast %lt3A_2147 : i32 to vector<16xi32>
      %lt3A_2149 = arith.cmpi slt, %xor3A_2146, %lt3A_2148 : vector<16xi32>
      %add3A_2150 = arith.constant 16 : i32
      %add3A_2151 = vector.broadcast %add3A_2150 : i32 to vector<16xi32>
      %add3A_2152 = arith.addi %xor3A_2146, %add3A_2151 : vector<16xi32>
      %select_n3A_2153 = arith.select %lt3A_2149, %add3A_2152, %xor3A_2146 : vector<16xi1>, vector<16xi32>
      %broadcast_in_dim3A_2154 = vector.shape_cast %select_n3A_2153 : vector<16xi32> to vector<16x1xi32>
      %gather3A_2155 = vector.shape_cast %broadcast_in_dim3A_2154 : vector<16x1xi32> to vector<16xi32>
      %gather3A_2156 = tpu.dynamic_gather %select_n3A_2143[%gather3A_2155] in [0] : vector<16xi32>, vector<16xi32> -> vector<16xi32>
      %and3A_2157 = arith.constant 1 : i32
      %and3A_2158 = vector.broadcast %and3A_2157 : i32 to vector<16xi32>
      %and3A_2159 = arith.andi %iota3A, %and3A_2158 : vector<16xi32>
      %eq3A_2160 = arith.constant 0 : i32
      %eq3A_2161 = vector.broadcast %eq3A_2160 : i32 to vector<16xi32>
      %eq3A_2162 = arith.cmpi eq, %and3A_2159, %eq3A_2161 : vector<16xi32>
      %min3A_2163 = arith.minsi %select_n3A_2143, %gather3A_2156 : vector<16xi32>
      %max3A_2164 = arith.maxsi %select_n3A_2143, %gather3A_2156 : vector<16xi32>
      %select_n3A_2165 = arith.select %eq3A_2162, %min3A_2163, %max3A_2164 : vector<16xi1>, vector<16xi32>
      %min3A_2166 = arith.minsi %max3A_1986, %max3A_1987 : vector<16xi32>
      %xor3A_2167 = arith.constant 8 : i32
      %xor3A_2168 = vector.broadcast %xor3A_2167 : i32 to vector<16xi32>
      %xor3A_2169 = arith.xori %iota3A, %xor3A_2168 : vector<16xi32>
      %lt3A_2170 = arith.constant 0 : i32
      %lt3A_2171 = vector.broadcast %lt3A_2170 : i32 to vector<16xi32>
      %lt3A_2172 = arith.cmpi slt, %xor3A_2169, %lt3A_2171 : vector<16xi32>
      %add3A_2173 = arith.constant 16 : i32
      %add3A_2174 = vector.broadcast %add3A_2173 : i32 to vector<16xi32>
      %add3A_2175 = arith.addi %xor3A_2169, %add3A_2174 : vector<16xi32>
      %select_n3A_2176 = arith.select %lt3A_2172, %add3A_2175, %xor3A_2169 : vector<16xi1>, vector<16xi32>
      %broadcast_in_dim3A_2177 = vector.shape_cast %select_n3A_2176 : vector<16xi32> to vector<16x1xi32>
      %gather3A_2178 = vector.shape_cast %broadcast_in_dim3A_2177 : vector<16x1xi32> to vector<16xi32>
      %gather3A_2179 = tpu.dynamic_gather %min3A_2166[%gather3A_2178] in [0] : vector<16xi32>, vector<16xi32> -> vector<16xi32>
      %and3A_2180 = arith.constant 8 : i32
      %and3A_2181 = vector.broadcast %and3A_2180 : i32 to vector<16xi32>
      %and3A_2182 = arith.andi %iota3A, %and3A_2181 : vector<16xi32>
      %eq3A_2183 = arith.constant 0 : i32
      %eq3A_2184 = vector.broadcast %eq3A_2183 : i32 to vector<16xi32>
      %eq3A_2185 = arith.cmpi eq, %and3A_2182, %eq3A_2184 : vector<16xi32>
      %min3A_2186 = arith.minsi %min3A_2166, %gather3A_2179 : vector<16xi32>
      %max3A_2187 = arith.maxsi %min3A_2166, %gather3A_2179 : vector<16xi32>
      %select_n3A_2188 = arith.select %eq3A_2185, %min3A_2186, %max3A_2187 : vector<16xi1>, vector<16xi32>
      %xor3A_2189 = arith.constant 4 : i32
      %xor3A_2190 = vector.broadcast %xor3A_2189 : i32 to vector<16xi32>
      %xor3A_2191 = arith.xori %iota3A, %xor3A_2190 : vector<16xi32>
      %lt3A_2192 = arith.constant 0 : i32
      %lt3A_2193 = vector.broadcast %lt3A_2192 : i32 to vector<16xi32>
      %lt3A_2194 = arith.cmpi slt, %xor3A_2191, %lt3A_2193 : vector<16xi32>
      %add3A_2195 = arith.constant 16 : i32
      %add3A_2196 = vector.broadcast %add3A_2195 : i32 to vector<16xi32>
      %add3A_2197 = arith.addi %xor3A_2191, %add3A_2196 : vector<16xi32>
      %select_n3A_2198 = arith.select %lt3A_2194, %add3A_2197, %xor3A_2191 : vector<16xi1>, vector<16xi32>
      %broadcast_in_dim3A_2199 = vector.shape_cast %select_n3A_2198 : vector<16xi32> to vector<16x1xi32>
      %gather3A_2200 = vector.shape_cast %broadcast_in_dim3A_2199 : vector<16x1xi32> to vector<16xi32>
      %gather3A_2201 = tpu.dynamic_gather %select_n3A_2188[%gather3A_2200] in [0] : vector<16xi32>, vector<16xi32> -> vector<16xi32>
      %and3A_2202 = arith.constant 4 : i32
      %and3A_2203 = vector.broadcast %and3A_2202 : i32 to vector<16xi32>
      %and3A_2204 = arith.andi %iota3A, %and3A_2203 : vector<16xi32>
      %eq3A_2205 = arith.constant 0 : i32
      %eq3A_2206 = vector.broadcast %eq3A_2205 : i32 to vector<16xi32>
      %eq3A_2207 = arith.cmpi eq, %and3A_2204, %eq3A_2206 : vector<16xi32>
      %min3A_2208 = arith.minsi %select_n3A_2188, %gather3A_2201 : vector<16xi32>
      %max3A_2209 = arith.maxsi %select_n3A_2188, %gather3A_2201 : vector<16xi32>
      %select_n3A_2210 = arith.select %eq3A_2207, %min3A_2208, %max3A_2209 : vector<16xi1>, vector<16xi32>
      %xor3A_2211 = arith.constant 2 : i32
      %xor3A_2212 = vector.broadcast %xor3A_2211 : i32 to vector<16xi32>
      %xor3A_2213 = arith.xori %iota3A, %xor3A_2212 : vector<16xi32>
      %lt3A_2214 = arith.constant 0 : i32
      %lt3A_2215 = vector.broadcast %lt3A_2214 : i32 to vector<16xi32>
      %lt3A_2216 = arith.cmpi slt, %xor3A_2213, %lt3A_2215 : vector<16xi32>
      %add3A_2217 = arith.constant 16 : i32
      %add3A_2218 = vector.broadcast %add3A_2217 : i32 to vector<16xi32>
      %add3A_2219 = arith.addi %xor3A_2213, %add3A_2218 : vector<16xi32>
      %select_n3A_2220 = arith.select %lt3A_2216, %add3A_2219, %xor3A_2213 : vector<16xi1>, vector<16xi32>
      %broadcast_in_dim3A_2221 = vector.shape_cast %select_n3A_2220 : vector<16xi32> to vector<16x1xi32>
      %gather3A_2222 = vector.shape_cast %broadcast_in_dim3A_2221 : vector<16x1xi32> to vector<16xi32>
      %gather3A_2223 = tpu.dynamic_gather %select_n3A_2210[%gather3A_2222] in [0] : vector<16xi32>, vector<16xi32> -> vector<16xi32>
      %and3A_2224 = arith.constant 2 : i32
      %and3A_2225 = vector.broadcast %and3A_2224 : i32 to vector<16xi32>
      %and3A_2226 = arith.andi %iota3A, %and3A_2225 : vector<16xi32>
      %eq3A_2227 = arith.constant 0 : i32
      %eq3A_2228 = vector.broadcast %eq3A_2227 : i32 to vector<16xi32>
      %eq3A_2229 = arith.cmpi eq, %and3A_2226, %eq3A_2228 : vector<16xi32>
      %min3A_2230 = arith.minsi %select_n3A_2210, %gather3A_2223 : vector<16xi32>
      %max3A_2231 = arith.maxsi %select_n3A_2210, %gather3A_2223 : vector<16xi32>
      %select_n3A_2232 = arith.select %eq3A_2229, %min3A_2230, %max3A_2231 : vector<16xi1>, vector<16xi32>
      %xor3A_2233 = arith.constant 1 : i32
      %xor3A_2234 = vector.broadcast %xor3A_2233 : i32 to vector<16xi32>
      %xor3A_2235 = arith.xori %iota3A, %xor3A_2234 : vector<16xi32>
      %lt3A_2236 = arith.constant 0 : i32
      %lt3A_2237 = vector.broadcast %lt3A_2236 : i32 to vector<16xi32>
      %lt3A_2238 = arith.cmpi slt, %xor3A_2235, %lt3A_2237 : vector<16xi32>
      %add3A_2239 = arith.constant 16 : i32
      %add3A_2240 = vector.broadcast %add3A_2239 : i32 to vector<16xi32>
      %add3A_2241 = arith.addi %xor3A_2235, %add3A_2240 : vector<16xi32>
      %select_n3A_2242 = arith.select %lt3A_2238, %add3A_2241, %xor3A_2235 : vector<16xi1>, vector<16xi32>
      %broadcast_in_dim3A_2243 = vector.shape_cast %select_n3A_2242 : vector<16xi32> to vector<16x1xi32>
      %gather3A_2244 = vector.shape_cast %broadcast_in_dim3A_2243 : vector<16x1xi32> to vector<16xi32>
      %gather3A_2245 = tpu.dynamic_gather %select_n3A_2232[%gather3A_2244] in [0] : vector<16xi32>, vector<16xi32> -> vector<16xi32>
      %and3A_2246 = arith.constant 1 : i32
      %and3A_2247 = vector.broadcast %and3A_2246 : i32 to vector<16xi32>
      %and3A_2248 = arith.andi %iota3A, %and3A_2247 : vector<16xi32>
      %eq3A_2249 = arith.constant 0 : i32
      %eq3A_2250 = vector.broadcast %eq3A_2249 : i32 to vector<16xi32>
      %eq3A_2251 = arith.cmpi eq, %and3A_2248, %eq3A_2250 : vector<16xi32>
      %min3A_2252 = arith.minsi %select_n3A_2232, %gather3A_2245 : vector<16xi32>
      %max3A_2253 = arith.maxsi %select_n3A_2232, %gather3A_2245 : vector<16xi32>
      %select_n3A_2254 = arith.select %eq3A_2251, %min3A_2252, %max3A_2253 : vector<16xi1>, vector<16xi32>
      %max3A_2255 = arith.maxsi %max3A_1986, %max3A_1987 : vector<16xi32>
      %xor3A_2256 = arith.constant 8 : i32
      %xor3A_2257 = vector.broadcast %xor3A_2256 : i32 to vector<16xi32>
      %xor3A_2258 = arith.xori %iota3A, %xor3A_2257 : vector<16xi32>
      %lt3A_2259 = arith.constant 0 : i32
      %lt3A_2260 = vector.broadcast %lt3A_2259 : i32 to vector<16xi32>
      %lt3A_2261 = arith.cmpi slt, %xor3A_2258, %lt3A_2260 : vector<16xi32>
      %add3A_2262 = arith.constant 16 : i32
      %add3A_2263 = vector.broadcast %add3A_2262 : i32 to vector<16xi32>
      %add3A_2264 = arith.addi %xor3A_2258, %add3A_2263 : vector<16xi32>
      %select_n3A_2265 = arith.select %lt3A_2261, %add3A_2264, %xor3A_2258 : vector<16xi1>, vector<16xi32>
      %broadcast_in_dim3A_2266 = vector.shape_cast %select_n3A_2265 : vector<16xi32> to vector<16x1xi32>
      %gather3A_2267 = vector.shape_cast %broadcast_in_dim3A_2266 : vector<16x1xi32> to vector<16xi32>
      %gather3A_2268 = tpu.dynamic_gather %max3A_2255[%gather3A_2267] in [0] : vector<16xi32>, vector<16xi32> -> vector<16xi32>
      %and3A_2269 = arith.constant 8 : i32
      %and3A_2270 = vector.broadcast %and3A_2269 : i32 to vector<16xi32>
      %and3A_2271 = arith.andi %iota3A, %and3A_2270 : vector<16xi32>
      %eq3A_2272 = arith.constant 0 : i32
      %eq3A_2273 = vector.broadcast %eq3A_2272 : i32 to vector<16xi32>
      %eq3A_2274 = arith.cmpi eq, %and3A_2271, %eq3A_2273 : vector<16xi32>
      %min3A_2275 = arith.minsi %max3A_2255, %gather3A_2268 : vector<16xi32>
      %max3A_2276 = arith.maxsi %max3A_2255, %gather3A_2268 : vector<16xi32>
      %select_n3A_2277 = arith.select %eq3A_2274, %min3A_2275, %max3A_2276 : vector<16xi1>, vector<16xi32>
      %xor3A_2278 = arith.constant 4 : i32
      %xor3A_2279 = vector.broadcast %xor3A_2278 : i32 to vector<16xi32>
      %xor3A_2280 = arith.xori %iota3A, %xor3A_2279 : vector<16xi32>
      %lt3A_2281 = arith.constant 0 : i32
      %lt3A_2282 = vector.broadcast %lt3A_2281 : i32 to vector<16xi32>
      %lt3A_2283 = arith.cmpi slt, %xor3A_2280, %lt3A_2282 : vector<16xi32>
      %add3A_2284 = arith.constant 16 : i32
      %add3A_2285 = vector.broadcast %add3A_2284 : i32 to vector<16xi32>
      %add3A_2286 = arith.addi %xor3A_2280, %add3A_2285 : vector<16xi32>
      %select_n3A_2287 = arith.select %lt3A_2283, %add3A_2286, %xor3A_2280 : vector<16xi1>, vector<16xi32>
      %broadcast_in_dim3A_2288 = vector.shape_cast %select_n3A_2287 : vector<16xi32> to vector<16x1xi32>
      %gather3A_2289 = vector.shape_cast %broadcast_in_dim3A_2288 : vector<16x1xi32> to vector<16xi32>
      %gather3A_2290 = tpu.dynamic_gather %select_n3A_2277[%gather3A_2289] in [0] : vector<16xi32>, vector<16xi32> -> vector<16xi32>
      %and3A_2291 = arith.constant 4 : i32
      %and3A_2292 = vector.broadcast %and3A_2291 : i32 to vector<16xi32>
      %and3A_2293 = arith.andi %iota3A, %and3A_2292 : vector<16xi32>
      %eq3A_2294 = arith.constant 0 : i32
      %eq3A_2295 = vector.broadcast %eq3A_2294 : i32 to vector<16xi32>
      %eq3A_2296 = arith.cmpi eq, %and3A_2293, %eq3A_2295 : vector<16xi32>
      %min3A_2297 = arith.minsi %select_n3A_2277, %gather3A_2290 : vector<16xi32>
      %max3A_2298 = arith.maxsi %select_n3A_2277, %gather3A_2290 : vector<16xi32>
      %select_n3A_2299 = arith.select %eq3A_2296, %min3A_2297, %max3A_2298 : vector<16xi1>, vector<16xi32>
      %xor3A_2300 = arith.constant 2 : i32
      %xor3A_2301 = vector.broadcast %xor3A_2300 : i32 to vector<16xi32>
      %xor3A_2302 = arith.xori %iota3A, %xor3A_2301 : vector<16xi32>
      %lt3A_2303 = arith.constant 0 : i32
      %lt3A_2304 = vector.broadcast %lt3A_2303 : i32 to vector<16xi32>
      %lt3A_2305 = arith.cmpi slt, %xor3A_2302, %lt3A_2304 : vector<16xi32>
      %add3A_2306 = arith.constant 16 : i32
      %add3A_2307 = vector.broadcast %add3A_2306 : i32 to vector<16xi32>
      %add3A_2308 = arith.addi %xor3A_2302, %add3A_2307 : vector<16xi32>
      %select_n3A_2309 = arith.select %lt3A_2305, %add3A_2308, %xor3A_2302 : vector<16xi1>, vector<16xi32>
      %broadcast_in_dim3A_2310 = vector.shape_cast %select_n3A_2309 : vector<16xi32> to vector<16x1xi32>
      %gather3A_2311 = vector.shape_cast %broadcast_in_dim3A_2310 : vector<16x1xi32> to vector<16xi32>
      %gather3A_2312 = tpu.dynamic_gather %select_n3A_2299[%gather3A_2311] in [0] : vector<16xi32>, vector<16xi32> -> vector<16xi32>
      %and3A_2313 = arith.constant 2 : i32
      %and3A_2314 = vector.broadcast %and3A_2313 : i32 to vector<16xi32>
      %and3A_2315 = arith.andi %iota3A, %and3A_2314 : vector<16xi32>
      %eq3A_2316 = arith.constant 0 : i32
      %eq3A_2317 = vector.broadcast %eq3A_2316 : i32 to vector<16xi32>
      %eq3A_2318 = arith.cmpi eq, %and3A_2315, %eq3A_2317 : vector<16xi32>
      %min3A_2319 = arith.minsi %select_n3A_2299, %gather3A_2312 : vector<16xi32>
      %max3A_2320 = arith.maxsi %select_n3A_2299, %gather3A_2312 : vector<16xi32>
      %select_n3A_2321 = arith.select %eq3A_2318, %min3A_2319, %max3A_2320 : vector<16xi1>, vector<16xi32>
      %xor3A_2322 = arith.constant 1 : i32
      %xor3A_2323 = vector.broadcast %xor3A_2322 : i32 to vector<16xi32>
      %xor3A_2324 = arith.xori %iota3A, %xor3A_2323 : vector<16xi32>
      %lt3A_2325 = arith.constant 0 : i32
      %lt3A_2326 = vector.broadcast %lt3A_2325 : i32 to vector<16xi32>
      %lt3A_2327 = arith.cmpi slt, %xor3A_2324, %lt3A_2326 : vector<16xi32>
      %add3A_2328 = arith.constant 16 : i32
      %add3A_2329 = vector.broadcast %add3A_2328 : i32 to vector<16xi32>
      %add3A_2330 = arith.addi %xor3A_2324, %add3A_2329 : vector<16xi32>
      %select_n3A_2331 = arith.select %lt3A_2327, %add3A_2330, %xor3A_2324 : vector<16xi1>, vector<16xi32>
      %broadcast_in_dim3A_2332 = vector.shape_cast %select_n3A_2331 : vector<16xi32> to vector<16x1xi32>
      %gather3A_2333 = vector.shape_cast %broadcast_in_dim3A_2332 : vector<16x1xi32> to vector<16xi32>
      %gather3A_2334 = tpu.dynamic_gather %select_n3A_2321[%gather3A_2333] in [0] : vector<16xi32>, vector<16xi32> -> vector<16xi32>
      %and3A_2335 = arith.constant 1 : i32
      %and3A_2336 = vector.broadcast %and3A_2335 : i32 to vector<16xi32>
      %and3A_2337 = arith.andi %iota3A, %and3A_2336 : vector<16xi32>
      %eq3A_2338 = arith.constant 0 : i32
      %eq3A_2339 = vector.broadcast %eq3A_2338 : i32 to vector<16xi32>
      %eq3A_2340 = arith.cmpi eq, %and3A_2337, %eq3A_2339 : vector<16xi32>
      %min3A_2341 = arith.minsi %select_n3A_2321, %gather3A_2334 : vector<16xi32>
      %max3A_2342 = arith.maxsi %select_n3A_2321, %gather3A_2334 : vector<16xi32>
      %select_n3A_2343 = arith.select %eq3A_2340, %min3A_2341, %max3A_2342 : vector<16xi1>, vector<16xi32>
      %rev3A_2344 = arith.constant 15 : i32
      %rev3A_2345 = vector.broadcast %rev3A_2344 : i32 to vector<16xi32>
      %rev3A_2346 = tpu.iota {dimensions = array<i32: 0>} : vector<16xi32>
      %rev3A_2347 = arith.subi %rev3A_2345, %rev3A_2346 : vector<16xi32>
      %rev3A_2348 = tpu.dynamic_gather %select_n3A_2343[%rev3A_2347] in [0] : vector<16xi32>, vector<16xi32> -> vector<16xi32>
      %shift_right_arithmetic3A_2349 = arith.constant 31 : i32
      %shift_right_arithmetic3A_2350 = vector.broadcast %shift_right_arithmetic3A_2349 : i32 to vector<16xi32>
      %shift_right_arithmetic3A_2351 = arith.shrsi %rev3A_2348, %shift_right_arithmetic3A_2350 : vector<16xi32>
      %and3A_2352 = arith.constant 2147483647 : i32
      %and3A_2353 = vector.broadcast %and3A_2352 : i32 to vector<16xi32>
      %and3A_2354 = arith.andi %shift_right_arithmetic3A_2351, %and3A_2353 : vector<16xi32>
      %xor3A_2355 = arith.xori %rev3A_2348, %and3A_2354 : vector<16xi32>
      %bitcast_convert_type3A_2356 = tpu.bitcast %xor3A_2355 : vector<16xi32> -> vector<16xf32>
      %swap3A_2357 = arith.index_cast %add3A_1249 : i32 to index
      %swap3A_2358 = arith.constant 0 : index
      %swap3A_2359 = tpu.vector_load %arg9[%swap3A_2357, %swap3A_2358] {strides = array<i32>} : memref<4x64xf32, #tpu.memory_space<vmem>>, vector<16xf32>,
      tpu.vector_store %arg9[%swap3A_2357, %swap3A_2358], %bitcast_convert_type3A_2356 {strides = array<i32>} : memref<4x64xf32, #tpu.memory_space<vmem>>, vector<16xf32>,
      %rev3A_2360 = arith.constant 15 : i32
      %rev3A_2361 = vector.broadcast %rev3A_2360 : i32 to vector<16xi32>
      %rev3A_2362 = tpu.iota {dimensions = array<i32: 0>} : vector<16xi32>
      %rev3A_2363 = arith.subi %rev3A_2361, %rev3A_2362 : vector<16xi32>
      %rev3A_2364 = tpu.dynamic_gather %select_n3A_2254[%rev3A_2363] in [0] : vector<16xi32>, vector<16xi32> -> vector<16xi32>
      %shift_right_arithmetic3A_2365 = arith.constant 31 : i32
      %shift_right_arithmetic3A_2366 = vector.broadcast %shift_right_arithmetic3A_2365 : i32 to vector<16xi32>
      %shift_right_arithmetic3A_2367 = arith.shrsi %rev3A_2364, %shift_right_arithmetic3A_2366 : vector<16xi32>
      %and3A_2368 = arith.constant 2147483647 : i32
      %and3A_2369 = vector.broadcast %and3A_2368 : i32 to vector<16xi32>
      %and3A_2370 = arith.andi %shift_right_arithmetic3A_2367, %and3A_2369 : vector<16xi32>
      %xor3A_2371 = arith.xori %rev3A_2364, %and3A_2370 : vector<16xi32>
      %bitcast_convert_type3A_2372 = tpu.bitcast %xor3A_2371 : vector<16xi32> -> vector<16xf32>
      %swap3A_2373 = arith.index_cast %add3A_1249 : i32 to index
      %swap3A_2374 = arith.constant 16 : index
      %swap3A_2375 = tpu.vector_load %arg9[%swap3A_2373, %swap3A_2374] {strides = array<i32>} : memref<4x64xf32, #tpu.memory_space<vmem>>, vector<16xf32>,
      tpu.vector_store %arg9[%swap3A_2373, %swap3A_2374], %bitcast_convert_type3A_2372 {strides = array<i32>} : memref<4x64xf32, #tpu.memory_space<vmem>>, vector<16xf32>,
      %rev3A_2376 = arith.constant 15 : i32
      %rev3A_2377 = vector.broadcast %rev3A_2376 : i32 to vector<16xi32>
      %rev3A_2378 = tpu.iota {dimensions = array<i32: 0>} : vector<16xi32>
      %rev3A_2379 = arith.subi %rev3A_2377, %rev3A_2378 : vector<16xi32>
      %rev3A_2380 = tpu.dynamic_gather %select_n3A_2165[%rev3A_2379] in [0] : vector<16xi32>, vector<16xi32> -> vector<16xi32>
      %shift_right_arithmetic3A_2381 = arith.constant 31 : i32
      %shift_right_arithmetic3A_2382 = vector.broadcast %shift_right_arithmetic3A_2381 : i32 to vector<16xi32>
      %shift_right_arithmetic3A_2383 = arith.shrsi %rev3A_2380, %shift_right_arithmetic3A_2382 : vector<16xi32>
      %and3A_2384 = arith.constant 2147483647 : i32
      %and3A_2385 = vector.broadcast %and3A_2384 : i32 to vector<16xi32>
      %and3A_2386 = arith.andi %shift_right_arithmetic3A_2383, %and3A_2385 : vector<16xi32>
      %xor3A_2387 = arith.xori %rev3A_2380, %and3A_2386 : vector<16xi32>
      %bitcast_convert_type3A_2388 = tpu.bitcast %xor3A_2387 : vector<16xi32> -> vector<16xf32>
      %swap3A_2389 = arith.index_cast %add3A_1249 : i32 to index
      %swap3A_2390 = arith.constant 32 : index
      %swap3A_2391 = tpu.vector_load %arg9[%swap3A_2389, %swap3A_2390] {strides = array<i32>} : memref<4x64xf32, #tpu.memory_space<vmem>>, vector<16xf32>,
      tpu.vector_store %arg9[%swap3A_2389, %swap3A_2390], %bitcast_convert_type3A_2388 {strides = array<i32>} : memref<4x64xf32, #tpu.memory_space<vmem>>, vector<16xf32>,
      %rev3A_2392 = arith.constant 15 : i32
      %rev3A_2393 = vector.broadcast %rev3A_2392 : i32 to vector<16xi32>
      %rev3A_2394 = tpu.iota {dimensions = array<i32: 0>} : vector<16xi32>
      %rev3A_2395 = arith.subi %rev3A_2393, %rev3A_2394 : vector<16xi32>
      %rev3A_2396 = tpu.dynamic_gather %select_n3A_2076[%rev3A_2395] in [0] : vector<16xi32>, vector<16xi32> -> vector<16xi32>
      %shift_right_arithmetic3A_2397 = arith.constant 31 : i32
      %shift_right_arithmetic3A_2398 = vector.broadcast %shift_right_arithmetic3A_2397 : i32 to vector<16xi32>
      %shift_right_arithmetic3A_2399 = arith.shrsi %rev3A_2396, %shift_right_arithmetic3A_2398 : vector<16xi32>
      %and3A_2400 = arith.constant 2147483647 : i32
      %and3A_2401 = vector.broadcast %and3A_2400 : i32 to vector<16xi32>
      %and3A_2402 = arith.andi %shift_right_arithmetic3A_2399, %and3A_2401 : vector<16xi32>
      %xor3A_2403 = arith.xori %rev3A_2396, %and3A_2402 : vector<16xi32>
      %bitcast_convert_type3A_2404 = tpu.bitcast %xor3A_2403 : vector<16xi32> -> vector<16xf32>
      %swap3A_2405 = arith.index_cast %add3A_1249 : i32 to index
      %swap3A_2406 = arith.constant 48 : index
      %swap3A_2407 = tpu.vector_load %arg9[%swap3A_2405, %swap3A_2406] {strides = array<i32>} : memref<4x64xf32, #tpu.memory_space<vmem>>, vector<16xf32>,
      tpu.vector_store %arg9[%swap3A_2405, %swap3A_2406], %bitcast_convert_type3A_2404 {strides = array<i32>} : memref<4x64xf32, #tpu.memory_space<vmem>>, vector<16xf32>,
      %dma_start3A_2408 = arith.constant 0 : i32
      %dma_start3A_2409 = tpu.memref_slice %arg9[%add3A_1249, %dma_start3A_2408] : memref<4x64xf32, #tpu.memory_space<vmem>> -> memref<1x64xf32, #tpu.memory_space<vmem>>
      %dma_start3A_2410 = tpu.memref_squeeze %dma_start3A_2409 : memref<1x64xf32, #tpu.memory_space<vmem>> -> memref<64xf32, #tpu.memory_space<vmem>>
      %dma_start3A_2411 = arith.constant 0 : i32
      %dma_start3A_2412 = tpu.memref_slice %arg3[%add3A_1245, %dma_start3A_2411] : memref<128x64xf32, #tpu.memory_space<hbm>> -> memref<1x64xf32, #tpu.memory_space<hbm>>
      %dma_start3A_2413 = tpu.memref_squeeze %dma_start3A_2412 : memref<1x64xf32, #tpu.memory_space<hbm>> -> memref<64xf32, #tpu.memory_space<hbm>>
      %dma_start3A_2414 = arith.constant 0 : i32
      %dma_start3A_2415 = tpu.memref_slice %arg3[%add3A_1245, %dma_start3A_2414] : memref<128x64xf32, #tpu.memory_space<hbm>> -> memref<1x64xf32, #tpu.memory_space<hbm>>
      %dma_start3A_2416 = tpu.memref_squeeze %dma_start3A_2415 : memref<1x64xf32, #tpu.memory_space<hbm>> -> memref<64xf32, #tpu.memory_space<hbm>>
      %dma_start3A_2417 = arith.constant 0 : i32
      %dma_start3A_2418 = tpu.memref_slice %arg9[%add3A_1249, %dma_start3A_2417] : memref<4x64xf32, #tpu.memory_space<vmem>> -> memref<1x64xf32, #tpu.memory_space<vmem>>
      %dma_start3A_2419 = tpu.memref_squeeze %dma_start3A_2418 : memref<1x64xf32, #tpu.memory_space<vmem>> -> memref<64xf32, #tpu.memory_space<vmem>>
      tpu.enqueue_dma source(%dma_start3A_2419 : memref<64xf32, #tpu.memory_space<vmem>>) target(%dma_start3A_2416 : memref<64xf32, #tpu.memory_space<hbm>>) target_semaphore(%arg12 : memref<!tpu.dma_semaphore, #tpu.memory_space<semaphore_mem>>)
      %lt3A_2420 = arith.constant 1 : i32
      %lt3A_2421 = arith.cmpi slt, %scan3A_77, %lt3A_2420 : i32
      %convert_element_type3A_2422 = arith.extui %lt3A_2421 : i1 to i32
      %cond3A_2423 = arith.constant 0 : i32
      %cond3A_2424 = arith.cmpi ne, %convert_element_type3A_2422, %cond3A_2423 : i32
      scf.if %cond3A_2424 {
        %add3A_2425 = arith.constant 3 : i32
        %add3A_2426 = arith.addi %add3A_80, %add3A_2425 : i32
        %dma_start3A_2427 = arith.constant 0 : i32
        %dma_start3A_2428 = tpu.memref_slice %arg2[%add3A_2426, %dma_start3A_2427] : memref<128x32768xf32, #tpu.memory_space<hbm>> -> memref<1x32768xf32, #tpu.memory_space<hbm>>
        %dma_start3A_2429 = tpu.memref_squeeze %dma_start3A_2428 : memref<1x32768xf32, #tpu.memory_space<hbm>> -> memref<32768xf32, #tpu.memory_space<hbm>>
        %dma_start3A_2430 = arith.constant 0 : i32
        %dma_start3A_2431 = tpu.memref_slice %arg2[%add3A_2426, %dma_start3A_2430] : memref<128x32768xf32, #tpu.memory_space<hbm>> -> memref<1x32768xf32, #tpu.memory_space<hbm>>
        %dma_start3A_2432 = tpu.memref_squeeze %dma_start3A_2431 : memref<1x32768xf32, #tpu.memory_space<hbm>> -> memref<32768xf32, #tpu.memory_space<hbm>>
        tpu.enqueue_dma source(%dma_start3A_2432 : memref<32768xf32, #tpu.memory_space<hbm>>) target(%arg5 : memref<32768xf32, #tpu.memory_space<vmem>>) target_semaphore(%arg11 : memref<!tpu.dma_semaphore, #tpu.memory_space<semaphore_mem>>)
      } else {
      }
    }
    %scan3A_25 = arith.constant 2 : i32
    %dma_wait3A = arith.constant 0 : i32
    %dma_wait3A_26 = arith.constant 0 : i32
    %dma_wait3A_27 = tpu.memref_slice %arg9[%dma_wait3A, %dma_wait3A_26] : memref<4x64xf32, #tpu.memory_space<vmem>> -> memref<1x64xf32, #tpu.memory_space<vmem>>
    %dma_wait3A_28 = tpu.memref_squeeze %dma_wait3A_27 : memref<1x64xf32, #tpu.memory_space<vmem>> -> memref<64xf32, #tpu.memory_space<vmem>>
    %dma_wait3A_29 = arith.constant 0 : i32
    %dma_wait3A_30 = tpu.memref_slice %arg3[%mul3A_7, %dma_wait3A_29] : memref<128x64xf32, #tpu.memory_space<hbm>> -> memref<1x64xf32, #tpu.memory_space<hbm>>
    %dma_wait3A_31 = tpu.memref_squeeze %dma_wait3A_30 : memref<1x64xf32, #tpu.memory_space<hbm>> -> memref<64xf32, #tpu.memory_space<hbm>>
    %dma_wait3A_32 = arith.constant 0 : i32
    %dma_wait3A_33 = tpu.memref_slice %arg3[%mul3A_7, %dma_wait3A_32] : memref<128x64xf32, #tpu.memory_space<hbm>> -> memref<1x64xf32, #tpu.memory_space<hbm>>
    %dma_wait3A_34 = tpu.memref_squeeze %dma_wait3A_33 : memref<1x64xf32, #tpu.memory_space<hbm>> -> memref<64xf32, #tpu.memory_space<hbm>>
    %dma_wait3A_35 = arith.constant 0 : i32
    %dma_wait3A_36 = tpu.memref_slice %arg9[%dma_wait3A, %dma_wait3A_35] : memref<4x64xf32, #tpu.memory_space<vmem>> -> memref<1x64xf32, #tpu.memory_space<vmem>>
    %dma_wait3A_37 = tpu.memref_squeeze %dma_wait3A_36 : memref<1x64xf32, #tpu.memory_space<vmem>> -> memref<64xf32, #tpu.memory_space<vmem>>
    tpu.wait_dma2 semaphore(%arg12 : memref<!tpu.dma_semaphore, #tpu.memory_space<semaphore_mem>>) src(%dma_wait3A_37 : memref<64xf32, #tpu.memory_space<vmem>>) dst(%dma_wait3A_34 : memref<64xf32, #tpu.memory_space<hbm>>)
    %dma_wait3A_38 = arith.constant 0 : i32
    %dma_wait3A_39 = arith.constant 0 : i32
    %dma_wait3A_40 = tpu.memref_slice %arg9[%dma_wait3A_38, %dma_wait3A_39] : memref<4x64xf32, #tpu.memory_space<vmem>> -> memref<1x64xf32, #tpu.memory_space<vmem>>
    %dma_wait3A_41 = tpu.memref_squeeze %dma_wait3A_40 : memref<1x64xf32, #tpu.memory_space<vmem>> -> memref<64xf32, #tpu.memory_space<vmem>>
    %dma_wait3A_42 = arith.constant 0 : i32
    %dma_wait3A_43 = tpu.memref_slice %arg3[%mul3A_7, %dma_wait3A_42] : memref<128x64xf32, #tpu.memory_space<hbm>> -> memref<1x64xf32, #tpu.memory_space<hbm>>
    %dma_wait3A_44 = tpu.memref_squeeze %dma_wait3A_43 : memref<1x64xf32, #tpu.memory_space<hbm>> -> memref<64xf32, #tpu.memory_space<hbm>>
    %dma_wait3A_45 = arith.constant 0 : i32
    %dma_wait3A_46 = tpu.memref_slice %arg3[%mul3A_7, %dma_wait3A_45] : memref<128x64xf32, #tpu.memory_space<hbm>> -> memref<1x64xf32, #tpu.memory_space<hbm>>
    %dma_wait3A_47 = tpu.memref_squeeze %dma_wait3A_46 : memref<1x64xf32, #tpu.memory_space<hbm>> -> memref<64xf32, #tpu.memory_space<hbm>>
    %dma_wait3A_48 = arith.constant 0 : i32
    %dma_wait3A_49 = tpu.memref_slice %arg9[%dma_wait3A_38, %dma_wait3A_48] : memref<4x64xf32, #tpu.memory_space<vmem>> -> memref<1x64xf32, #tpu.memory_space<vmem>>
    %dma_wait3A_50 = tpu.memref_squeeze %dma_wait3A_49 : memref<1x64xf32, #tpu.memory_space<vmem>> -> memref<64xf32, #tpu.memory_space<vmem>>
    tpu.wait_dma2 semaphore(%arg12 : memref<!tpu.dma_semaphore, #tpu.memory_space<semaphore_mem>>) src(%dma_wait3A_50 : memref<64xf32, #tpu.memory_space<vmem>>) dst(%dma_wait3A_47 : memref<64xf32, #tpu.memory_space<hbm>>)
    %dma_wait3A_51 = arith.constant 0 : i32
    %dma_wait3A_52 = arith.constant 0 : i32
    %dma_wait3A_53 = tpu.memref_slice %arg9[%dma_wait3A_51, %dma_wait3A_52] : memref<4x64xf32, #tpu.memory_space<vmem>> -> memref<1x64xf32, #tpu.memory_space<vmem>>
    %dma_wait3A_54 = tpu.memref_squeeze %dma_wait3A_53 : memref<1x64xf32, #tpu.memory_space<vmem>> -> memref<64xf32, #tpu.memory_space<vmem>>
    %dma_wait3A_55 = arith.constant 0 : i32
    %dma_wait3A_56 = tpu.memref_slice %arg3[%mul3A_7, %dma_wait3A_55] : memref<128x64xf32, #tpu.memory_space<hbm>> -> memref<1x64xf32, #tpu.memory_space<hbm>>
    %dma_wait3A_57 = tpu.memref_squeeze %dma_wait3A_56 : memref<1x64xf32, #tpu.memory_space<hbm>> -> memref<64xf32, #tpu.memory_space<hbm>>
    %dma_wait3A_58 = arith.constant 0 : i32
    %dma_wait3A_59 = tpu.memref_slice %arg3[%mul3A_7, %dma_wait3A_58] : memref<128x64xf32, #tpu.memory_space<hbm>> -> memref<1x64xf32, #tpu.memory_space<hbm>>
    %dma_wait3A_60 = tpu.memref_squeeze %dma_wait3A_59 : memref<1x64xf32, #tpu.memory_space<hbm>> -> memref<64xf32, #tpu.memory_space<hbm>>
    %dma_wait3A_61 = arith.constant 0 : i32
    %dma_wait3A_62 = tpu.memref_slice %arg9[%dma_wait3A_51, %dma_wait3A_61] : memref<4x64xf32, #tpu.memory_space<vmem>> -> memref<1x64xf32, #tpu.memory_space<vmem>>
    %dma_wait3A_63 = tpu.memref_squeeze %dma_wait3A_62 : memref<1x64xf32, #tpu.memory_space<vmem>> -> memref<64xf32, #tpu.memory_space<vmem>>
    tpu.wait_dma2 semaphore(%arg12 : memref<!tpu.dma_semaphore, #tpu.memory_space<semaphore_mem>>) src(%dma_wait3A_63 : memref<64xf32, #tpu.memory_space<vmem>>) dst(%dma_wait3A_60 : memref<64xf32, #tpu.memory_space<hbm>>)
    %dma_wait3A_64 = arith.constant 0 : i32
    %dma_wait3A_65 = arith.constant 0 : i32
    %dma_wait3A_66 = tpu.memref_slice %arg9[%dma_wait3A_64, %dma_wait3A_65] : memref<4x64xf32, #tpu.memory_space<vmem>> -> memref<1x64xf32, #tpu.memory_space<vmem>>
    %dma_wait3A_67 = tpu.memref_squeeze %dma_wait3A_66 : memref<1x64xf32, #tpu.memory_space<vmem>> -> memref<64xf32, #tpu.memory_space<vmem>>
    %dma_wait3A_68 = arith.constant 0 : i32
    %dma_wait3A_69 = tpu.memref_slice %arg3[%mul3A_7, %dma_wait3A_68] : memref<128x64xf32, #tpu.memory_space<hbm>> -> memref<1x64xf32, #tpu.memory_space<hbm>>
    %dma_wait3A_70 = tpu.memref_squeeze %dma_wait3A_69 : memref<1x64xf32, #tpu.memory_space<hbm>> -> memref<64xf32, #tpu.memory_space<hbm>>
    %dma_wait3A_71 = arith.constant 0 : i32
    %dma_wait3A_72 = tpu.memref_slice %arg3[%mul3A_7, %dma_wait3A_71] : memref<128x64xf32, #tpu.memory_space<hbm>> -> memref<1x64xf32, #tpu.memory_space<hbm>>
    %dma_wait3A_73 = tpu.memref_squeeze %dma_wait3A_72 : memref<1x64xf32, #tpu.memory_space<hbm>> -> memref<64xf32, #tpu.memory_space<hbm>>
    %dma_wait3A_74 = arith.constant 0 : i32
    %dma_wait3A_75 = tpu.memref_slice %arg9[%dma_wait3A_64, %dma_wait3A_74] : memref<4x64xf32, #tpu.memory_space<vmem>> -> memref<1x64xf32, #tpu.memory_space<vmem>>
    %dma_wait3A_76 = tpu.memref_squeeze %dma_wait3A_75 : memref<1x64xf32, #tpu.memory_space<vmem>> -> memref<64xf32, #tpu.memory_space<vmem>>
    tpu.wait_dma2 semaphore(%arg12 : memref<!tpu.dma_semaphore, #tpu.memory_space<semaphore_mem>>) src(%dma_wait3A_76 : memref<64xf32, #tpu.memory_space<vmem>>) dst(%dma_wait3A_73 : memref<64xf32, #tpu.memory_space<hbm>>)
    return
  }
}

</mosaic_0001>

<sc_bundles>
// kernel: kernel.3.cloned.1.call-start
scs
__scs_entry_jumppad:
0x0: {  	(pc) =	sbr.rel $0x88, $3  }
0x1: {  	(tag) =	ssettag $0x0;
	lr =	simm.s32 $0x1  }
0x2: {  	[smem:$0x3FA0] =	sst lr;
	_ =	strace $0xD0000000  }
0x3: {  	_ = 	snop  }
0x4: {  	_ = 	snop  }
0x5: {  	_ = 	snop  }
0x6: {  	_ = 	snop  }
0x7: {  	_ = 	snop  }
__scs_overlays_trampoline_lowered:
0x8: {  	[smem:$0x3FAF] =	sst s0  }
0x9: {  	[smem:$0x3FB0] =	sst s1  }
0xa: {  	[smem:$0x3FB1] =	sst s2  }
0xb: {  	[smem:$0x3FB2] =	sst s3  }
0xc: {  	[smem:$0x3FB3] =	sst s4  }
0xd: {  	[smem:$0x3FB4] =	sst s5  }
0xe: {  	[smem:$0x3FB5] =	sst s6  }
0xf: {  	[smem:$0x3FB6] =	sst s7  }
0x10: {  	[smem:$0x3FB7] =	sst s8  }
0x11: {  	[smem:$0x3FB8] =	sst s9;
	s0 =	simm.s32 @!p0 $0x0  }
0x12: {  	s1 =	sld [smem:$0x3F9E];
	s0 =	simm.s32 @p0 $0x1  }
0x13: {  	[smem:$0x3FB9] =	sst s0;
	s0 =	simm.s32 @!p1 $0x0  }
0x14: {  	s2 =	sld [smem:$0x3F9D];
	s0 =	simm.s32 @p1 $0x1  }
0x15: {  	[smem:$0x3FBA] =	sst s0;
	s0 =	simm.s32 @!p2 $0x0  }
0x16: {  	s3 =	sld [smem:$0x3FDB];
	s0 =	simm.s32 @p2 $0x1  }
0x17: {  	s4 =	simm.s32 $0x1BF5;
	[smem:$0x3FBC] =	sst s0  }
0x18: {  	s0 =	sld [smem:$0x3F9F];
	_ =	swait.ge [sflag:s4], $0x0  }
0x19: {  	s7 =	sld [smem:$0x3FA0]  }
0x1a: {  	s8 =	sadd.s32 $0xFFFFE003, lr  }
0x1b: {  	s9 =	sadd.s32 $0xFFFFFEF7, lr;
	s5 =	simm.s32 $0xFFFFFFFF;
	p2 =	slt.u32 s8, $0xFFFFF086  }
0x1c: {  	p1 =	slt.u32 s9, $0xF7A;
	s5 =	simm.s32 @!p2 $0x0  }
0x1d: {  	s5 =	simm.s32 @p1 $0x1;
	p0 =	seq.s32 s7, s2  }
0x1e: {  	s7 =	smul.u32 @!p0 $0xF7A, s2;
	p2 =	seq.s32 @!p0 s5, $0x0  }
0x1f: {  	s9 =	smul.u32 $0xF7A, s1;
	s8 =	simm.s32 @!p0 $0x1BF5;
	p2 =	por !p2, p0  }
0x20: {  	[sflag:s8] =	ssyncset.s32 @!p0 $0xFFFFF086;
	s6 =	sadd.s32 @!p0 s3, s7;
	s7 =	simm.s32 @!p0 $0x108  }
0x21: {  	s3 =	sadd.s32 s3, s9;
	s6 =	sadd.s32 @!p0 $0x88, s6;
	s7 =	simm.s32 @p2 $0x1082  }
0x22: {  	[simem:s7], [sflag:s8] =	dma.local @!p0 [hbm:s6], $0xF7A  }
0x23: {  	s9 =	sor.u32 $0xD0000000, s2;
	s6 =	simm.s32 $0x108;
	_ =	swait.ge @!p0 [sflag:s8], $0x0  }
0x24: {  	s3 =	sadd.s32 $0x88, s3;
	s6 =	simm.s32 @!p1 $0x1082;
	[sflag:s4] =	ssyncset.s32 $0xFFFFF086  }
0x25: {  	[simem:s6], [sflag:s4] =	dma.local [hbm:s3], $0xF7A  }
0x26: {  	[smem:$0x3FA0] =	sst s1;
	(tag) =	ssettag s2;
	_ =	strace s9  }
0x27: {  	s1 =	sld [smem:$0x3FB0]  }
0x28: {  	s2 =	sld [smem:$0x3FB1]  }
0x29: {  	s4 =	sld [smem:$0x3FB3]  }
0x2a: {  	p0 =	seq.s32 s5, $0x0;
	s5 =	sld [smem:$0x3FB4]  }
0x2b: {  	s6 =	sld [smem:$0x3FB5]  }
0x2c: {  	s7 =	sld [smem:$0x3FB6]  }
0x2d: {  	s3 =	simm.s32 $0x108;
	s8 =	sld [smem:$0x3FB7]  }
0x2e: {  	s3 =	simm.s32 @!p0 $0x1082;
	s9 =	sld [smem:$0x3FB8]  }
0x2f: {  	lr =	sadd.s32 s0, s3;
	s0 =	sld [smem:$0x3FAF]  }
0x30: {  	s3 =	sld [smem:$0x3FB2]  }
0x31: {  	[smem:$0x3FBB] =	sst s10  }
0x32: {  	s10 =	sld [smem:$0x3FB9];
	_ =	sdelay $0x3  }
0x33: {  	p0 =	seq.s32 s10, $0x1;
	s10 =	sld [smem:$0x3FBB];
	_ =	sdelay $0x3  }
0x34: {  	[smem:$0x3FBB] =	sst s10  }
0x35: {  	s10 =	sld [smem:$0x3FBA];
	_ =	sdelay $0x3  }
0x36: {  	p1 =	seq.s32 s10, $0x1;
	s10 =	sld [smem:$0x3FBB];
	_ =	sdelay $0x3  }
0x37: {  	[smem:$0x3FBB] =	sst s10  }
0x38: {  	s10 =	sld [smem:$0x3FBC]  }
0x39: {  	_ = 	snop;
	(pc) =	sbr.ind lr, $3  }
0x3a: {  	_ = 	snop  }
0x3b: {  	_ = 	snop  }
0x3c: {  	p2 =	seq.s32 s10, $0x1;
	s10 =	sld [smem:$0x3FBB]  }
0x3d: {  	_ =	shalt  }
0x3e: {  	_ =	shalt  }
0x3f: {  	_ =	shalt  }
0x40: {  	_ =	shalt  }
0x41: {  	_ =	shalt  }
0x42: {  	_ =	shalt  }
0x43: {  	_ =	shalt  }
0x44: {  	_ =	shalt  }
0x45: {  	_ =	shalt  }
0x46: {  	_ =	shalt  }
0x47: {  	_ =	shalt  }
0x48: {  	_ =	shalt  }
0x49: {  	_ =	shalt  }
0x4a: {  	_ =	shalt  }
0x4b: {  	_ =	shalt  }
0x4c: {  	_ =	shalt  }
0x4d: {  	_ =	shalt  }
0x4e: {  	_ =	shalt  }
0x4f: {  	_ =	shalt  }
0x50: {  	_ =	shalt  }
0x51: {  	_ =	shalt  }
0x52: {  	_ =	shalt  }
0x53: {  	_ =	shalt  }
0x54: {  	_ =	shalt  }
0x55: {  	_ =	shalt  }
0x56: {  	_ =	shalt  }
0x57: {  	_ =	shalt  }
0x58: {  	_ =	shalt  }
0x59: {  	_ =	shalt  }
0x5a: {  	_ =	shalt  }
0x5b: {  	_ =	shalt  }
0x5c: {  	_ =	shalt  }
0x5d: {  	_ =	shalt  }
0x5e: {  	_ =	shalt  }
0x5f: {  	_ =	shalt  }
0x60: {  	_ =	shalt  }
0x61: {  	_ =	shalt  }
0x62: {  	_ =	shalt  }
0x63: {  	_ =	shalt  }
0x64: {  	_ =	shalt  }
0x65: {  	_ =	shalt  }
0x66: {  	_ =	shalt  }
0x67: {  	_ =	shalt  }
0x68: {  	_ =	shalt  }
0x69: {  	_ =	shalt  }
0x6a: {  	_ =	shalt  }
0x6b: {  	_ =	shalt  }
0x6c: {  	_ =	shalt  }
0x6d: {  	_ =	shalt  }
0x6e: {  	_ =	shalt  }
0x6f: {  	_ =	shalt  }
0x70: {  	_ =	shalt  }
0x71: {  	_ =	shalt  }
0x72: {  	_ =	shalt  }
0x73: {  	_ =	shalt  }
0x74: {  	_ =	shalt  }
0x75: {  	_ =	shalt  }
0x76: {  	_ =	shalt  }
0x77: {  	_ =	shalt  }
0x78: {  	_ =	shalt  }
0x79: {  	_ =	shalt  }
0x7a: {  	_ =	shalt  }
0x7b: {  	_ =	shalt  }
0x7c: {  	_ =	shalt  }
0x7d: {  	_ =	shalt  }
0x7e: {  	_ =	shalt  }
0x7f: {  	_ =	shalt  }
0x80: {  	_ =	shalt  }
0x81: {  	_ =	shalt  }
0x82: {  	_ =	shalt  }
0x83: {  	_ =	shalt  }
0x84: {  	_ =	shalt  }
0x85: {  	_ =	shalt  }
0x86: {  	_ =	shalt  }
0x87: {  	_ =	shalt  }
.Lfunc_end0:
.L_simem_size_0:
called_computation_lowered:
.L_overlay_start_0:
0x88: {  	s2 =	sld [smem:$0x3FD9]  }
0x89: {  	s3 =	sld [smem:$0x3FFE];
	_ =	sdelay $0x1  }
0x8a: {  	s1 =	srdreg.scid  }
0x8b: {  	s0 =	sand.u32 $0x1, s1  }
0x8c: {  	s17 =	sshll.u32 s0, $0xA;
	s2 =	sadd.s32 s3, s2  }
0x8d: {  	s2 =	sadd.s32 s2, s17  }
0x8e: {  	[smem:$0x3FC7] =	sst s2  }
0x8f: {  	_ = 	snop  }
0x90: {  	s2 =	sld [smem:$0x3FC9];
	(tm) =	ssettm $0x1  }
0x91: {  	s18 =	sld [smem:$0x3FFB];
	_ =	sdelay $0x3  }
0x92: {  	_ =	strace s18  }
0x93: {  	s3 =	sld [smem:$0x3FFC];
	_ =	sdelay $0x3  }
0x94: {  	_ =	strace s3  }
0x95: {  	s3 =	sld [smem:$0x3FFD];
	_ =	sdelay $0x3  }
0x96: {  	_ =	strace s3  }
0x97: {  	_ =	strace $0x8FFFFFFF  }
0x98: {  	s19 =	sld [smem:$0x3FDB];
	_ =	sdelay $0x1  }
0x99: {  	s4 =	simm.s32 $_scs_section_size  }
0x9a: {  	s5 =	simm.s32 $_size__tile_overlayer_lowered;
	s6 =	simm.s32 $_tile_overlayer_lowered  }
0x9b: {  	s22 =	simm.s32 $0x1BFF;
	s21 =	sshll.u32 s6, $0x1;
	s3 =	sadd.s32 s4, s19  }
0x9c: {  	s7 =	simm.s32 $0x0;
	s20 =	sshll.u32 s5, $0x1;
	s5 =	sadd.s32 s21, s3  }
0x9d: {  	[timem:s7], [sflag:s22] =	dma.local [hbm:s5], s20  }
0x9e: {  	_ =	swait.ge [sflag:s22], s20  }
0x9f: {  	s4 =	ssub.s32 $0x0, s20;
	[sflag:s22] =	ssyncset.done $0x0  }
0xa0: {  	[sflag:s22] =	ssyncadd.s32 s4;
	_ =	sdelay $0x1  }
0xa1: {  	s23 =	simm.s32 $0x1B8B  }
0xa2: {  	_ =	swait.ge [sflag:s23], $0x1  }
0xa3: {  	[sflag:s23] =	ssyncset.done $0x0  }
0xa4: {  	s25 =	simm.s32 $0x1B8E;
	s24 =	sld [smem:$0x3FFE];
	[sflag:s23] =	ssyncadd.s32 $0xFFFFFFFF  }
0xa5: {  	s26 =	simm.s32 $execute0_lowered;
	[smem:$0x3FD2] =	sst s25  }
0xa6: {  	s5 =	sshll.u32 s26, $0x1;
	_ =	strace $0x80000046;
	[dreg:$0x1] =	wrdreg $0xFFFFFFFF  }
0xa7: {  	s28 =	simm.s32 $_size_execute0_lowered;
	s3 =	sadd.s32 s3, s5;
	[dreg:$0x0] =	wrdreg $0x0  }
0xa8: {  	s5 =	sshll.u32 s28, $0x1;
	[dreg:$0x2] =	wrdreg s3  }
0xa9: {  	[dreg:$0x3] =	wrdreg s5  }
0xaa: {  	[dreg:$0x4] =	wrdreg $0xC0  }
0xab: {  	_ =	task [dreg:s7], $0x5FFFF  }
0xac: {  	[dreg:$0x1] =	wrdreg $0xFFFFFFFF  }
0xad: {  	[dreg:$0x0] =	wrdreg $0x60  }
0xae: {  	[dreg:$0x2] =	wrdreg s2  }
0xaf: {  	[dreg:$0x3] =	wrdreg s24  }
0xb0: {  	[dreg:$0x4] =	wrdreg $0x9  }
0xb1: {  	_ =	task.clear_ibuf [dreg:s7], $0x5FFFF;
	_ =	strace $0x90000046  }
0xb2: {  	s29 =	simm.s32 $0x9;
	_ =	strace $0x80000048  }
0xb3: {  	_ =	swait.ge [sflag:s29], $0x1  }
0xb4: {  	[sflag:s29] =	ssyncadd.s32 $0xFFFFFFFF  }
0xb5: {  	_ =	strace $0x90000048  }
0xb6: {  	_ =	sfence  }
0xb7: {  	s30 =	sld [smem:$0x0];
	_ =	sdelay $0x2  }
0xb8: {  	s31 =	sshll.u32 s1, $0xD;
	s1 =	sshrl.u32 s1, $0x2  }
0xb9: {  	s3 =	sand.u32 $0x4000, s31;
	s1 =	sadd.s32 s1, s30  }
0xba: {  	s0 =	sor.u32 s3, s0;
	s1 =	sshll.u32 s1, $0x11  }
0xbb: {  	s0 =	sor.u32 s1, s0  }
0xbc: {  	s0 =	sadd.s32 $0x8F2B, s0  }
0xbd: {  	[sflag:s0] =	ssyncadd.remote.s32 $0x1  }
0xbe: {  	_ =	sfence.sel $0xFFFF  }
0xbf: {  	[dreg:$0x0] =	wrdreg $0xFFFFFFFF;
	(pc) =	sbr.abs _section_cstart, $3  }
0xc0: {  	[dreg:$0x1] =	wrdreg $0xFFFFFFFF  }
0xc1: {  	_ =	task.clear_ibuf [dreg:s7], $0x2FFFF;
	_ =	strace $0x9FFFFFFF  }
0xc2: {  	(tm) =	ssettm $0x7FFFFFFF  }
0xc3: {  	_ =	shalt  }
tec
execute0_lowered:
.L_overlay_start_1:
0x0: {  	(tag) =	ssettag $0x1  }
0x1: {  	v1 =	vlaneseq.u32;
	v3 =	vimm.s32 $0x76543210  }
0x2: {  	v6 =	vimm.s32 $0xBA98FEDC;
	v8 =	vimm.s32 $0x32107654;
	v9 =	vimm.s32 $0xDCFE98BA  }
0x3: {  	v10 =	vimm.s32 $0x54761032;
	vm0 =	vcmask $0x2F20;
	vm1 =	vcmask $0xF00  }
0x4: {  	vm4 =	vcmask $0x1710;
	v5 =	vunpack.c.l.s4.s8 v3;
	v3 =	vimm.s32 $0xFEDCBA98  }
0x5: {  	v6 =	vunpack.c.l.s4.s8 v6;
	v8 =	vunpack.c.l.s4.s8 v8;
	v7 =	vunpack.c.l.s4.s8 v3  }
0x6: {  	vm5 =	vcmask $0x700;
	vm6 =	vcmask $0x2720;
	vm7 =	vcmask $0x3730  }
0x7: {  	v6 =	vunpack.c.0.s8.s32 v6;
	v8 =	vunpack.c.0.s8.s32 v8;
	v7 =	vunpack.c.0.s8.s32 v7  }
0x8: {  	v9 =	vunpack.c.l.s4.s8 v9;
	v10 =	vunpack.c.l.s4.s8 v10;
	v5 =	vunpack.c.0.s8.s32 v5  }
0x9: {  	vm8 =	vcmask $0xB08;
	v8 =	vcombine.low v8, v6;
	v7 =	vand.u32 $0xF, v7  }
0xa: {  	v6 =	vunpack.c.0.s8.s32 v9;
	v5 =	vcombine.low v7, v5;
	v7 =	vunpack.c.0.s8.s32 v10  }
0xb: {  	vm9 =	vcmask $0x300;
	vm10 =	vcmask $0x1310;
	vm11 =	vcmask $0x1B18  }
0xc: {  	vm0 =	vmor vm1, vm0;
	[tilespmem:$0x1FF80] =	vst v5;
	v5 =	vimm.s32 $0x0;
	v9 =	vcombine.low v7, v6  }
0xd: {  	s0 =	rddreg [dreg:$0x0];
	v6 =	vimm.s32 $0xEFCDAB89;
	v5 =	vsel vm0, $0xFFFFFFFF, v5;
	vm0 =	vmor vm5, vm4  }
0xe: {  	s1 =	rddreg [dreg:$0x1];
	s2 =	simm.s32 $0x0;
	s9 =	stileid.u32;
	v7 =	vimm.s32 $0x67452301;
	v6 =	vunpack.c.l.s4.s8 v6;
	vm0 =	vmor vm0, vm6  }
0xf: {  	s3 =	srdreg.scid;
	s10 =	simm.s32 $0x400;
	s11 =	simm.s32 $0x8000;
	v7 =	vunpack.c.l.s4.s8 v7;
	[tilespmem:$0x1FF90] =	vst v5;
	v5 =	vimm.s32 $0x0;
	vm0 =	vmor vm0, vm7  }
0x10: {  	vm12 =	vcmask $0x2320;
	s12 =	simm.s32 $0x1;
	s13 =	simm.s32 $0x18000;
	s14 =	simm.s32 $0x10000;
	v5 =	vsel vm0, $0xFFFFFFFF, v5;
	vm0 =	vmor vm9, vm8  }
0x11: {  	s15 =	simm.s32 $0x18100;
	s16 =	simm.s32 $0x2;
	s17 =	simm.s32 $0x3;
	v63 =	vunpack.c.0.s8.s32 v6;
	v7 =	vunpack.c.0.s8.s32 v7;
	vm0 =	vmor vm0, vm10  }
0x12: {  	vm13 =	vcmask $0x2B28;
	vm14 =	vcmask $0x3330;
	s18 =	simm.s32 $0x0;
	[smem:$0x7FF] =	sst s2;
	s4 =	sshll.u32 s9, $0x7;
	vm0 =	vmor vm0, vm11  }
0x13: {  	s3 =	sand.u32 $0x1, s3;
	s6 =	sshll.u32 s9, $0xF;
	_ =	strace $0x80000047;
	[tilespmem:$0x1FFA0] =	vst v5;
	v10 =	vcombine.low v7, v63;
	v5 =	vand.u32 $0xF, v8;
	vm0 =	vmor vm0, vm12  }
.Ltmp0:
0x14: {  	vm15 =	vcmask $0x3B38;
	s31 =	sshll.u32 s9, $0x3;
	s9 =	simm.s32 $0x80;
	[tilespmem:$0x1FFB0] =	vst v5;
	v5 =	vand.u32 $0xF, v9;
	vm0 =	vmor vm0, vm13;
	(pc) =	sbr.rel .LBB2_1-.Ltmp0, $4  }
0x15: {  	v4 =	vmul.u32 $0xFFFFFFFF, v1;
	s5 =	ssub.s32 $0x2, s3;
	s7 =	sshll.u32 s3, $0x6;
	s1 =	sadd.s32 s4, s1;
	[tilespmem:$0x1FFC0] =	vst v5;
	v5 =	vand.u32 $0xF, v10;
	vm0 =	vmor vm0, vm14  }
0x16: {  	v44 =	vor.u32 $0xF0, v1;
	s3 =	sshll.u32 s3, $0x2;
	s8 =	sshrl.u32 s5, $0x1;
	s30 =	sor.u32 s7, s6;
	[tilespmem:$0x1FFD0] =	vst v5;
	v5 =	vimm.s32 $0x0;
	vm0 =	vmor vm0, vm15  }
0x17: {  	v0 =	vimm.s32 $0x0;
	s7 =	sadd.s32 $0x400, s1;
	s4 =	sadd.s32 s0, s30;
	s8 =	ssub.s32 s5, s8;
	[tilespmem:$0x1FFF0] =	vst v44;
	v5 =	vsel vm0, $0xFFFFFFFF, v5  }
0x18: {  	v2 =	vimm.s32 $0x1;
	v3 =	vimm.s32 $0xF;
	v4 =	vadd.s32 $0xF, v4;
	s5 =	sor.u32 s3, s31;
	s6 =	sadd.s32 $0x10, s4;
	s8 =	smax.u32 s8, $0x1;
	[tilespmem:$0x1FFE0] =	vst v5  }
.LBB2_118:
0x19: {  	_ =	swait.ge [sflag:s17], $0x80  }
0x1a: {  	[sflag:s17] =	ssyncset.done $0x0  }
0x1b: {  	[sflag:s17] =	ssyncadd.s32 $0xFFFFFF80  }
0x1c: {  	_ =	swait.ge [sflag:s17], $0x80  }
0x1d: {  	[sflag:s17] =	ssyncset.done $0x0  }
0x1e: {  	s18 =	sadd.s32 $0x1, s18;
	[sflag:s17] =	ssyncadd.s32 $0xFFFFFF80  }
0x1f: {  	p0 =	sne.s32 s18, s8;
	_ =	swait.ge [sflag:s17], $0x80  }
.Ltmp1:
0x20: {  	[sflag:s17] =	ssyncset.done $0x0;
	(pc) =	sbr.rel @!p0 .LBB2_119-.Ltmp1, $4  }
0x21: {  	[sflag:s17] =	ssyncadd.s32 $0xFFFFFF80  }
0x22: {  	_ =	swait.ge [sflag:s17], $0x80  }
0x23: {  	[sflag:s17] =	ssyncset.done $0x0  }
0x24: {  	[sflag:s17] =	ssyncadd.s32 $0xFFFFFF80  }
.LBB2_1:
.Ltmp2:
0x25: {  	(pc) =	sbr.rel .LBB2_2-.Ltmp2, $4  }
0x26: {  	_ = 	snop  }
0x27: {  	[tilespmem:s2], [sflag:$0x1] =	stream.strided.gather [hbm4b:s4+s9], $0x8000, s10, s9, $0x38;
	[tilespmem:$0x18380] =	vst v63  }
0x28: {  	p1 =	por $0x1, $0x1;
	p0 =	por $0x0, $0x0;
	s20 =	simm.s32 $0x0  }
0x29: {  	[tilespmem:s11], [sflag:$0x2] =	stream.strided.gather [hbm4b:s6+s9], $0x8000, s10, s9, $0x38;
	[tilespmem:$0x18380] =	vst v63  }
.LBB2_117:
0x2a: {  	v6 =	vld [tilespmem:$0x1FEB0]  }
0x2b: {  	v7 =	vld [tilespmem:$0x1FED0];
	_ =	sdelay $0x1  }
0x2c: {  	v5 =	vld [tilespmem:$0x1FEA0]  }
0x2d: {  	v8 =	vld [tilespmem:$0x1FEF0]  }
0x2e: {  	vm1 =	vgt.s32 v19, v6;
	v6 =	vld [tilespmem:$0x1FEC0]  }
0x2f: {  	vm2 =	vgt.s32 v19, v7;
	v7 =	vld [tilespmem:$0x1FEE0]  }
0x30: {  	v43 =	vld [tilespmem:$0x1FF00]  }
0x31: {  	vm0 =	vgt.s32 v19, v1  }
0x32: {  	v5 =	vadd.s32 v5, v20  }
0x33: {  	v6 =	vadd.s32 v6, v20  }
0x34: {  	vm3 =	vgt.s32 v19, v8;
	v7 =	vadd.s32 v7, v20  }
0x35: {  	v8 =	vadd.s32 v43, v20;
	_ =	sdelay $0x1  }
0x36: {  	[tilespmem:v5+s15+$0x0] =	vst.idx.msk vm0, v18  }
0x37: {  	[tilespmem:v6+s15+$0x0] =	vst.idx.msk vm1, v18  }
0x38: {  	[tilespmem:v7+s15+$0x0] =	vst.idx.msk vm2, v18  }
0x39: {  	[tilespmem:v8+s15+$0x0] =	vst.idx.msk vm3, v18  }
0x3a: {  	v5 =	vld [tilespmem:$0x18100]  }
0x3b: {  	v6 =	vld [tilespmem:$0x18110];
	_ =	sdelay $0x3  }
0x3c: {  	(xrf1) =	vsort.ascd.msk.u32 $0xffff, v5, v5  }
0x3d: {  	(xrf1) =	vsort.ascd.msk.u32 $0xffff, v6, v6;
	_ =	sdelay $0x1  }
0x3e: {  	v5 =	vld [tilespmem:$0x18120]  }
0x3f: {  	v6 =	vld [tilespmem:$0x18130];
	_ =	sdelay $0x3  }
0x40: {  	(xrf1) =	vsort.ascd.msk.u32 $0xffff, v5, v5  }
0x41: {  	(xrf1) =	vsort.ascd.msk.u32 $0xffff, v6, v6;
	_ =	sdelay $0x4  }
0x42: {  	v5, _, _ =	vpop (xrf1)  }
0x43: {  	v14 =	vld [tilespmem:$0x1FF80];
	v6, _, _ =	vpop (xrf1)  }
0x44: {  	v6 =	vperm.xlane v6, v4;
	_ =	sdelay $0x1  }
0x45: {  	vm8 =	vlt.s32 v5, v6  }
0x46: {  	v7 =	vsel vm8, v5, v6;
	v5 =	vsel vm8, v6, v5  }
0x47: {  	v15 =	vld [tilespmem:$0x1FFB0];
	v45 =	vperm.xlane v7, v14;
	v48 =	vperm.xlane v5, v14;
	_ =	sdelay $0x1  }
0x48: {  	v12 =	vld [tilespmem:$0x1FF90];
	v46, _, _ =	vpop (xrf1);
	vm9 =	vlt.s32 v7, v45;
	vm13 =	vlt.s32 v5, v48  }
0x49: {  	v47, _, _ =	vpop (xrf1);
	v9 =	vsel vm9, v7, v45;
	v7 =	vsel vm9, v45, v7;
	v50 =	vsel vm13, v5, v48  }
0x4a: {  	v5 =	vsel vm13, v48, v5;
	v7 =	vsel vm12, v9, v7;
	v9 =	vperm.xlane v47, v4  }
0x4b: {  	v5 =	vsel vm12, v50, v5;
	v10 =	vperm.xlane v7, v15  }
0x4c: {  	v16 =	vld [tilespmem:$0x1FFC0];
	v54 =	vperm.xlane v5, v15;
	vm11 =	vlt.s32 v46, v9  }
0x4d: {  	vm3 =	vnez.u8 v12;
	vm10 =	vlt.s32 v7, v10;
	v11 =	vsel vm11, v46, v9  }
0x4e: {  	v8 =	vsel vm11, v9, v46;
	vm6 =	vlt.s32 v5, v54;
	v6 =	vsel vm10, v7, v10  }
0x4f: {  	v7 =	vsel vm10, v10, v7;
	v13 =	vperm.xlane v8, v14;
	v58 =	vsel vm6, v5, v54  }
0x50: {  	v5 =	vsel vm6, v54, v5;
	v6 =	vsel vm3, v6, v7;
	v7 =	vperm.xlane v11, v14  }
0x51: {  	v5 =	vsel vm3, v58, v5;
	v49 =	vperm.xlane v6, v16  }
0x52: {  	v61 =	vld [tilespmem:$0x1FFA0];
	vm15 =	vlt.s32 v8, v13;
	v63 =	vperm.xlane v5, v16;
	vm14 =	vlt.s32 v11, v7  }
0x53: {  	v53 =	vsel vm15, v8, v13;
	v8 =	vsel vm15, v13, v8;
	v51 =	vsel vm14, v11, v7  }
0x54: {  	v7 =	vsel vm14, v7, v11;
	vm4 =	vlt.s32 v6, v49;
	v8 =	vsel vm12, v53, v8  }
0x55: {  	vm10 =	vlt.s32 v5, v63;
	v7 =	vsel vm12, v51, v7;
	v56 =	vperm.xlane v8, v15  }
0x56: {  	v55 =	vsel vm4, v6, v49;
	v6 =	vsel vm4, v49, v6;
	v52 =	vperm.xlane v7, v15  }
0x57: {  	v17 =	vld [tilespmem:$0x1FFD0];
	vm4 =	vnez.u8 v61;
	v20 =	vsel vm10, v5, v63;
	vm7 =	vlt.s32 v8, v56  }
0x58: {  	vm5 =	vlt.s32 v7, v52;
	v59 =	vsel vm7, v8, v56;
	v8 =	vsel vm7, v56, v8  }
0x59: {  	v57 =	vsel vm5, v7, v52;
	v7 =	vsel vm5, v52, v7;
	v8 =	vsel vm3, v59, v8  }
0x5a: {  	v5 =	vsel vm10, v63, v5;
	v7 =	vsel vm3, v57, v7;
	v62 =	vperm.xlane v8, v16  }
0x5b: {  	v6 =	vsel vm4, v55, v6;
	v5 =	vsel vm4, v20, v5;
	v60 =	vperm.xlane v7, v16  }
0x5c: {  	v27 =	vld [tilespmem:$0x1FFE0];
	v10 =	vperm.xlane v6, v17;
	v24 =	vperm.xlane v5, v17;
	vm9 =	vlt.s32 v8, v62  }
0x5d: {  	vm8 =	vlt.s32 v7, v60;
	v19 =	vsel vm9, v8, v62;
	v8 =	vsel vm9, v62, v8  }
0x5e: {  	v18 =	vsel vm8, v7, v60;
	v7 =	vsel vm8, v60, v7;
	v8 =	vsel vm4, v19, v8  }
0x5f: {  	v7 =	vsel vm4, v18, v7;
	v23 =	vperm.xlane v8, v17  }
0x60: {  	vm11 =	vlt.s32 v6, v10;
	vm15 =	vlt.s32 v5, v24;
	v21 =	vperm.xlane v7, v17  }
0x61: {  	vm5 =	vnez.u8 v27;
	v22 =	vsel vm11, v6, v10;
	vm14 =	vlt.s32 v8, v23  }
0x62: {  	v6 =	vsel vm11, v10, v6;
	vm13 =	vlt.s32 v7, v21;
	v25 =	vsel vm14, v8, v23  }
0x63: {  	v8 =	vsel vm14, v23, v8;
	v13 =	vsel vm13, v7, v21;
	v7 =	vsel vm13, v21, v7  }
0x64: {  	v26 =	vsel vm15, v5, v24;
	v8 =	vsel vm5, v25, v8;
	v7 =	vsel vm5, v13, v7  }
0x65: {  	v5 =	vsel vm15, v24, v5;
	v8 =	vperm.xlane v8, v4;
	v7 =	vperm.xlane v7, v4  }
0x66: {  	v6 =	vsel vm5, v22, v6;
	v5 =	vsel vm5, v26, v5  }
0x67: {  	vm6 =	vlt.s32 v6, v8;
	vm7 =	vlt.s32 v5, v7  }
0x68: {  	v28 =	vsel vm6, v6, v8;
	v29 =	vsel vm7, v5, v7  }
0x69: {  	vm8 =	vgt.s32 v28, v29  }
0x6a: {  	v30 =	vsel vm8, v29, v28  }
0x6b: {  	v6 =	vsel vm6, v8, v6;
	v5 =	vsel vm7, v7, v5;
	v31 =	vperm.xlane v30, v14  }
0x6c: {  	vm1 =	vgt.s32 v6, v5;
	v9 =	vsel vm8, v28, v29  }
0x6d: {  	v36 =	vsel vm1, v5, v6;
	v33 =	vperm.xlane v9, v14;
	vm9 =	vlt.s32 v30, v31  }
0x6e: {  	v38 =	vperm.xlane v36, v14;
	v32 =	vsel vm9, v30, v31;
	v11 =	vsel vm9, v31, v30  }
0x6f: {  	v5 =	vsel vm1, v6, v5;
	v34 =	vsel vm12, v32, v11  }
0x70: {  	vm10 =	vlt.s32 v9, v33;
	vm13 =	vlt.s32 v36, v38;
	v7 =	vperm.xlane v34, v15  }
0x71: {  	v35 =	vsel vm10, v9, v33;
	v9 =	vsel vm10, v33, v9;
	v40 =	vsel vm13, v36, v38  }
0x72: {  	v10 =	vsel vm13, v38, v36;
	v9 =	vsel vm12, v35, v9;
	vm11 =	vlt.s32 v34, v7  }
0x73: {  	v10 =	vsel vm12, v40, v10;
	v37 =	vsel vm11, v34, v7;
	v7 =	vsel vm11, v7, v34  }
0x74: {  	v39 =	vperm.xlane v9, v15;
	v6 =	vsel vm3, v37, v7;
	v7 =	vperm.xlane v5, v14  }
0x75: {  	v43 =	vperm.xlane v10, v15  }
0x76: {  	vm14 =	vlt.s32 v9, v39;
	vm15 =	vlt.s32 v5, v7  }
0x77: {  	vm7 =	vlt.s32 v10, v43;
	v42 =	vsel vm15, v5, v7;
	v5 =	vsel vm15, v7, v5  }
0x78: {  	v48 =	vsel vm7, v10, v43;
	v8 =	vsel vm7, v43, v10;
	v5 =	vsel vm12, v42, v5  }
0x79: {  	v8 =	vsel vm3, v48, v8;
	v12 =	vperm.xlane v6, v16;
	v45 =	vperm.xlane v5, v15  }
0x7a: {  	v41 =	vsel vm14, v9, v39;
	v50 =	vperm.xlane v8, v16  }
0x7b: {  	v7 =	vsel vm14, v39, v9;
	vm6 =	vlt.s32 v6, v12;
	vm8 =	vlt.s32 v5, v45  }
0x7c: {  	vm10 =	vlt.s32 v8, v50;
	v49 =	vsel vm8, v5, v45;
	v5 =	vsel vm8, v45, v5  }
0x7d: {  	v7 =	vsel vm3, v41, v7;
	v46 =	vsel vm6, v6, v12;
	v5 =	vsel vm3, v49, v5  }
0x7e: {  	v14 =	vsel vm10, v8, v50;
	v8 =	vsel vm10, v50, v8;
	v10 =	vperm.xlane v5, v16  }
0x7f: {  	v6 =	vsel vm6, v12, v6;
	v47 =	vperm.xlane v7, v16;
	v8 =	vsel vm4, v14, v8  }
0x80: {  	v6 =	vsel vm4, v46, v6;
	v53 =	vperm.xlane v8, v17;
	vm11 =	vlt.s32 v5, v10  }
0x81: {  	vm9 =	vlt.s32 v7, v47;
	v52 =	vsel vm11, v5, v10;
	v5 =	vsel vm11, v10, v5  }
0x82: {  	v11 =	vperm.xlane v6, v17;
	v51 =	vsel vm9, v7, v47;
	v5 =	vsel vm4, v52, v5  }
0x83: {  	v7 =	vsel vm9, v47, v7;
	vm13 =	vlt.s32 v8, v53;
	v9 =	vperm.xlane v5, v17  }
0x84: {  	vm12 =	vlt.s32 v6, v11;
	v7 =	vsel vm4, v51, v7;
	v54 =	vsel vm13, v8, v53  }
0x85: {  	v8 =	vsel vm13, v53, v8;
	v12 =	vperm.xlane v7, v17;
	vm14 =	vlt.s32 v5, v9  }
0x86: {  	v56 =	vsel vm12, v6, v11;
	v55 =	vsel vm14, v5, v9;
	v5 =	vsel vm14, v9, v5  }
0x87: {  	v8 =	vsel vm5, v54, v8;
	vm15 =	vlt.s32 v7, v12;
	v5 =	vsel vm5, v55, v5  }
0x88: {  	v57 =	vsel vm15, v7, v12;
	v7 =	vsel vm15, v12, v7;
	v5 =	vperm.xlane v5, v4  }
0x89: {  	v6 =	vsel vm12, v11, v6;
	v8 =	vperm.xlane v8, v4;
	v7 =	vsel vm5, v57, v7  }
0x8a: {  	v6 =	vsel vm5, v56, v6;
	v7 =	vperm.xlane v7, v4;
	v58 =	vshra.s32 v5, $0x1F  }
0x8b: {  	v6 =	vperm.xlane v6, v4;
	v59 =	vshra.s32 v8, $0x1F;
	v9 =	vand.u32 $0x7FFFFFFF, v58  }
0x8c: {  	v60 =	vand.u32 $0x7FFFFFFF, v59;
	v61 =	vshra.s32 v7, $0x1F;
	v5 =	vxor.u32 v5, v9  }
0x8d: {  	v63 =	vshra.s32 v6, $0x1F;
	v62 =	vand.u32 $0x7FFFFFFF, v61;
	[tilespmem:s20+$0x18200] =	vst v5;
	v5 =	vxor.u32 v8, v60  }
0x8e: {  	[tilespmem:s20+$0x18210] =	vst v5;
	v5 =	vxor.u32 v7, v62;
	v7 =	vand.u32 $0x7FFFFFFF, v63  }
0x8f: {  	[tilespmem:s20+$0x18220] =	vst v5;
	v5 =	vxor.u32 v6, v7  }
0x90: {  	s1 =	sadd.s32 $0x18200, s20;
	s3 =	sadd.s32 s21, s7;
	[tilespmem:s20+$0x18230] =	vst v5  }
0x91: {  	[hbm4b:s3+s2] =	stream.linear.scatter [tilespmem:s1], [sflag:$0x3], $0x80, $0x38;
	[tilespmem:$0x18380] =	vst v63  }
0x92: {  	p2 =	por @!p0 $0x0, $0x0;
	s1 =	sadd.s32 @!p0 $0x3, s19  }
0x93: {  	p3 =	por @!p0 $0x1, $0x1;
	p4 =	por p0, !p1;
	s3 =	sshll.u32 @!p0 s1, $0x4  }
.Ltmp3:
0x94: {  	s1 =	sshll.u32 @!p0 s1, $0xC;
	s3 =	sand.u32 @!p0 $0x70, s3;
	(pc) =	sbr.rel @p4 .LBB2_118-.Ltmp3, $4  }
0x95: {  	s20 =	simm.s32 @!p0 $0x8000;
	s1 =	sand.u32 @!p0 $0xFFF8000, s1;
	s3 =	sadd.s32 @!p0 s0, s3  }
0x96: {  	s19 =	simm.s32 @!p0 $0x400;
	s1 =	sadd.s32 @!p0 s1, s3;
	s3 =	simm.s32 @!p0 $0x80  }
0x97: {  	[tilespmem:s20], [sflag:$0x2] =	stream.strided.gather @!p0 [hbm4b:s1+s3], $0x8000, s19, s3, $0x38;
	[tilespmem:$0x18380] =	vst v63  }
0x98: {  	p1 =	por p2, p2;
	s20 =	simm.s32 @!p0 $0x1;
	p0 =	por p3, p3  }
.LBB2_2:
0x99: {  	_ =	swait.ge [sflag:s12], $0x8000  }
0x9a: {  	[sflag:s12] =	ssyncset.done $0x0  }
0x9b: {  	[sflag:s12] =	ssyncadd.s32 $0xFFFF8000  }
0x9c: {  	[tilespmem:$0x18000] =	vst v0  }
0x9d: {  	[tilespmem:$0x18010] =	vst v0  }
0x9e: {  	[tilespmem:$0x18020] =	vst v0  }
0x9f: {  	[tilespmem:$0x18030] =	vst v0  }
0xa0: {  	[tilespmem:$0x18040] =	vst v0  }
0xa1: {  	[tilespmem:$0x18050] =	vst v0  }
0xa2: {  	[tilespmem:$0x18060] =	vst v0  }
0xa3: {  	[tilespmem:$0x18070] =	vst v0  }
0xa4: {  	[tilespmem:$0x18080] =	vst v0  }
0xa5: {  	[tilespmem:$0x18090] =	vst v0  }
0xa6: {  	[tilespmem:$0x180A0] =	vst v0  }
0xa7: {  	[tilespmem:$0x180B0] =	vst v0  }
0xa8: {  	[tilespmem:$0x180C0] =	vst v0  }
0xa9: {  	[tilespmem:$0x180D0] =	vst v0  }
0xaa: {  	[tilespmem:$0x180E0] =	vst v0  }
0xab: {  	s1 =	simm.s32 $0x200;
	[tilespmem:$0x180F0] =	vst v0  }
0xac: {  	v11 =	vld [tilespmem:s1+$0x100]  }
0xad: {  	v12 =	vld [tilespmem:s1+$0xFFFFFF00]  }
0xae: {  	v14 =	vld [tilespmem:s1+$0x0]  }
0xaf: {  	v15 =	vld [tilespmem:s1+$0xFFFFFE00]  }
0xb0: {  	s31 =	simm.s32 $0x600  }
0xb1: {  	v19 =	vld [tilespmem:s31+$0x100];
	v13 =	vshra.s32 v11, $0x1F  }
0xb2: {  	v16 =	vshra.s32 v12, $0x1F;
	v13 =	vand.u32 $0x7F000000, v13  }
0xb3: {  	v17 =	vshra.s32 v14, $0x1F;
	v16 =	vand.u32 $0x7F000000, v16;
	v11 =	vxor.u32 v11, v13  }
0xb4: {  	v13 =	vshra.s32 v15, $0x1F;
	v12 =	vxor.u32 v12, v16;
	v18 =	vshra.s32 v11, $0x18;
	v11 =	vld [tilespmem:s31+$0xFFFFFF00]  }
0xb5: {  	v16 =	vand.u32 $0x7F000000, v17;
	v20 =	vand.u32 $0x7F000000, v13;
	v13 =	vld [tilespmem:s31+$0x0];
	v18 =	vadd.s32 $0x80, v18  }
0xb6: {  	v17 =	vshra.s32 v19, $0x1F;
	v14 =	vxor.u32 v14, v16;
	v16 =	vld [tilespmem:s31+$0xFFFFFE00]  }
0xb7: {  	v12 =	vshra.s32 v12, $0x18;
	v21 =	vand.u32 $0x7F000000, v17;
	v15 =	vxor.u32 v15, v20  }
0xb8: {  	v12 =	vadd.s32 $0x80, v12;
	v14 =	vshra.s32 v14, $0x18;
	v19 =	vxor.u32 v19, v21  }
0xb9: {  	v15 =	vshra.s32 v15, $0x18;
	v14 =	vadd.s32 $0x80, v14;
	v20 =	vshra.s32 v11, $0x1F  }
0xba: {  	s19 =	simm.s32 $0x4;
	s1 =	simm.s32 $0xA00;
	v15 =	vadd.s32 $0x80, v15;
	[tilespmem:v18+s13+$0x0] =	vst.idx.add.s32.msk $0xffff, v2;
	v17 =	vand.u32 $0x7F000000, v20;
	v18 =	vshra.s32 v13, $0x1F  }
.LBB2_3:
0xbb: {  	v20 =	vld [tilespmem:s1+$0x100];
	s19 =	sadd.s32 $0x4, s19;
	v21 =	vshra.s32 v16, $0x1F;
	v18 =	vand.u32 $0x7F000000, v18;
	v19 =	vshra.s32 v19, $0x18  }
0xbc: {  	v17 =	vxor.u32 v11, v17;
	p2 =	slt.u32 s19, $0x7C;
	v21 =	vand.u32 $0x7F000000, v21;
	v11 =	vld [tilespmem:s1+$0xFFFFFF00];
	v19 =	vadd.s32 $0x80, v19  }
0xbd: {  	v17 =	vshra.s32 v17, $0x18;
	v18 =	vxor.u32 v13, v18;
	v21 =	vxor.u32 v16, v21;
	v13 =	vld [tilespmem:s1+$0x0]  }
.Ltmp4:
0xbe: {  	v17 =	vadd.s32 $0x80, v17;
	v18 =	vshra.s32 v18, $0x18;
	v16 =	vld [tilespmem:s1+$0xFFFFFE00];
	v21 =	vshra.s32 v21, $0x18;
	(pc) =	sbr.rel @p2 .LBB2_3-.Ltmp4, $4  }
0xbf: {  	v22 =	vadd.s32 $0x80, v18;
	[tilespmem:v15+s13+$0x0] =	vst.idx.add.s32.msk $0xffff, v2;
	v15 =	vadd.s32 $0x80, v21  }
0xc0: {  	v18 =	vshra.s32 v20, $0x1F;
	[tilespmem:v12+s13+$0x0] =	vst.idx.add.s32.msk $0xffff, v2;
	v12 =	vmov v17  }
0xc1: {  	v17 =	vshra.s32 v11, $0x1F;
	v21 =	vand.u32 $0x7F000000, v18;
	[tilespmem:v19+s13+$0x0] =	vst.idx.add.s32.msk $0xffff, v2  }
0xc2: {  	s1 =	sadd.s32 $0x400, s1;
	v17 =	vand.u32 $0x7F000000, v17;
	v18 =	vshra.s32 v13, $0x1F;
	v19 =	vxor.u32 v20, v21;
	[tilespmem:v14+s13+$0x0] =	vst.idx.add.s32.msk $0xffff, v2;
	v14 =	vmovc v22  }
0xc3: {  	v20 =	vshra.s32 v16, $0x1F;
	v19 =	vshra.s32 v19, $0x18  }
0xc4: {  	v18 =	vand.u32 $0x7F000000, v18;
	v11 =	vxor.u32 v11, v17;
	v20 =	vand.u32 $0x7F000000, v20  }
0xc5: {  	v19 =	vadd.s32 $0x80, v19;
	v11 =	vshra.s32 v11, $0x18;
	v13 =	vxor.u32 v13, v18  }
0xc6: {  	v63 =	vxor.u32 v16, v20;
	v11 =	vadd.s32 $0x80, v11;
	v13 =	vshra.s32 v13, $0x18  }
0xc7: {  	[tilespmem:v15+s13+$0x0] =	vst.idx.add.s32.msk $0xffff, v2;
	v16 =	vshra.s32 v63, $0x18;
	v13 =	vadd.s32 $0x80, v13  }
0xc8: {  	[tilespmem:v12+s13+$0x0] =	vst.idx.add.s32.msk $0xffff, v2;
	v16 =	vadd.s32 $0x80, v16  }
0xc9: {  	[tilespmem:v14+s13+$0x0] =	vst.idx.add.s32.msk $0xffff, v2;
	p4 =	por $0x1, $0x1  }
.Ltmp5:
0xca: {  	[tilespmem:v19+s13+$0x0] =	vst.idx.add.s32.msk $0xffff, v2;
	(pc) =	sbr.rel @!p4 .LBB2_5-.Ltmp5, $4  }
0xcb: {  	[tilespmem:v11+s13+$0x0] =	vst.idx.add.s32.msk $0xffff, v2  }
0xcc: {  	[tilespmem:v13+s13+$0x0] =	vst.idx.add.s32.msk $0xffff, v2  }
0xcd: {  	s22 =	simm.s32 $0x0;
	s19 =	simm.s32 $0x18020;
	[tilespmem:v16+s13+$0x0] =	vst.idx.add.s32.msk $0xffff, v2  }
0xce: {  	s21 =	simm.s32 $0x4;
	p2 =	por $0x0, $0x0;
	p3 =	por $0x0, $0x0;
	v11 =	vimm.s32 $0x0;
	v12 =	vld [tilespmem:s19+$0xFFFFFFE0]  }
0xcf: {  	v14 =	vld [tilespmem:s19+$0xFFFFFFF0]  }
0xd0: {  	v15 =	vld [tilespmem:s19+$0x0];
	p4 =	por $0x1, $0x1  }
.Ltmp6:
0xd1: {  	_ = 	snop;
	(pc) =	sbr.rel @!p4 .LBB2_7-.Ltmp6, $4  }
0xd2: {  	_ = 	snop  }
0xd3: {  	(xrf0) =	vadd.scan.msk.s32 $0xffff, v12  }
0xd4: {  	v13 =	vld [tilespmem:s19+$0x10];
	s19 =	simm.s32 $0x18060;
	(xrf0) =	vadd.scan.msk.s32 $0xffff, v14  }
0xd5: {  	s23 =	simm.s32 $0x8;
	p2 =	por $0x1, $0x1;
	v12 =	vld [tilespmem:s19+$0xFFFFFFE0];
	(xrf0) =	vadd.scan.msk.s32 $0xffff, v15  }
0xd6: {  	_ =	sdelay $0x2  }
0xd7: {  	v15 =	vld [tilespmem:s19+$0xFFFFFFF0];
	(xrf0) =	vadd.scan.msk.s32 $0xffff, v13  }
0xd8: {  	v18 =	vld [tilespmem:s19+$0x0];
	v16 =	vmov s22;
	p4 =	por $0x1, $0x1;
	v13, _, _ =	vpop (xrf0)  }
.Ltmp7:
0xd9: {  	s31 =	simm.s32 $0x1;
	v17 =	vperm.xlane v13, v3;
	v13 =	vld [tilespmem:s19+$0x10];
	(pc) =	sbr.rel @!p4 .LBB2_9-.Ltmp7, $4  }
0xda: {  	s1 =	simm.s32 $0x3;
	s3 =	simm.s32 $0x2;
	v19 =	vmov s31  }
0xdb: {  	v14 =	vmov s1;
	vm1 =	veq.s32 v16, v1;
	(xrf0) =	vadd.scan.msk.s32 $0xffff, v12;
	v12 =	vmov s3;
	v16, _, _ =	vpop (xrf0)  }
0xdc: {  	s19 =	simm.s32 $0x180A0;
	(xrf0) =	vadd.scan.msk.s32 $0xffff, v15;
	v16 =	vperm.xlane v16, v3;
	vm0 =	veq.s32 v12, v1;
	v15, _, _ =	vpop (xrf0);
	v17 =	vnsel vm1, $0x0, v17  }
0xdd: {  	s22 =	simm.s32 $0xC;
	p3 =	por $0x1, $0x1;
	v12 =	vld [tilespmem:s19+$0xFFFFFFE0];
	(xrf0) =	vadd.scan.msk.s32 $0xffff, v18;
	vm1 =	veq.s32 v19, v1;
	v18 =	vperm.xlane v15, v3;
	v15 =	vimm.s32 $0x0;
	v19, _, _ =	vpop (xrf0)  }
.LBB2_10:
0xde: {  	p4 =	slt.u32 s22, $0xC;
	v20 =	vld [tilespmem:s19+$0xFFFFFFF0];
	(xrf0) =	vadd.scan.msk.s32 $0xffff, v13;
	v13 =	vadd.s32 v15, v17;
	v15 =	vnsel vm1, $0x0, v16;
	v16 =	vperm.xlane v19, v3  }
0xdf: {  	v17 =	vld [tilespmem:s19+$0x0];
	v15 =	vadd.s32 v15, v13;
	v18 =	vnsel vm0, $0x0, v18;
	vm0 =	veq.s32 v14, v1  }
.Ltmp8:
0xe0: {  	s1 =	sadd.s32 $0x3, s21;
	v13 =	vld [tilespmem:s19+$0x10];
	v15 =	vadd.s32 v18, v15;
	v5 =	vnsel vm0, $0x0, v16;
	(pc) =	sbr.rel @p4 .LBB2_10-.Ltmp8, $4  }
0xe1: {  	s3 =	sadd.s32 $0x2, s21;
	v14 =	vmov s1;
	v18 =	vmov s21;
	v19, _, _ =	vpop (xrf0);
	v15 =	vadd.s32 v5, v15  }
0xe2: {  	s1 =	sadd.s32 $0x1, s21;
	s21 =	smov.u32 s23;
	s23 =	smov.u32 s22;
	vm1 =	veq.s32 v18, v1;
	(xrf0) =	vadd.scan.msk.s32 $0xffff, v12;
	v18 =	vperm.xlane v19, v3;
	v12 =	vmov s3;
	v16, _, _ =	vpop (xrf0)  }
0xe3: {  	s19 =	sadd.s32 $0x40, s19;
	v5 =	vmov s1;
	(xrf0) =	vadd.scan.msk.s32 $0xffff, v20;
	v16 =	vperm.xlane v16, v3;
	vm0 =	veq.s32 v12, v1;
	v20, _, _ =	vpop (xrf0)  }
0xe4: {  	s22 =	sadd.s32 $0x4, s22;
	v12 =	vld [tilespmem:s19+$0xFFFFFFE0];
	(xrf0) =	vadd.scan.msk.s32 $0xffff, v17;
	v17 =	vnsel vm1, $0x0, v18;
	vm1 =	veq.s32 v5, v1;
	v18 =	vperm.xlane v20, v3;
	v19, _, _ =	vpop (xrf0)  }
0xe5: {  	s22 =	smov.u32 s23  }
.LBB2_12:
0xe6: {  	v15 =	vadd.s32 @p3 v15, v17;
	v16 =	vnsel @p3 vm1, $0x0, v16;
	(xrf0) =	vadd.scan.msk.s32 @p2 $0xffff, v13;
	v13 =	vperm.xlane @p3 v19, v3  }
0xe7: {  	s1 =	sadd.s32 @p2 $0x3, s21;
	v15 =	vadd.s32 @p3 v16, v15;
	v16 =	vnsel @p3 vm0, $0x0, v18;
	vm0 =	veq.s32 @p3 v14, v1  }
0xe8: {  	s3 =	sadd.s32 @p2 $0x1, s21;
	v17 =	vmov @p2 s1;
	s1 =	sadd.s32 @p2 $0x2, s21;
	v14 =	vadd.s32 @p3 v16, v15;
	v16 =	vmov @p2 s21  }
0xe9: {  	v21 =	vmov @p2 s3;
	v15 =	vld [tilespmem:s19+$0xFFFFFFF0];
	v13 =	vnsel @p3 vm0, $0x0, v13;
	v18, _, _ =	vpop @p2 (xrf0);
	v20 =	vmov @p2 s1  }
0xea: {  	v19 =	vld [tilespmem:s19+$0x0];
	v13 =	vadd.s32 @p3 v13, v14;
	v14 =	vperm.xlane @p2 v18, v3;
	vm1 =	veq.s32 @p2 v20, v1  }
0xeb: {  	vm0 =	veq.s32 @p2 v16, v1;
	v18 =	vld [tilespmem:s19+$0x10];
	v13 =	vpsel p3, v13, v11;
	vm1 =	vmmov @p2 vm1;
	v16, _, _ =	vpop @p2 (xrf0)  }
0xec: {  	(xrf0) =	vadd.scan.msk.s32 $0xffff, v12;
	v14 =	vnsel @p2 vm0, $0x0, v14;
	vm0 =	veq.s32 @p2 v21, v1;
	v16 =	vperm.xlane @p2 v16, v3;
	v12, _, _ =	vpop @p2 (xrf0)  }
0xed: {  	v14 =	vpsel p2, v14, v0;
	vm0 =	vmmov @p2 vm0;
	v12 =	vperm.xlane @p2 v12, v3;
	v20, _, _ =	vpop @p2 (xrf0)  }
0xee: {  	(xrf0) =	vadd.scan.msk.s32 $0xffff, v15;
	v13 =	vadd.s32 @p2 v13, v14;
	v15 =	vpsel p2, v16, v0;
	v16 =	vpsel p2, v20, v0  }
0xef: {  	(xrf0) =	vadd.scan.msk.s32 $0xffff, v19;
	v12 =	vpsel p2, v12, v0;
	v14 =	vnsel @p2 vm0, $0x0, v15;
	v15 =	vperm.xlane @p2 v16, v3  }
0xf0: {  	v17 =	vpsel p2, v17, v0;
	(xrf0) =	vadd.scan.msk.s32 $0xffff, v18;
	v13 =	vadd.s32 @p2 v14, v13;
	v12 =	vnsel @p2 vm1, $0x0, v12  }
0xf1: {  	s28 =	sadd.s32 $0x2, s22;
	vm0 =	veq.s32 @p2 v17, v1;
	v14 =	vmov s22;
	v12 =	vadd.s32 @p2 v12, v13  }
0xf2: {  	s29 =	sadd.s32 $0x1, s22;
	v13 =	vnsel @p2 vm0, $0x0, v15;
	vm0 =	veq.s32 v14, v1;
	v14 =	vmov s28  }
0xf3: {  	s26 =	sadd.s32 $0x3, s22;
	v17 =	vmov s29;
	v15, _, _ =	vpop (xrf0)  }
0xf4: {  	v16 =	vmov s26;
	v12 =	vadd.s32 @p2 v13, v12;
	v13 =	vperm.xlane v15, v3;
	v15, _, _ =	vpop (xrf0)  }
0xf5: {  	vm1 =	veq.s32 v14, v1;
	v11 =	vpsel p2, v12, v11;
	v15 =	vperm.xlane v15, v3;
	v14, _, _ =	vpop (xrf0)  }
0xf6: {  	v13 =	vnsel vm0, $0x0, v13;
	vm0 =	veq.s32 v17, v1;
	v14 =	vperm.xlane v14, v3;
	v17, _, _ =	vpop (xrf0)  }
0xf7: {  	v11 =	vadd.s32 v11, v13;
	v12 =	vnsel vm0, $0x0, v15;
	v13 =	vperm.xlane v17, v3  }
0xf8: {  	vm0 =	veq.s32 v16, v1;
	v11 =	vadd.s32 v12, v11;
	v12 =	vnsel vm1, $0x0, v14  }
0xf9: {  	v11 =	vadd.s32 v12, v11;
	v12 =	vnsel vm0, $0x0, v13  }
0xfa: {  	v11 =	vadd.s32 v12, v11  }
0xfb: {  	v11 =	vperm.xlane v11, v4;
	_ =	sdelay $0x1  }
0xfc: {  	(xrf0) =	vadd.scan.msk.s32 $0xffff, v11;
	_ =	sdelay $0x5  }
0xfd: {  	v12, _, _ =	vpop (xrf0)  }
0xfe: {  	vm0 =	vgt.s32 v12, $0xF  }
0xff: {  	v13 =	vmctz.xlane vm0;
	_ =	sdelay $0x1  }
0x100: {  	v14 =	vshll.u32 v13, $0x4  }
0x101: {  	v15 =	vsub.s32 v44, v14;
	_ =	sdelay $0x4  }
0x102: {  	v15 =	vld.idx.msk [tilespmem:v15+s13+$0x0], $0xffff;
	[tilespmem:$0x18000] =	vst v0  }
0x103: {  	[tilespmem:$0x18010] =	vst v0  }
0x104: {  	[tilespmem:$0x18020] =	vst v0  }
0x105: {  	[tilespmem:$0x18030] =	vst v0  }
0x106: {  	[tilespmem:$0x18040] =	vst v0  }
0x107: {  	[tilespmem:$0x18050] =	vst v0  }
0x108: {  	[tilespmem:$0x18060] =	vst v0  }
0x109: {  	[tilespmem:$0x18070] =	vst v0;
	v15 =	vperm.xlane v15, v4  }
0x10a: {  	[tilespmem:$0x18080] =	vst v0  }
0x10b: {  	[tilespmem:$0x18090] =	vst v0;
	(xrf0) =	vadd.scan.msk.s32 $0xffff, v15  }
0x10c: {  	v16 =	vshrl.u32 v13, $0x1B;
	[tilespmem:$0x180A0] =	vst v0  }
0x10d: {  	v16 =	vand.u32 $0x10, v16;
	[tilespmem:$0x180B0] =	vst v0  }
0x10e: {  	v13 =	vadd.s32 v13, v16;
	[tilespmem:$0x180C0] =	vst v0  }
0x10f: {  	v12 =	vperm.xlane v12, v13;
	v11 =	vperm.xlane v11, v13;
	[tilespmem:$0x180D0] =	vst v0  }
0x110: {  	[tilespmem:$0x180E0] =	vst v0  }
0x111: {  	s30 =	simm.s32 $0x200;
	v12 =	vsub.s32 v12, v11;
	[tilespmem:$0x180F0] =	vst v0;
	v13, _, _ =	vpop (xrf0)  }
0x112: {  	v17 =	vld [tilespmem:s30+$0x100];
	v11 =	vadd.s32 v12, v13  }
0x113: {  	v19 =	vld [tilespmem:s30+$0xFFFFFF00];
	vm0 =	vgt.s32 v11, $0xF  }
0x114: {  	v18 =	vmctz.xlane vm0  }
0x115: {  	v21 =	vld [tilespmem:s30+$0xFFFFFE00]  }
0x116: {  	v20 =	vld [tilespmem:s30+$0x0];
	v16 =	vshrl.u32 v18, $0x1B  }
0x117: {  	v11 =	vadd.s32 v14, v18;
	v14 =	vand.u32 $0x10, v16  }
0x118: {  	v22 =	vshra.s32 v19, $0x1F;
	v14 =	vadd.s32 v18, v14;
	v18 =	vshra.s32 v17, $0x1F  }
0x119: {  	v16 =	vsub.s32 $0xFF, v11;
	v13 =	vperm.xlane v13, v14;
	v18 =	vand.u32 $0x7FFFFFFF, v18  }
0x11a: {  	v14 =	vperm.xlane v15, v14;
	v15 =	vand.u32 $0x7FFFFFFF, v22;
	v22 =	vshra.s32 v21, $0x1F  }
0x11b: {  	v17 =	vxor.u32 v17, v18;
	v18 =	vshra.s32 v20, $0x1F;
	v22 =	vand.u32 $0x7FFFFFFF, v22  }
0x11c: {  	v15 =	vxor.u32 v19, v15;
	v23 =	vshra.s32 v17, $0x18;
	v18 =	vand.u32 $0x7FFFFFFF, v18  }
0x11d: {  	s31 =	simm.s32 $0x600;
	v19 =	vxor.u32 v21, v22;
	v17 =	vshrl.u32 v17, $0x10;
	v23 =	vadd.s32 $0x80, v23  }
0x11e: {  	v21 =	vld [tilespmem:s31+$0x100];
	v22 =	vshra.s32 v19, $0x18;
	v20 =	vxor.u32 v20, v18;
	v19 =	vshrl.u32 v19, $0x10  }
0x11f: {  	v24 =	vld [tilespmem:s31+$0xFFFFFF00];
	vm1 =	veq.s32 v23, v16;
	v23 =	vand.u32 $0xFF, v17;
	v17 =	vadd.s32 $0x80, v22  }
0x120: {  	v18 =	vld [tilespmem:s31+$0x0];
	v22 =	vshra.s32 v15, $0x18;
	v25 =	vshra.s32 v20, $0x18;
	v15 =	vshrl.u32 v15, $0x10  }
0x121: {  	v26 =	vld [tilespmem:s31+$0xFFFFFE00];
	v22 =	vadd.s32 $0x80, v22;
	v25 =	vadd.s32 $0x80, v25;
	vm2 =	veq.s32 v17, v16  }
0x122: {  	v17 =	vshrl.u32 v20, $0x10;
	v20 =	vand.u32 $0xFF, v19;
	vm3 =	veq.s32 v22, v16  }
0x123: {  	v15 =	vand.u32 $0xFF, v15;
	vm0 =	veq.s32 v25, v16;
	v19 =	vshra.s32 v21, $0x1F  }
0x124: {  	v17 =	vand.u32 $0xFF, v17;
	v22 =	vshra.s32 v24, $0x1F;
	v19 =	vand.u32 $0x7FFFFFFF, v19  }
0x125: {  	v22 =	vand.u32 $0x7FFFFFFF, v22;
	v63 =	vxor.u32 v21, v19;
	v19 =	vshra.s32 v18, $0x1F  }
0x126: {  	[tilespmem:v23+s13+$0x0] =	vst.idx.add.s32.msk vm1, v2;
	v23 =	vshra.s32 v26, $0x1F;
	v21 =	vand.u32 $0x7FFFFFFF, v19;
	v27 =	vshra.s32 v63, $0x18  }
0x127: {  	v19 =	vxor.u32 v24, v22;
	v23 =	vand.u32 $0x7FFFFFFF, v23;
	v22 =	vadd.s32 $0x80, v27;
	[tilespmem:v20+s13+$0x0] =	vst.idx.add.s32.msk vm2, v2  }
0x128: {  	s21 =	simm.s32 $0xA00;
	s19 =	simm.s32 $0x4;
	v20 =	vxor.u32 v26, v23;
	vm1 =	veq.s32 v22, v16;
	v22 =	vshrl.u32 v63, $0x10;
	[tilespmem:v15+s13+$0x0] =	vst.idx.add.s32.msk vm3, v2  }
.LBB2_13:
0x129: {  	v23 =	vld [tilespmem:s21+$0x100];
	s19 =	sadd.s32 $0x4, s19;
	v15 =	vshra.s32 v20, $0x18;
	v21 =	vxor.u32 v18, v21;
	v22 =	vand.u32 $0xFF, v22  }
0x12a: {  	v25 =	vshra.s32 v19, $0x18;
	v24 =	vld [tilespmem:s21+$0xFFFFFF00];
	p2 =	slt.u32 s19, $0x7C;
	v15 =	vadd.s32 $0x80, v15;
	v26 =	vshra.s32 v21, $0x18  }
0x12b: {  	v20 =	vshrl.u32 v20, $0x10;
	v25 =	vadd.s32 $0x80, v25;
	v18 =	vld [tilespmem:s21+$0x0];
	v26 =	vadd.s32 $0x80, v26  }
0x12c: {  	vm2 =	veq.s32 v15, v16;
	v15 =	vshrl.u32 v19, $0x10;
	v19 =	vshrl.u32 v21, $0x10;
	v27 =	vld [tilespmem:s21+$0xFFFFFE00]  }
0x12d: {  	v20 =	vand.u32 $0xFF, v20;
	vm3 =	veq.s32 v25, v16;
	[tilespmem:v17+s13+$0x0] =	vst.idx.add.s32.msk vm0, v2;
	vm0 =	veq.s32 v26, v16  }
0x12e: {  	v25 =	vand.u32 $0xFF, v15;
	v17 =	vand.u32 $0xFF, v19;
	v21 =	vshra.s32 v23, $0x1F;
	[tilespmem:v22+s13+$0x0] =	vst.idx.add.s32.msk vm1, v2  }
.Ltmp9:
0x12f: {  	v15 =	vimm.s32 $0x0;
	v19 =	vshra.s32 v24, $0x1F;
	v21 =	vand.u32 $0x7FFFFFFF, v21;
	(pc) =	sbr.rel @p2 .LBB2_13-.Ltmp9, $4  }
0x130: {  	v19 =	vand.u32 $0x7FFFFFFF, v19;
	v22 =	vshra.s32 v18, $0x1F;
	v23 =	vxor.u32 v23, v21  }
0x131: {  	v26 =	vshra.s32 v27, $0x1F;
	v21 =	vand.u32 $0x7FFFFFFF, v22;
	v22 =	vshra.s32 v23, $0x18  }
0x132: {  	v19 =	vxor.u32 v24, v19;
	v26 =	vand.u32 $0x7FFFFFFF, v26;
	v22 =	vadd.s32 $0x80, v22;
	[tilespmem:v20+s13+$0x0] =	vst.idx.add.s32.msk vm2, v2  }
0x133: {  	s21 =	sadd.s32 $0x400, s21;
	v20 =	vxor.u32 v27, v26;
	vm1 =	veq.s32 v22, v16;
	v22 =	vshrl.u32 v23, $0x10;
	[tilespmem:v25+s13+$0x0] =	vst.idx.add.s32.msk vm3, v2  }
0x134: {  	v23 =	vshra.s32 v20, $0x18  }
0x135: {  	v18 =	vxor.u32 v18, v21;
	v60 =	vand.u32 $0xFF, v22;
	v62 =	vshra.s32 v19, $0x18  }
0x136: {  	v63 =	vshrl.u32 v20, $0x10;
	v19 =	vshrl.u32 v19, $0x10;
	v61 =	vadd.s32 $0x80, v23  }
0x137: {  	v24 =	vshra.s32 v18, $0x18;
	v23 =	vadd.s32 $0x80, v62;
	vm2 =	veq.s32 v61, v16  }
0x138: {  	v20 =	vand.u32 $0xFF, v63;
	v24 =	vadd.s32 $0x80, v24;
	vm3 =	veq.s32 v23, v16  }
0x139: {  	v18 =	vshrl.u32 v18, $0x10;
	vm4 =	veq.s32 v24, v16;
	v16 =	vand.u32 $0xFF, v19  }
0x13a: {  	v18 =	vand.u32 $0xFF, v18  }
0x13b: {  	[tilespmem:v17+s13+$0x0] =	vst.idx.add.s32.msk vm0, v2;
	p4 =	por $0x1, $0x1  }
.Ltmp10:
0x13c: {  	[tilespmem:v60+s13+$0x0] =	vst.idx.add.s32.msk vm1, v2;
	(pc) =	sbr.rel @!p4 .LBB2_15-.Ltmp10, $4  }
0x13d: {  	[tilespmem:v20+s13+$0x0] =	vst.idx.add.s32.msk vm2, v2  }
0x13e: {  	[tilespmem:v16+s13+$0x0] =	vst.idx.add.s32.msk vm3, v2  }
0x13f: {  	s22 =	simm.s32 $0x0;
	s21 =	simm.s32 $0x18020;
	[tilespmem:v18+s13+$0x0] =	vst.idx.add.s32.msk vm4, v2  }
0x140: {  	s19 =	simm.s32 $0x4;
	p2 =	por $0x0, $0x0;
	p3 =	por $0x0, $0x0;
	v16 =	vld [tilespmem:s21+$0xFFFFFFE0]  }
0x141: {  	v18 =	vld [tilespmem:s21+$0xFFFFFFF0]  }
0x142: {  	v19 =	vld [tilespmem:s21+$0x0];
	p4 =	por $0x1, $0x1  }
.Ltmp11:
0x143: {  	_ = 	snop;
	(pc) =	sbr.rel @!p4 .LBB2_17-.Ltmp11, $4  }
0x144: {  	_ = 	snop  }
0x145: {  	(xrf0) =	vadd.scan.msk.s32 $0xffff, v16  }
0x146: {  	v17 =	vld [tilespmem:s21+$0x10];
	s21 =	simm.s32 $0x18060;
	(xrf0) =	vadd.scan.msk.s32 $0xffff, v18  }
0x147: {  	s23 =	simm.s32 $0x8;
	p2 =	por $0x1, $0x1;
	v16 =	vld [tilespmem:s21+$0xFFFFFFE0];
	(xrf0) =	vadd.scan.msk.s32 $0xffff, v19  }
0x148: {  	_ =	sdelay $0x2  }
0x149: {  	v19 =	vld [tilespmem:s21+$0xFFFFFFF0];
	(xrf0) =	vadd.scan.msk.s32 $0xffff, v17  }
0x14a: {  	v22 =	vld [tilespmem:s21+$0x0];
	v20 =	vmov s22;
	p4 =	por $0x1, $0x1;
	v17, _, _ =	vpop (xrf0)  }
.Ltmp12:
0x14b: {  	s31 =	simm.s32 $0x1;
	v21 =	vperm.xlane v17, v3;
	v17 =	vld [tilespmem:s21+$0x10];
	(pc) =	sbr.rel @!p4 .LBB2_19-.Ltmp12, $4  }
0x14c: {  	s1 =	simm.s32 $0x3;
	s3 =	simm.s32 $0x2;
	v23 =	vmov s31  }
0x14d: {  	v18 =	vmov s1;
	vm1 =	veq.s32 v20, v1;
	(xrf0) =	vadd.scan.msk.s32 $0xffff, v16;
	v16 =	vmov s3;
	v20, _, _ =	vpop (xrf0)  }
0x14e: {  	s21 =	simm.s32 $0x180A0;
	(xrf0) =	vadd.scan.msk.s32 $0xffff, v19;
	v20 =	vperm.xlane v20, v3;
	vm0 =	veq.s32 v16, v1;
	v19, _, _ =	vpop (xrf0);
	v21 =	vnsel vm1, $0x0, v21  }
0x14f: {  	s24 =	simm.s32 $0xC;
	p3 =	por $0x1, $0x1;
	v16 =	vld [tilespmem:s21+$0xFFFFFFE0];
	(xrf0) =	vadd.scan.msk.s32 $0xffff, v22;
	vm1 =	veq.s32 v23, v1;
	v22 =	vperm.xlane v19, v3;
	v19 =	vimm.s32 $0x0;
	v23, _, _ =	vpop (xrf0)  }
.LBB2_20:
0x150: {  	p4 =	slt.u32 s24, $0xC;
	v24 =	vld [tilespmem:s21+$0xFFFFFFF0];
	(xrf0) =	vadd.scan.msk.s32 $0xffff, v17;
	v17 =	vadd.s32 v19, v21;
	v19 =	vnsel vm1, $0x0, v20;
	v20 =	vperm.xlane v23, v3  }
0x151: {  	v21 =	vld [tilespmem:s21+$0x0];
	v19 =	vadd.s32 v19, v17;
	v22 =	vnsel vm0, $0x0, v22;
	vm0 =	veq.s32 v18, v1  }
.Ltmp13:
0x152: {  	s1 =	sadd.s32 $0x3, s19;
	v17 =	vld [tilespmem:s21+$0x10];
	v19 =	vadd.s32 v22, v19;
	v5 =	vnsel vm0, $0x0, v20;
	(pc) =	sbr.rel @p4 .LBB2_20-.Ltmp13, $4  }
0x153: {  	s3 =	sadd.s32 $0x2, s19;
	v18 =	vmov s1;
	v22 =	vmov s19;
	v23, _, _ =	vpop (xrf0);
	v19 =	vadd.s32 v5, v19  }
0x154: {  	s1 =	sadd.s32 $0x1, s19;
	s19 =	smov.u32 s23;
	s23 =	smov.u32 s24;
	vm1 =	veq.s32 v22, v1;
	(xrf0) =	vadd.scan.msk.s32 $0xffff, v16;
	v22 =	vperm.xlane v23, v3;
	v16 =	vmov s3;
	v20, _, _ =	vpop (xrf0)  }
0x155: {  	s21 =	sadd.s32 $0x40, s21;
	v5 =	vmov s1;
	(xrf0) =	vadd.scan.msk.s32 $0xffff, v24;
	v20 =	vperm.xlane v20, v3;
	vm0 =	veq.s32 v16, v1;
	v24, _, _ =	vpop (xrf0)  }
0x156: {  	s24 =	sadd.s32 $0x4, s24;
	v16 =	vld [tilespmem:s21+$0xFFFFFFE0];
	(xrf0) =	vadd.scan.msk.s32 $0xffff, v21;
	v21 =	vnsel vm1, $0x0, v22;
	vm1 =	veq.s32 v5, v1;
	v22 =	vperm.xlane v24, v3;
	v23, _, _ =	vpop (xrf0)  }
0x157: {  	s1 =	smov.u32 s19;
	s19 =	smov.u32 s23  }
.LBB2_22:
0x158: {  	v19 =	vadd.s32 @p3 v19, v21  }
0x159: {  	v20 =	vnsel @p3 vm1, $0x0, v20;
	(xrf0) =	vadd.scan.msk.s32 @p2 $0xffff, v17;
	v17 =	vperm.xlane @p3 v23, v3;
	v43 =	vmov s19  }
0x15a: {  	s3 =	sadd.s32 @p2 $0x3, s1;
	s29 =	sadd.s32 $0x3, s19;
	v19 =	vadd.s32 @p3 v20, v19;
	v20 =	vnsel @p3 vm0, $0x0, v22;
	vm0 =	veq.s32 @p3 v18, v1  }
0x15b: {  	v40 =	vld [tilespmem:s21+$0xFFFFFFF0];
	s30 =	sadd.s32 $0x2, s19;
	v21 =	vmov @p2 s3;
	v46 =	vmov s29;
	vm10 =	veq.s32 v43, v1  }
0x15c: {  	v41 =	vld [tilespmem:s21+$0x0];
	s31 =	sadd.s32 $0x1, s19;
	s3 =	sadd.s32 @p2 $0x2, s1;
	v48 =	vmov s30;
	v18 =	vadd.s32 @p3 v20, v19;
	v20 =	vmov @p2 s1  }
0x15d: {  	v42 =	vld [tilespmem:s21+$0x10];
	v50 =	vmov s31;
	v17 =	vnsel @p3 vm0, $0x0, v17;
	v24 =	vmov @p2 s3  }
0x15e: {  	v22, _, _ =	vpop @p2 (xrf0);
	v21 =	vpsel p2, v21, v0;
	vm11 =	veq.s32 v48, v1;
	v17 =	vadd.s32 @p3 v17, v18  }
0x15f: {  	s1 =	sadd.s32 @p2 $0x1, s1;
	vm0 =	veq.s32 @p2 v20, v1;
	v18 =	vperm.xlane @p2 v22, v3;
	vm1 =	veq.s32 @p2 v24, v1;
	v20, _, _ =	vpop @p2 (xrf0);
	(xrf0) =	vadd.scan.msk.s32 $0xffff, v16  }
0x160: {  	v25 =	vmov @p2 s1;
	v17 =	vpsel p3, v17, v15;
	vm1 =	vmmov @p2 vm1;
	v16, _, _ =	vpop @p2 (xrf0);
	(xrf0) =	vadd.scan.msk.s32 $0xffff, v40  }
0x161: {  	v18 =	vnsel @p2 vm0, $0x0, v18;
	vm0 =	veq.s32 @p2 v25, v1;
	v20 =	vperm.xlane @p2 v20, v3;
	(xrf0) =	vadd.scan.msk.s32 $0xffff, v41  }
0x162: {  	v18 =	vpsel p2, v18, v0;
	vm0 =	vmmov @p2 vm0;
	v16 =	vperm.xlane @p2 v16, v3;
	v24, _, _ =	vpop @p2 (xrf0);
	(xrf0) =	vadd.scan.msk.s32 $0xffff, v42  }
0x163: {  	v17 =	vadd.s32 @p2 v17, v18;
	v19 =	vpsel p2, v20, v0;
	v20 =	vpsel p2, v24, v0  }
0x164: {  	v16 =	vpsel p2, v16, v0;
	v18 =	vnsel @p2 vm0, $0x0, v19;
	v19 =	vperm.xlane @p2 v20, v3  }
0x165: {  	vm0 =	veq.s32 @p2 v21, v1;
	v17 =	vadd.s32 @p2 v18, v17;
	v16 =	vnsel @p2 vm1, $0x0, v16;
	v45, _, _ =	vpop (xrf0)  }
0x166: {  	v16 =	vadd.s32 @p2 v16, v17;
	v17 =	vnsel @p2 vm0, $0x0, v19;
	v47 =	vperm.xlane v45, v3;
	v49, _, _ =	vpop (xrf0)  }
0x167: {  	vm12 =	veq.s32 v50, v1;
	v16 =	vadd.s32 @p2 v17, v16;
	v19 =	vperm.xlane v49, v3;
	v51, _, _ =	vpop (xrf0)  }
0x168: {  	v53 =	vpsel p2, v16, v15;
	v17 =	vnsel vm10, $0x0, v47;
	v18 =	vperm.xlane v51, v3;
	v52, _, _ =	vpop (xrf0)  }
0x169: {  	v15 =	vadd.s32 v53, v17;
	v54 =	vnsel vm12, $0x0, v19;
	v55 =	vperm.xlane v52, v3  }
0x16a: {  	vm13 =	veq.s32 v46, v1;
	v15 =	vadd.s32 v54, v15;
	v56 =	vnsel vm11, $0x0, v18  }
0x16b: {  	v15 =	vadd.s32 v56, v15;
	v57 =	vnsel vm13, $0x0, v55  }
0x16c: {  	v15 =	vadd.s32 v57, v15  }
0x16d: {  	v15 =	vperm.xlane v15, v4;
	_ =	sdelay $0x1  }
0x16e: {  	(xrf0) =	vadd.scan.msk.s32 $0xffff, v15;
	_ =	sdelay $0x3  }
0x16f: {  	v12 =	vadd.s32 v13, v12  }
0x170: {  	v12 =	vsub.s32 v14, v12  }
0x171: {  	v12 =	vadd.s32 $0x10, v12;
	v58, _, _ =	vpop (xrf0)  }
0x172: {  	vm14 =	vge.s32 v58, v12  }
0x173: {  	v59 =	vmctz.xlane vm14;
	_ =	sdelay $0x1  }
0x174: {  	v60 =	vshll.u32 v59, $0x4  }
0x175: {  	v61 =	vsub.s32 v44, v60;
	_ =	sdelay $0x4  }
0x176: {  	v17 =	vld.idx.msk [tilespmem:v61+s13+$0x0], $0xffff;
	_ =	sdelay $0x4  }
0x177: {  	v17 =	vperm.xlane v17, v4;
	_ =	sdelay $0x1  }
0x178: {  	(xrf0) =	vadd.scan.msk.s32 $0xffff, v17  }
0x179: {  	v62 =	vshrl.u32 v59, $0x1B  }
0x17a: {  	v17 =	vand.u32 $0x10, v62  }
0x17b: {  	v14 =	vadd.s32 v59, v17  }
0x17c: {  	v13 =	vperm.xlane v58, v14;
	v14 =	vperm.xlane v15, v14;
	_ =	sdelay $0x1  }
0x17d: {  	v13 =	vsub.s32 v13, v14;
	v63, _, _ =	vpop (xrf0)  }
0x17e: {  	v13 =	vadd.s32 v63, v13  }
0x17f: {  	vm15 =	vge.s32 v13, v12  }
0x180: {  	v12 =	vmctz.xlane vm15;
	_ =	sdelay $0x1  }
0x181: {  	v12 =	vadd.s32 v60, v12  }
0x182: {  	v11 =	vshll.u32 v11, $0x18;
	v12 =	vshll.u32 v12, $0x10  }
0x183: {  	v11 =	vxor.u32 $0x7F000000, v11;
	v12 =	vsub.s32 $0xFF0000, v12  }
0x184: {  	v11 =	vor.u32 v11, v12  }
0x185: {  	v12 =	vshra.s32 v11, $0x1F  }
0x186: {  	v12 =	vand.u32 $0x7FFFFFFF, v12  }
0x187: {  	p3 =	por $0x1, $0x1;
	v11 =	vxor.u32 v11, v12  }
.LBB2_23:
0x188: {  	p2 =	por p3, p3;
	p3 =	sgt.s32 @!p3 s22, $0x3F  }
0x189: {  	p3 =	por p2, !p3  }
.Ltmp14:
0x18a: {  	_ = 	snop;
	(pc) =	sbr.rel @!p3 .LBB2_31-.Ltmp14, $1  }
0x18b: {  	_ =	sdelay $0x3  }
0x18c: {  	s21 =	simm.s32 $0x80;
	s1 =	simm.s32 $0xFFFFFFF0  }
0x18d: {  	s21 =	simm.s32 @p2 $0x80;
	s1 =	simm.s32 @p2 $0xFFFFFFF0  }
0x18e: {  	v27 =	vld [tilespmem:s21+$0xFFFFFFE0];
	s22 =	sadd.s32 $0x10, s1  }
0x18f: {  	v12 =	vld [tilespmem:s21+$0xFFFFFFF0];
	p4 =	slt.u32 s22, $0x7F0  }
.Ltmp15:
0x190: {  	v17 =	vld [tilespmem:s21+$0xFFFFFF90];
	(pc) =	sbr.rel @!p4 .LBB2_25-.Ltmp15, $4  }
0x191: {  	v25 =	vld [tilespmem:s21+$0xFFFFFFD0]  }
0x192: {  	v18 =	vld [tilespmem:s21+$0xFFFFFFB0]  }
0x193: {  	v5 =	vimm.s32 $0xFFFFFFFF;
	v19 =	vld [tilespmem:s21+$0xFFFFFFC0]  }
0x194: {  	p3 =	por $0x0, $0x0;
	v21 =	vpsel p2, $0xFFFFFFFF, v5;
	v15 =	vld [tilespmem:s21+$0xFFFFFF80];
	s19 =	sadd.s32 $0x100, s21  }
0x195: {  	v29 =	vld [tilespmem:s21+$0xFFFFFFA0]  }
0x196: {  	vm4 =	vge.f32 v17, v11  }
0x197: {  	(xrf0) =	vadd.scan.msk.s32 vm4, v2  }
0x198: {  	vm8 =	vge.f32 v18, v11  }
0x199: {  	vm6 =	vge.f32 v19, v11;
	(xrf0) =	vadd.scan.msk.s32 vm8, v2  }
0x19a: {  	v30 =	vld [tilespmem:s21+$0x0];
	vm9 =	vge.f32 v15, v11;
	(xrf0) =	vadd.scan.msk.s32 vm6, v2;
	vm1 =	vge.f32 v29, v11  }
0x19b: {  	vm2 =	vge.f32 v27, v11;
	v14 =	vmpcnt.ones.xlane vm9;
	(xrf0) =	vadd.scan.msk.s32 vm9, v2;
	v23 =	vmpcnt.ones.xlane vm1  }
0x19c: {  	vm7 =	vge.f32 v12, v11;
	v13 =	vld [tilespmem:s21+$0x20];
	vm0 =	vge.f32 v25, v11;
	v16 =	vmpcnt.ones.xlane vm4;
	(xrf0) =	vadd.scan.msk.s32 vm2, v2  }
0x19d: {  	v33 =	vld [tilespmem:s21+$0x10];
	v26 =	vmpcnt.ones.xlane vm7;
	v22 =	vadd.s32 v21, v14;
	v24, _, _ =	vpop (xrf0);
	(xrf0) =	vadd.scan.msk.s32 vm0, v2  }
0x19e: {  	v20 =	vmpcnt.ones.xlane vm8;
	v14 =	vld [tilespmem:s21+$0x30];
	v24 =	vadd.s32 v22, v24;
	v28 =	vadd.s32 v22, v16;
	(xrf0) =	vadd.scan.msk.s32 vm1, v2  }
0x19f: {  	v31 =	vmpcnt.ones.xlane vm2;
	vm11 =	vge.f32 v30, v11;
	v16 =	vld [tilespmem:s21+$0x40];
	v22 =	vadd.s32 v28, v23;
	v23, _, _ =	vpop (xrf0);
	(xrf0) =	vadd.scan.msk.s32 vm7, v2  }
0x1a0: {  	v32 =	vmpcnt.ones.xlane vm6;
	v23 =	vadd.s32 v22, v23;
	v22 =	vadd.s32 v22, v20;
	v34, _, _ =	vpop (xrf0);
	(xrf0) =	vadd.scan.msk.s32 vm11, v2  }
0x1a1: {  	v35 =	vmpcnt.ones.xlane vm0;
	vm3 =	vge.f32 v13, v11;
	v20 =	vld [tilespmem:s21+$0x50];
	v34 =	vadd.s32 v22, v34;
	v36, _, _ =	vpop (xrf0)  }
0x1a2: {  	vm10 =	vge.f32 v33, v11;
	v38 =	vmpcnt.ones.xlane vm11;
	v32 =	vadd.s32 v22, v32;
	v22 =	vld [tilespmem:s21+$0x60];
	(xrf0) =	vadd.scan.msk.s32 vm3, v2;
	v37, _, _ =	vpop (xrf0)  }
0x1a3: {  	vm5 =	vge.f32 v14, v11;
	[tilespmem:v24+s14+$0x0] =	vst.idx.msk vm4, v17;
	v17 =	vadd.s32 v32, v35;
	(xrf0) =	vadd.scan.msk.s32 vm10, v2;
	v51, _, _ =	vpop (xrf0)  }
0x1a4: {  	v36 =	vadd.s32 v21, v36;
	vm4 =	vge.f32 v16, v11;
	v31 =	vadd.s32 v17, v31;
	v24, _, _ =	vpop (xrf0)  }
0x1a5: {  	v17 =	vadd.s32 v17, v37;
	(xrf0) =	vadd.scan.msk.s32 vm5, v2;
	v39 =	vadd.s32 v28, v24;
	[tilespmem:v23+s14+$0x0] =	vst.idx.msk vm8, v18;
	v18, _, _ =	vpop (xrf0)  }
0x1a6: {  	v23 =	vadd.s32 v31, v26;
	[tilespmem:v34+s14+$0x0] =	vst.idx.msk vm6, v19;
	vm6 =	vge.f32 v20, v11;
	v19, _, _ =	vpop (xrf0);
	(xrf0) =	vadd.scan.msk.s32 vm4, v2  }
0x1a7: {  	v53 =	vmpcnt.ones.xlane vm10;
	vm8 =	vge.f32 v22, v11;
	v19 =	vadd.s32 v23, v19;
	(xrf0) =	vadd.scan.msk.s32 vm6, v2  }
0x1a8: {  	vm7 =	vmmov vm7;
	v24 =	vld [tilespmem:s21+$0x70];
	v26 =	vadd.s32 v31, v18;
	v31 =	vmpcnt.ones.xlane vm3;
	v18, _, _ =	vpop (xrf0);
	(xrf0) =	vadd.scan.msk.s32 vm8, v2  }
0x1a9: {  	v57 =	vmpcnt.ones.xlane vm5;
	v35 =	vld [tilespmem:s19+$0xFFFFFFD0];
	s21 =	sadd.s32 $0x10, s22;
	v52 =	vadd.s32 v23, v38;
	[tilespmem:v36+s14+$0x0] =	vst.idx.msk vm9, v15;
	v15 =	vadd.s32 v32, v51;
	v55, _, _ =	vpop (xrf0)  }
0x1aa: {  	v54 =	vmpcnt.ones.xlane vm4;
	v28 =	vld [tilespmem:s19+$0xFFFFFFE0];
	p5 =	slt.u32 s21, $0x7F0;
	v56 =	vadd.s32 v52, v53;
	[tilespmem:v17+s14+$0x0] =	vst.idx.msk vm2, v27;
	v27 =	vadd.s32 v52, v55  }
.Ltmp16:
0x1ab: {  	v59 =	vmpcnt.ones.xlane vm8;
	v17 =	vld [tilespmem:s19+$0xFFFFFF90];
	v58, _, _ =	vpop (xrf0);
	[tilespmem:v39+s14+$0x0] =	vst.idx.msk vm1, v29;
	v29 =	vadd.s32 v56, v18;
	v18 =	vadd.s32 v56, v31;
	(pc) =	sbr.rel @!p5 .LBB2_27-.Ltmp16, $4  }
0x1ac: {  	v23 =	vld [tilespmem:s19+$0xFFFFFFF0];
	v60 =	vmpcnt.ones.xlane vm6;
	[tilespmem:v19+s14+$0x0] =	vst.idx.msk vm11, v30;
	v30 =	vadd.s32 v18, v58;
	v19 =	vadd.s32 v18, v57;
	v31, _, _ =	vpop (xrf0)  }
0x1ad: {  	vm9 =	vge.f32 v24, v11;
	v18 =	vld [tilespmem:s19+$0xFFFFFFB0];
	v31 =	vadd.s32 v19, v31;
	v61 =	vadd.s32 v19, v54;
	v62, _, _ =	vpop (xrf0)  }
0x1ae: {  	[tilespmem:v15+s14+$0x0] =	vst.idx.msk vm0, v25;
	v19 =	vld [tilespmem:s19+$0xFFFFFFC0];
	(xrf0) =	vadd.scan.msk.s32 vm9, v2;
	v32 =	vadd.s32 v61, v62;
	v25 =	vadd.s32 v61, v60;
	v63, _, _ =	vpop (xrf0)  }
0x1af: {  	p4 =	por $0x1, $0x1;
	s22 =	sadd.s32 $0x100, s19;
	v36 =	vmpcnt.ones.xlane vm9;
	v15 =	vld [tilespmem:s19+$0xFFFFFF80];
	[tilespmem:v27+s14+$0x0] =	vst.idx.msk vm10, v33;
	v34 =	vadd.s32 v25, v63;
	v33 =	vadd.s32 v25, v59  }
.LBB2_28:
0x1b0: {  	s21 =	sadd.s32 $0x10, s21;
	vm14 =	vge.f32 v17, v11;
	[tilespmem:v29+s14+$0x0] =	vst.idx.msk vm3, v13;
	v29 =	vmov v28;
	v28 =	vld [tilespmem:s22+$0xFFFFFFE0]  }
0x1b1: {  	p5 =	slt.u32 s21, $0x7F0;
	v37 =	vld [tilespmem:s19+$0xFFFFFFA0];
	(xrf0) =	vadd.scan.msk.s32 vm14, v2;
	[tilespmem:v30+s14+$0x0] =	vst.idx.msk vm5, v14;
	v30 =	vadd.s32 v33, v36;
	v25 =	vmov v35  }
0x1b2: {  	vm11 =	vge.f32 v23, v11;
	vm12 =	vge.f32 v18, v11;
	v36 =	vld [tilespmem:s19+$0x0];
	[tilespmem:v31+s14+$0x0] =	vst.idx.msk vm4, v16  }
0x1b3: {  	v31 =	vmpcnt.ones.xlane vm12;
	vm15 =	vge.f32 v19, v11;
	v27 =	vld [tilespmem:s19+$0x10];
	(xrf0) =	vadd.scan.msk.s32 vm12, v2;
	[tilespmem:v32+s14+$0x0] =	vst.idx.msk vm6, v20  }
0x1b4: {  	vm10 =	vge.f32 v25, v11;
	vm2 =	vge.f32 v15, v11;
	v13 =	vld [tilespmem:s19+$0x20];
	(xrf0) =	vadd.scan.msk.s32 vm15, v2;
	[tilespmem:v34+s14+$0x0] =	vst.idx.msk vm8, v22;
	v16, _, _ =	vpop (xrf0)  }
0x1b5: {  	vm1 =	vge.f32 v29, v11;
	v20 =	vmpcnt.ones.xlane vm2;
	v14 =	vld [tilespmem:s19+$0x30];
	(xrf0) =	vadd.scan.msk.s32 vm2, v2;
	v22 =	vadd.s32 v33, v16  }
0x1b6: {  	v32 =	vmpcnt.ones.xlane vm14;
	v33 =	vmpcnt.ones.xlane vm11;
	vm0 =	vge.f32 v37, v11;
	v16 =	vld [tilespmem:s19+$0x40];
	(xrf0) =	vadd.scan.msk.s32 vm1, v2  }
0x1b7: {  	v34 =	vadd.s32 v30, v20;
	v35 =	vmpcnt.ones.xlane vm0;
	v20 =	vld [tilespmem:s19+$0x50];
	v38, _, _ =	vpop (xrf0);
	(xrf0) =	vadd.scan.msk.s32 vm10, v2;
	[tilespmem:v26+s14+$0x0] =	vst.idx.msk vm7, v12  }
0x1b8: {  	v12 =	vmovc v23;
	v26 =	vadd.s32 v34, v38;
	v32 =	vadd.s32 v34, v32;
	v34 =	vmpcnt.ones.xlane vm1;
	(xrf0) =	vadd.scan.msk.s32 vm0, v2  }
0x1b9: {  	v5 =	vmpcnt.ones.xlane vm15;
	vm13 =	vge.f32 v36, v11;
	v23 =	vadd.s32 v32, v35;
	v38, _, _ =	vpop (xrf0)  }
0x1ba: {  	v38 =	vadd.s32 v23, v38;
	v23 =	vadd.s32 v23, v31;
	v31, _, _ =	vpop (xrf0);
	(xrf0) =	vadd.scan.msk.s32 vm11, v2;
	[tilespmem:v22+s14+$0x0] =	vst.idx.msk vm9, v24  }
0x1bb: {  	v22 =	vmpcnt.ones.xlane vm10;
	v24 =	vadd.s32 v23, v31;
	v23 =	vadd.s32 v23, v5;
	v31, _, _ =	vpop (xrf0);
	(xrf0) =	vadd.scan.msk.s32 vm13, v2  }
0x1bc: {  	vm3 =	vge.f32 v13, v11;
	v30 =	vadd.s32 v30, v31;
	v31 =	vmpcnt.ones.xlane vm13;
	v35, _, _ =	vpop (xrf0)  }
0x1bd: {  	[tilespmem:v26+s14+$0x0] =	vst.idx.msk vm14, v17;
	v17 =	vadd.s32 v23, v22;
	vm14 =	vge.f32 v27, v11;
	v22 =	vld [tilespmem:s19+$0x60];
	v39, _, _ =	vpop (xrf0);
	(xrf0) =	vadd.scan.msk.s32 vm3, v2  }
0x1be: {  	vm5 =	vge.f32 v14, v11;
	vm4 =	vge.f32 v16, v11;
	v26 =	vadd.s32 v17, v34;
	v34, _, _ =	vpop (xrf0);
	(xrf0) =	vadd.scan.msk.s32 vm14, v2  }
0x1bf: {  	v32 =	vadd.s32 v32, v34;
	[tilespmem:v38+s14+$0x0] =	vst.idx.msk vm12, v18;
	v18 =	vadd.s32 v26, v33;
	(xrf0) =	vadd.scan.msk.s32 vm5, v2  }
0x1c0: {  	v17 =	vadd.s32 v17, v35;
	[tilespmem:v24+s14+$0x0] =	vst.idx.msk vm15, v19;
	v19 =	vadd.s32 v18, v31;
	v31 =	vmpcnt.ones.xlane vm14;
	v24 =	vld [tilespmem:s19+$0x70];
	v33, _, _ =	vpop (xrf0);
	s19 =	smov.u32 s22  }
0x1c1: {  	vm6 =	vge.f32 v20, v11;
	[tilespmem:v30+s14+$0x0] =	vst.idx.msk vm2, v15;
	v15 =	vmpcnt.ones.xlane vm4;
	v30, _, _ =	vpop (xrf0);
	(xrf0) =	vadd.scan.msk.s32 vm4, v2  }
0x1c2: {  	v26 =	vadd.s32 v26, v33;
	v18 =	vadd.s32 v18, v30;
	vm8 =	vge.f32 v22, v11;
	(xrf0) =	vadd.scan.msk.s32 vm6, v2  }
0x1c3: {  	vm7 =	vmmov vm11;
	v33 =	vadd.s32 v23, v39;
	v30, _, _ =	vpop (xrf0);
	(xrf0) =	vadd.scan.msk.s32 vm8, v2  }
0x1c4: {  	v34 =	vmpcnt.ones.xlane vm3;
	v35, _, _ =	vpop (xrf0)  }
0x1c5: {  	v5 =	vmpcnt.ones.xlane vm5;
	v23 =	vld [tilespmem:s22+$0xFFFFFFF0];
	[tilespmem:v17+s14+$0x0] =	vst.idx.msk vm1, v29;
	v38 =	vadd.s32 v19, v35;
	v19 =	vadd.s32 v19, v31;
	v39, _, _ =	vpop (xrf0)  }
.Ltmp17:
0x1c6: {  	v17 =	vld [tilespmem:s22+$0xFFFFFF90];
	[tilespmem:v32+s14+$0x0] =	vst.idx.msk vm0, v37;
	v29 =	vadd.s32 v19, v30;
	v19 =	vadd.s32 v19, v34;
	v37 =	vmpcnt.ones.xlane vm8;
	(pc) =	sbr.rel @p5 .LBB2_28-.Ltmp17, $4  }
0x1c7: {  	v34 =	vmpcnt.ones.xlane vm6;
	v35 =	vld [tilespmem:s22+$0xFFFFFFD0];
	[tilespmem:v18+s14+$0x0] =	vst.idx.msk vm13, v36;
	v30 =	vadd.s32 v19, v39;
	v19 =	vadd.s32 v19, v5;
	v31, _, _ =	vpop (xrf0)  }
0x1c8: {  	vm9 =	vge.f32 v24, v11;
	v18 =	vld [tilespmem:s22+$0xFFFFFFB0];
	v31 =	vadd.s32 v19, v31;
	v15 =	vadd.s32 v19, v15;
	v32, _, _ =	vpop (xrf0)  }
0x1c9: {  	v19 =	vld [tilespmem:s22+$0xFFFFFFC0];
	[tilespmem:v33+s14+$0x0] =	vst.idx.msk vm10, v25;
	v32 =	vadd.s32 v15, v32;
	v25 =	vadd.s32 v15, v34;
	v33, _, _ =	vpop (xrf0);
	(xrf0) =	vadd.scan.msk.s32 vm9, v2  }
0x1ca: {  	v36 =	vmpcnt.ones.xlane vm9;
	s22 =	sadd.s32 $0x100, s22;
	v15 =	vld [tilespmem:s19+$0xFFFFFF80];
	[tilespmem:v38+s14+$0x0] =	vst.idx.msk vm14, v27;
	v34 =	vadd.s32 v25, v33;
	v33 =	vadd.s32 v25, v37  }
0x1cb: {  	_ = 	snop  }
0x1cc: {  	v27 =	vmov v28;
	s21 =	smov.u32 s19;
	v25 =	vmov v35  }
.LBB2_30:
0x1cd: {  	v28 =	vld [tilespmem:s21+$0xFFFFFFA0]  }
0x1ce: {  	vm2 =	vge.f32 v17, v11;
	v5 =	vimm.s32 $0x0  }
0x1cf: {  	v5 =	vsel vm2, $0xFFFFFFFF, v5  }
0x1d0: {  	vm1 =	vge.f32 v15, v11;
	[tilespmem:$0x1FF10] =	vst v5;
	v5 =	vimm.s32 $0x0  }
0x1d1: {  	v5 =	vsel vm1, $0xFFFFFFFF, v5  }
0x1d2: {  	[tilespmem:$0x1FF40] =	vst v5;
	v5 =	vimm.s32 $0x0;
	vm0 =	vge.f32 v28, v11  }
0x1d3: {  	v35 =	vadd.s32 @p4 v33, v36;
	v5 =	vsel vm0, $0xFFFFFFFF, v5  }
0x1d4: {  	vm10 =	vge.f32 v18, v11;
	v21 =	vpsel p4, v35, v21;
	v35 =	vld [tilespmem:s21+$0x0];
	[tilespmem:$0x1FF50] =	vst v5;
	v5 =	vimm.s32 $0x0  }
0x1d5: {  	v5 =	vsel vm10, $0xFFFFFFFF, v5  }
0x1d6: {  	vm15 =	vge.f32 v19, v11;
	[tilespmem:$0x1FF20] =	vst v5;
	v5 =	vimm.s32 $0x0  }
0x1d7: {  	v5 =	vsel vm15, $0xFFFFFFFF, v5  }
0x1d8: {  	[tilespmem:$0x1FF30] =	vst v5  }
0x1d9: {  	v37 =	vmpcnt.ones.xlane vm2;
	(xrf0) =	vadd.scan.msk.s32 vm2, v2;
	vm2 =	vge.f32 v25, v11;
	v5 =	vimm.s32 $0x0;
	v40 =	vld [tilespmem:s21+$0x10]  }
0x1da: {  	v41 =	vld [tilespmem:s21+$0x20];
	v5 =	vsel vm2, $0xFFFFFFFF, v5  }
0x1db: {  	vm11 =	vge.f32 v23, v11;
	v43 =	vld [tilespmem:s21+$0x30];
	[tilespmem:$0x1FF60] =	vst v5;
	v5 =	vimm.s32 $0x0  }
0x1dc: {  	vm14 =	vmmov vm10;
	v5 =	vsel vm11, $0xFFFFFFFF, v5  }
0x1dd: {  	(xrf0) =	vadd.scan.msk.s32 vm14, v2;
	v45 =	vld [tilespmem:s21+$0x40];
	[tilespmem:$0x1FF70] =	vst v5  }
0x1de: {  	v49, _, _ =	vpop @p4 (xrf0);
	(xrf0) =	vadd.scan.msk.s32 vm15, v2;
	[tilespmem:v29+s14+$0x0] =	vst.idx.msk @p4 vm3, v13  }
0x1df: {  	v63 =	vmpcnt.ones.xlane vm1;
	[tilespmem:v30+s14+$0x0] =	vst.idx.msk @p4 vm5, v14;
	v13 =	vadd.s32 @p4 v33, v49  }
0x1e0: {  	[tilespmem:v31+s14+$0x0] =	vst.idx.msk @p4 vm4, v16  }
0x1e1: {  	v36 =	vadd.s32 v21, v63;
	v38 =	vmpcnt.ones.xlane vm0;
	[tilespmem:v32+s14+$0x0] =	vst.idx.msk @p4 vm6, v20  }
0x1e2: {  	v39 =	vmpcnt.ones.xlane vm10;
	v37 =	vadd.s32 v36, v37;
	v52, _, _ =	vpop (xrf0);
	[tilespmem:v34+s14+$0x0] =	vst.idx.msk @p4 vm8, v22  }
0x1e3: {  	v38 =	vadd.s32 v37, v38;
	v55, _, _ =	vpop (xrf0);
	[tilespmem:v26+s14+$0x0] =	vst.idx.msk @p4 vm7, v12  }
0x1e4: {  	v39 =	vadd.s32 v38, v39;
	v57, _, _ =	vpop (xrf0);
	[tilespmem:v13+s14+$0x0] =	vst.idx.msk @p4 vm9, v24  }
0x1e5: {  	v33 =	vadd.s32 v38, v55;
	v38 =	vadd.s32 v39, v57;
	v57 =	vld [tilespmem:$0x1FF10];
	_ =	sdelay $0x4  }
0x1e6: {  	vm9 =	vnez.u8 v57  }
0x1e7: {  	v16 =	vadd.s32 v36, v52;
	_ =	sdelay $0x4  }
0x1e8: {  	[tilespmem:v16+s14+$0x0] =	vst.idx.msk vm9, v17  }
0x1e9: {  	v16 =	vld [tilespmem:$0x1FF20];
	_ =	sdelay $0x4  }
0x1ea: {  	(xrf0) =	vadd.scan.msk.s32 vm1, v2;
	vm6 =	vnez.u8 v16;
	_ =	sdelay $0x5  }
0x1eb: {  	v59, _, _ =	vpop (xrf0);
	[tilespmem:v33+s14+$0x0] =	vst.idx.msk vm6, v18  }
0x1ec: {  	v49 =	vadd.s32 v21, v59;
	v59 =	vld [tilespmem:$0x1FF30];
	_ =	sdelay $0x4  }
0x1ed: {  	vm7 =	vnez.u8 v59;
	_ =	sdelay $0x3  }
0x1ee: {  	v42 =	vmpcnt.ones.xlane vm15;
	vm15 =	vge.f32 v27, v11  }
0x1ef: {  	(xrf0) =	vadd.scan.msk.s32 vm15, v2  }
0x1f0: {  	[tilespmem:v38+s14+$0x0] =	vst.idx.msk vm7, v19  }
0x1f1: {  	v17 =	vld [tilespmem:$0x1FF40];
	_ =	sdelay $0x1  }
0x1f2: {  	v44 =	vmpcnt.ones.xlane vm2  }
0x1f3: {  	v42 =	vadd.s32 v39, v42  }
0x1f4: {  	v44 =	vadd.s32 v42, v44;
	v61, _, _ =	vpop (xrf0)  }
0x1f5: {  	v55 =	vadd.s32 v44, v61;
	vm8 =	vnez.u8 v17  }
0x1f6: {  	vm10 =	vmmov vm2  }
0x1f7: {  	(xrf0) =	vadd.scan.msk.s32 vm10, v2;
	v48 =	vld [tilespmem:s21+$0x50]  }
0x1f8: {  	(xrf0) =	vadd.scan.msk.s32 vm0, v2;
	v51 =	vld [tilespmem:s21+$0x60]  }
0x1f9: {  	vm14 =	vge.f32 v35, v11;
	(xrf0) =	vadd.scan.msk.s32 vm11, v2;
	v54 =	vld [tilespmem:s21+$0x70]  }
0x1fa: {  	v46 =	vmpcnt.ones.xlane vm15;
	(xrf0) =	vadd.scan.msk.s32 vm14, v2;
	[tilespmem:v55+s14+$0x0] =	vst.idx.msk vm15, v27  }
0x1fb: {  	v47 =	vmpcnt.ones.xlane vm11;
	[tilespmem:v49+s14+$0x0] =	vst.idx.msk vm8, v15  }
0x1fc: {  	v50 =	vmpcnt.ones.xlane vm14;
	v46 =	vadd.s32 v44, v46;
	vm13 =	vge.f32 v40, v11;
	v12 =	vld [tilespmem:$0x1FF50]  }
0x1fd: {  	vm12 =	vge.f32 v41, v11;
	vm11 =	vge.f32 v43, v11;
	v63, _, _ =	vpop (xrf0);
	vm10 =	vge.f32 v45, v11  }
0x1fe: {  	vm2 =	vge.f32 v48, v11;
	vm1 =	vge.f32 v51, v11;
	vm0 =	vge.f32 v54, v11;
	v11, _, _ =	vpop (xrf0)  }
0x1ff: {  	v47 =	vadd.s32 v46, v47;
	v53 =	vmpcnt.ones.xlane vm13;
	v8, _, _ =	vpop (xrf0)  }
0x200: {  	v50 =	vadd.s32 v47, v50;
	v56 =	vmpcnt.ones.xlane vm12;
	v58 =	vmpcnt.ones.xlane vm11;
	v9, _, _ =	vpop (xrf0)  }
0x201: {  	v53 =	vadd.s32 v50, v53;
	v9 =	vadd.s32 v47, v9;
	vm9 =	vnez.u8 v12  }
0x202: {  	v60 =	vmpcnt.ones.xlane vm10;
	v56 =	vadd.s32 v53, v56;
	v11 =	vadd.s32 v37, v11  }
0x203: {  	(xrf0) =	vadd.scan.msk.s32 vm12, v2;
	v58 =	vadd.s32 v56, v58;
	v62 =	vmpcnt.ones.xlane vm2  }
0x204: {  	(xrf0) =	vadd.scan.msk.s32 vm13, v2;
	v7 =	vmpcnt.ones.xlane vm1;
	v60 =	vadd.s32 v58, v60  }
0x205: {  	(xrf0) =	vadd.scan.msk.s32 vm11, v2;
	v5 =	vmpcnt.ones.xlane vm0;
	v62 =	vadd.s32 v60, v62  }
0x206: {  	(xrf0) =	vadd.scan.msk.s32 vm10, v2;
	v7 =	vadd.s32 v62, v7;
	[tilespmem:v9+s14+$0x0] =	vst.idx.msk vm14, v35  }
0x207: {  	(xrf0) =	vadd.scan.msk.s32 vm2, v2;
	v5 =	vadd.s32 v7, v5;
	[tilespmem:v11+s14+$0x0] =	vst.idx.msk vm9, v28  }
0x208: {  	(xrf0) =	vadd.scan.msk.s32 vm1, v2;
	v5 =	vxor.u32 $0x80000000, v5;
	v11 =	vld [tilespmem:$0x1FF60]  }
0x209: {  	v10, _, _ =	vpop (xrf0);
	(xrf0) =	vadd.scan.msk.s32 vm0, v2  }
0x20a: {  	v6, _, _ =	vpop (xrf0);
	(xrf0) =	vmax.scan.msk.u32 $0xffff, v5  }
0x20b: {  	v5, _, _ =	vpop (xrf0)  }
0x20c: {  	v14, _, _ =	vpop (xrf0)  }
0x20d: {  	v29, _, _ =	vpop (xrf0);
	vm14 =	vnez.u8 v11  }
0x20e: {  	v61 =	vadd.s32 v42, v63;
	v36, _, _ =	vpop (xrf0)  }
0x20f: {  	v39, _, _ =	vpop (xrf0)  }
0x210: {  	v52, _, _ =	vpop (xrf0)  }
0x211: {  	(v2sf) =	vpush v52, $0xF;
	_ =	sdelay $0x1  }
0x212: {  	[tilespmem:v61+s14+$0x0] =	vst.idx.msk vm14, v25  }
0x213: {  	v6 =	vadd.s32 v50, v6;
	v63 =	vld [tilespmem:$0x1FF70]  }
0x214: {  	v5 =	vadd.s32 v56, v5  }
0x215: {  	v10 =	vadd.s32 v53, v10  }
0x216: {  	v9 =	vadd.s32 v58, v14  }
0x217: {  	v11 =	vadd.s32 v60, v29  }
0x218: {  	[tilespmem:v6+s14+$0x0] =	vst.idx.msk vm13, v40;
	v6 =	vadd.s32 v62, v36;
	vm15 =	vnez.u8 v63  }
0x219: {  	[tilespmem:v5+s14+$0x0] =	vst.idx.msk vm11, v43;
	v5 =	vadd.s32 v7, v39;
	vm3 =	vmmov vm15  }
0x21a: {  	v8 =	vadd.s32 v46, v8;
	[tilespmem:v10+s14+$0x0] =	vst.idx.msk vm12, v41  }
0x21b: {  	[tilespmem:v9+s14+$0x0] =	vst.idx.msk vm10, v45  }
.Ltmp18:
0x21c: {  	[tilespmem:v11+s14+$0x0] =	vst.idx.msk vm2, v48;
	(pc) =	sbr.rel @p2 .LBB2_23-.Ltmp18, $4  }
.Ltmp19:
0x21d: {  	[tilespmem:v6+s14+$0x0] =	vst.idx.msk vm1, v51;
	(pc) =	sbr.rel @!p2 .LBB2_31-.Ltmp19, $4  }
0x21e: {  	[tilespmem:v5+s14+$0x0] =	vst.idx.msk vm0, v54  }
0x21f: {  	s1 =	spop (v2sf);
	[tilespmem:v8+s14+$0x0] =	vst.idx.msk vm3, v23  }
0x220: {  	s22 =	sadd.s32 $0x80000001, s1;
	v11 =	vimm.f32 $-Inf;
	v44 =	vld [tilespmem:$0x1FFF0]  }
0x221: {  	_ = 	snop  }
.LBB2_25:
.Ltmp20:
0x222: {  	(pc) =	sbr.rel .LBB2_30-.Ltmp20, $2  }
0x223: {  	_ =	sdelay $0x2  }
0x224: {  	v23 =	vmov v12;
	p4 =	por $0x0, $0x0  }
.LBB2_27:
.Ltmp21:
0x225: {  	(pc) =	sbr.rel .LBB2_30-.Ltmp21, $2  }
0x226: {  	_ =	sdelay $0x2  }
0x227: {  	v27 =	vmov v28;
	s21 =	smov.u32 s19;
	v25 =	vmov v35  }
.LBB2_31:
0x228: {  	s1 =	sadd.s32 $0xF, s22  }
0x229: {  	s3 =	sand.u32 $0xF, s1  }
0x22a: {  	s31 =	sshra.s32 s1, $0x1F;
	p3 =	slt.s32 s1, $0x1;
	p2 =	sne.s32 s3, $0x0  }
0x22b: {  	s3 =	sshrl.u32 s31, $0x1C;
	p2 =	por !p3, !p2  }
0x22c: {  	s1 =	sadd.s32 s3, s1;
	s3 =	simm.s32 $0x1;
	p2 =	por !p2, !p2  }
0x22d: {  	s1 =	sshra.s32 s1, $0x4;
	s3 =	simm.s32 @!p2 $0x0  }
0x22e: {  	s19 =	ssub.s32 s1, s3  }
0x22f: {  	s1 =	sshrl.u32 s19, $0x1E  }
0x230: {  	s1 =	sadd.s32 s1, s19  }
0x231: {  	s21 =	sand.u32 $0xFFFFFFFC, s1  }
0x232: {  	p2 =	slt.s32 s21, $0x1  }
.Ltmp22:
0x233: {  	_ = 	snop;
	(pc) =	sbr.rel @p2 .LBB2_34-.Ltmp22, $1  }
0x234: {  	_ =	sdelay $0x3  }
0x235: {  	p3 =	sgt.s32 s21, $0x4  }
.Ltmp23:
0x236: {  	s23 =	simm.s32 $0x10020;
	(pc) =	sbr.rel @!p3 .LBB2_33-.Ltmp23, $4  }
0x237: {  	v13 =	vld [tilespmem:s23+$0xFFFFFFE0]  }
0x238: {  	v19 =	vld [tilespmem:s23+$0x10]  }
0x239: {  	v18 =	vld [tilespmem:s23+$0x0]  }
0x23a: {  	p2 =	por $0x0, $0x0;
	v16 =	vld [tilespmem:s23+$0xFFFFFFF0]  }
0x23b: {  	_ = 	snop  }
0x23c: {  	p3 =	sgt.s32 s21, $0x8  }
.Ltmp24:
0x23d: {  	s24 =	simm.s32 $0x10060;
	v5 =	vshra.s32 v19, $0x1F;
	(pc) =	sbr.rel @!p3 .LBB2_40-.Ltmp24, $4  }
0x23e: {  	v11 =	vld [tilespmem:s24+$0xFFFFFFE0];
	v6 =	vshra.s32 v13, $0x1F;
	v7 =	vshra.s32 v18, $0x1F;
	v5 =	vand.u32 $0x7FFFFFFF, v5  }
0x23f: {  	v12 =	vld [tilespmem:s24+$0x10];
	v8 =	vshra.s32 v16, $0x1F;
	v7 =	vand.u32 $0x7FFFFFFF, v7;
	v5 =	vxor.u32 v19, v5  }
0x240: {  	v14 =	vld [tilespmem:s24+$0x0];
	v6 =	vand.u32 $0x7FFFFFFF, v6;
	v8 =	vand.u32 $0x7FFFFFFF, v8;
	v7 =	vxor.u32 v18, v7;
	[tilespmem:s23+$0x10] =	vst v5  }
0x241: {  	s1 =	simm.s32 $0x8;
	p2 =	por $0x1, $0x1;
	s3 =	simm.s32 $0x10060;
	v15 =	vld [tilespmem:s24+$0xFFFFFFF0];
	v17 =	vxor.u32 v13, v6;
	v20 =	vxor.u32 v16, v8;
	[tilespmem:s23+$0x0] =	vst v7  }
.LBB2_41:
0x242: {  	s1 =	sadd.s32 $0x4, s1  }
0x243: {  	s3 =	sadd.s32 $0x40, s3;
	[tilespmem:s23+$0xFFFFFFF0] =	vst v20;
	v5 =	vmov v11;
	p3 =	slt.s32 s1, s21  }
.Ltmp25:
0x244: {  	v11 =	vld [tilespmem:s3+$0xFFFFFFE0];
	v6 =	vshra.s32 v12, $0x1F;
	[tilespmem:s23+$0xFFFFFFE0] =	vst v17;
	v16 =	vmov v12;
	s23 =	smov.u32 s24;
	(pc) =	sbr.rel @p3 .LBB2_41-.Ltmp25, $4  }
0x245: {  	v8 =	vshra.s32 v5, $0x1F;
	s24 =	smov.u32 s3;
	v12 =	vld [tilespmem:s3+$0x10];
	v9 =	vshra.s32 v14, $0x1F;
	v6 =	vand.u32 $0x7FFFFFFF, v6;
	v10 =	vmovc v14  }
0x246: {  	v14 =	vld [tilespmem:s3+$0x0];
	v13 =	vshra.s32 v15, $0x1F;
	v9 =	vand.u32 $0x7FFFFFFF, v9;
	v6 =	vxor.u32 v16, v6;
	v7 =	vmovc v15  }
0x247: {  	v8 =	vand.u32 $0x7FFFFFFF, v8;
	v15 =	vld [tilespmem:s3+$0xFFFFFFF0];
	v13 =	vand.u32 $0x7FFFFFFF, v13;
	v9 =	vxor.u32 v10, v9;
	[tilespmem:s23+$0x10] =	vst v6  }
0x248: {  	v17 =	vxor.u32 v5, v8;
	v20 =	vxor.u32 v7, v13;
	[tilespmem:s23+$0x0] =	vst v9  }
0x249: {  	_ =	sdelay $0x2  }
0x24a: {  	s1 =	smov.u32 s23;
	v13 =	vmovc v11;
	s23 =	smov.u32 s24;
	v19 =	vmov v12;
	v18 =	vmov v14;
	v16 =	vmov v15  }
.LBB2_43:
0x24b: {  	v5 =	vshra.s32 v19, $0x1F  }
0x24c: {  	[tilespmem:s1+$0xFFFFFFF0] =	vst @p2 v20;
	v6 =	vshra.s32 v18, $0x1F;
	v5 =	vand.u32 $0x7FFFFFFF, v5  }
0x24d: {  	[tilespmem:s1+$0xFFFFFFE0] =	vst @p2 v17;
	v7 =	vshra.s32 v16, $0x1F;
	v6 =	vand.u32 $0x7FFFFFFF, v6;
	v5 =	vxor.u32 v19, v5  }
0x24e: {  	v8 =	vshra.s32 v13, $0x1F;
	v7 =	vand.u32 $0x7FFFFFFF, v7;
	v6 =	vxor.u32 v18, v6;
	[tilespmem:s23+$0x10] =	vst v5  }
0x24f: {  	v7 =	vxor.u32 v16, v7;
	v5 =	vand.u32 $0x7FFFFFFF, v8;
	[tilespmem:s23+$0x0] =	vst v6  }
0x250: {  	[tilespmem:s23+$0xFFFFFFF0] =	vst v7;
	v5 =	vxor.u32 v13, v5  }
0x251: {  	[tilespmem:s23+$0xFFFFFFE0] =	vst v5  }
.LBB2_34:
0x252: {  	s1 =	ssub.s32 s19, s21  }
0x253: {  	p2 =	sgt.s32 s1, $0x0  }
.Ltmp26:
0x254: {  	_ = 	snop;
	(pc) =	sbr.rel @!p2 .LBB2_35-.Ltmp26, $1  }
0x255: {  	_ =	sdelay $0x3  }
0x256: {  	s1 =	sshll.u32 s21, $0x6  }
0x257: {  	s1 =	sshra.s32 s1, $0x2  }
0x258: {  	s1 =	sadd.s32 $0x10000, s1  }
.LBB2_45:
0x259: {  	v5 =	vld [tilespmem:s1+$0x0];
	_ =	sdelay $0x1  }
0x25a: {  	s21 =	sadd.s32 $0x1, s21  }
0x25b: {  	p2 =	slt.s32 s21, s19  }
.Ltmp27:
0x25c: {  	_ = 	snop;
	(pc) =	sbr.rel @p2 .LBB2_45-.Ltmp27, $4  }
0x25d: {  	v6 =	vshra.s32 v5, $0x1F  }
0x25e: {  	v6 =	vand.u32 $0x7FFFFFFF, v6  }
0x25f: {  	v5 =	vxor.u32 v5, v6  }
0x260: {  	[tilespmem:s1+$0x0] =	vst v5;
	s1 =	sadd.s32 $0x10, s1  }
.LBB2_35:
.Ltmp28:
0x261: {  	(pc) =	sbr.rel .LBB2_36-.Ltmp28, $4  }
0x262: {  	s1 =	sshll.u32 s20, $0x1  }
0x263: {  	s19 =	sor.u32 s5, s1  }
0x264: {  	s1 =	sshll.u32 s19, $0x4  }
0x265: {  	s23 =	simm.s32 $0x0;
	v19 =	vimm.s32 $0xFFFFFFFF;
	v17 =	vimm.s32 $0x40;
	v18 =	vimm.s32 $0x0;
	s21 =	sand.u32 $0x60, s1  }
.LBB2_54:
0x266: {  	v13 =	vimm.s32 $0xFFFFFFFF  }
.LBB2_55:
0x267: {  	p2 =	slt.s32 s25, $0x1  }
0x268: {  	s1 =	sshll.u32 @!p2 s24, $0x4  }
0x269: {  	v5 =	vld @!p2 [tilespmem:s1+$0x10000];
	_ =	sdelay $0x4  }
0x26a: {  	v6 =	vshra.s32 @!p2 v5, v11  }
0x26b: {  	v7 =	vlaneseq.u32 @!p2;
	v6 =	vand.u32 @!p2 $0xFF, v6  }
0x26c: {  	v7 =	vor.u32 @!p2 s1, v7;
	v6 =	vxor.u32 @!p2 v12, v6  }
0x26d: {  	vm0 =	vlt.s32 @!p2 v7, s22;
	vm1 =	vgt.s32 @!p2 v6, v16  }
0x26e: {  	vm2 =	veq.s32 @!p2 v6, v16;
	v6 =	vimm.s32 @!p2 $0x1;
	vm1 =	vmand @!p2 vm0, vm1  }
0x26f: {  	vm0 =	vmand @!p2 vm0, vm2;
	(xrf0) =	vadd.scan.msk.s32 @!p2 vm1, v6  }
0x270: {  	(xrf0) =	vadd.scan.msk.s32 @!p2 vm0, v6;
	_ =	sdelay $0x4  }
0x271: {  	v6, _, _ =	vpop @!p2 (xrf0)  }
0x272: {  	v6 =	vadd.s32 @!p2 v19, v6;
	v7, _, _ =	vpop @!p2 (xrf0)  }
0x273: {  	v7 =	vadd.s32 @!p2 v13, v7;
	_ =	sdelay $0x2  }
0x274: {  	s1 =	simm.s32 @!p2 $0x18100;
	v9 =	vmpcnt.ones.xlane @!p2 vm0  }
0x275: {  	v8 =	vshrl.u32 v21, $0x1B;
	[tilespmem:v6+s1+$0x0] =	vst.idx.msk @!p2 vm1, v5;
	s1 =	simm.s32 @!p2 $0x10000  }
0x276: {  	v8 =	vand.u32 $0x10, v8;
	[tilespmem:v7+s1+$0x0] =	vst.idx.msk @!p2 vm0, v5;
	v7 =	vadd.s32 @!p2 v13, v9  }
0x277: {  	v5 =	vadd.s32 v21, v8;
	v13 =	vpsel p2, v13, v7  }
0x278: {  	v20 =	vperm.xlane v20, v5;
	v15 =	vperm.xlane v15, v5;
	v5 =	vxor.u32 $0x80000000, v13  }
0x279: {  	(xrf0) =	vmax.scan.msk.u32 $0xffff, v5;
	_ =	sdelay $0x5  }
0x27a: {  	v5, _, _ =	vpop (xrf0)  }
0x27b: {  	(v2sf) =	vpush v5, $0xF;
	_ =	sdelay $0x7  }
0x27c: {  	v6 =	vmpcnt.ones.xlane @!p2 vm1;
	_ =	sdelay $0x1  }
0x27d: {  	s23 =	sadd.s32 $0x1, s23;
	v6 =	vadd.s32 @!p2 v19, v6  }
0x27e: {  	v19 =	vpsel p2, v19, v6;
	p2 =	sne.s32 s23, $0x4  }
.Ltmp29:
0x27f: {  	_ = 	snop;
	(pc) =	sbr.rel @!p2 .LBB2_56-.Ltmp29, $4  }
0x280: {  	_ = 	snop  }
0x281: {  	v6 =	vadd.s32 v20, v14;
	v5 =	vxor.u32 v12, v16  }
0x282: {  	v6 =	vsub.s32 v17, v6;
	v5 =	vshll.u32 v5, v11;
	s31 =	spop (v2sf)  }
0x283: {  	v17 =	vadd.s32 v15, v6;
	v18 =	vor.u32 v18, v5;
	s22 =	sadd.s32 $0x80000001, s31  }
.LBB2_36:
0x284: {  	[tilespmem:$0x18000] =	vst v0;
	s1 =	sadd.s32 $0xF, s22  }
0x285: {  	[tilespmem:$0x18010] =	vst v0;
	s3 =	sand.u32 $0xF, s1  }
0x286: {  	[tilespmem:$0x18020] =	vst v0;
	s24 =	sshra.s32 s1, $0x1F;
	p2 =	slt.s32 s1, $0x1;
	p3 =	sne.s32 s3, $0x0  }
0x287: {  	[tilespmem:$0x18030] =	vst v0;
	s30 =	sshrl.u32 s24, $0x1C;
	p2 =	por !p2, !p3  }
0x288: {  	[tilespmem:$0x18040] =	vst v0;
	s3 =	simm.s32 $0x1;
	s1 =	sadd.s32 s30, s1;
	p2 =	por !p2, !p2  }
0x289: {  	[tilespmem:$0x18050] =	vst v0;
	s1 =	sshra.s32 s1, $0x4;
	s3 =	simm.s32 @!p2 $0x0  }
0x28a: {  	[tilespmem:$0x18060] =	vst v0;
	s25 =	ssub.s32 s1, s3  }
0x28b: {  	[tilespmem:$0x18070] =	vst v0;
	s1 =	sshrl.u32 s25, $0x1F  }
0x28c: {  	[tilespmem:$0x18080] =	vst v0;
	s1 =	sadd.s32 s1, s25  }
0x28d: {  	[tilespmem:$0x18090] =	vst v0;
	s26 =	simm.s32 $0x80;
	p2 =	seq.s32 s23, $0x0;
	s24 =	sand.u32 $0xFFFFFFFE, s1  }
0x28e: {  	[tilespmem:$0x180A0] =	vst v0;
	s26 =	simm.s32 @!p2 $0x0;
	p2 =	slt.s32 s24, $0x1  }
.Ltmp30:
0x28f: {  	[tilespmem:$0x180B0] =	vst v0;
	(pc) =	sbr.rel @p2 .LBB2_51-.Ltmp30, $4  }
0x290: {  	[tilespmem:$0x180C0] =	vst v0  }
0x291: {  	s31 =	sshll.u32 s23, $0x3;
	[tilespmem:$0x180D0] =	vst v0  }
0x292: {  	[tilespmem:$0x180E0] =	vst v0;
	s28 =	ssub.s32 $0x18, s31  }
0x293: {  	[tilespmem:$0x180F0] =	vst v0;
	v13 =	vmov s22;
	v11 =	vmov s28;
	v12 =	vmov s26  }
0x294: {  	p5 =	sgt.s32 s24, $0x2  }
.Ltmp31:
0x295: {  	_ = 	snop;
	(pc) =	sbr.rel @!p5 .LBB2_38-.Ltmp31, $4  }
0x296: {  	_ = 	snop  }
0x297: {  	s1 =	simm.s32 $0x10010  }
0x298: {  	v16 =	vld [tilespmem:s1+$0x0]  }
0x299: {  	s29 =	simm.s32 $0x10;
	p3 =	por $0x0, $0x0;
	p4 =	por $0x0, $0x0;
	v14 =	vld [tilespmem:s1+$0xFFFFFFF0]  }
0x29a: {  	p5 =	sgt.s32 s24, $0x4  }
.Ltmp32:
0x29b: {  	_ = 	snop;
	(pc) =	sbr.rel @!p5 .LBB2_47-.Ltmp32, $4  }
0x29c: {  	_ = 	snop  }
0x29d: {  	s1 =	simm.s32 $0x10030;
	v5 =	vshra.s32 v16, v11  }
0x29e: {  	v16 =	vld [tilespmem:s1+$0x0];
	v6 =	vshra.s32 v14, v11;
	v7 =	vand.u32 $0x80, v5;
	v21 =	vand.u32 $0x7F, v5  }
0x29f: {  	s31 =	simm.s32 $0x0;
	p3 =	por $0x1, $0x1;
	v14 =	vld [tilespmem:s1+$0xFFFFFFF0];
	v24 =	vand.u32 $0x80, v6;
	v23 =	vand.u32 $0x7F, v6;
	v22 =	vxor.u32 v12, v7  }
0x2a0: {  	p5 =	sgt.s32 s24, $0x6  }
.Ltmp33:
0x2a1: {  	v5 =	vor.u32 s31, v1;
	v6 =	vxor.u32 v12, v24;
	v7 =	vor.u32 s29, v1;
	(pc) =	sbr.rel @!p5 .LBB2_50-.Ltmp33, $4  }
0x2a2: {  	v20 =	vor.u32 v21, v22;
	v15 =	vor.u32 v23, v6;
	vm1 =	vlt.s32 v7, v13  }
0x2a3: {  	s1 =	simm.s32 $0x10050;
	vm0 =	vlt.s32 v5, v13;
	vm1 =	vmmov vm1;
	v5 =	vshra.s32 v16, v11  }
0x2a4: {  	s3 =	simm.s32 $0x6;
	v16 =	vld [tilespmem:s1+$0x0];
	v6 =	vshra.s32 v14, v11;
	v7 =	vand.u32 $0x80, v5;
	v21 =	vand.u32 $0x7F, v5  }
0x2a5: {  	s30 =	simm.s32 $0x30;
	s31 =	simm.s32 $0x20;
	p4 =	por $0x1, $0x1;
	v14 =	vld [tilespmem:s1+$0xFFFFFFF0];
	v24 =	vand.u32 $0x80, v6;
	v23 =	vand.u32 $0x7F, v6;
	v22 =	vxor.u32 v12, v7  }
.LBB2_49:
0x2a6: {  	s3 =	sadd.s32 $0x2, s3  }
0x2a7: {  	v5 =	vor.u32 s31, v1;
	v6 =	vxor.u32 v12, v24;
	v7 =	vor.u32 s30, v1;
	p5 =	slt.s32 s3, s24  }
.Ltmp34:
0x2a8: {  	v6 =	vor.u32 v23, v6;
	vm2 =	vlt.s32 v7, v13;
	v7 =	vor.u32 v21, v22;
	(pc) =	sbr.rel @p5 .LBB2_49-.Ltmp34, $4  }
0x2a9: {  	[tilespmem:v15+s13+$0x0] =	vst.idx.add.s32.msk vm0, v2;
	vm0 =	vlt.s32 v5, v13;
	v15 =	vmov v6  }
0x2aa: {  	s1 =	sadd.s32 $0x20, s1;
	s30 =	sadd.s32 $0x20, s30;
	v5 =	vshra.s32 v16, v11;
	[tilespmem:v20+s13+$0x0] =	vst.idx.add.s32.msk vm1, v2;
	v20 =	vmov v7;
	vm1 =	vmmov vm2  }
0x2ab: {  	s31 =	sadd.s32 $0xFFFFFFF0, s30;
	v16 =	vld [tilespmem:s1+$0x0];
	v6 =	vshra.s32 v14, v11;
	v7 =	vand.u32 $0x80, v5;
	v21 =	vand.u32 $0x7F, v5  }
0x2ac: {  	v14 =	vld [tilespmem:s1+$0xFFFFFFF0];
	v24 =	vand.u32 $0x80, v6;
	v23 =	vand.u32 $0x7F, v6;
	v22 =	vxor.u32 v12, v7  }
.LBB2_50:
0x2ad: {  	_ = 	snop  }
0x2ae: {  	v5 =	vxor.u32 @p3 v12, v24;
	v6 =	vor.u32 @p3 s30, v1  }
0x2af: {  	v7 =	vor.u32 @p3 s31, v1;
	v5 =	vor.u32 @p3 v23, v5;
	vm2 =	vlt.s32 @p3 v6, v13  }
0x2b0: {  	v6 =	vor.u32 @p3 v21, v22;
	vm3 =	vlt.s32 @p3 v7, v13;
	vm2 =	vmmov @p3 vm2  }
0x2b1: {  	s1 =	sadd.s32 @p3 $0x20, s30;
	vm3 =	vmmov @p3 vm3;
	v5 =	vpsel p3, v5, v0;
	v8 =	vshra.s32 v14, v11  }
0x2b2: {  	s29 =	smov.u32 @p3 s1;
	v6 =	vpsel p3, v6, v0;
	v7 =	vshra.s32 v16, v11;
	v10 =	vand.u32 $0x80, v8  }
0x2b3: {  	s1 =	sadd.s32 $0xFFFFFFF0, s29;
	vm2 =	vmmov @p3 vm2;
	v8 =	vand.u32 $0x7F, v8;
	v10 =	vxor.u32 v12, v10  }
0x2b4: {  	v14 =	vor.u32 s1, v1;
	v8 =	vor.u32 v8, v10;
	v10 =	vor.u32 s29, v1  }
0x2b5: {  	v9 =	vand.u32 $0x80, v7;
	vm5 =	vlt.s32 v14, v13;
	vm4 =	vlt.s32 v10, v13  }
0x2b6: {  	v7 =	vand.u32 $0x7F, v7;
	v9 =	vxor.u32 v12, v9;
	vm4 =	vmmov vm4  }
0x2b7: {  	[tilespmem:v15+s13+$0x0] =	vst.idx.add.s32.msk @p4 vm0, v2;
	v7 =	vor.u32 v7, v9  }
0x2b8: {  	[tilespmem:v20+s13+$0x0] =	vst.idx.add.s32.msk @p4 vm1, v2  }
0x2b9: {  	[tilespmem:v5+s13+$0x0] =	vst.idx.add.s32.msk @p3 vm3, v2  }
0x2ba: {  	[tilespmem:v6+s13+$0x0] =	vst.idx.add.s32.msk @p3 vm2, v2  }
0x2bb: {  	[tilespmem:v8+s13+$0x0] =	vst.idx.add.s32.msk vm5, v2  }
0x2bc: {  	[tilespmem:v7+s13+$0x0] =	vst.idx.add.s32.msk vm4, v2  }
.LBB2_51:
0x2bd: {  	s25 =	ssub.s32 s25, s24  }
0x2be: {  	p3 =	sgt.s32 s25, $0x0  }
0x2bf: {  	s1 =	sshll.u32 @p3 s24, $0x4  }
0x2c0: {  	v5 =	vld @p3 [tilespmem:s1+$0x10000];
	_ =	sdelay $0x4  }
0x2c1: {  	v6 =	vlaneseq.u32 @p3;
	v5 =	vshra.s32 @p3 v5, s28  }
0x2c2: {  	v6 =	vor.u32 @p3 s1, v6;
	v7 =	vand.u32 @p3 $0x80, v5  }
0x2c3: {  	vm0 =	vlt.s32 @p3 v6, s22;
	v5 =	vand.u32 @p3 $0x7F, v5;
	v6 =	vxor.u32 @p3 s26, v7  }
0x2c4: {  	v5 =	vor.u32 @p3 v5, v6;
	_ =	sdelay $0x3  }
0x2c5: {  	s1 =	simm.s32 @p3 $0x18000;
	v6 =	vimm.s32 @p3 $0x1  }
0x2c6: {  	s31 =	simm.s32 $0x18020;
	[tilespmem:v5+s1+$0x0] =	vst.idx.add.s32.msk @p3 vm0, v6  }
0x2c7: {  	v5 =	vld [tilespmem:s31+$0xFFFFFFE0]  }
0x2c8: {  	v6 =	vld [tilespmem:s31+$0xFFFFFFF0]  }
0x2c9: {  	v7 =	vld [tilespmem:s31+$0x0]  }
0x2ca: {  	v8 =	vld [tilespmem:s31+$0x10];
	_ =	sdelay $0x1  }
0x2cb: {  	(xrf0) =	vadd.scan.msk.s32 $0xffff, v5  }
0x2cc: {  	(xrf0) =	vadd.scan.msk.s32 $0xffff, v6  }
0x2cd: {  	(xrf0) =	vadd.scan.msk.s32 $0xffff, v7  }
0x2ce: {  	s29 =	simm.s32 $0x18060;
	(xrf0) =	vadd.scan.msk.s32 $0xffff, v8  }
0x2cf: {  	v14 =	vimm.s32 $0x0;
	s30 =	simm.s32 $0x8;
	s28 =	simm.s32 $0x0;
	s26 =	simm.s32 $0x4;
	v15 =	vld [tilespmem:s29+$0xFFFFFFE0]  }
.LBB2_52:
0x2d0: {  	p3 =	slt.u32 s30, $0xC;
	v5 =	vld [tilespmem:s29+$0xFFFFFFF0];
	s1 =	sadd.s32 $0x3, s28  }
0x2d1: {  	v7 =	vmov s28;
	s3 =	sadd.s32 $0x2, s28;
	v6 =	vld [tilespmem:s29+$0x0];
	v8 =	vmov s1;
	v9, _, _ =	vpop (xrf0)  }
0x2d2: {  	vm0 =	veq.s32 v7, v1;
	s1 =	sadd.s32 $0x1, s28;
	v21 =	vmov s3;
	s28 =	smov.u32 s26;
	s26 =	smov.u32 s30;
	v10 =	vld [tilespmem:s29+$0x10];
	v7 =	vperm.xlane v9, v3;
	v16, _, _ =	vpop (xrf0)  }
0x2d3: {  	v20 =	vmov s1;
	vm1 =	veq.s32 v21, v1;
	v16 =	vperm.xlane v16, v3;
	v9, _, _ =	vpop (xrf0)  }
.Ltmp35:
0x2d4: {  	(xrf0) =	vadd.scan.msk.s32 $0xffff, v15;
	v7 =	vnsel vm0, $0x0, v7;
	vm0 =	veq.s32 v20, v1;
	v9 =	vperm.xlane v9, v3;
	v15, _, _ =	vpop (xrf0);
	(pc) =	sbr.rel @p3 .LBB2_52-.Ltmp35, $4  }
0x2d5: {  	(xrf0) =	vadd.scan.msk.s32 $0xffff, v5;
	v5 =	vadd.s32 v14, v7;
	v7 =	vnsel vm0, $0x0, v16;
	v14 =	vperm.xlane v15, v3  }
0x2d6: {  	vm0 =	veq.s32 v8, v1;
	(xrf0) =	vadd.scan.msk.s32 $0xffff, v6;
	v5 =	vadd.s32 v7, v5;
	v6 =	vnsel vm1, $0x0, v9  }
0x2d7: {  	s29 =	sadd.s32 $0x40, s29;
	(xrf0) =	vadd.scan.msk.s32 $0xffff, v10;
	v5 =	vadd.s32 v6, v5;
	v6 =	vnsel vm0, $0x0, v14  }
0x2d8: {  	s30 =	sadd.s32 $0x4, s30;
	v15 =	vld [tilespmem:s29+$0xFFFFFFE0];
	v14 =	vadd.s32 v6, v5  }
0x2d9: {  	_ = 	snop  }
0x2da: {  	v5 =	vld [tilespmem:s29+$0xFFFFFFF0];
	v8 =	vmov s28;
	s3 =	sadd.s32 $0x2, s28;
	v10, _, _ =	vpop (xrf0)  }
0x2db: {  	v6 =	vld [tilespmem:s29+$0x0];
	vm0 =	veq.s32 v8, v1;
	v8 =	vperm.xlane v10, v3;
	v10 =	vmov s3  }
0x2dc: {  	s1 =	sadd.s32 $0x3, s28  }
0x2dd: {  	v7 =	vld [tilespmem:s29+$0x10];
	s28 =	sadd.s32 $0x1, s28;
	v9 =	vmov s1;
	v16, _, _ =	vpop (xrf0);
	(xrf0) =	vadd.scan.msk.s32 $0xffff, v15  }
0x2de: {  	v16 =	vperm.xlane v16, v3;
	vm1 =	veq.s32 v10, v1;
	v15 =	vmov s28;
	v10, _, _ =	vpop (xrf0)  }
0x2df: {  	(xrf0) =	vadd.scan.msk.s32 $0xffff, v5;
	v5 =	vnsel vm0, $0x0, v8;
	vm8 =	veq.s32 v15, v1;
	v8 =	vperm.xlane v10, v3;
	v10, _, _ =	vpop (xrf0)  }
0x2e0: {  	(xrf0) =	vadd.scan.msk.s32 $0xffff, v6;
	v5 =	vadd.s32 v14, v5;
	v6 =	vnsel vm8, $0x0, v16;
	v10 =	vperm.xlane v10, v3  }
0x2e1: {  	vm9 =	veq.s32 v9, v1;
	v5 =	vadd.s32 v6, v5;
	v6 =	vnsel vm1, $0x0, v8  }
0x2e2: {  	(xrf0) =	vadd.scan.msk.s32 $0xffff, v7;
	v5 =	vadd.s32 v6, v5;
	v6 =	vnsel vm9, $0x0, v10  }
0x2e3: {  	s30 =	sadd.s32 $0x2, s26;
	v5 =	vadd.s32 v6, v5;
	v6 =	vmov s26;
	v8, _, _ =	vpop (xrf0)  }
0x2e4: {  	s31 =	sadd.s32 $0x1, s26;
	vm10 =	veq.s32 v6, v1;
	v6 =	vperm.xlane v8, v3;
	v8 =	vmov s30  }
0x2e5: {  	v10 =	vmov s31  }
0x2e6: {  	s29 =	sadd.s32 $0x3, s26;
	v9, _, _ =	vpop (xrf0)  }
0x2e7: {  	v7 =	vmov s29;
	v9 =	vperm.xlane v9, v3;
	vm11 =	veq.s32 v8, v1;
	v8, _, _ =	vpop (xrf0)  }
0x2e8: {  	vm12 =	veq.s32 v10, v1;
	v6 =	vnsel vm10, $0x0, v6;
	v8 =	vperm.xlane v8, v3;
	v10, _, _ =	vpop (xrf0)  }
0x2e9: {  	v5 =	vadd.s32 v5, v6;
	v6 =	vnsel vm12, $0x0, v9;
	v9 =	vperm.xlane v10, v3  }
0x2ea: {  	vm13 =	veq.s32 v7, v1;
	v5 =	vadd.s32 v6, v5;
	v6 =	vnsel vm11, $0x0, v8  }
0x2eb: {  	v5 =	vadd.s32 v6, v5;
	v6 =	vnsel vm13, $0x0, v9  }
0x2ec: {  	v5 =	vadd.s32 v6, v5  }
0x2ed: {  	v5 =	vperm.xlane v5, v4;
	_ =	sdelay $0x1  }
0x2ee: {  	(xrf0) =	vadd.scan.msk.s32 $0xffff, v5;
	_ =	sdelay $0x5  }
0x2ef: {  	v6, _, _ =	vpop (xrf0)  }
0x2f0: {  	vm14 =	vge.s32 v6, v17  }
0x2f1: {  	v7 =	vmctz.xlane vm14;
	_ =	sdelay $0x1  }
0x2f2: {  	v8 =	vshll.u32 v7, $0x4  }
0x2f3: {  	v9 =	vsub.s32 v44, v8;
	_ =	sdelay $0x4  }
0x2f4: {  	v9 =	vld.idx.msk [tilespmem:v9+s13+$0x0], $0xffff;
	_ =	sdelay $0x4  }
0x2f5: {  	v15 =	vperm.xlane v9, v4;
	_ =	sdelay $0x1  }
0x2f6: {  	(xrf0) =	vadd.scan.msk.s32 $0xffff, v15  }
0x2f7: {  	v9 =	vshrl.u32 v7, $0x1B  }
0x2f8: {  	v9 =	vand.u32 $0x10, v9  }
0x2f9: {  	v7 =	vadd.s32 v7, v9  }
0x2fa: {  	v6 =	vperm.xlane v6, v7;
	v5 =	vperm.xlane v5, v7;
	_ =	sdelay $0x1  }
0x2fb: {  	v14 =	vsub.s32 v6, v5;
	v20, _, _ =	vpop (xrf0)  }
0x2fc: {  	v5 =	vadd.s32 v14, v20  }
.Ltmp36:
0x2fd: {  	vm15 =	vge.s32 v5, v17;
	(pc) =	sbr.rel @p2 .LBB2_54-.Ltmp36, $3  }
0x2fe: {  	v21 =	vmctz.xlane vm15;
	_ =	sdelay $0x1  }
0x2ff: {  	v5 =	vadd.s32 v21, v8  }
0x300: {  	v16 =	vsub.s32 $0xFF, v5  }
0x301: {  	s3 =	simm.s32 $0x10010  }
0x302: {  	v23 =	vld [tilespmem:s3+$0x0]  }
0x303: {  	v22 =	vld [tilespmem:s3+$0xFFFFFFF0];
	_ =	sdelay $0x2  }
0x304: {  	p3 =	sgt.s32 s24, $0x2  }
.Ltmp37:
0x305: {  	v24 =	vimm.s32 $0xFFFFFFFF;
	s1 =	simm.s32 $0x10;
	v5 =	vshra.s32 v23, v11;
	(pc) =	sbr.rel @!p3 .LBB2_61-.Ltmp37, $4  }
0x306: {  	v6 =	vor.u32 s1, v1;
	v7 =	vshra.s32 v22, v11;
	v5 =	vand.u32 $0xFF, v5  }
0x307: {  	s31 =	simm.s32 $0x0;
	vm6 =	vlt.s32 v6, v13;
	v6 =	vand.u32 $0xFF, v7;
	v31 =	vxor.u32 v12, v5  }
0x308: {  	v5 =	vor.u32 s31, v1;
	v6 =	vxor.u32 v12, v6;
	vm1 =	vgt.s32 v31, v16  }
0x309: {  	p2 =	por $0x0, $0x0;
	vm2 =	vgt.s32 v6, v16;
	vm0 =	veq.s32 v6, v16;
	vm8 =	vlt.s32 v5, v13  }
0x30a: {  	s26 =	simm.s32 $0x10030  }
0x30b: {  	v25 =	vld [tilespmem:s26+$0x0]  }
0x30c: {  	vm3 =	veq.s32 v31, v16;
	v26 =	vld [tilespmem:s26+$0xFFFFFFF0]  }
0x30d: {  	vm4 =	vmand vm6, vm3  }
0x30e: {  	vm3 =	vmand vm6, vm1;
	(xrf0) =	vadd.scan.msk.s32 vm4, v2  }
0x30f: {  	s28 =	simm.s32 $0x30;
	vm1 =	vmand vm8, vm2;
	(xrf0) =	vadd.scan.msk.s32 vm3, v2  }
0x310: {  	vm7 =	vmand vm8, vm0;
	v7 =	vor.u32 s28, v1;
	(xrf0) =	vadd.scan.msk.s32 vm1, v2  }
0x311: {  	v5 =	vmpcnt.ones.xlane vm1;
	(xrf0) =	vadd.scan.msk.s32 vm7, v2;
	v8 =	vshra.s32 v25, v11;
	v9 =	vshra.s32 v26, v11  }
0x312: {  	p3 =	sgt.s32 s24, $0x4;
	vm6 =	vlt.s32 v7, v13;
	v7 =	vand.u32 $0xFF, v8;
	v8 =	vand.u32 $0xFF, v9  }
.Ltmp38:
0x313: {  	v6 =	vmpcnt.ones.xlane vm7;
	v33 =	vadd.s32 v19, v5;
	v5 =	vxor.u32 v12, v8;
	(pc) =	sbr.rel @!p3 .LBB2_63-.Ltmp38, $4  }
0x314: {  	s1 =	simm.s32 $0x20;
	v29 =	vimm.s32 $0xFFFFFFFF;
	vm5 =	vmmov vm1;
	v27 =	vmpcnt.ones.xlane vm3;
	v28, _, _ =	vpop (xrf0)  }
0x315: {  	v34 =	vadd.s32 v24, v6;
	v31 =	vxor.u32 v12, v7;
	v7 =	vor.u32 s1, v1;
	v8, _, _ =	vpop (xrf0)  }
0x316: {  	vm1 =	vgt.s32 v31, v16;
	vm2 =	vgt.s32 v5, v16;
	vm0 =	veq.s32 v5, v16;
	v5, _, _ =	vpop (xrf0)  }
0x317: {  	s29 =	simm.s32 $0x4;
	p2 =	por $0x1, $0x1;
	vm8 =	vlt.s32 v7, v13;
	v32 =	vadd.s32 v33, v8;
	v30 =	vadd.s32 v19, v5;
	v35, _, _ =	vpop (xrf0)  }
.LBB2_64:
0x318: {  	vm10 =	veq.s32 v31, v16;
	v5 =	vadd.s32 v29, v35  }
0x319: {  	s29 =	sadd.s32 $0x2, s29;
	v6 =	vadd.s32 v33, v27;
	vm9 =	vmmov vm4;
	vm11 =	vmmov vm7  }
0x31a: {  	s26 =	sadd.s32 $0x20, s26;
	v7 =	vadd.s32 v34, v28;
	p3 =	slt.s32 s29, s24;
	vm4 =	vmand vm6, vm10  }
0x31b: {  	v9 =	vmpcnt.ones.xlane vm9;
	v8 =	vld [tilespmem:s26+$0x0];
	(xrf0) =	vadd.scan.msk.s32 vm4, v2  }
0x31c: {  	v10 =	vld [tilespmem:s26+$0xFFFFFFF0];
	[tilespmem:v32+s15+$0x0] =	vst.idx.msk vm3, v23;
	vm3 =	vmand vm6, vm1  }
0x31d: {  	vm1 =	vmand vm8, vm2;
	v29 =	vadd.s32 v34, v9;
	(xrf0) =	vadd.scan.msk.s32 vm3, v2  }
0x31e: {  	vm7 =	vmand vm8, vm0;
	v9 =	vmpcnt.ones.xlane vm1;
	(xrf0) =	vadd.scan.msk.s32 vm1, v2;
	[tilespmem:v30+s15+$0x0] =	vst.idx.msk vm5, v22  }
0x31f: {  	s28 =	sadd.s32 $0x20, s28;
	v34 =	vmpcnt.ones.xlane vm7;
	vm5 =	vmmov vm1;
	(xrf0) =	vadd.scan.msk.s32 vm7, v2;
	[tilespmem:v5+s14+$0x0] =	vst.idx.msk vm11, v22;
	v22 =	vmovc v26  }
0x320: {  	v27 =	vmpcnt.ones.xlane vm3;
	v5 =	vor.u32 s28, v1;
	v30 =	vshra.s32 v8, v11;
	[tilespmem:v7+s14+$0x0] =	vst.idx.msk vm9, v23;
	v23 =	vmovc v25  }
.Ltmp39:
0x321: {  	vm6 =	vlt.s32 v5, v13;
	v7 =	vshra.s32 v10, v11;
	v5 =	vand.u32 $0xFF, v30;
	v28, _, _ =	vpop (xrf0);
	(pc) =	sbr.rel @p3 .LBB2_64-.Ltmp39, $4  }
0x322: {  	s1 =	sadd.s32 $0xFFFFFFF0, s28;
	v33 =	vadd.s32 v6, v9;
	v25 =	vmovc v8;
	v26 =	vmovc v10;
	v30 =	vand.u32 $0xFF, v7;
	v31 =	vxor.u32 v12, v5  }
0x323: {  	v5 =	vor.u32 s1, v1;
	v9 =	vxor.u32 v12, v30;
	vm1 =	vgt.s32 v31, v16;
	v8, _, _ =	vpop (xrf0)  }
0x324: {  	vm2 =	vgt.s32 v9, v16;
	vm0 =	veq.s32 v9, v16;
	v32 =	vadd.s32 v33, v8;
	v7, _, _ =	vpop (xrf0)  }
0x325: {  	v34 =	vadd.s32 v29, v34;
	vm8 =	vlt.s32 v5, v13;
	v30 =	vadd.s32 v6, v7;
	v35, _, _ =	vpop (xrf0)  }
0x326: {  	v13 =	vmovc v23;
	v36 =	vmov v22;
	v22 =	vmov v26;
	v23 =	vmov v25  }
.LBB2_66:
0x327: {  	vm9 =	veq.s32 v31, v16  }
0x328: {  	vm9 =	vmand vm6, vm9  }
0x329: {  	vm1 =	vmand vm6, vm1;
	(xrf0) =	vadd.scan.msk.s32 vm9, v2  }
0x32a: {  	vm2 =	vmand vm8, vm2;
	(xrf0) =	vadd.scan.msk.s32 vm1, v2  }
0x32b: {  	(xrf0) =	vadd.scan.msk.s32 vm2, v2  }
0x32c: {  	vm0 =	vmand vm8, vm0  }
0x32d: {  	v5 =	vadd.s32 @p2 v33, v27;
	vm4 =	vmmov @p2 vm4;
	vm6 =	vmmov @p2 vm7;
	(xrf0) =	vadd.scan.msk.s32 vm0, v2  }
0x32e: {  	v8 =	vadd.s32 @p2 v29, v35;
	v6 =	vmpcnt.ones.xlane @p2 vm4;
	v7 =	vmpcnt.ones.xlane vm2  }
0x32f: {  	v10 =	vadd.s32 @p2 v34, v28;
	v5 =	vpsel p2, v5, v19;
	v9, _, _ =	vpop (xrf0)  }
0x330: {  	v25 =	vmpcnt.ones.xlane vm0;
	v6 =	vadd.s32 @p2 v34, v6;
	v7 =	vadd.s32 v5, v7;
	v19, _, _ =	vpop (xrf0)  }
0x331: {  	vm2 =	vmmov vm2;
	v6 =	vpsel p2, v6, v24;
	v19 =	vadd.s32 v7, v19;
	v26, _, _ =	vpop (xrf0)  }
0x332: {  	[tilespmem:v30+s15+$0x0] =	vst.idx.msk @p2 vm5, v36;
	v25 =	vadd.s32 v6, v25;
	v5 =	vadd.s32 v5, v26  }
0x333: {  	vm0 =	vmmov vm0;
	[tilespmem:v8+s14+$0x0] =	vst.idx.msk @p2 vm6, v36;
	v8 =	vadd.s32 v25, v9;
	v63, _, _ =	vpop (xrf0)  }
0x334: {  	[tilespmem:v32+s15+$0x0] =	vst.idx.msk @p2 vm3, v13;
	v6 =	vadd.s32 v6, v63  }
.Ltmp40:
0x335: {  	[tilespmem:v10+s14+$0x0] =	vst.idx.msk @p2 vm4, v13;
	(pc) =	sbr.rel .LBB2_55-.Ltmp40, $4  }
0x336: {  	vm15 =	vmmov vm9;
	[tilespmem:v19+s15+$0x0] =	vst.idx.msk vm1, v23  }
0x337: {  	v10 =	vmpcnt.ones.xlane vm15;
	v9 =	vmpcnt.ones.xlane vm1;
	[tilespmem:v5+s15+$0x0] =	vst.idx.msk vm2, v22  }
0x338: {  	[tilespmem:v8+s14+$0x0] =	vst.idx.msk vm9, v23  }
0x339: {  	v13 =	vadd.s32 v25, v10;
	v19 =	vadd.s32 v7, v9;
	[tilespmem:v6+s14+$0x0] =	vst.idx.msk vm0, v22  }
.LBB2_38:
.Ltmp41:
0x33a: {  	(pc) =	sbr.rel .LBB2_50-.Ltmp41, $2  }
0x33b: {  	_ =	sdelay $0x2  }
0x33c: {  	s30 =	simm.s32 $0x10  }
.LBB2_61:
.Ltmp42:
0x33d: {  	(pc) =	sbr.rel .LBB2_66-.Ltmp42, $2  }
0x33e: {  	_ =	sdelay $0x2  }
0x33f: {  	v29 =	vimm.s32 $0xFFFFFFFF  }
.LBB2_47:
.Ltmp43:
0x340: {  	(pc) =	sbr.rel .LBB2_50-.Ltmp43, $2  }
0x341: {  	_ =	sdelay $0x2  }
0x342: {  	s30 =	simm.s32 $0x10  }
.LBB2_63:
.Ltmp44:
0x343: {  	(pc) =	sbr.rel .LBB2_66-.Ltmp44, $2  }
0x344: {  	_ =	sdelay $0x2  }
0x345: {  	v13 =	vmovc v23;
	v36 =	vmovc v22;
	v29 =	vimm.s32 $0xFFFFFFFF;
	v22 =	vmov v26;
	v23 =	vmov v25  }
.LBB2_56:
0x346: {  	v5 =	vadd.s32 $0x1, v1  }
0x347: {  	v6 =	vor.u32 $0x10, v1;
	[tilespmem:$0x1FEA0] =	vst v5  }
0x348: {  	vm0 =	vgt.s32 v17, v1;
	v7 =	vadd.s32 $0x11, v1;
	v5 =	vadd.s32 v5, v19;
	[tilespmem:$0x1FEB0] =	vst v6  }
0x349: {  	vm1 =	vgt.s32 v17, v6;
	[tilespmem:$0x1FEC0] =	vst v7;
	v6 =	vadd.s32 v7, v19;
	v7 =	vor.u32 $0x20, v1  }
0x34a: {  	v8 =	vor.u32 $0x30, v1;
	[tilespmem:$0x1FED0] =	vst v7;
	vm2 =	vgt.s32 v17, v7;
	v7 =	vadd.s32 $0x21, v1  }
0x34b: {  	v57 =	vadd.s32 $0x31, v1;
	vm3 =	vgt.s32 v17, v8;
	[tilespmem:$0x1FEE0] =	vst v7;
	v7 =	vadd.s32 v7, v19  }
0x34c: {  	[tilespmem:$0x1FEF0] =	vst v8;
	v8 =	vadd.s32 v57, v19;
	_ =	sdelay $0x1  }
0x34d: {  	[tilespmem:v5+s15+$0x0] =	vst.idx.msk vm0, v18  }
0x34e: {  	[tilespmem:v6+s15+$0x0] =	vst.idx.msk vm1, v18  }
0x34f: {  	[tilespmem:v7+s15+$0x0] =	vst.idx.msk vm2, v18  }
0x350: {  	[tilespmem:v8+s15+$0x0] =	vst.idx.msk vm3, v18  }
0x351: {  	v5 =	vld [tilespmem:$0x18100]  }
0x352: {  	v6 =	vld [tilespmem:$0x18110];
	_ =	sdelay $0x3  }
0x353: {  	(xrf1) =	vsort.ascd.msk.u32 $0xffff, v5, v5  }
0x354: {  	(xrf1) =	vsort.ascd.msk.u32 $0xffff, v6, v6;
	_ =	sdelay $0x5  }
0x355: {  	v5 =	vld [tilespmem:$0x18120]  }
0x356: {  	v6 =	vld [tilespmem:$0x18130];
	_ =	sdelay $0x3  }
0x357: {  	(xrf1) =	vsort.ascd.msk.u32 $0xffff, v5, v5  }
0x358: {  	(xrf1) =	vsort.ascd.msk.u32 $0xffff, v6, v6  }
0x359: {  	v5, _, _ =	vpop (xrf1)  }
0x35a: {  	v11 =	vld [tilespmem:$0x1FF80];
	v6, _, _ =	vpop (xrf1)  }
0x35b: {  	v6 =	vperm.xlane v6, v4;
	_ =	sdelay $0x1  }
0x35c: {  	vm15 =	vlt.s32 v5, v6  }
0x35d: {  	v7 =	vsel vm15, v5, v6  }
0x35e: {  	v58 =	vperm.xlane v7, v11  }
0x35f: {  	v12 =	vld [tilespmem:$0x1FFB0]  }
0x360: {  	v61 =	vld [tilespmem:$0x1FF90];
	vm9 =	vlt.s32 v7, v58  }
0x361: {  	v5 =	vsel vm15, v6, v5;
	v9 =	vsel vm9, v7, v58;
	v7 =	vsel vm9, v58, v7  }
0x362: {  	vm7 =	vmmov $0xff;
	v60 =	vperm.xlane v5, v11  }
0x363: {  	v13 =	vld [tilespmem:$0x1FFC0];
	v6 =	vsel vm7, v9, v7  }
0x364: {  	v14 =	vld [tilespmem:$0x1FFA0];
	vm11 =	vlt.s32 v5, v60;
	v59 =	vperm.xlane v6, v12;
	v7, _, _ =	vpop (xrf1)  }
0x365: {  	vm4 =	vnez.u8 v61;
	v19 =	vsel vm11, v5, v60;
	v10, _, _ =	vpop (xrf1)  }
0x366: {  	v5 =	vsel vm11, v60, v5;
	vm10 =	vlt.s32 v6, v59;
	v10 =	vperm.xlane v10, v4  }
0x367: {  	v5 =	vsel vm7, v19, v5;
	v18 =	vsel vm10, v6, v59;
	v6 =	vsel vm10, v59, v6  }
0x368: {  	v62 =	vperm.xlane v5, v12;
	v6 =	vsel vm4, v18, v6;
	vm12 =	vlt.s32 v7, v10  }
0x369: {  	vm5 =	vnez.u8 v14;
	v18 =	vperm.xlane v6, v13;
	v63 =	vsel vm12, v7, v10  }
0x36a: {  	vm13 =	vlt.s32 v5, v62;
	v7 =	vsel vm12, v10, v7;
	v15 =	vperm.xlane v63, v11  }
0x36b: {  	v20 =	vsel vm13, v5, v62;
	v19 =	vperm.xlane v7, v11;
	vm14 =	vlt.s32 v6, v18  }
0x36c: {  	v33 =	vld [tilespmem:$0x1FFD0];
	v5 =	vsel vm13, v62, v5;
	v30 =	vsel vm14, v6, v18;
	vm15 =	vlt.s32 v63, v15  }
0x36d: {  	vm9 =	vlt.s32 v7, v19;
	v21 =	vsel vm15, v63, v15;
	v9 =	vsel vm15, v15, v63  }
0x36e: {  	v28 =	vsel vm9, v7, v19;
	v7 =	vsel vm9, v19, v7;
	v9 =	vsel vm7, v21, v9  }
0x36f: {  	v6 =	vsel vm14, v18, v6;
	v7 =	vsel vm7, v28, v7;
	v29 =	vperm.xlane v9, v12  }
0x370: {  	v5 =	vsel vm4, v20, v5;
	v6 =	vsel vm5, v30, v6;
	v19 =	vperm.xlane v7, v12  }
0x371: {  	v18 =	vperm.xlane v5, v13;
	v34 =	vperm.xlane v6, v33;
	vm10 =	vlt.s32 v9, v29  }
0x372: {  	vm11 =	vlt.s32 v7, v19;
	v20 =	vsel vm10, v9, v29;
	v8 =	vsel vm10, v29, v9  }
0x373: {  	v31 =	vsel vm11, v7, v19;
	v7 =	vsel vm11, v19, v7;
	v8 =	vsel vm4, v20, v8  }
0x374: {  	v7 =	vsel vm4, v31, v7;
	v32 =	vperm.xlane v8, v13  }
0x375: {  	vm12 =	vlt.s32 v5, v18;
	v15 =	vld [tilespmem:$0x1FFE0];
	vm15 =	vlt.s32 v6, v34;
	v19 =	vperm.xlane v7, v13  }
0x376: {  	v20 =	vsel vm12, v5, v18;
	v5 =	vsel vm12, v18, v5;
	vm13 =	vlt.s32 v8, v32  }
0x377: {  	vm14 =	vlt.s32 v7, v19;
	v18 =	vsel vm13, v8, v32;
	v8 =	vsel vm13, v32, v8  }
0x378: {  	v35 =	vsel vm14, v7, v19;
	v7 =	vsel vm14, v19, v7;
	v8 =	vsel vm5, v18, v8  }
0x379: {  	v5 =	vsel vm5, v20, v5;
	v7 =	vsel vm5, v35, v7;
	v18 =	vperm.xlane v8, v33  }
0x37a: {  	vm6 =	vnez.u8 v15;
	v36 =	vperm.xlane v5, v33;
	v19 =	vperm.xlane v7, v33  }
0x37b: {  	v20 =	vsel vm15, v6, v34;
	v6 =	vsel vm15, v34, v6;
	vm9 =	vlt.s32 v8, v18  }
0x37c: {  	vm10 =	vlt.s32 v5, v36;
	vm11 =	vlt.s32 v7, v19;
	v37 =	vsel vm9, v8, v18  }
0x37d: {  	v8 =	vsel vm9, v18, v8;
	v18 =	vsel vm11, v7, v19;
	v7 =	vsel vm11, v19, v7  }
0x37e: {  	v19 =	vsel vm10, v5, v36;
	v8 =	vsel vm6, v37, v8;
	v7 =	vsel vm6, v18, v7  }
0x37f: {  	v5 =	vsel vm10, v36, v5;
	v7 =	vperm.xlane v7, v4;
	v8 =	vperm.xlane v8, v4  }
0x380: {  	v6 =	vsel vm6, v20, v6;
	v5 =	vsel vm6, v19, v5  }
0x381: {  	vm12 =	vlt.s32 v6, v7;
	vm13 =	vlt.s32 v5, v8  }
0x382: {  	v38 =	vsel vm12, v6, v7;
	v39 =	vsel vm13, v5, v8  }
0x383: {  	vm14 =	vgt.s32 v38, v39  }
0x384: {  	v18 =	vsel vm14, v39, v38  }
0x385: {  	v19 =	vperm.xlane v18, v11;
	_ =	sdelay $0x1  }
0x386: {  	vm15 =	vlt.s32 v18, v19  }
0x387: {  	v20 =	vsel vm15, v18, v19;
	v18 =	vsel vm15, v19, v18  }
0x388: {  	v6 =	vsel vm12, v7, v6;
	v7 =	vsel vm14, v38, v39;
	v18 =	vsel vm7, v20, v18  }
0x389: {  	v40 =	vperm.xlane v7, v11;
	v19 =	vperm.xlane v18, v12  }
0x38a: {  	v5 =	vsel vm13, v8, v5  }
0x38b: {  	vm1 =	vgt.s32 v6, v5;
	vm10 =	vlt.s32 v7, v40;
	vm9 =	vlt.s32 v18, v19  }
0x38c: {  	v41 =	vsel vm9, v18, v19;
	v42 =	vsel vm9, v19, v18;
	v18 =	vsel vm1, v5, v6  }
0x38d: {  	v19 =	vsel vm10, v7, v40;
	v7 =	vsel vm10, v40, v7;
	v43 =	vperm.xlane v18, v11  }
0x38e: {  	v5 =	vsel vm1, v6, v5;
	v9 =	vsel vm4, v41, v42;
	v7 =	vsel vm7, v19, v7  }
0x38f: {  	v45 =	vperm.xlane v5, v11;
	v6 =	vperm.xlane v7, v12;
	vm11 =	vlt.s32 v18, v43  }
0x390: {  	v19 =	vperm.xlane v9, v13;
	v20 =	vsel vm11, v18, v43;
	v8 =	vsel vm11, v43, v18  }
0x391: {  	vm1 =	vlt.s32 v5, v45;
	vm12 =	vlt.s32 v7, v6;
	v8 =	vsel vm7, v20, v8  }
0x392: {  	v20 =	vsel vm1, v5, v45;
	v5 =	vsel vm1, v45, v5;
	v18 =	vperm.xlane v8, v12  }
0x393: {  	vm13 =	vlt.s32 v9, v19;
	v46 =	vsel vm12, v7, v6;
	v5 =	vsel vm7, v20, v5  }
0x394: {  	v6 =	vsel vm12, v6, v7;
	v7 =	vperm.xlane v5, v12;
	vm14 =	vlt.s32 v8, v18  }
0x395: {  	v20 =	vsel vm13, v9, v19;
	v6 =	vsel vm4, v46, v6;
	v47 =	vsel vm14, v8, v18  }
0x396: {  	v8 =	vsel vm14, v18, v8;
	v18 =	vperm.xlane v6, v13;
	vm15 =	vlt.s32 v5, v7  }
0x397: {  	v8 =	vsel vm4, v47, v8;
	v48 =	vsel vm15, v5, v7;
	v5 =	vsel vm15, v7, v5  }
0x398: {  	vm9 =	vlt.s32 v6, v18;
	v7 =	vperm.xlane v8, v13;
	v5 =	vsel vm4, v48, v5  }
0x399: {  	v49 =	vsel vm9, v6, v18;
	v6 =	vsel vm9, v18, v6;
	v18 =	vperm.xlane v5, v13  }
0x39a: {  	v9 =	vsel vm13, v19, v9;
	v6 =	vsel vm5, v49, v6;
	vm10 =	vlt.s32 v8, v7  }
0x39b: {  	v10 =	vperm.xlane v6, v33;
	v19 =	vsel vm10, v8, v7;
	vm11 =	vlt.s32 v5, v18  }
0x39c: {  	v7 =	vsel vm10, v7, v8;
	v50 =	vsel vm11, v5, v18;
	v5 =	vsel vm11, v18, v5  }
0x39d: {  	v9 =	vsel vm5, v20, v9;
	v7 =	vsel vm5, v19, v7;
	v5 =	vsel vm5, v50, v5  }
0x39e: {  	v19 =	vperm.xlane v9, v33;
	vm12 =	vlt.s32 v6, v10;
	v18 =	vperm.xlane v5, v33  }
0x39f: {  	v51 =	vperm.xlane v7, v33;
	v20 =	vsel vm12, v6, v10  }
0x3a0: {  	v6 =	vsel vm12, v10, v6;
	vm15 =	vlt.s32 v9, v19;
	vm14 =	vlt.s32 v5, v18  }
0x3a1: {  	vm13 =	vlt.s32 v7, v51;
	v52 =	vsel vm14, v5, v18;
	v5 =	vsel vm14, v18, v5  }
0x3a2: {  	v18 =	vsel vm13, v7, v51;
	v7 =	vsel vm13, v51, v7;
	v5 =	vsel vm6, v52, v5  }
0x3a3: {  	v53 =	vsel vm15, v9, v19;
	v7 =	vsel vm6, v18, v7;
	v5 =	vperm.xlane v5, v4  }
0x3a4: {  	v9 =	vsel vm15, v19, v9;
	v6 =	vsel vm6, v20, v6;
	v7 =	vperm.xlane v7, v4  }
0x3a5: {  	v8 =	vsel vm6, v53, v9;
	v6 =	vperm.xlane v6, v4;
	v54 =	vshra.s32 v5, $0x1F  }
0x3a6: {  	s1 =	sshll.u32 s20, $0x8;
	v8 =	vperm.xlane v8, v4;
	v55 =	vshra.s32 v7, $0x1F;
	v9 =	vand.u32 $0x7FFFFFFF, v54  }
0x3a7: {  	[tilespmem:$0x1FF00] =	vst v57;
	s20 =	sand.u32 $0x3FFFFF00, s1;
	v57 =	vshra.s32 v6, $0x1F;
	v56 =	vand.u32 $0x7FFFFFFF, v55;
	v5 =	vxor.u32 v5, v9  }
0x3a8: {  	v58 =	vshra.s32 v8, $0x1F;
	[tilespmem:s20+$0x18180] =	vst v5;
	v5 =	vxor.u32 v7, v56;
	v7 =	vand.u32 $0x7FFFFFFF, v57  }
0x3a9: {  	[tilespmem:s20+$0x18190] =	vst v5;
	v5 =	vxor.u32 v6, v7;
	v6 =	vand.u32 $0x7FFFFFFF, v58  }
0x3aa: {  	[tilespmem:s20+$0x181A0] =	vst v5;
	v5 =	vxor.u32 v8, v6  }
0x3ab: {  	s3 =	sadd.s32 s21, s7;
	s1 =	sadd.s32 $0x18180, s20;
	[tilespmem:s20+$0x181B0] =	vst v5  }
0x3ac: {  	[hbm4b:s3+s2] =	stream.linear.scatter [tilespmem:s1], [sflag:$0x3], $0x80, $0x38;
	[tilespmem:$0x18380] =	vst v63  }
0x3ad: {  	s1 =	sadd.s32 @!p0 $0x2, s19  }
0x3ae: {  	s3 =	sshll.u32 @!p0 s1, $0x4  }
0x3af: {  	s1 =	sshll.u32 @!p0 s1, $0xC;
	s3 =	sand.u32 @!p0 $0x60, s3  }
0x3b0: {  	s22 =	simm.s32 @!p0 $0x400;
	s1 =	sand.u32 @!p0 $0xFFF8000, s1;
	s3 =	sadd.s32 @!p0 s0, s3  }
0x3b1: {  	s23 =	simm.s32 @!p0 $0x0;
	s1 =	sadd.s32 @!p0 s1, s3;
	s3 =	simm.s32 @!p0 $0x80  }
0x3b2: {  	[tilespmem:s23], [sflag:$0x1] =	stream.strided.gather @!p0 [hbm4b:s1+s3], $0x8000, s22, s3, $0x38;
	[tilespmem:$0x18380] =	vst v63  }
0x3b3: {  	_ =	swait.ge [sflag:s16], $0x8000  }
0x3b4: {  	[sflag:s16] =	ssyncset.done $0x0  }
0x3b5: {  	[sflag:s16] =	ssyncadd.s32 $0xFFFF8000  }
0x3b6: {  	[tilespmem:$0x18000] =	vst v0  }
0x3b7: {  	[tilespmem:$0x18010] =	vst v0  }
0x3b8: {  	[tilespmem:$0x18020] =	vst v0  }
0x3b9: {  	[tilespmem:$0x18030] =	vst v0  }
0x3ba: {  	[tilespmem:$0x18040] =	vst v0  }
0x3bb: {  	[tilespmem:$0x18050] =	vst v0  }
0x3bc: {  	[tilespmem:$0x18060] =	vst v0  }
0x3bd: {  	[tilespmem:$0x18070] =	vst v0  }
0x3be: {  	[tilespmem:$0x18080] =	vst v0  }
0x3bf: {  	[tilespmem:$0x18090] =	vst v0  }
0x3c0: {  	[tilespmem:$0x180A0] =	vst v0  }
0x3c1: {  	[tilespmem:$0x180B0] =	vst v0  }
0x3c2: {  	[tilespmem:$0x180C0] =	vst v0  }
0x3c3: {  	[tilespmem:$0x180D0] =	vst v0  }
0x3c4: {  	[tilespmem:$0x180E0] =	vst v0  }
0x3c5: {  	s30 =	simm.s32 $0x8200;
	[tilespmem:$0x180F0] =	vst v0  }
0x3c6: {  	v5 =	vld [tilespmem:s30+$0x100]  }
0x3c7: {  	v6 =	vld [tilespmem:s30+$0xFFFFFF00]  }
0x3c8: {  	v7 =	vld [tilespmem:s30+$0x0]  }
0x3c9: {  	v59 =	vld [tilespmem:s30+$0xFFFFFE00];
	_ =	sdelay $0x1  }
0x3ca: {  	v60 =	vshra.s32 v5, $0x1F  }
0x3cb: {  	s31 =	simm.s32 $0x8600;
	v9 =	vand.u32 $0x7F000000, v60  }
0x3cc: {  	v62 =	vld [tilespmem:s31+$0x100];
	v61 =	vshra.s32 v6, $0x1F;
	v19 =	vshra.s32 v7, $0x1F;
	v5 =	vxor.u32 v5, v9  }
0x3cd: {  	v18 =	vld [tilespmem:s31+$0xFFFFFF00];
	v20 =	vshra.s32 v59, $0x1F;
	v10 =	vand.u32 $0x7F000000, v61;
	v5 =	vshra.s32 v5, $0x18  }
0x3ce: {  	v21 =	vand.u32 $0x7F000000, v20;
	v20 =	vld [tilespmem:s31+$0x0];
	v6 =	vxor.u32 v6, v10;
	v5 =	vadd.s32 $0x80, v5  }
0x3cf: {  	v23 =	vld [tilespmem:s31+$0xFFFFFE00];
	v63 =	vand.u32 $0x7F000000, v19;
	v8 =	vxor.u32 v59, v21;
	v6 =	vshra.s32 v6, $0x18  }
0x3d0: {  	v7 =	vxor.u32 v7, v63;
	v8 =	vshra.s32 v8, $0x18;
	v19 =	vadd.s32 $0x80, v6  }
0x3d1: {  	v6 =	vshra.s32 v7, $0x18;
	v22 =	vadd.s32 $0x80, v8;
	v7 =	vshra.s32 v62, $0x1F  }
0x3d2: {  	v21 =	vadd.s32 $0x80, v6;
	v6 =	vshra.s32 v18, $0x1F;
	v7 =	vand.u32 $0x7F000000, v7  }
0x3d3: {  	s1 =	simm.s32 $0x4;
	s3 =	simm.s32 $0x8A00;
	v24 =	vand.u32 $0x7F000000, v6;
	v25 =	vshra.s32 v20, $0x1F;
	v26 =	vxor.u32 v62, v7;
	[tilespmem:v5+s13+$0x0] =	vst.idx.add.s32.msk $0xffff, v2  }
.LBB2_57:
0x3d4: {  	v5 =	vld [tilespmem:s3+$0x100];
	s1 =	sadd.s32 $0x4, s1;
	v6 =	vshra.s32 v23, $0x1F;
	v7 =	vand.u32 $0x7F000000, v25;
	v8 =	vshra.s32 v26, $0x18  }
0x3d5: {  	v9 =	vxor.u32 v18, v24;
	p2 =	slt.u32 s1, $0x7C;
	v6 =	vand.u32 $0x7F000000, v6;
	v18 =	vld [tilespmem:s3+$0xFFFFFF00];
	v8 =	vadd.s32 $0x80, v8  }
0x3d6: {  	v9 =	vshra.s32 v9, $0x18;
	v7 =	vxor.u32 v20, v7;
	v6 =	vxor.u32 v23, v6;
	v20 =	vld [tilespmem:s3+$0x0]  }
.Ltmp45:
0x3d7: {  	v9 =	vadd.s32 $0x80, v9;
	v7 =	vshra.s32 v7, $0x18;
	v23 =	vld [tilespmem:s3+$0xFFFFFE00];
	v6 =	vshra.s32 v6, $0x18;
	(pc) =	sbr.rel @p2 .LBB2_57-.Ltmp45, $4  }
0x3d8: {  	v7 =	vadd.s32 $0x80, v7;
	[tilespmem:v22+s13+$0x0] =	vst.idx.add.s32.msk $0xffff, v2;
	v22 =	vadd.s32 $0x80, v6  }
0x3d9: {  	v6 =	vshra.s32 v5, $0x1F;
	[tilespmem:v19+s13+$0x0] =	vst.idx.add.s32.msk $0xffff, v2;
	v19 =	vmov v9  }
0x3da: {  	v9 =	vshra.s32 v18, $0x1F;
	v6 =	vand.u32 $0x7F000000, v6;
	[tilespmem:v8+s13+$0x0] =	vst.idx.add.s32.msk $0xffff, v2  }
0x3db: {  	s3 =	sadd.s32 $0x400, s3;
	v24 =	vand.u32 $0x7F000000, v9;
	v25 =	vshra.s32 v20, $0x1F;
	v26 =	vxor.u32 v5, v6;
	[tilespmem:v21+s13+$0x0] =	vst.idx.add.s32.msk $0xffff, v2;
	v21 =	vmovc v7  }
0x3dc: {  	v5 =	vshra.s32 v23, $0x1F;
	v6 =	vshra.s32 v26, $0x18  }
0x3dd: {  	v7 =	vand.u32 $0x7F000000, v25;
	v8 =	vxor.u32 v18, v24;
	v5 =	vand.u32 $0x7F000000, v5  }
0x3de: {  	v6 =	vadd.s32 $0x80, v6;
	v8 =	vshra.s32 v8, $0x18;
	v7 =	vxor.u32 v20, v7  }
0x3df: {  	v5 =	vxor.u32 v23, v5;
	v8 =	vadd.s32 $0x80, v8;
	v7 =	vshra.s32 v7, $0x18  }
0x3e0: {  	[tilespmem:v22+s13+$0x0] =	vst.idx.add.s32.msk $0xffff, v2;
	v5 =	vshra.s32 v5, $0x18;
	v7 =	vadd.s32 $0x80, v7  }
0x3e1: {  	[tilespmem:v19+s13+$0x0] =	vst.idx.add.s32.msk $0xffff, v2;
	v5 =	vadd.s32 $0x80, v5  }
0x3e2: {  	[tilespmem:v21+s13+$0x0] =	vst.idx.add.s32.msk $0xffff, v2;
	p4 =	por $0x1, $0x1  }
.Ltmp46:
0x3e3: {  	[tilespmem:v6+s13+$0x0] =	vst.idx.add.s32.msk $0xffff, v2;
	(pc) =	sbr.rel @!p4 .LBB2_59-.Ltmp46, $4  }
0x3e4: {  	[tilespmem:v8+s13+$0x0] =	vst.idx.add.s32.msk $0xffff, v2  }
0x3e5: {  	[tilespmem:v7+s13+$0x0] =	vst.idx.add.s32.msk $0xffff, v2  }
0x3e6: {  	s24 =	simm.s32 $0x0;
	s22 =	simm.s32 $0x18020;
	[tilespmem:v5+s13+$0x0] =	vst.idx.add.s32.msk $0xffff, v2  }
0x3e7: {  	v18 =	vimm.s32 $0x0;
	s23 =	simm.s32 $0x4;
	p2 =	por $0x0, $0x0;
	p3 =	por $0x0, $0x0;
	v19 =	vld [tilespmem:s22+$0xFFFFFFE0]  }
0x3e8: {  	v5 =	vld [tilespmem:s22+$0xFFFFFFF0]  }
0x3e9: {  	v6 =	vld [tilespmem:s22+$0x0];
	p4 =	por $0x1, $0x1  }
.Ltmp47:
0x3ea: {  	_ = 	snop;
	(pc) =	sbr.rel @!p4 .LBB2_68-.Ltmp47, $4  }
0x3eb: {  	_ = 	snop  }
0x3ec: {  	(xrf0) =	vadd.scan.msk.s32 $0xffff, v19  }
0x3ed: {  	v20 =	vld [tilespmem:s22+$0x10];
	s22 =	simm.s32 $0x18060;
	(xrf0) =	vadd.scan.msk.s32 $0xffff, v5  }
0x3ee: {  	s25 =	simm.s32 $0x8;
	p2 =	por $0x1, $0x1;
	v19 =	vld [tilespmem:s22+$0xFFFFFFE0];
	(xrf0) =	vadd.scan.msk.s32 $0xffff, v6  }
0x3ef: {  	_ =	sdelay $0x2  }
0x3f0: {  	v5 =	vld [tilespmem:s22+$0xFFFFFFF0];
	(xrf0) =	vadd.scan.msk.s32 $0xffff, v20  }
0x3f1: {  	v6 =	vld [tilespmem:s22+$0x0];
	p4 =	por $0x1, $0x1  }
.Ltmp48:
0x3f2: {  	s1 =	simm.s32 $0x3;
	v20 =	vld [tilespmem:s22+$0x10];
	(pc) =	sbr.rel @!p4 .LBB2_70-.Ltmp48, $4  }
0x3f3: {  	v8 =	vmov s24;
	s3 =	simm.s32 $0x2;
	v22 =	vimm.s32 $0x0;
	v21 =	vmov s1;
	v7, _, _ =	vpop (xrf0)  }
0x3f4: {  	s31 =	simm.s32 $0x1;
	vm1 =	veq.s32 v8, v1;
	v63 =	vmov s3;
	v7 =	vperm.xlane v7, v3;
	(xrf0) =	vadd.scan.msk.s32 $0xffff, v19;
	v9, _, _ =	vpop (xrf0)  }
0x3f5: {  	v10 =	vmov s31;
	vm0 =	veq.s32 v63, v1;
	s22 =	simm.s32 $0x180A0;
	(xrf0) =	vadd.scan.msk.s32 $0xffff, v5;
	v23 =	vperm.xlane v9, v3;
	v5, _, _ =	vpop (xrf0)  }
0x3f6: {  	s24 =	simm.s32 $0xC;
	p3 =	por $0x1, $0x1;
	v19 =	vld [tilespmem:s22+$0xFFFFFFE0];
	v24 =	vnsel vm1, $0x0, v7;
	(xrf0) =	vadd.scan.msk.s32 $0xffff, v6;
	vm1 =	veq.s32 v10, v1;
	v25 =	vperm.xlane v5, v3;
	v26, _, _ =	vpop (xrf0)  }
.LBB2_71:
0x3f7: {  	p4 =	slt.u32 s24, $0xC;
	v5 =	vld [tilespmem:s22+$0xFFFFFFF0];
	(xrf0) =	vadd.scan.msk.s32 $0xffff, v20;
	v6 =	vadd.s32 v22, v24;
	v7 =	vnsel vm1, $0x0, v23;
	v8 =	vperm.xlane v26, v3  }
0x3f8: {  	v9 =	vld [tilespmem:s22+$0x0];
	v6 =	vadd.s32 v7, v6;
	v7 =	vnsel vm0, $0x0, v25;
	vm0 =	veq.s32 v21, v1  }
.Ltmp49:
0x3f9: {  	s1 =	sadd.s32 $0x3, s23;
	v20 =	vld [tilespmem:s22+$0x10];
	v6 =	vadd.s32 v7, v6;
	v7 =	vnsel vm0, $0x0, v8;
	(pc) =	sbr.rel @p4 .LBB2_71-.Ltmp49, $4  }
0x3fa: {  	v11 =	vmov s23;
	s3 =	sadd.s32 $0x2, s23;
	v21 =	vmov s1;
	v10, _, _ =	vpop (xrf0);
	v22 =	vadd.s32 v7, v6  }
0x3fb: {  	vm1 =	veq.s32 v11, v1;
	s1 =	sadd.s32 $0x1, s23;
	s23 =	smov.u32 s25;
	s25 =	smov.u32 s24;
	(xrf0) =	vadd.scan.msk.s32 $0xffff, v19;
	v6 =	vperm.xlane v10, v3;
	v10 =	vmov s3;
	v8, _, _ =	vpop (xrf0)  }
0x3fc: {  	s22 =	sadd.s32 $0x40, s22;
	(xrf0) =	vadd.scan.msk.s32 $0xffff, v5;
	v5 =	vmov s1;
	v23 =	vperm.xlane v8, v3;
	vm0 =	veq.s32 v10, v1;
	v7, _, _ =	vpop (xrf0)  }
0x3fd: {  	s24 =	sadd.s32 $0x4, s24;
	v19 =	vld [tilespmem:s22+$0xFFFFFFE0];
	(xrf0) =	vadd.scan.msk.s32 $0xffff, v9;
	v24 =	vnsel vm1, $0x0, v6;
	vm1 =	veq.s32 v5, v1;
	v25 =	vperm.xlane v7, v3;
	v26, _, _ =	vpop (xrf0)  }
0x3fe: {  	s24 =	smov.u32 s25  }
.LBB2_73:
0x3ff: {  	v5 =	vadd.s32 @p3 v22, v24  }
0x400: {  	v6 =	vnsel @p3 vm1, $0x0, v23;
	v7 =	vperm.xlane @p3 v26, v3;
	v8 =	vmov @p2 s23  }
0x401: {  	(xrf0) =	vadd.scan.msk.s32 @p2 $0xffff, v20;
	s1 =	sadd.s32 @p2 $0x3, s23;
	s3 =	sadd.s32 @p2 $0x1, s23;
	v5 =	vadd.s32 @p3 v6, v5;
	v6 =	vnsel @p3 vm0, $0x0, v25;
	vm0 =	veq.s32 @p3 v21, v1  }
0x402: {  	v9 =	vmov @p2 s1;
	s1 =	sadd.s32 @p2 $0x2, s23;
	v22 =	vmov @p2 s3;
	v5 =	vadd.s32 @p3 v6, v5  }
0x403: {  	v6 =	vld [tilespmem:s22+$0xFFFFFFF0];
	v7 =	vnsel @p3 vm0, $0x0, v7;
	v10, _, _ =	vpop @p2 (xrf0);
	vm0 =	veq.s32 @p2 v8, v1;
	v21 =	vmov @p2 s1  }
0x404: {  	v20 =	vld [tilespmem:s22+$0x0];
	v9 =	vpsel p2, v9, v0;
	v5 =	vadd.s32 @p3 v7, v5;
	v7 =	vperm.xlane @p2 v10, v3;
	v8, _, _ =	vpop @p2 (xrf0)  }
0x405: {  	v43 =	vld [tilespmem:s22+$0x10];
	(xrf0) =	vadd.scan.msk.s32 $0xffff, v19;
	vm1 =	veq.s32 @p2 v21, v1;
	v8 =	vperm.xlane @p2 v8, v3;
	v19, _, _ =	vpop @p2 (xrf0);
	v5 =	vpsel p3, v5, v18  }
0x406: {  	v7 =	vnsel @p2 vm0, $0x0, v7;
	vm0 =	veq.s32 @p2 v22, v1;
	v19 =	vperm.xlane @p2 v19, v3  }
0x407: {  	vm1 =	vmmov @p2 vm1;
	v21, _, _ =	vpop @p2 (xrf0);
	v7 =	vpsel p2, v7, v0;
	vm0 =	vmmov @p2 vm0  }
0x408: {  	(xrf0) =	vadd.scan.msk.s32 $0xffff, v6;
	v6 =	vpsel p2, v8, v0;
	v8 =	vpsel p2, v21, v0;
	v19 =	vpsel p2, v19, v0  }
0x409: {  	v5 =	vadd.s32 @p2 v5, v7;
	(xrf0) =	vadd.scan.msk.s32 $0xffff, v20;
	v6 =	vnsel @p2 vm0, $0x0, v6;
	v7 =	vperm.xlane @p2 v8, v3  }
0x40a: {  	vm0 =	veq.s32 @p2 v9, v1;
	(xrf0) =	vadd.scan.msk.s32 $0xffff, v43;
	v5 =	vadd.s32 @p2 v6, v5;
	v6 =	vnsel @p2 vm1, $0x0, v19  }
0x40b: {  	s28 =	sadd.s32 $0x2, s24;
	v5 =	vadd.s32 @p2 v6, v5;
	v6 =	vnsel @p2 vm0, $0x0, v7;
	v7 =	vmov s24  }
0x40c: {  	s26 =	sadd.s32 $0x3, s24;
	vm0 =	veq.s32 v7, v1;
	v7 =	vmov s28  }
0x40d: {  	s29 =	sadd.s32 $0x1, s24;
	v46 =	vmov s26;
	v45, _, _ =	vpop (xrf0)  }
0x40e: {  	v48 =	vmov s29;
	v5 =	vadd.s32 @p2 v6, v5;
	v6 =	vperm.xlane v45, v3;
	v47, _, _ =	vpop (xrf0)  }
0x40f: {  	vm1 =	veq.s32 v7, v1;
	v5 =	vpsel p2, v5, v18;
	v8 =	vperm.xlane v47, v3;
	v7, _, _ =	vpop (xrf0)  }
0x410: {  	v6 =	vnsel vm0, $0x0, v6;
	vm0 =	veq.s32 v48, v1;
	v7 =	vperm.xlane v7, v3;
	v49, _, _ =	vpop (xrf0)  }
0x411: {  	v5 =	vadd.s32 v5, v6;
	v6 =	vnsel vm0, $0x0, v8;
	v50 =	vperm.xlane v49, v3  }
0x412: {  	vm0 =	veq.s32 v46, v1;
	v5 =	vadd.s32 v6, v5;
	v6 =	vnsel vm1, $0x0, v7  }
0x413: {  	v5 =	vadd.s32 v6, v5;
	v6 =	vnsel vm0, $0x0, v50  }
0x414: {  	v5 =	vadd.s32 v6, v5  }
0x415: {  	v5 =	vperm.xlane v5, v4;
	_ =	sdelay $0x1  }
0x416: {  	(xrf0) =	vadd.scan.msk.s32 $0xffff, v5;
	_ =	sdelay $0x5  }
0x417: {  	v6, _, _ =	vpop (xrf0)  }
0x418: {  	vm0 =	vgt.s32 v6, $0xF  }
0x419: {  	v7 =	vmctz.xlane vm0;
	_ =	sdelay $0x1  }
0x41a: {  	v51 =	vshll.u32 v7, $0x4  }
0x41b: {  	v52 =	vsub.s32 v44, v51;
	_ =	sdelay $0x4  }
0x41c: {  	v9 =	vld.idx.msk [tilespmem:v52+s13+$0x0], $0xffff;
	[tilespmem:$0x18000] =	vst v0  }
0x41d: {  	[tilespmem:$0x18010] =	vst v0  }
0x41e: {  	[tilespmem:$0x18020] =	vst v0  }
0x41f: {  	[tilespmem:$0x18030] =	vst v0  }
0x420: {  	[tilespmem:$0x18040] =	vst v0  }
0x421: {  	[tilespmem:$0x18050] =	vst v0  }
0x422: {  	[tilespmem:$0x18060] =	vst v0  }
0x423: {  	[tilespmem:$0x18070] =	vst v0  }
0x424: {  	[tilespmem:$0x18080] =	vst v0  }
0x425: {  	[tilespmem:$0x18090] =	vst v0;
	v9 =	vperm.xlane v9, v4  }
0x426: {  	v53 =	vshrl.u32 v7, $0x1B;
	[tilespmem:$0x180A0] =	vst v0  }
0x427: {  	v10 =	vand.u32 $0x10, v53;
	[tilespmem:$0x180B0] =	vst v0;
	(xrf0) =	vadd.scan.msk.s32 $0xffff, v9  }
0x428: {  	v7 =	vadd.s32 v7, v10;
	[tilespmem:$0x180C0] =	vst v0  }
0x429: {  	v5 =	vperm.xlane v5, v7;
	[tilespmem:$0x180D0] =	vst v0  }
0x42a: {  	[tilespmem:$0x180E0] =	vst v0  }
0x42b: {  	s30 =	simm.s32 $0x8200;
	v6 =	vperm.xlane v6, v7;
	[tilespmem:$0x180F0] =	vst v0  }
0x42c: {  	s31 =	simm.s32 $0x8600;
	v24 =	vld [tilespmem:s30+$0xFFFFFE00]  }
0x42d: {  	v19 =	vsub.s32 v6, v5;
	v59 =	vld [tilespmem:s31+$0x100];
	v5, _, _ =	vpop (xrf0)  }
0x42e: {  	v25 =	vld [tilespmem:s31+$0x0];
	v6 =	vadd.s32 v19, v5  }
0x42f: {  	vm0 =	vgt.s32 v6, $0xF;
	v6 =	vld [tilespmem:s30+$0x100]  }
0x430: {  	v54 =	vld [tilespmem:s30+$0xFFFFFF00];
	v7 =	vmctz.xlane vm0  }
0x431: {  	v22 =	vld [tilespmem:s30+$0x0]  }
0x432: {  	v57 =	vshra.s32 v24, $0x1F;
	v61 =	vshra.s32 v59, $0x1F;
	v20 =	vshrl.u32 v7, $0x1B  }
0x433: {  	v62 =	vshra.s32 v25, $0x1F;
	v18 =	vadd.s32 v51, v7;
	v55 =	vand.u32 $0x10, v20  }
0x434: {  	v23 =	vsub.s32 $0xFF, v18;
	v7 =	vadd.s32 v7, v55;
	v56 =	vshra.s32 v6, $0x1F  }
0x435: {  	v20 =	vperm.xlane v5, v7;
	v5 =	vshra.s32 v54, $0x1F;
	v8 =	vand.u32 $0x7FFFFFFF, v56  }
0x436: {  	v21 =	vperm.xlane v9, v7;
	v7 =	vshra.s32 v22, $0x1F;
	v5 =	vand.u32 $0x7FFFFFFF, v5  }
0x437: {  	v6 =	vxor.u32 v6, v8;
	v7 =	vand.u32 $0x7FFFFFFF, v7;
	v8 =	vand.u32 $0x7FFFFFFF, v57  }
0x438: {  	v58 =	vshra.s32 v6, $0x18;
	v5 =	vxor.u32 v54, v5;
	v8 =	vxor.u32 v24, v8  }
0x439: {  	v6 =	vshrl.u32 v6, $0x10;
	v7 =	vxor.u32 v22, v7;
	v9 =	vadd.s32 $0x80, v58  }
0x43a: {  	v60 =	vshra.s32 v8, $0x18;
	v6 =	vand.u32 $0xFF, v6;
	v24 =	vshra.s32 v5, $0x18  }
0x43b: {  	v22 =	vld [tilespmem:s31+$0xFFFFFF00];
	v26 =	vshra.s32 v7, $0x18;
	vm1 =	veq.s32 v9, v23;
	v10 =	vadd.s32 $0x80, v60  }
0x43c: {  	v27 =	vld [tilespmem:s31+$0xFFFFFE00];
	v8 =	vshrl.u32 v8, $0x10;
	v24 =	vadd.s32 $0x80, v24;
	vm2 =	veq.s32 v10, v23  }
0x43d: {  	v5 =	vshrl.u32 v5, $0x10;
	v8 =	vand.u32 $0xFF, v8;
	vm3 =	veq.s32 v24, v23  }
0x43e: {  	v28 =	vand.u32 $0x7FFFFFFF, v62;
	v26 =	vadd.s32 $0x80, v26;
	v5 =	vand.u32 $0xFF, v5  }
0x43f: {  	v7 =	vshrl.u32 v7, $0x10;
	vm0 =	veq.s32 v26, v23;
	v10 =	vand.u32 $0x7FFFFFFF, v61  }
0x440: {  	v24 =	vand.u32 $0xFF, v7;
	v9 =	vxor.u32 v59, v10;
	v7 =	vshra.s32 v22, $0x1F  }
0x441: {  	v63 =	vshra.s32 v9, $0x18;
	v7 =	vand.u32 $0x7FFFFFFF, v7;
	[tilespmem:v6+s13+$0x0] =	vst.idx.add.s32.msk vm1, v2;
	v6 =	vshra.s32 v27, $0x1F  }
0x442: {  	v26 =	vxor.u32 v22, v7;
	v7 =	vadd.s32 $0x80, v63;
	v6 =	vand.u32 $0x7FFFFFFF, v6;
	[tilespmem:v8+s13+$0x0] =	vst.idx.add.s32.msk vm2, v2  }
0x443: {  	s23 =	simm.s32 $0x8A00;
	s22 =	simm.s32 $0x4;
	v29 =	vshrl.u32 v9, $0x10;
	vm1 =	veq.s32 v7, v23;
	[tilespmem:v5+s13+$0x0] =	vst.idx.add.s32.msk vm3, v2;
	v27 =	vxor.u32 v27, v6  }
.LBB2_74:
0x444: {  	v5 =	vld [tilespmem:s23+$0x100];
	s22 =	sadd.s32 $0x4, s22;
	v6 =	vshra.s32 v27, $0x18;
	v7 =	vxor.u32 v25, v28;
	v8 =	vand.u32 $0xFF, v29  }
0x445: {  	v10 =	vshra.s32 v26, $0x18;
	v9 =	vld [tilespmem:s23+$0xFFFFFF00];
	p2 =	slt.u32 s22, $0x7C;
	v6 =	vadd.s32 $0x80, v6;
	v22 =	vshra.s32 v7, $0x18  }
0x446: {  	v27 =	vshrl.u32 v27, $0x10;
	v10 =	vadd.s32 $0x80, v10;
	v25 =	vld [tilespmem:s23+$0x0];
	v22 =	vadd.s32 $0x80, v22  }
0x447: {  	v7 =	vshrl.u32 v7, $0x10;
	vm2 =	veq.s32 v6, v23;
	v6 =	vshrl.u32 v26, $0x10;
	v29 =	vld [tilespmem:s23+$0xFFFFFE00]  }
0x448: {  	v27 =	vand.u32 $0xFF, v27;
	vm3 =	veq.s32 v10, v23;
	[tilespmem:v24+s13+$0x0] =	vst.idx.add.s32.msk vm0, v2;
	vm0 =	veq.s32 v22, v23  }
0x449: {  	v6 =	vand.u32 $0xFF, v6;
	v24 =	vand.u32 $0xFF, v7;
	v10 =	vshra.s32 v5, $0x1F;
	[tilespmem:v8+s13+$0x0] =	vst.idx.add.s32.msk vm1, v2  }
.Ltmp50:
0x44a: {  	v22 =	vimm.s32 $0x0;
	v7 =	vshra.s32 v9, $0x1F;
	v8 =	vand.u32 $0x7FFFFFFF, v10;
	(pc) =	sbr.rel @p2 .LBB2_74-.Ltmp50, $4  }
0x44b: {  	v7 =	vand.u32 $0x7FFFFFFF, v7;
	v10 =	vshra.s32 v25, $0x1F;
	v5 =	vxor.u32 v5, v8  }
0x44c: {  	v8 =	vshra.s32 v29, $0x1F;
	v28 =	vand.u32 $0x7FFFFFFF, v10;
	v10 =	vshra.s32 v5, $0x18  }
0x44d: {  	v26 =	vxor.u32 v9, v7;
	v8 =	vand.u32 $0x7FFFFFFF, v8;
	v7 =	vadd.s32 $0x80, v10;
	[tilespmem:v27+s13+$0x0] =	vst.idx.add.s32.msk vm2, v2  }
0x44e: {  	s23 =	sadd.s32 $0x400, s23;
	v27 =	vxor.u32 v29, v8;
	vm1 =	veq.s32 v7, v23;
	v29 =	vshrl.u32 v5, $0x10;
	[tilespmem:v6+s13+$0x0] =	vst.idx.add.s32.msk vm3, v2  }
0x44f: {  	v5 =	vshra.s32 v27, $0x18  }
0x450: {  	v6 =	vxor.u32 v25, v28;
	v7 =	vand.u32 $0xFF, v29;
	v8 =	vshra.s32 v26, $0x18  }
0x451: {  	v10 =	vshrl.u32 v27, $0x10;
	v5 =	vadd.s32 $0x80, v5;
	v9 =	vshra.s32 v6, $0x18  }
0x452: {  	v8 =	vadd.s32 $0x80, v8;
	v10 =	vand.u32 $0xFF, v10;
	vm2 =	veq.s32 v5, v23  }
0x453: {  	v9 =	vadd.s32 $0x80, v9;
	v5 =	vshrl.u32 v26, $0x10;
	vm3 =	veq.s32 v8, v23  }
0x454: {  	v6 =	vshrl.u32 v6, $0x10;
	vm4 =	veq.s32 v9, v23;
	v5 =	vand.u32 $0xFF, v5  }
0x455: {  	v6 =	vand.u32 $0xFF, v6  }
0x456: {  	[tilespmem:v24+s13+$0x0] =	vst.idx.add.s32.msk vm0, v2;
	p4 =	por $0x1, $0x1  }
.Ltmp51:
0x457: {  	[tilespmem:v7+s13+$0x0] =	vst.idx.add.s32.msk vm1, v2;
	(pc) =	sbr.rel @!p4 .LBB2_76-.Ltmp51, $4  }
0x458: {  	[tilespmem:v10+s13+$0x0] =	vst.idx.add.s32.msk vm2, v2  }
0x459: {  	[tilespmem:v5+s13+$0x0] =	vst.idx.add.s32.msk vm3, v2;
	v5 =	vimm.s32 $0x0  }
0x45a: {  	s22 =	simm.s32 $0x0;
	s24 =	simm.s32 $0x18020;
	[tilespmem:v6+s13+$0x0] =	vst.idx.add.s32.msk vm4, v2;
	v5 =	vsel vm7, $0xFFFFFFFF, v5  }
0x45b: {  	s23 =	simm.s32 $0x4;
	p2 =	por $0x0, $0x0;
	p3 =	por $0x0, $0x0;
	v23 =	vld [tilespmem:s24+$0xFFFFFFE0];
	[tilespmem:$0x1FE90] =	vst v5  }
0x45c: {  	v5 =	vld [tilespmem:s24+$0xFFFFFFF0]  }
0x45d: {  	v6 =	vld [tilespmem:s24+$0x0];
	p4 =	por $0x1, $0x1  }
.Ltmp52:
0x45e: {  	_ = 	snop;
	(pc) =	sbr.rel @!p4 .LBB2_78-.Ltmp52, $4  }
0x45f: {  	_ = 	snop  }
0x460: {  	(xrf0) =	vadd.scan.msk.s32 $0xffff, v23  }
0x461: {  	v24 =	vld [tilespmem:s24+$0x10];
	s24 =	simm.s32 $0x18060;
	(xrf0) =	vadd.scan.msk.s32 $0xffff, v5  }
0x462: {  	s25 =	simm.s32 $0x8;
	p2 =	por $0x1, $0x1;
	v23 =	vld [tilespmem:s24+$0xFFFFFFE0];
	(xrf0) =	vadd.scan.msk.s32 $0xffff, v6  }
0x463: {  	_ =	sdelay $0x2  }
0x464: {  	v5 =	vld [tilespmem:s24+$0xFFFFFFF0];
	(xrf0) =	vadd.scan.msk.s32 $0xffff, v24  }
0x465: {  	v6 =	vld [tilespmem:s24+$0x0];
	p4 =	por $0x1, $0x1  }
.Ltmp53:
0x466: {  	s1 =	simm.s32 $0x3;
	v24 =	vld [tilespmem:s24+$0x10];
	(pc) =	sbr.rel @!p4 .LBB2_80-.Ltmp53, $4  }
0x467: {  	v8 =	vmov s22;
	s3 =	simm.s32 $0x2;
	v26 =	vimm.s32 $0x0;
	v25 =	vmov s1;
	v7, _, _ =	vpop (xrf0)  }
0x468: {  	s31 =	simm.s32 $0x1;
	vm1 =	veq.s32 v8, v1;
	v63 =	vmov s3;
	v7 =	vperm.xlane v7, v3;
	(xrf0) =	vadd.scan.msk.s32 $0xffff, v23;
	v9, _, _ =	vpop (xrf0)  }
0x469: {  	v10 =	vmov s31;
	vm0 =	veq.s32 v63, v1;
	s24 =	simm.s32 $0x180A0;
	(xrf0) =	vadd.scan.msk.s32 $0xffff, v5;
	v27 =	vperm.xlane v9, v3;
	v5, _, _ =	vpop (xrf0)  }
0x46a: {  	s26 =	simm.s32 $0xC;
	p3 =	por $0x1, $0x1;
	v23 =	vld [tilespmem:s24+$0xFFFFFFE0];
	v28 =	vnsel vm1, $0x0, v7;
	(xrf0) =	vadd.scan.msk.s32 $0xffff, v6;
	vm1 =	veq.s32 v10, v1;
	v29 =	vperm.xlane v5, v3;
	v30, _, _ =	vpop (xrf0)  }
.LBB2_81:
0x46b: {  	p4 =	slt.u32 s26, $0xC;
	v5 =	vld [tilespmem:s24+$0xFFFFFFF0];
	(xrf0) =	vadd.scan.msk.s32 $0xffff, v24;
	v6 =	vadd.s32 v26, v28;
	v7 =	vnsel vm1, $0x0, v27;
	v8 =	vperm.xlane v30, v3  }
0x46c: {  	v9 =	vld [tilespmem:s24+$0x0];
	v6 =	vadd.s32 v7, v6;
	v7 =	vnsel vm0, $0x0, v29;
	vm0 =	veq.s32 v25, v1  }
.Ltmp54:
0x46d: {  	s1 =	sadd.s32 $0x3, s23;
	v24 =	vld [tilespmem:s24+$0x10];
	v6 =	vadd.s32 v7, v6;
	v7 =	vnsel vm0, $0x0, v8;
	(pc) =	sbr.rel @p4 .LBB2_81-.Ltmp54, $4  }
0x46e: {  	v11 =	vmov s23;
	s3 =	sadd.s32 $0x2, s23;
	v25 =	vmov s1;
	v10, _, _ =	vpop (xrf0);
	v26 =	vadd.s32 v7, v6  }
0x46f: {  	vm1 =	veq.s32 v11, v1;
	s1 =	sadd.s32 $0x1, s23;
	s23 =	smov.u32 s25;
	s25 =	smov.u32 s26;
	(xrf0) =	vadd.scan.msk.s32 $0xffff, v23;
	v6 =	vperm.xlane v10, v3;
	v10 =	vmov s3;
	v8, _, _ =	vpop (xrf0)  }
0x470: {  	s24 =	sadd.s32 $0x40, s24;
	(xrf0) =	vadd.scan.msk.s32 $0xffff, v5;
	v5 =	vmov s1;
	v27 =	vperm.xlane v8, v3;
	vm0 =	veq.s32 v10, v1;
	v7, _, _ =	vpop (xrf0)  }
0x471: {  	s26 =	sadd.s32 $0x4, s26;
	v23 =	vld [tilespmem:s24+$0xFFFFFFE0];
	(xrf0) =	vadd.scan.msk.s32 $0xffff, v9;
	v28 =	vnsel vm1, $0x0, v6;
	vm1 =	veq.s32 v5, v1;
	v29 =	vperm.xlane v7, v3;
	v30, _, _ =	vpop (xrf0)  }
0x472: {  	s1 =	smov.u32 s23;
	s23 =	smov.u32 s25  }
.LBB2_83:
0x473: {  	v5 =	vadd.s32 @p3 v26, v28  }
0x474: {  	v6 =	vnsel @p3 vm1, $0x0, v27;
	v7 =	vperm.xlane @p3 v30, v3;
	v8 =	vmov @p2 s1  }
0x475: {  	(xrf0) =	vadd.scan.msk.s32 @p2 $0xffff, v24;
	s3 =	sadd.s32 @p2 $0x3, s1;
	v5 =	vadd.s32 @p3 v6, v5;
	v6 =	vnsel @p3 vm0, $0x0, v29;
	vm0 =	veq.s32 @p3 v25, v1  }
0x476: {  	v9 =	vmov @p2 s3;
	s3 =	sadd.s32 @p2 $0x2, s1;
	s1 =	sadd.s32 @p2 $0x1, s1;
	v5 =	vadd.s32 @p3 v6, v5;
	v7 =	vnsel @p3 vm0, $0x0, v7  }
0x477: {  	v6 =	vld [tilespmem:s24+$0xFFFFFFF0];
	v10, _, _ =	vpop @p2 (xrf0);
	vm0 =	veq.s32 @p2 v8, v1;
	v25 =	vmov @p2 s3;
	v26 =	vmov @p2 s1  }
0x478: {  	v52 =	vld [tilespmem:s24+$0x0];
	v9 =	vpsel p2, v9, v0;
	v5 =	vadd.s32 @p3 v7, v5;
	v7 =	vperm.xlane @p2 v10, v3;
	v8, _, _ =	vpop @p2 (xrf0)  }
0x479: {  	v53 =	vld [tilespmem:s24+$0x10];
	(xrf0) =	vadd.scan.msk.s32 $0xffff, v23;
	vm1 =	veq.s32 @p2 v25, v1;
	v8 =	vperm.xlane @p2 v8, v3;
	v23, _, _ =	vpop @p2 (xrf0);
	v5 =	vpsel p3, v5, v22  }
0x47a: {  	v7 =	vnsel @p2 vm0, $0x0, v7;
	vm0 =	veq.s32 @p2 v26, v1;
	v23 =	vperm.xlane @p2 v23, v3  }
0x47b: {  	vm1 =	vmmov @p2 vm1;
	v25, _, _ =	vpop @p2 (xrf0);
	v7 =	vpsel p2, v7, v0;
	vm0 =	vmmov @p2 vm0  }
0x47c: {  	(xrf0) =	vadd.scan.msk.s32 $0xffff, v6;
	v6 =	vpsel p2, v8, v0;
	v8 =	vpsel p2, v25, v0;
	v23 =	vpsel p2, v23, v0  }
0x47d: {  	v5 =	vadd.s32 @p2 v5, v7;
	(xrf0) =	vadd.scan.msk.s32 $0xffff, v52;
	v6 =	vnsel @p2 vm0, $0x0, v6;
	v7 =	vperm.xlane @p2 v8, v3  }
0x47e: {  	vm0 =	veq.s32 @p2 v9, v1;
	(xrf0) =	vadd.scan.msk.s32 $0xffff, v53;
	v5 =	vadd.s32 @p2 v6, v5;
	v6 =	vnsel @p2 vm1, $0x0, v23  }
0x47f: {  	s30 =	sadd.s32 $0x2, s23;
	v5 =	vadd.s32 @p2 v6, v5;
	v6 =	vnsel @p2 vm0, $0x0, v7;
	v7 =	vmov s23  }
0x480: {  	s29 =	sadd.s32 $0x3, s23;
	vm10 =	veq.s32 v7, v1;
	v7 =	vmov s30  }
0x481: {  	s31 =	sadd.s32 $0x1, s23;
	v55 =	vmov s29;
	v54, _, _ =	vpop (xrf0)  }
0x482: {  	v57 =	vmov s31;
	v5 =	vadd.s32 @p2 v6, v5;
	v6 =	vperm.xlane v54, v3;
	v56, _, _ =	vpop (xrf0)  }
0x483: {  	vm12 =	veq.s32 v57, v1;
	vm11 =	veq.s32 v7, v1;
	v8 =	vperm.xlane v56, v3;
	v7, _, _ =	vpop (xrf0)  }
0x484: {  	v5 =	vpsel p2, v5, v22;
	v6 =	vnsel vm10, $0x0, v6;
	v7 =	vperm.xlane v7, v3;
	v58, _, _ =	vpop (xrf0)  }
0x485: {  	v5 =	vadd.s32 v5, v6;
	v6 =	vnsel vm12, $0x0, v8;
	v59 =	vperm.xlane v58, v3  }
0x486: {  	vm13 =	veq.s32 v55, v1;
	v5 =	vadd.s32 v6, v5;
	v6 =	vnsel vm11, $0x0, v7  }
0x487: {  	v5 =	vadd.s32 v6, v5;
	v6 =	vnsel vm13, $0x0, v59  }
0x488: {  	v5 =	vadd.s32 v6, v5  }
0x489: {  	v5 =	vperm.xlane v5, v4;
	_ =	sdelay $0x1  }
0x48a: {  	(xrf0) =	vadd.scan.msk.s32 $0xffff, v5;
	_ =	sdelay $0x3  }
0x48b: {  	v6 =	vadd.s32 v20, v19  }
0x48c: {  	v6 =	vsub.s32 v21, v6  }
0x48d: {  	v6 =	vadd.s32 $0x10, v6;
	v7, _, _ =	vpop (xrf0)  }
0x48e: {  	vm14 =	vge.s32 v7, v6  }
0x48f: {  	v60 =	vmctz.xlane vm14;
	_ =	sdelay $0x1  }
0x490: {  	v61 =	vshll.u32 v60, $0x4  }
0x491: {  	v62 =	vsub.s32 v44, v61;
	_ =	sdelay $0x4  }
0x492: {  	v10 =	vld.idx.msk [tilespmem:v62+s13+$0x0], $0xffff;
	_ =	sdelay $0x4  }
0x493: {  	v10 =	vperm.xlane v10, v4  }
0x494: {  	v63 =	vshrl.u32 v60, $0x1B  }
0x495: {  	(xrf0) =	vadd.scan.msk.s32 $0xffff, v10;
	v10 =	vand.u32 $0x10, v63  }
0x496: {  	v8 =	vadd.s32 v60, v10  }
0x497: {  	v7 =	vperm.xlane v7, v8;
	_ =	sdelay $0x1  }
0x498: {  	v5 =	vperm.xlane v5, v8;
	_ =	sdelay $0x1  }
0x499: {  	v5 =	vsub.s32 v7, v5;
	v7, _, _ =	vpop (xrf0)  }
0x49a: {  	v5 =	vadd.s32 v7, v5  }
0x49b: {  	vm15 =	vge.s32 v5, v6  }
0x49c: {  	v5 =	vmctz.xlane vm15;
	_ =	sdelay $0x1  }
0x49d: {  	v5 =	vadd.s32 v61, v5  }
0x49e: {  	v6 =	vshll.u32 v18, $0x18;
	v5 =	vshll.u32 v5, $0x10  }
0x49f: {  	v6 =	vxor.u32 $0x7F000000, v6;
	v5 =	vsub.s32 $0xFF0000, v5  }
0x4a0: {  	v5 =	vor.u32 v6, v5  }
0x4a1: {  	v6 =	vshra.s32 v5, $0x1F  }
0x4a2: {  	v6 =	vand.u32 $0x7FFFFFFF, v6  }
0x4a3: {  	p3 =	por $0x1, $0x1;
	v18 =	vxor.u32 v5, v6  }
.LBB2_84:
0x4a4: {  	p2 =	por p3, p3;
	p3 =	sgt.s32 @!p3 s22, $0x3F  }
0x4a5: {  	p3 =	por p2, !p3  }
.Ltmp55:
0x4a6: {  	_ = 	snop;
	(pc) =	sbr.rel @!p3 .LBB2_92-.Ltmp55, $1  }
0x4a7: {  	_ =	sdelay $0x3  }
0x4a8: {  	s23 =	simm.s32 $0x8080;
	s1 =	simm.s32 $0xFFFFFFF0  }
0x4a9: {  	s23 =	simm.s32 @p2 $0x8080;
	s1 =	simm.s32 @p2 $0xFFFFFFF0  }
0x4aa: {  	v34 =	vld [tilespmem:s23+$0xFFFFFFE0];
	s24 =	sadd.s32 $0x10, s1  }
0x4ab: {  	v19 =	vld [tilespmem:s23+$0xFFFFFFF0];
	p4 =	slt.u32 s24, $0x7F0  }
.Ltmp56:
0x4ac: {  	v24 =	vld [tilespmem:s23+$0xFFFFFF90];
	(pc) =	sbr.rel @!p4 .LBB2_86-.Ltmp56, $4  }
0x4ad: {  	v32 =	vld [tilespmem:s23+$0xFFFFFFD0]  }
0x4ae: {  	v25 =	vld [tilespmem:s23+$0xFFFFFFB0]  }
0x4af: {  	v5 =	vimm.s32 $0xFFFFFFFF;
	v26 =	vld [tilespmem:s23+$0xFFFFFFC0]  }
0x4b0: {  	p3 =	por $0x0, $0x0;
	v28 =	vpsel p2, $0xFFFFFFFF, v5;
	v22 =	vld [tilespmem:s23+$0xFFFFFF80];
	s22 =	sadd.s32 $0x100, s23  }
0x4b1: {  	vm5 =	vge.f32 v24, v18  }
0x4b2: {  	v5 =	vld [tilespmem:s23+$0xFFFFFFA0];
	(xrf0) =	vadd.scan.msk.s32 vm5, v2  }
0x4b3: {  	vm9 =	vge.f32 v25, v18  }
0x4b4: {  	vm7 =	vge.f32 v26, v18;
	(xrf0) =	vadd.scan.msk.s32 vm9, v2  }
0x4b5: {  	v6 =	vld [tilespmem:s23+$0x0];
	vm8 =	vge.f32 v22, v18;
	(xrf0) =	vadd.scan.msk.s32 vm7, v2  }
0x4b6: {  	vm2 =	vge.f32 v34, v18;
	v7 =	vmpcnt.ones.xlane vm8;
	(xrf0) =	vadd.scan.msk.s32 vm8, v2  }
0x4b7: {  	vm0 =	vge.f32 v32, v18;
	v8 =	vmpcnt.ones.xlane vm5;
	vm1 =	vge.f32 v5, v18;
	(xrf0) =	vadd.scan.msk.s32 vm2, v2  }
0x4b8: {  	vm3 =	vge.f32 v19, v18;
	v20 =	vld [tilespmem:s23+$0x20];
	v27 =	vmpcnt.ones.xlane vm1;
	v7 =	vadd.s32 v28, v7;
	v23, _, _ =	vpop (xrf0);
	(xrf0) =	vadd.scan.msk.s32 vm0, v2  }
0x4b9: {  	v10 =	vld [tilespmem:s23+$0x10];
	v9 =	vmpcnt.ones.xlane vm9;
	v31 =	vadd.s32 v7, v23;
	v7 =	vadd.s32 v7, v8;
	(xrf0) =	vadd.scan.msk.s32 vm1, v2  }
0x4ba: {  	vm10 =	vge.f32 v6, v18;
	v27 =	vadd.s32 v7, v27;
	v29, _, _ =	vpop (xrf0);
	(xrf0) =	vadd.scan.msk.s32 vm3, v2  }
0x4bb: {  	v21 =	vld [tilespmem:s23+$0x30];
	v35 =	vadd.s32 v27, v29;
	v9 =	vadd.s32 v27, v9;
	v29, _, _ =	vpop (xrf0);
	(xrf0) =	vadd.scan.msk.s32 vm10, v2  }
0x4bc: {  	v30 =	vmpcnt.ones.xlane vm3;
	v33 =	vmpcnt.ones.xlane vm7;
	v36 =	vadd.s32 v9, v29;
	v29, _, _ =	vpop (xrf0)  }
0x4bd: {  	v53 =	vmpcnt.ones.xlane vm2;
	v37 =	vmpcnt.ones.xlane vm0;
	v23 =	vld [tilespmem:s23+$0x40];
	v54, _, _ =	vpop (xrf0)  }
0x4be: {  	vm4 =	vge.f32 v20, v18;
	vm11 =	vge.f32 v10, v18;
	v27 =	vld [tilespmem:s23+$0x50];
	v9 =	vadd.s32 v9, v33;
	v55, _, _ =	vpop (xrf0)  }
0x4bf: {  	(xrf0) =	vadd.scan.msk.s32 vm4, v2;
	v38 =	vadd.s32 v28, v29;
	v29 =	vld [tilespmem:s23+$0x60];
	[tilespmem:v31+s14+$0x0] =	vst.idx.msk vm5, v24;
	v24 =	vadd.s32 v9, v37;
	v31, _, _ =	vpop (xrf0)  }
0x4c0: {  	vm6 =	vge.f32 v21, v18;
	(xrf0) =	vadd.scan.msk.s32 vm11, v2;
	v8 =	vadd.s32 v24, v53;
	[tilespmem:v35+s14+$0x0] =	vst.idx.msk vm9, v25;
	v25, _, _ =	vpop (xrf0)  }
0x4c1: {  	v24 =	vadd.s32 v24, v54;
	v30 =	vadd.s32 v8, v30;
	[tilespmem:v36+s14+$0x0] =	vst.idx.msk vm7, v26;
	v26, _, _ =	vpop (xrf0)  }
0x4c2: {  	vm5 =	vge.f32 v23, v18;
	(xrf0) =	vadd.scan.msk.s32 vm6, v2;
	v26 =	vadd.s32 v30, v26  }
0x4c3: {  	v39 =	vmpcnt.ones.xlane vm10;
	v7 =	vadd.s32 v7, v31;
	vm7 =	vge.f32 v27, v18;
	(xrf0) =	vadd.scan.msk.s32 vm5, v2  }
0x4c4: {  	v57 =	vmpcnt.ones.xlane vm11;
	v60 =	vmpcnt.ones.xlane vm6;
	vm9 =	vge.f32 v29, v18;
	(xrf0) =	vadd.scan.msk.s32 vm7, v2  }
0x4c5: {  	v40 =	vmpcnt.ones.xlane vm5;
	v9 =	vadd.s32 v9, v55;
	v31 =	vld [tilespmem:s23+$0x70];
	v58, _, _ =	vpop (xrf0);
	[tilespmem:v38+s14+$0x0] =	vst.idx.msk vm8, v22;
	(xrf0) =	vadd.scan.msk.s32 vm9, v2  }
0x4c6: {  	v42 =	vld [tilespmem:s22+$0xFFFFFFD0];
	s23 =	sadd.s32 $0x10, s24;
	v56 =	vadd.s32 v30, v39;
	v33 =	vadd.s32 v8, v25;
	v22 =	vmpcnt.ones.xlane vm4;
	v25, _, _ =	vpop (xrf0);
	[tilespmem:v24+s14+$0x0] =	vst.idx.msk vm2, v34  }
0x4c7: {  	v35 =	vld [tilespmem:s22+$0xFFFFFFE0];
	p5 =	slt.u32 s23, $0x7F0;
	v59 =	vadd.s32 v56, v25;
	v25 =	vadd.s32 v56, v57;
	[tilespmem:v26+s14+$0x0] =	vst.idx.msk vm10, v6;
	v6 =	vmpcnt.ones.xlane vm7  }
.Ltmp57:
0x4c8: {  	vm8 =	vmmov vm3;
	v24 =	vld [tilespmem:s22+$0xFFFFFF90];
	v61, _, _ =	vpop (xrf0);
	[tilespmem:v7+s14+$0x0] =	vst.idx.msk vm1, v5;
	v36 =	vadd.s32 v25, v58;
	v5 =	vadd.s32 v25, v22;
	(pc) =	sbr.rel @!p5 .LBB2_88-.Ltmp57, $4  }
0x4c9: {  	v30 =	vld [tilespmem:s22+$0xFFFFFFF0];
	v7 =	vmpcnt.ones.xlane vm9;
	v37 =	vadd.s32 v5, v61;
	v5 =	vadd.s32 v5, v60;
	v62, _, _ =	vpop (xrf0)  }
0x4ca: {  	v25 =	vld [tilespmem:s22+$0xFFFFFFB0];
	vm10 =	vge.f32 v31, v18;
	v38 =	vadd.s32 v5, v62;
	v5 =	vadd.s32 v5, v40;
	v63, _, _ =	vpop (xrf0)  }
0x4cb: {  	[tilespmem:v9+s14+$0x0] =	vst.idx.msk vm0, v32;
	v26 =	vld [tilespmem:s22+$0xFFFFFFC0];
	(xrf0) =	vadd.scan.msk.s32 vm10, v2;
	v39 =	vadd.s32 v5, v63;
	v5 =	vadd.s32 v5, v6;
	v6, _, _ =	vpop (xrf0)  }
0x4cc: {  	p4 =	por $0x1, $0x1;
	s24 =	sadd.s32 $0x100, s22;
	v22 =	vld [tilespmem:s22+$0xFFFFFF80];
	v43 =	vmpcnt.ones.xlane vm10;
	[tilespmem:v59+s14+$0x0] =	vst.idx.msk vm11, v10;
	v40 =	vadd.s32 v5, v7;
	v41 =	vadd.s32 v5, v6  }
.LBB2_89:
0x4cd: {  	s23 =	sadd.s32 $0x10, s23;
	vm14 =	vge.f32 v24, v18;
	[tilespmem:v36+s14+$0x0] =	vst.idx.msk vm4, v20;
	v5 =	vmov v35;
	v35 =	vld [tilespmem:s24+$0xFFFFFFE0]  }
0x4ce: {  	p5 =	slt.u32 s23, $0x7F0;
	v6 =	vld [tilespmem:s22+$0xFFFFFFA0];
	(xrf0) =	vadd.scan.msk.s32 vm14, v2;
	[tilespmem:v37+s14+$0x0] =	vst.idx.msk vm6, v21;
	v7 =	vadd.s32 v40, v43;
	v32 =	vmov v42  }
0x4cf: {  	vm12 =	vge.f32 v30, v18;
	vm3 =	vge.f32 v25, v18;
	v8 =	vld [tilespmem:s22+$0x0];
	[tilespmem:v38+s14+$0x0] =	vst.idx.msk vm5, v23  }
0x4d0: {  	v9 =	vmpcnt.ones.xlane vm3;
	vm15 =	vge.f32 v26, v18;
	v34 =	vld [tilespmem:s22+$0x10];
	(xrf0) =	vadd.scan.msk.s32 vm3, v2;
	[tilespmem:v39+s14+$0x0] =	vst.idx.msk vm7, v27  }
0x4d1: {  	vm11 =	vge.f32 v32, v18;
	vm2 =	vge.f32 v22, v18;
	v20 =	vld [tilespmem:s22+$0x20];
	(xrf0) =	vadd.scan.msk.s32 vm15, v2;
	[tilespmem:v41+s14+$0x0] =	vst.idx.msk vm9, v29;
	v10, _, _ =	vpop (xrf0)  }
0x4d2: {  	vm1 =	vge.f32 v5, v18;
	v27 =	vmpcnt.ones.xlane vm2;
	v21 =	vld [tilespmem:s22+$0x30];
	(xrf0) =	vadd.scan.msk.s32 vm2, v2;
	v10 =	vadd.s32 v40, v10  }
0x4d3: {  	v36 =	vmpcnt.ones.xlane vm12;
	v29 =	vmpcnt.ones.xlane vm14;
	vm0 =	vge.f32 v6, v18;
	v23 =	vld [tilespmem:s22+$0x40];
	(xrf0) =	vadd.scan.msk.s32 vm1, v2  }
0x4d4: {  	v37 =	vadd.s32 v7, v27;
	v11 =	vmpcnt.ones.xlane vm0;
	v27 =	vld [tilespmem:s22+$0x50];
	v39, _, _ =	vpop (xrf0);
	(xrf0) =	vadd.scan.msk.s32 vm11, v2;
	[tilespmem:v33+s14+$0x0] =	vst.idx.msk vm8, v19  }
0x4d5: {  	v19 =	vmovc v30;
	v33 =	vadd.s32 v37, v39;
	v37 =	vadd.s32 v37, v29;
	v39 =	vmpcnt.ones.xlane vm1;
	(xrf0) =	vadd.scan.msk.s32 vm0, v2  }
0x4d6: {  	v12 =	vmpcnt.ones.xlane vm15;
	vm13 =	vge.f32 v8, v18;
	v11 =	vadd.s32 v37, v11;
	v38, _, _ =	vpop (xrf0)  }
0x4d7: {  	v38 =	vadd.s32 v11, v38;
	v9 =	vadd.s32 v11, v9;
	v29, _, _ =	vpop (xrf0);
	(xrf0) =	vadd.scan.msk.s32 vm12, v2;
	[tilespmem:v10+s14+$0x0] =	vst.idx.msk vm10, v31  }
0x4d8: {  	v10 =	vadd.s32 v9, v29;
	v9 =	vadd.s32 v9, v12;
	v29 =	vmpcnt.ones.xlane vm11;
	v30, _, _ =	vpop (xrf0);
	(xrf0) =	vadd.scan.msk.s32 vm13, v2  }
0x4d9: {  	vm4 =	vge.f32 v20, v18;
	v7 =	vadd.s32 v7, v30;
	v30 =	vmpcnt.ones.xlane vm13;
	v31, _, _ =	vpop (xrf0)  }
0x4da: {  	[tilespmem:v33+s14+$0x0] =	vst.idx.msk vm14, v24;
	v24 =	vadd.s32 v9, v29;
	vm14 =	vge.f32 v34, v18;
	v29 =	vld [tilespmem:s22+$0x60];
	v40, _, _ =	vpop (xrf0);
	(xrf0) =	vadd.scan.msk.s32 vm4, v2  }
0x4db: {  	vm6 =	vge.f32 v21, v18;
	vm5 =	vge.f32 v23, v18;
	v33 =	vadd.s32 v24, v39;
	v39, _, _ =	vpop (xrf0);
	(xrf0) =	vadd.scan.msk.s32 vm14, v2  }
0x4dc: {  	v37 =	vadd.s32 v37, v39;
	[tilespmem:v38+s14+$0x0] =	vst.idx.msk vm3, v25;
	v25 =	vadd.s32 v33, v36;
	(xrf0) =	vadd.scan.msk.s32 vm6, v2  }
0x4dd: {  	[tilespmem:v10+s14+$0x0] =	vst.idx.msk vm15, v26;
	v10 =	vadd.s32 v24, v31;
	v24 =	vadd.s32 v25, v30;
	v26 =	vmpcnt.ones.xlane vm14;
	v31 =	vld [tilespmem:s22+$0x70];
	v30, _, _ =	vpop (xrf0);
	s22 =	smov.u32 s24  }
0x4de: {  	vm7 =	vge.f32 v27, v18;
	[tilespmem:v7+s14+$0x0] =	vst.idx.msk vm2, v22;
	v7 =	vmpcnt.ones.xlane vm5;
	v22, _, _ =	vpop (xrf0);
	(xrf0) =	vadd.scan.msk.s32 vm5, v2  }
0x4df: {  	v33 =	vadd.s32 v33, v30;
	v22 =	vadd.s32 v25, v22;
	vm9 =	vge.f32 v29, v18;
	(xrf0) =	vadd.scan.msk.s32 vm7, v2  }
0x4e0: {  	vm8 =	vmmov vm12;
	v9 =	vadd.s32 v9, v40;
	v25, _, _ =	vpop (xrf0);
	(xrf0) =	vadd.scan.msk.s32 vm9, v2  }
0x4e1: {  	v38 =	vmpcnt.ones.xlane vm4;
	v36, _, _ =	vpop (xrf0)  }
0x4e2: {  	v30 =	vld [tilespmem:s24+$0xFFFFFFF0];
	[tilespmem:v10+s14+$0x0] =	vst.idx.msk vm1, v5;
	v5 =	vadd.s32 v24, v36;
	v10 =	vadd.s32 v24, v26;
	v26 =	vmpcnt.ones.xlane vm6;
	v39, _, _ =	vpop (xrf0)  }
.Ltmp58:
0x4e3: {  	v24 =	vld [tilespmem:s24+$0xFFFFFF90];
	[tilespmem:v37+s14+$0x0] =	vst.idx.msk vm0, v6;
	v36 =	vadd.s32 v10, v25;
	v6 =	vadd.s32 v10, v38;
	v10 =	vmpcnt.ones.xlane vm9;
	(pc) =	sbr.rel @p5 .LBB2_89-.Ltmp58, $4  }
0x4e4: {  	v42 =	vld [tilespmem:s24+$0xFFFFFFD0];
	[tilespmem:v22+s14+$0x0] =	vst.idx.msk vm13, v8;
	v37 =	vadd.s32 v6, v39;
	v6 =	vadd.s32 v6, v26;
	v8 =	vmpcnt.ones.xlane vm7;
	v22, _, _ =	vpop (xrf0)  }
0x4e5: {  	vm10 =	vge.f32 v31, v18;
	v25 =	vld [tilespmem:s24+$0xFFFFFFB0];
	v38 =	vadd.s32 v6, v22;
	v6 =	vadd.s32 v6, v7;
	v7, _, _ =	vpop (xrf0)  }
0x4e6: {  	v26 =	vld [tilespmem:s24+$0xFFFFFFC0];
	[tilespmem:v9+s14+$0x0] =	vst.idx.msk vm11, v32;
	v39 =	vadd.s32 v6, v7;
	v6 =	vadd.s32 v6, v8;
	v7, _, _ =	vpop (xrf0);
	(xrf0) =	vadd.scan.msk.s32 vm10, v2  }
0x4e7: {  	v43 =	vmpcnt.ones.xlane vm10;
	s24 =	sadd.s32 $0x100, s24;
	v22 =	vld [tilespmem:s22+$0xFFFFFF80];
	[tilespmem:v5+s14+$0x0] =	vst.idx.msk vm14, v34;
	v41 =	vadd.s32 v6, v7;
	v40 =	vadd.s32 v6, v10  }
0x4e8: {  	_ = 	snop  }
0x4e9: {  	v34 =	vmov v35;
	s23 =	smov.u32 s22;
	v32 =	vmov v42  }
.LBB2_91:
0x4ea: {  	v5 =	vld [tilespmem:s23+$0xFFFFFFA0];
	vm2 =	vge.f32 v24, v18  }
0x4eb: {  	v6 =	vimm.s32 $0x0;
	v8 =	vimm.s32 $0x0;
	vm3 =	vge.f32 v25, v18  }
0x4ec: {  	v11 =	vimm.s32 $0x0;
	v62 =	vimm.s32 $0x0;
	v12 =	vimm.s32 $0x0  }
0x4ed: {  	vm11 =	vge.f32 v32, v18;
	v14 =	vimm.s32 $0x0;
	v15 =	vimm.s32 $0x0  }
0x4ee: {  	v6 =	vsel vm2, $0xFFFFFFFF, v6;
	v61 =	vmpcnt.ones.xlane vm2;
	vm1 =	vge.f32 v22, v18  }
0x4ef: {  	(xrf0) =	vadd.scan.msk.s32 vm2, v2;
	[tilespmem:$0x1FE20] =	vst v6;
	v8 =	vsel vm1, $0xFFFFFFFF, v8;
	vm0 =	vge.f32 v5, v18  }
0x4f0: {  	vm14 =	vmmov vm3;
	vm15 =	vge.f32 v26, v18;
	[tilespmem:$0x1FE50] =	vst v8;
	v11 =	vsel vm0, $0xFFFFFFFF, v11  }
0x4f1: {  	v6 =	vadd.s32 @p4 v40, v43;
	v7 =	vmpcnt.ones.xlane vm1;
	v9 =	vld [tilespmem:s23+$0x0];
	[tilespmem:$0x1FE60] =	vst v11;
	v11 =	vsel vm3, $0xFFFFFFFF, v62  }
0x4f2: {  	v63 =	vmpcnt.ones.xlane vm3;
	v6 =	vpsel p4, v6, v28;
	[tilespmem:$0x1FE30] =	vst v11;
	v11 =	vsel vm15, $0xFFFFFFFF, v12  }
0x4f3: {  	v45 =	vmpcnt.ones.xlane vm11;
	v7 =	vadd.s32 v6, v7;
	v10 =	vmpcnt.ones.xlane vm0;
	[tilespmem:$0x1FE40] =	vst v11  }
0x4f4: {  	(xrf0) =	vadd.scan.msk.s32 vm14, v2;
	v13 =	vmpcnt.ones.xlane vm15;
	v8 =	vadd.s32 v7, v61;
	vm3 =	vmmov vm11;
	v35 =	vld [tilespmem:s23+$0x10]  }
0x4f5: {  	(xrf0) =	vadd.scan.msk.s32 vm15, v2;
	v10 =	vadd.s32 v8, v10;
	v11 =	vsel vm11, $0xFFFFFFFF, v14;
	vm11 =	vge.f32 v30, v18;
	v42 =	vld [tilespmem:s23+$0x20]  }
0x4f6: {  	vm15 =	vge.f32 v34, v18;
	v28 =	vadd.s32 v10, v63;
	v44 =	vld [tilespmem:s23+$0x30];
	[tilespmem:$0x1FE70] =	vst v11;
	v11 =	vsel vm11, $0xFFFFFFFF, v15  }
0x4f7: {  	(xrf0) =	vadd.scan.msk.s32 vm1, v2;
	v47 =	vmpcnt.ones.xlane vm15;
	v43 =	vadd.s32 v28, v13;
	v46 =	vld [tilespmem:s23+$0x40];
	[tilespmem:$0x1FE80] =	vst v11  }
0x4f8: {  	(xrf0) =	vadd.scan.msk.s32 vm15, v2;
	v48 =	vmpcnt.ones.xlane vm11;
	vm14 =	vge.f32 v9, v18;
	v45 =	vadd.s32 v43, v45;
	v49 =	vld [tilespmem:s23+$0x50]  }
0x4f9: {  	v50, _, _ =	vpop @p4 (xrf0);
	(xrf0) =	vadd.scan.msk.s32 vm3, v2;
	v51 =	vmpcnt.ones.xlane vm14;
	v52 =	vld [tilespmem:s23+$0x60];
	v47 =	vadd.s32 v45, v47;
	vm13 =	vge.f32 v35, v18  }
0x4fa: {  	v53, _, _ =	vpop (xrf0);
	(xrf0) =	vadd.scan.msk.s32 vm0, v2;
	v55 =	vld [tilespmem:s23+$0x70];
	v48 =	vadd.s32 v47, v48;
	vm12 =	vge.f32 v42, v18;
	v54 =	vmpcnt.ones.xlane vm13  }
0x4fb: {  	v56, _, _ =	vpop (xrf0);
	(xrf0) =	vadd.scan.msk.s32 vm11, v2;
	v51 =	vadd.s32 v48, v51;
	vm11 =	vge.f32 v44, v18;
	v57 =	vmpcnt.ones.xlane vm12  }
0x4fc: {  	v58, _, _ =	vpop (xrf0);
	(xrf0) =	vadd.scan.msk.s32 vm14, v2;
	v59 =	vmpcnt.ones.xlane vm11;
	vm3 =	vge.f32 v46, v18;
	v54 =	vadd.s32 v51, v54  }
0x4fd: {  	v60, _, _ =	vpop (xrf0);
	(xrf0) =	vadd.scan.msk.s32 vm12, v2;
	v61 =	vmpcnt.ones.xlane vm3;
	vm2 =	vge.f32 v49, v18;
	v57 =	vadd.s32 v54, v57  }
0x4fe: {  	v62, _, _ =	vpop (xrf0);
	(xrf0) =	vadd.scan.msk.s32 vm13, v2;
	vm1 =	vge.f32 v52, v18;
	v63 =	vmpcnt.ones.xlane vm2;
	v59 =	vadd.s32 v57, v59  }
0x4ff: {  	v11, _, _ =	vpop (xrf0);
	vm0 =	vge.f32 v55, v18;
	(xrf0) =	vadd.scan.msk.s32 vm11, v2;
	v12 =	vmpcnt.ones.xlane vm1;
	v61 =	vadd.s32 v59, v61  }
0x500: {  	v18, _, _ =	vpop (xrf0);
	v13 =	vmpcnt.ones.xlane vm0;
	(xrf0) =	vadd.scan.msk.s32 vm3, v2;
	v63 =	vadd.s32 v61, v63  }
0x501: {  	v14, _, _ =	vpop (xrf0);
	(xrf0) =	vadd.scan.msk.s32 vm2, v2;
	v12 =	vadd.s32 v63, v12  }
0x502: {  	v15, _, _ =	vpop (xrf0);
	(xrf0) =	vadd.scan.msk.s32 vm1, v2;
	v13 =	vadd.s32 v12, v13  }
0x503: {  	v16, _, _ =	vpop (xrf0);
	(xrf0) =	vadd.scan.msk.s32 vm0, v2;
	v13 =	vxor.u32 $0x80000000, v13  }
0x504: {  	[tilespmem:v36+s14+$0x0] =	vst.idx.msk @p4 vm4, v20;
	v17, _, _ =	vpop (xrf0);
	(xrf0) =	vmax.scan.msk.u32 $0xffff, v13  }
0x505: {  	[tilespmem:v37+s14+$0x0] =	vst.idx.msk @p4 vm6, v21;
	v20 =	vadd.s32 @p4 v40, v50;
	v36, _, _ =	vpop (xrf0)  }
0x506: {  	[tilespmem:v38+s14+$0x0] =	vst.idx.msk @p4 vm5, v23;
	v37, _, _ =	vpop (xrf0)  }
0x507: {  	[tilespmem:v39+s14+$0x0] =	vst.idx.msk @p4 vm7, v27;
	v38, _, _ =	vpop (xrf0)  }
0x508: {  	[tilespmem:v41+s14+$0x0] =	vst.idx.msk @p4 vm9, v29;
	v40, _, _ =	vpop (xrf0)  }
0x509: {  	[tilespmem:v33+s14+$0x0] =	vst.idx.msk @p4 vm8, v19;
	v41, _, _ =	vpop (xrf0)  }
0x50a: {  	[tilespmem:v20+s14+$0x0] =	vst.idx.msk @p4 vm10, v31;
	v19, _, _ =	vpop (xrf0)  }
0x50b: {  	(v2sf) =	vpush v19, $0xF;
	v19 =	vld [tilespmem:$0x1FE20];
	_ =	sdelay $0x4  }
0x50c: {  	vm9 =	vnez.u8 v19  }
0x50d: {  	v7 =	vadd.s32 v7, v53;
	_ =	sdelay $0x4  }
0x50e: {  	[tilespmem:v7+s14+$0x0] =	vst.idx.msk vm9, v24  }
0x50f: {  	v20 =	vadd.s32 v45, v62;
	v45 =	vld [tilespmem:$0x1FE30];
	_ =	sdelay $0x4  }
0x510: {  	vm10 =	vnez.u8 v45  }
0x511: {  	v10 =	vadd.s32 v10, v56;
	_ =	sdelay $0x4  }
0x512: {  	[tilespmem:v10+s14+$0x0] =	vst.idx.msk vm10, v25  }
0x513: {  	v10 =	vld [tilespmem:$0x1FE40];
	_ =	sdelay $0x4  }
0x514: {  	vm8 =	vnez.u8 v10  }
0x515: {  	v28 =	vadd.s32 v28, v58;
	_ =	sdelay $0x4  }
0x516: {  	[tilespmem:v28+s14+$0x0] =	vst.idx.msk vm8, v26  }
0x517: {  	v56 =	vld [tilespmem:$0x1FE50];
	_ =	sdelay $0x4  }
0x518: {  	vm9 =	vnez.u8 v56  }
0x519: {  	v6 =	vadd.s32 v6, v60;
	_ =	sdelay $0x3  }
0x51a: {  	[tilespmem:v20+s14+$0x0] =	vst.idx.msk vm15, v34  }
0x51b: {  	[tilespmem:v6+s14+$0x0] =	vst.idx.msk vm9, v22  }
0x51c: {  	v60 =	vld [tilespmem:$0x1FE60];
	_ =	sdelay $0x4  }
0x51d: {  	v50 =	vadd.s32 v48, v15;
	vm10 =	vnez.u8 v60  }
0x51e: {  	v7 =	vadd.s32 v8, v18;
	_ =	sdelay $0x3  }
0x51f: {  	[tilespmem:v50+s14+$0x0] =	vst.idx.msk vm14, v9  }
0x520: {  	[tilespmem:v7+s14+$0x0] =	vst.idx.msk vm10, v5  }
0x521: {  	v8 =	vld [tilespmem:$0x1FE70];
	_ =	sdelay $0x4  }
0x522: {  	vm14 =	vnez.u8 v8  }
0x523: {  	v53 =	vadd.s32 v43, v11;
	_ =	sdelay $0x4  }
0x524: {  	[tilespmem:v53+s14+$0x0] =	vst.idx.msk vm14, v32  }
0x525: {  	v6 =	vadd.s32 v51, v17;
	v9 =	vld [tilespmem:$0x1FE80]  }
0x526: {  	v5 =	vadd.s32 v57, v36  }
0x527: {  	v58 =	vadd.s32 v54, v16  }
0x528: {  	v7 =	vadd.s32 v59, v37  }
0x529: {  	v62 =	vadd.s32 v61, v38  }
0x52a: {  	[tilespmem:v6+s14+$0x0] =	vst.idx.msk vm13, v35;
	v6 =	vadd.s32 v63, v40;
	vm15 =	vnez.u8 v9  }
0x52b: {  	[tilespmem:v5+s14+$0x0] =	vst.idx.msk vm11, v44;
	v5 =	vadd.s32 v12, v41;
	vm4 =	vmmov vm15  }
0x52c: {  	v63 =	vadd.s32 v47, v14;
	[tilespmem:v58+s14+$0x0] =	vst.idx.msk vm12, v42  }
0x52d: {  	[tilespmem:v7+s14+$0x0] =	vst.idx.msk vm3, v46  }
.Ltmp59:
0x52e: {  	[tilespmem:v62+s14+$0x0] =	vst.idx.msk vm2, v49;
	(pc) =	sbr.rel @p2 .LBB2_84-.Ltmp59, $4  }
.Ltmp60:
0x52f: {  	[tilespmem:v6+s14+$0x0] =	vst.idx.msk vm1, v52;
	(pc) =	sbr.rel @!p2 .LBB2_92-.Ltmp60, $4  }
0x530: {  	[tilespmem:v5+s14+$0x0] =	vst.idx.msk vm0, v55  }
0x531: {  	s1 =	spop (v2sf);
	[tilespmem:v63+s14+$0x0] =	vst.idx.msk vm4, v30  }
0x532: {  	v18 =	vimm.f32 $-Inf;
	s22 =	sadd.s32 $0x80000001, s1;
	v44 =	vld [tilespmem:$0x1FFF0]  }
0x533: {  	_ = 	snop  }
.LBB2_86:
.Ltmp61:
0x534: {  	(pc) =	sbr.rel .LBB2_91-.Ltmp61, $2  }
0x535: {  	_ =	sdelay $0x2  }
0x536: {  	v30 =	vmov v19;
	p4 =	por $0x0, $0x0  }
.LBB2_88:
.Ltmp62:
0x537: {  	(pc) =	sbr.rel .LBB2_91-.Ltmp62, $2  }
0x538: {  	_ =	sdelay $0x2  }
0x539: {  	v34 =	vmov v35;
	s23 =	smov.u32 s22;
	v32 =	vmov v42  }
.LBB2_92:
0x53a: {  	s1 =	sadd.s32 $0xF, s22  }
0x53b: {  	s3 =	sand.u32 $0xF, s1  }
0x53c: {  	s31 =	sshra.s32 s1, $0x1F;
	p3 =	slt.s32 s1, $0x1;
	p2 =	sne.s32 s3, $0x0  }
0x53d: {  	s3 =	sshrl.u32 s31, $0x1C;
	p2 =	por !p3, !p2  }
0x53e: {  	s1 =	sadd.s32 s3, s1;
	s3 =	simm.s32 $0x1;
	p2 =	por !p2, !p2  }
0x53f: {  	s1 =	sshra.s32 s1, $0x4;
	s3 =	simm.s32 @!p2 $0x0  }
0x540: {  	s23 =	ssub.s32 s1, s3  }
0x541: {  	s1 =	sshrl.u32 s23, $0x1E  }
0x542: {  	s1 =	sadd.s32 s1, s23  }
0x543: {  	s24 =	sand.u32 $0xFFFFFFFC, s1  }
0x544: {  	v5 =	vld [tilespmem:$0x1FE90];
	p2 =	slt.s32 s24, $0x1  }
.Ltmp63:
0x545: {  	_ = 	snop;
	(pc) =	sbr.rel @p2 .LBB2_95-.Ltmp63, $2  }
0x546: {  	_ =	sdelay $0x2  }
0x547: {  	vm12 =	vnez.u8 v5  }
0x548: {  	p3 =	sgt.s32 s24, $0x4  }
.Ltmp64:
0x549: {  	s25 =	simm.s32 $0x10020;
	(pc) =	sbr.rel @!p3 .LBB2_94-.Ltmp64, $4  }
0x54a: {  	v20 =	vld [tilespmem:s25+$0xFFFFFFE0]  }
0x54b: {  	v26 =	vld [tilespmem:s25+$0x10]  }
0x54c: {  	v25 =	vld [tilespmem:s25+$0x0]  }
0x54d: {  	p2 =	por $0x0, $0x0;
	v23 =	vld [tilespmem:s25+$0xFFFFFFF0]  }
0x54e: {  	_ = 	snop  }
0x54f: {  	p3 =	sgt.s32 s24, $0x8  }
.Ltmp65:
0x550: {  	s26 =	simm.s32 $0x10060;
	v5 =	vshra.s32 v26, $0x1F;
	(pc) =	sbr.rel @!p3 .LBB2_101-.Ltmp65, $4  }
0x551: {  	v18 =	vld [tilespmem:s26+$0xFFFFFFE0];
	v6 =	vshra.s32 v20, $0x1F;
	v7 =	vshra.s32 v25, $0x1F;
	v5 =	vand.u32 $0x7FFFFFFF, v5  }
0x552: {  	v19 =	vld [tilespmem:s26+$0x10];
	v8 =	vshra.s32 v23, $0x1F;
	v7 =	vand.u32 $0x7FFFFFFF, v7;
	v5 =	vxor.u32 v26, v5  }
0x553: {  	v21 =	vld [tilespmem:s26+$0x0];
	v6 =	vand.u32 $0x7FFFFFFF, v6;
	v8 =	vand.u32 $0x7FFFFFFF, v8;
	v7 =	vxor.u32 v25, v7;
	[tilespmem:s25+$0x10] =	vst v5  }
0x554: {  	s1 =	simm.s32 $0x8;
	p2 =	por $0x1, $0x1;
	s3 =	simm.s32 $0x10060;
	v22 =	vld [tilespmem:s26+$0xFFFFFFF0];
	v24 =	vxor.u32 v20, v6;
	v27 =	vxor.u32 v23, v8;
	[tilespmem:s25+$0x0] =	vst v7  }
.LBB2_102:
0x555: {  	s1 =	sadd.s32 $0x4, s1  }
0x556: {  	s3 =	sadd.s32 $0x40, s3;
	[tilespmem:s25+$0xFFFFFFF0] =	vst v27;
	v5 =	vmov v18;
	p3 =	slt.s32 s1, s24  }
.Ltmp66:
0x557: {  	v18 =	vld [tilespmem:s3+$0xFFFFFFE0];
	v6 =	vshra.s32 v19, $0x1F;
	[tilespmem:s25+$0xFFFFFFE0] =	vst v24;
	v12 =	vmov v19;
	s25 =	smov.u32 s26;
	(pc) =	sbr.rel @p3 .LBB2_102-.Ltmp66, $4  }
0x558: {  	v8 =	vshra.s32 v5, $0x1F;
	s26 =	smov.u32 s3;
	v19 =	vld [tilespmem:s3+$0x10];
	v9 =	vshra.s32 v21, $0x1F;
	v6 =	vand.u32 $0x7FFFFFFF, v6;
	v10 =	vmovc v21  }
0x559: {  	v21 =	vld [tilespmem:s3+$0x0];
	v11 =	vshra.s32 v22, $0x1F;
	v9 =	vand.u32 $0x7FFFFFFF, v9;
	v6 =	vxor.u32 v12, v6;
	v7 =	vmovc v22  }
0x55a: {  	v8 =	vand.u32 $0x7FFFFFFF, v8;
	v22 =	vld [tilespmem:s3+$0xFFFFFFF0];
	v11 =	vand.u32 $0x7FFFFFFF, v11;
	v9 =	vxor.u32 v10, v9;
	[tilespmem:s25+$0x10] =	vst v6  }
0x55b: {  	v24 =	vxor.u32 v5, v8;
	v27 =	vxor.u32 v7, v11;
	[tilespmem:s25+$0x0] =	vst v9  }
0x55c: {  	_ =	sdelay $0x2  }
0x55d: {  	s1 =	smov.u32 s25;
	v20 =	vmovc v18;
	s25 =	smov.u32 s26;
	v26 =	vmov v19;
	v25 =	vmov v21;
	v23 =	vmov v22  }
.LBB2_104:
0x55e: {  	v5 =	vshra.s32 v26, $0x1F  }
0x55f: {  	[tilespmem:s1+$0xFFFFFFF0] =	vst @p2 v27;
	v6 =	vshra.s32 v25, $0x1F;
	v5 =	vand.u32 $0x7FFFFFFF, v5  }
0x560: {  	[tilespmem:s1+$0xFFFFFFE0] =	vst @p2 v24;
	v7 =	vshra.s32 v23, $0x1F;
	v6 =	vand.u32 $0x7FFFFFFF, v6;
	v5 =	vxor.u32 v26, v5  }
0x561: {  	v8 =	vshra.s32 v20, $0x1F;
	v7 =	vand.u32 $0x7FFFFFFF, v7;
	v6 =	vxor.u32 v25, v6;
	[tilespmem:s25+$0x10] =	vst v5  }
0x562: {  	v7 =	vxor.u32 v23, v7;
	v5 =	vand.u32 $0x7FFFFFFF, v8;
	[tilespmem:s25+$0x0] =	vst v6  }
0x563: {  	[tilespmem:s25+$0xFFFFFFF0] =	vst v7;
	v5 =	vxor.u32 v20, v5  }
0x564: {  	[tilespmem:s25+$0xFFFFFFE0] =	vst v5  }
.LBB2_95:
0x565: {  	s1 =	ssub.s32 s23, s24  }
0x566: {  	p2 =	sgt.s32 s1, $0x0  }
.Ltmp67:
0x567: {  	_ = 	snop;
	(pc) =	sbr.rel @!p2 .LBB2_96-.Ltmp67, $1  }
0x568: {  	_ =	sdelay $0x3  }
0x569: {  	s1 =	sshll.u32 s24, $0x6  }
0x56a: {  	s1 =	sshra.s32 s1, $0x2  }
0x56b: {  	s1 =	sadd.s32 $0x10000, s1  }
.LBB2_106:
0x56c: {  	v5 =	vld [tilespmem:s1+$0x0];
	_ =	sdelay $0x1  }
0x56d: {  	s24 =	sadd.s32 $0x1, s24  }
0x56e: {  	p2 =	slt.s32 s24, s23  }
.Ltmp68:
0x56f: {  	_ = 	snop;
	(pc) =	sbr.rel @p2 .LBB2_106-.Ltmp68, $4  }
0x570: {  	v6 =	vshra.s32 v5, $0x1F  }
0x571: {  	v6 =	vand.u32 $0x7FFFFFFF, v6  }
0x572: {  	v5 =	vxor.u32 v5, v6  }
0x573: {  	[tilespmem:s1+$0x0] =	vst v5;
	s1 =	sadd.s32 $0x10, s1  }
.LBB2_96:
.Ltmp69:
0x574: {  	(pc) =	sbr.rel .LBB2_97-.Ltmp69, $2  }
0x575: {  	_ =	sdelay $0x2  }
0x576: {  	s21 =	sor.u32 $0x10, s21;
	s23 =	simm.s32 $0x0;
	v20 =	vimm.s32 $0xFFFFFFFF;
	v19 =	vimm.s32 $0x40;
	v18 =	vimm.s32 $0x0  }
.LBB2_115:
0x577: {  	v23 =	vimm.s32 $0xFFFFFFFF  }
.LBB2_116:
0x578: {  	p2 =	slt.s32 s25, $0x1  }
0x579: {  	s1 =	sshll.u32 @!p2 s24, $0x4  }
0x57a: {  	v5 =	vld @!p2 [tilespmem:s1+$0x10000];
	_ =	sdelay $0x4  }
0x57b: {  	v6 =	vshra.s32 @!p2 v5, v21  }
0x57c: {  	v7 =	vlaneseq.u32 @!p2;
	v6 =	vand.u32 @!p2 $0xFF, v6  }
0x57d: {  	v7 =	vor.u32 @!p2 s1, v7;
	v6 =	vxor.u32 @!p2 v22, v6  }
0x57e: {  	vm0 =	vlt.s32 @!p2 v7, s22;
	vm1 =	vgt.s32 @!p2 v6, v26  }
0x57f: {  	vm2 =	veq.s32 @!p2 v6, v26;
	v6 =	vimm.s32 @!p2 $0x1;
	vm1 =	vmand @!p2 vm0, vm1  }
0x580: {  	vm0 =	vmand @!p2 vm0, vm2;
	(xrf0) =	vadd.scan.msk.s32 @!p2 vm1, v6  }
0x581: {  	(xrf0) =	vadd.scan.msk.s32 @!p2 vm0, v6;
	_ =	sdelay $0x4  }
0x582: {  	v6, _, _ =	vpop @!p2 (xrf0)  }
0x583: {  	v6 =	vadd.s32 @!p2 v20, v6;
	v7, _, _ =	vpop @!p2 (xrf0)  }
0x584: {  	v7 =	vadd.s32 @!p2 v23, v7;
	_ =	sdelay $0x2  }
0x585: {  	s1 =	simm.s32 @!p2 $0x18100;
	v9 =	vmpcnt.ones.xlane @!p2 vm0  }
0x586: {  	v8 =	vshrl.u32 v28, $0x1B;
	[tilespmem:v6+s1+$0x0] =	vst.idx.msk @!p2 vm1, v5;
	s1 =	simm.s32 @!p2 $0x10000  }
0x587: {  	v8 =	vand.u32 $0x10, v8;
	[tilespmem:v7+s1+$0x0] =	vst.idx.msk @!p2 vm0, v5;
	v7 =	vadd.s32 @!p2 v23, v9  }
0x588: {  	v5 =	vadd.s32 v28, v8;
	v23 =	vpsel p2, v23, v7  }
0x589: {  	v27 =	vperm.xlane v27, v5;
	v25 =	vperm.xlane v25, v5;
	v5 =	vxor.u32 $0x80000000, v23  }
0x58a: {  	(xrf0) =	vmax.scan.msk.u32 $0xffff, v5;
	_ =	sdelay $0x5  }
0x58b: {  	v5, _, _ =	vpop (xrf0)  }
0x58c: {  	(v2sf) =	vpush v5, $0xF;
	_ =	sdelay $0x7  }
0x58d: {  	v6 =	vmpcnt.ones.xlane @!p2 vm1;
	_ =	sdelay $0x1  }
0x58e: {  	s23 =	sadd.s32 $0x1, s23;
	v6 =	vadd.s32 @!p2 v20, v6  }
0x58f: {  	v20 =	vpsel p2, v20, v6;
	p2 =	sne.s32 s23, $0x4  }
.Ltmp70:
0x590: {  	_ = 	snop;
	(pc) =	sbr.rel @!p2 .LBB2_117-.Ltmp70, $4  }
0x591: {  	_ = 	snop  }
0x592: {  	v6 =	vadd.s32 v27, v24;
	v5 =	vxor.u32 v22, v26  }
0x593: {  	v6 =	vsub.s32 v19, v6;
	v5 =	vshll.u32 v5, v21;
	s31 =	spop (v2sf)  }
0x594: {  	v19 =	vadd.s32 v25, v6;
	v18 =	vor.u32 v18, v5;
	s22 =	sadd.s32 $0x80000001, s31  }
.LBB2_97:
0x595: {  	[tilespmem:$0x18000] =	vst v0;
	s1 =	sadd.s32 $0xF, s22  }
0x596: {  	[tilespmem:$0x18010] =	vst v0;
	s3 =	sand.u32 $0xF, s1  }
0x597: {  	[tilespmem:$0x18020] =	vst v0;
	s24 =	sshra.s32 s1, $0x1F;
	p2 =	slt.s32 s1, $0x1;
	p3 =	sne.s32 s3, $0x0  }
0x598: {  	[tilespmem:$0x18030] =	vst v0;
	s30 =	sshrl.u32 s24, $0x1C;
	p2 =	por !p2, !p3  }
0x599: {  	[tilespmem:$0x18040] =	vst v0;
	s3 =	simm.s32 $0x1;
	s1 =	sadd.s32 s30, s1;
	p2 =	por !p2, !p2  }
0x59a: {  	[tilespmem:$0x18050] =	vst v0;
	s1 =	sshra.s32 s1, $0x4;
	s3 =	simm.s32 @!p2 $0x0  }
0x59b: {  	[tilespmem:$0x18060] =	vst v0;
	s25 =	ssub.s32 s1, s3  }
0x59c: {  	[tilespmem:$0x18070] =	vst v0;
	s1 =	sshrl.u32 s25, $0x1F  }
0x59d: {  	[tilespmem:$0x18080] =	vst v0;
	s1 =	sadd.s32 s1, s25  }
0x59e: {  	[tilespmem:$0x18090] =	vst v0;
	s26 =	simm.s32 $0x80;
	p2 =	seq.s32 s23, $0x0;
	s24 =	sand.u32 $0xFFFFFFFE, s1  }
0x59f: {  	[tilespmem:$0x180A0] =	vst v0;
	s26 =	simm.s32 @!p2 $0x0;
	p2 =	slt.s32 s24, $0x1  }
.Ltmp71:
0x5a0: {  	[tilespmem:$0x180B0] =	vst v0;
	(pc) =	sbr.rel @p2 .LBB2_112-.Ltmp71, $4  }
0x5a1: {  	[tilespmem:$0x180C0] =	vst v0  }
0x5a2: {  	s31 =	sshll.u32 s23, $0x3;
	[tilespmem:$0x180D0] =	vst v0  }
0x5a3: {  	[tilespmem:$0x180E0] =	vst v0;
	s28 =	ssub.s32 $0x18, s31  }
0x5a4: {  	[tilespmem:$0x180F0] =	vst v0;
	v23 =	vmov s22;
	v21 =	vmov s28;
	v22 =	vmov s26  }
0x5a5: {  	p5 =	sgt.s32 s24, $0x2  }
.Ltmp72:
0x5a6: {  	_ = 	snop;
	(pc) =	sbr.rel @!p5 .LBB2_99-.Ltmp72, $4  }
0x5a7: {  	_ = 	snop  }
0x5a8: {  	s1 =	simm.s32 $0x10010  }
0x5a9: {  	v26 =	vld [tilespmem:s1+$0x0]  }
0x5aa: {  	s29 =	simm.s32 $0x10;
	p3 =	por $0x0, $0x0;
	p4 =	por $0x0, $0x0;
	v24 =	vld [tilespmem:s1+$0xFFFFFFF0]  }
0x5ab: {  	p5 =	sgt.s32 s24, $0x4  }
.Ltmp73:
0x5ac: {  	_ = 	snop;
	(pc) =	sbr.rel @!p5 .LBB2_108-.Ltmp73, $4  }
0x5ad: {  	_ = 	snop  }
0x5ae: {  	s1 =	simm.s32 $0x10030;
	v5 =	vshra.s32 v26, v21  }
0x5af: {  	v26 =	vld [tilespmem:s1+$0x0];
	v6 =	vshra.s32 v24, v21;
	v7 =	vand.u32 $0x80, v5;
	v28 =	vand.u32 $0x7F, v5  }
0x5b0: {  	s31 =	simm.s32 $0x0;
	p3 =	por $0x1, $0x1;
	v24 =	vld [tilespmem:s1+$0xFFFFFFF0];
	v31 =	vand.u32 $0x80, v6;
	v30 =	vand.u32 $0x7F, v6;
	v29 =	vxor.u32 v22, v7  }
0x5b1: {  	p5 =	sgt.s32 s24, $0x6  }
.Ltmp74:
0x5b2: {  	v5 =	vor.u32 s31, v1;
	v6 =	vxor.u32 v22, v31;
	v7 =	vor.u32 s29, v1;
	(pc) =	sbr.rel @!p5 .LBB2_111-.Ltmp74, $4  }
0x5b3: {  	v27 =	vor.u32 v28, v29;
	v25 =	vor.u32 v30, v6;
	vm1 =	vlt.s32 v7, v23  }
0x5b4: {  	s1 =	simm.s32 $0x10050;
	vm0 =	vlt.s32 v5, v23;
	vm1 =	vmmov vm1;
	v5 =	vshra.s32 v26, v21  }
0x5b5: {  	s3 =	simm.s32 $0x6;
	v26 =	vld [tilespmem:s1+$0x0];
	v6 =	vshra.s32 v24, v21;
	v7 =	vand.u32 $0x80, v5;
	v28 =	vand.u32 $0x7F, v5  }
0x5b6: {  	s30 =	simm.s32 $0x30;
	s31 =	simm.s32 $0x20;
	p4 =	por $0x1, $0x1;
	v24 =	vld [tilespmem:s1+$0xFFFFFFF0];
	v31 =	vand.u32 $0x80, v6;
	v30 =	vand.u32 $0x7F, v6;
	v29 =	vxor.u32 v22, v7  }
.LBB2_110:
0x5b7: {  	s3 =	sadd.s32 $0x2, s3  }
0x5b8: {  	v5 =	vor.u32 s31, v1;
	v6 =	vxor.u32 v22, v31;
	v7 =	vor.u32 s30, v1;
	p5 =	slt.s32 s3, s24  }
.Ltmp75:
0x5b9: {  	v6 =	vor.u32 v30, v6;
	vm2 =	vlt.s32 v7, v23;
	v7 =	vor.u32 v28, v29;
	(pc) =	sbr.rel @p5 .LBB2_110-.Ltmp75, $4  }
0x5ba: {  	[tilespmem:v25+s13+$0x0] =	vst.idx.add.s32.msk vm0, v2;
	vm0 =	vlt.s32 v5, v23;
	v25 =	vmov v6  }
0x5bb: {  	s1 =	sadd.s32 $0x20, s1;
	s30 =	sadd.s32 $0x20, s30;
	v5 =	vshra.s32 v26, v21;
	[tilespmem:v27+s13+$0x0] =	vst.idx.add.s32.msk vm1, v2;
	v27 =	vmov v7;
	vm1 =	vmmov vm2  }
0x5bc: {  	s31 =	sadd.s32 $0xFFFFFFF0, s30;
	v26 =	vld [tilespmem:s1+$0x0];
	v6 =	vshra.s32 v24, v21;
	v7 =	vand.u32 $0x80, v5;
	v28 =	vand.u32 $0x7F, v5  }
0x5bd: {  	v24 =	vld [tilespmem:s1+$0xFFFFFFF0];
	v31 =	vand.u32 $0x80, v6;
	v30 =	vand.u32 $0x7F, v6;
	v29 =	vxor.u32 v22, v7  }
.LBB2_111:
0x5be: {  	v5 =	vxor.u32 @p3 v22, v31;
	v6 =	vor.u32 @p3 s30, v1  }
0x5bf: {  	v7 =	vor.u32 @p3 s31, v1;
	s1 =	sadd.s32 @p3 $0x20, s30;
	v5 =	vor.u32 @p3 v30, v5;
	vm2 =	vlt.s32 @p3 v6, v23  }
0x5c0: {  	v6 =	vor.u32 @p3 v28, v29;
	vm3 =	vlt.s32 @p3 v7, v23;
	s29 =	smov.u32 @p3 s1;
	vm2 =	vmmov @p3 vm2  }
0x5c1: {  	vm3 =	vmmov @p3 vm3;
	v5 =	vpsel p3, v5, v0;
	v63 =	vor.u32 s29, v1  }
0x5c2: {  	s1 =	sadd.s32 $0xFFFFFFF0, s29;
	v6 =	vpsel p3, v6, v0;
	v7 =	vshra.s32 v26, v21;
	vm2 =	vmmov @p3 vm2  }
0x5c3: {  	v11 =	vor.u32 s1, v1;
	vm4 =	vlt.s32 v63, v23;
	v8 =	vshra.s32 v24, v21  }
0x5c4: {  	v9 =	vand.u32 $0x80, v7;
	vm5 =	vlt.s32 v11, v23;
	v7 =	vand.u32 $0x7F, v7  }
0x5c5: {  	vm4 =	vmmov vm4;
	v10 =	vand.u32 $0x80, v8;
	v9 =	vxor.u32 v22, v9  }
0x5c6: {  	v8 =	vand.u32 $0x7F, v8;
	v10 =	vxor.u32 v22, v10;
	v7 =	vor.u32 v7, v9  }
0x5c7: {  	[tilespmem:v25+s13+$0x0] =	vst.idx.add.s32.msk @p4 vm0, v2;
	v8 =	vor.u32 v8, v10  }
0x5c8: {  	[tilespmem:v27+s13+$0x0] =	vst.idx.add.s32.msk @p4 vm1, v2  }
0x5c9: {  	[tilespmem:v5+s13+$0x0] =	vst.idx.add.s32.msk @p3 vm3, v2  }
0x5ca: {  	[tilespmem:v6+s13+$0x0] =	vst.idx.add.s32.msk @p3 vm2, v2  }
0x5cb: {  	[tilespmem:v7+s13+$0x0] =	vst.idx.add.s32.msk vm4, v2  }
0x5cc: {  	[tilespmem:v8+s13+$0x0] =	vst.idx.add.s32.msk vm5, v2  }
.LBB2_112:
0x5cd: {  	s25 =	ssub.s32 s25, s24  }
0x5ce: {  	p3 =	sgt.s32 s25, $0x0  }
0x5cf: {  	s1 =	sshll.u32 @p3 s24, $0x4  }
0x5d0: {  	v5 =	vld @p3 [tilespmem:s1+$0x10000];
	_ =	sdelay $0x4  }
0x5d1: {  	v6 =	vlaneseq.u32 @p3;
	v5 =	vshra.s32 @p3 v5, s28  }
0x5d2: {  	v6 =	vor.u32 @p3 s1, v6;
	v7 =	vand.u32 @p3 $0x80, v5  }
0x5d3: {  	vm0 =	vlt.s32 @p3 v6, s22;
	v5 =	vand.u32 @p3 $0x7F, v5;
	v6 =	vxor.u32 @p3 s26, v7  }
0x5d4: {  	v5 =	vor.u32 @p3 v5, v6;
	_ =	sdelay $0x3  }
0x5d5: {  	s1 =	simm.s32 @p3 $0x18000;
	v6 =	vimm.s32 @p3 $0x1  }
0x5d6: {  	s31 =	simm.s32 $0x18020;
	[tilespmem:v5+s1+$0x0] =	vst.idx.add.s32.msk @p3 vm0, v6  }
0x5d7: {  	v5 =	vld [tilespmem:s31+$0xFFFFFFE0]  }
0x5d8: {  	v6 =	vld [tilespmem:s31+$0xFFFFFFF0]  }
0x5d9: {  	v7 =	vld [tilespmem:s31+$0x0]  }
0x5da: {  	v8 =	vld [tilespmem:s31+$0x10];
	_ =	sdelay $0x1  }
0x5db: {  	(xrf0) =	vadd.scan.msk.s32 $0xffff, v5  }
0x5dc: {  	(xrf0) =	vadd.scan.msk.s32 $0xffff, v6  }
0x5dd: {  	(xrf0) =	vadd.scan.msk.s32 $0xffff, v7  }
0x5de: {  	s29 =	simm.s32 $0x18060;
	(xrf0) =	vadd.scan.msk.s32 $0xffff, v8  }
0x5df: {  	v24 =	vimm.s32 $0x0;
	s30 =	simm.s32 $0x8;
	s28 =	simm.s32 $0x0;
	s26 =	simm.s32 $0x4;
	v25 =	vld [tilespmem:s29+$0xFFFFFFE0]  }
.LBB2_113:
0x5e0: {  	p3 =	slt.u32 s30, $0xC;
	v5 =	vld [tilespmem:s29+$0xFFFFFFF0];
	s1 =	sadd.s32 $0x3, s28  }
0x5e1: {  	v7 =	vmov s28;
	s3 =	sadd.s32 $0x2, s28;
	v6 =	vld [tilespmem:s29+$0x0];
	v8 =	vmov s1;
	v9, _, _ =	vpop (xrf0)  }
0x5e2: {  	vm0 =	veq.s32 v7, v1;
	s1 =	sadd.s32 $0x1, s28;
	v13 =	vmov s3;
	s28 =	smov.u32 s26;
	s26 =	smov.u32 s30;
	v10 =	vld [tilespmem:s29+$0x10];
	v7 =	vperm.xlane v9, v3;
	v11, _, _ =	vpop (xrf0)  }
0x5e3: {  	v14 =	vmov s1;
	vm1 =	veq.s32 v13, v1;
	v11 =	vperm.xlane v11, v3;
	v9, _, _ =	vpop (xrf0)  }
.Ltmp76:
0x5e4: {  	(xrf0) =	vadd.scan.msk.s32 $0xffff, v25;
	v7 =	vnsel vm0, $0x0, v7;
	vm0 =	veq.s32 v14, v1;
	v9 =	vperm.xlane v9, v3;
	v12, _, _ =	vpop (xrf0);
	(pc) =	sbr.rel @p3 .LBB2_113-.Ltmp76, $4  }
0x5e5: {  	(xrf0) =	vadd.scan.msk.s32 $0xffff, v5;
	v5 =	vadd.s32 v24, v7;
	v7 =	vnsel vm0, $0x0, v11;
	v11 =	vperm.xlane v12, v3  }
0x5e6: {  	vm0 =	veq.s32 v8, v1;
	(xrf0) =	vadd.scan.msk.s32 $0xffff, v6;
	v5 =	vadd.s32 v7, v5;
	v6 =	vnsel vm1, $0x0, v9  }
0x5e7: {  	s29 =	sadd.s32 $0x40, s29;
	(xrf0) =	vadd.scan.msk.s32 $0xffff, v10;
	v5 =	vadd.s32 v6, v5;
	v6 =	vnsel vm0, $0x0, v11  }
0x5e8: {  	s30 =	sadd.s32 $0x4, s30;
	v25 =	vld [tilespmem:s29+$0xFFFFFFE0];
	v24 =	vadd.s32 v6, v5  }
0x5e9: {  	v5 =	vld [tilespmem:s29+$0xFFFFFFF0]  }
0x5ea: {  	v6 =	vld [tilespmem:s29+$0x0]  }
0x5eb: {  	s1 =	sadd.s32 $0x3, s28;
	v7 =	vld [tilespmem:s29+$0x10]  }
0x5ec: {  	v8 =	vmov s28;
	s3 =	sadd.s32 $0x2, s28;
	v9 =	vmov s1;
	v10, _, _ =	vpop (xrf0)  }
0x5ed: {  	s28 =	sadd.s32 $0x1, s28;
	vm0 =	veq.s32 v8, v1;
	v50 =	vmov s3;
	v49 =	vperm.xlane v10, v3;
	v11, _, _ =	vpop (xrf0);
	(xrf0) =	vadd.scan.msk.s32 $0xffff, v25  }
0x5ee: {  	v12 =	vmov s28;
	vm1 =	veq.s32 v50, v1;
	v11 =	vperm.xlane v11, v3;
	v51, _, _ =	vpop (xrf0);
	(xrf0) =	vadd.scan.msk.s32 $0xffff, v5  }
0x5ef: {  	vm4 =	veq.s32 v12, v1;
	v52 =	vperm.xlane v51, v3;
	v53, _, _ =	vpop (xrf0);
	v5 =	vnsel vm0, $0x0, v49;
	(xrf0) =	vadd.scan.msk.s32 $0xffff, v6  }
0x5f0: {  	v10 =	vperm.xlane v53, v3;
	v5 =	vadd.s32 v24, v5;
	v6 =	vnsel vm4, $0x0, v11;
	(xrf0) =	vadd.scan.msk.s32 $0xffff, v7  }
0x5f1: {  	vm5 =	veq.s32 v9, v1;
	v5 =	vadd.s32 v6, v5;
	v6 =	vnsel vm1, $0x0, v52  }
0x5f2: {  	s30 =	sadd.s32 $0x2, s26;
	v5 =	vadd.s32 v6, v5;
	v6 =	vnsel vm5, $0x0, v10  }
0x5f3: {  	s31 =	sadd.s32 $0x1, s26;
	v55 =	vmov s30;
	v5 =	vadd.s32 v6, v5;
	v6 =	vmov s26;
	v54, _, _ =	vpop (xrf0)  }
0x5f4: {  	v57 =	vmov s31;
	vm6 =	veq.s32 v6, v1;
	v6 =	vperm.xlane v54, v3;
	v56, _, _ =	vpop (xrf0)  }
0x5f5: {  	s29 =	sadd.s32 $0x3, s26;
	vm7 =	veq.s32 v55, v1;
	vm8 =	veq.s32 v57, v1;
	v9 =	vperm.xlane v56, v3;
	v58, _, _ =	vpop (xrf0)  }
0x5f6: {  	v7 =	vmov s29;
	v6 =	vnsel vm6, $0x0, v6;
	v8 =	vperm.xlane v58, v3;
	v59, _, _ =	vpop (xrf0)  }
0x5f7: {  	v5 =	vadd.s32 v5, v6;
	v6 =	vnsel vm8, $0x0, v9;
	v60 =	vperm.xlane v59, v3  }
0x5f8: {  	vm9 =	veq.s32 v7, v1;
	v5 =	vadd.s32 v6, v5;
	v6 =	vnsel vm7, $0x0, v8  }
0x5f9: {  	v5 =	vadd.s32 v6, v5;
	v6 =	vnsel vm9, $0x0, v60  }
0x5fa: {  	v5 =	vadd.s32 v6, v5  }
0x5fb: {  	v5 =	vperm.xlane v5, v4;
	_ =	sdelay $0x1  }
0x5fc: {  	(xrf0) =	vadd.scan.msk.s32 $0xffff, v5;
	_ =	sdelay $0x5  }
0x5fd: {  	v6, _, _ =	vpop (xrf0)  }
0x5fe: {  	vm10 =	vge.s32 v6, v19  }
0x5ff: {  	v7 =	vmctz.xlane vm10;
	_ =	sdelay $0x1  }
0x600: {  	v61 =	vshll.u32 v7, $0x4  }
0x601: {  	v62 =	vsub.s32 v44, v61;
	_ =	sdelay $0x4  }
0x602: {  	v9 =	vld.idx.msk [tilespmem:v62+s13+$0x0], $0xffff;
	_ =	sdelay $0x4  }
0x603: {  	v25 =	vperm.xlane v9, v4;
	_ =	sdelay $0x1  }
0x604: {  	(xrf0) =	vadd.scan.msk.s32 $0xffff, v25  }
0x605: {  	v63 =	vshrl.u32 v7, $0x1B  }
0x606: {  	v9 =	vand.u32 $0x10, v63  }
0x607: {  	v7 =	vadd.s32 v7, v9  }
0x608: {  	v6 =	vperm.xlane v6, v7;
	v5 =	vperm.xlane v5, v7;
	_ =	sdelay $0x1  }
0x609: {  	v24 =	vsub.s32 v6, v5;
	v27, _, _ =	vpop (xrf0)  }
0x60a: {  	v5 =	vadd.s32 v24, v27  }
.Ltmp77:
0x60b: {  	vm11 =	vge.s32 v5, v19;
	(pc) =	sbr.rel @p2 .LBB2_115-.Ltmp77, $3  }
0x60c: {  	v28 =	vmctz.xlane vm11;
	_ =	sdelay $0x1  }
0x60d: {  	v5 =	vadd.s32 v28, v61  }
0x60e: {  	v26 =	vsub.s32 $0xFF, v5  }
0x60f: {  	s3 =	simm.s32 $0x10010  }
0x610: {  	v30 =	vld [tilespmem:s3+$0x0]  }
0x611: {  	v29 =	vld [tilespmem:s3+$0xFFFFFFF0];
	_ =	sdelay $0x2  }
0x612: {  	p3 =	sgt.s32 s24, $0x2  }
.Ltmp78:
0x613: {  	v31 =	vimm.s32 $0xFFFFFFFF;
	s1 =	simm.s32 $0x10;
	v5 =	vshra.s32 v30, v21;
	(pc) =	sbr.rel @!p3 .LBB2_121-.Ltmp78, $4  }
0x614: {  	v6 =	vor.u32 s1, v1;
	v7 =	vshra.s32 v29, v21;
	v5 =	vand.u32 $0xFF, v5  }
0x615: {  	s31 =	simm.s32 $0x0;
	vm7 =	vlt.s32 v6, v23;
	v6 =	vand.u32 $0xFF, v7;
	v38 =	vxor.u32 v22, v5  }
0x616: {  	v5 =	vor.u32 s31, v1;
	v6 =	vxor.u32 v22, v6;
	vm1 =	vgt.s32 v38, v26  }
0x617: {  	p2 =	por $0x0, $0x0;
	vm2 =	vgt.s32 v6, v26;
	vm0 =	veq.s32 v6, v26;
	vm9 =	vlt.s32 v5, v23  }
0x618: {  	s26 =	simm.s32 $0x10030  }
0x619: {  	vm3 =	veq.s32 v38, v26;
	v33 =	vld [tilespmem:s26+$0xFFFFFFF0]  }
0x61a: {  	vm5 =	vmand vm7, vm3  }
0x61b: {  	vm4 =	vmand vm7, vm1;
	v32 =	vld [tilespmem:s26+$0x0];
	(xrf0) =	vadd.scan.msk.s32 vm5, v2  }
0x61c: {  	vm1 =	vmand vm9, vm2;
	(xrf0) =	vadd.scan.msk.s32 vm4, v2  }
0x61d: {  	vm8 =	vmand vm9, vm0;
	v36 =	vimm.s32 $0xFFFFFFFF;
	(xrf0) =	vadd.scan.msk.s32 vm1, v2  }
0x61e: {  	s28 =	simm.s32 $0x30;
	v5 =	vmpcnt.ones.xlane vm1;
	v6 =	vmpcnt.ones.xlane vm8;
	(xrf0) =	vadd.scan.msk.s32 vm8, v2;
	v9 =	vshra.s32 v33, v21  }
0x61f: {  	p3 =	sgt.s32 s24, $0x4;
	vm6 =	vmmov vm1;
	v7 =	vor.u32 s28, v1;
	v62 =	vand.u32 $0xFF, v9  }
.Ltmp79:
0x620: {  	v40 =	vadd.s32 v20, v5;
	v8 =	vshra.s32 v32, v21;
	v5 =	vxor.u32 v22, v62;
	(pc) =	sbr.rel @!p3 .LBB2_123-.Ltmp79, $4  }
0x621: {  	s1 =	simm.s32 $0x20;
	v34 =	vmpcnt.ones.xlane vm4;
	vm7 =	vlt.s32 v7, v23;
	v7 =	vand.u32 $0xFF, v8;
	v35, _, _ =	vpop (xrf0)  }
0x622: {  	v41 =	vadd.s32 v31, v6;
	v38 =	vxor.u32 v22, v7;
	v7 =	vor.u32 s1, v1;
	v63, _, _ =	vpop (xrf0)  }
0x623: {  	vm1 =	vgt.s32 v38, v26;
	vm2 =	vgt.s32 v5, v26;
	vm0 =	veq.s32 v5, v26;
	v5, _, _ =	vpop (xrf0)  }
0x624: {  	s29 =	simm.s32 $0x4;
	p2 =	por $0x1, $0x1;
	vm9 =	vlt.s32 v7, v23;
	v39 =	vadd.s32 v40, v63;
	v37 =	vadd.s32 v20, v5;
	v42, _, _ =	vpop (xrf0)  }
.LBB2_124:
0x625: {  	vm10 =	veq.s32 v38, v26;
	v5 =	vadd.s32 v36, v42  }
0x626: {  	s29 =	sadd.s32 $0x2, s29;
	v6 =	vadd.s32 v40, v34;
	vm3 =	vmmov vm5;
	vm11 =	vmmov vm8  }
0x627: {  	s26 =	sadd.s32 $0x20, s26;
	v7 =	vadd.s32 v41, v35;
	p3 =	slt.s32 s29, s24;
	vm5 =	vmand vm7, vm10  }
0x628: {  	v9 =	vmpcnt.ones.xlane vm3;
	v8 =	vld [tilespmem:s26+$0x0];
	(xrf0) =	vadd.scan.msk.s32 vm5, v2  }
0x629: {  	v10 =	vld [tilespmem:s26+$0xFFFFFFF0];
	[tilespmem:v39+s15+$0x0] =	vst.idx.msk vm4, v30;
	vm4 =	vmand vm7, vm1  }
0x62a: {  	vm1 =	vmand vm9, vm2;
	v36 =	vadd.s32 v41, v9;
	(xrf0) =	vadd.scan.msk.s32 vm4, v2  }
0x62b: {  	vm8 =	vmand vm9, vm0;
	v9 =	vmpcnt.ones.xlane vm1;
	(xrf0) =	vadd.scan.msk.s32 vm1, v2;
	[tilespmem:v37+s15+$0x0] =	vst.idx.msk vm6, v29  }
0x62c: {  	s28 =	sadd.s32 $0x20, s28;
	v11 =	vmpcnt.ones.xlane vm8;
	vm6 =	vmmov vm1;
	(xrf0) =	vadd.scan.msk.s32 vm8, v2;
	[tilespmem:v5+s14+$0x0] =	vst.idx.msk vm11, v29;
	v29 =	vmovc v33  }
0x62d: {  	v34 =	vmpcnt.ones.xlane vm4;
	v5 =	vor.u32 s28, v1;
	v12 =	vshra.s32 v8, v21;
	[tilespmem:v7+s14+$0x0] =	vst.idx.msk vm3, v30;
	v30 =	vmovc v32  }
.Ltmp80:
0x62e: {  	vm7 =	vlt.s32 v5, v23;
	v7 =	vshra.s32 v10, v21;
	v5 =	vand.u32 $0xFF, v12;
	v35, _, _ =	vpop (xrf0);
	(pc) =	sbr.rel @p3 .LBB2_124-.Ltmp80, $4  }
0x62f: {  	s1 =	sadd.s32 $0xFFFFFFF0, s28;
	v40 =	vadd.s32 v6, v9;
	v32 =	vmovc v8;
	v33 =	vmovc v10;
	v12 =	vand.u32 $0xFF, v7;
	v38 =	vxor.u32 v22, v5  }
0x630: {  	v5 =	vor.u32 s1, v1;
	v9 =	vxor.u32 v22, v12;
	vm1 =	vgt.s32 v38, v26;
	v8, _, _ =	vpop (xrf0)  }
0x631: {  	vm2 =	vgt.s32 v9, v26;
	vm0 =	veq.s32 v9, v26;
	v39 =	vadd.s32 v40, v8;
	v7, _, _ =	vpop (xrf0)  }
0x632: {  	v41 =	vadd.s32 v36, v11;
	vm9 =	vlt.s32 v5, v23;
	v37 =	vadd.s32 v6, v7;
	v42, _, _ =	vpop (xrf0)  }
0x633: {  	v23 =	vmovc v30;
	v43 =	vmov v29;
	v29 =	vmov v33;
	v30 =	vmov v32  }
.LBB2_126:
0x634: {  	vm3 =	veq.s32 v38, v26  }
0x635: {  	vm3 =	vmand vm7, vm3  }
0x636: {  	vm1 =	vmand vm7, vm1;
	(xrf0) =	vadd.scan.msk.s32 vm3, v2  }
0x637: {  	vm2 =	vmand vm9, vm2;
	(xrf0) =	vadd.scan.msk.s32 vm1, v2  }
0x638: {  	(xrf0) =	vadd.scan.msk.s32 vm2, v2  }
0x639: {  	vm0 =	vmand vm9, vm0  }
0x63a: {  	v5 =	vadd.s32 @p2 v40, v34;
	vm5 =	vmmov @p2 vm5;
	(xrf0) =	vadd.scan.msk.s32 vm0, v2  }
0x63b: {  	v8 =	vadd.s32 @p2 v36, v42;
	v6 =	vmpcnt.ones.xlane @p2 vm5;
	v7 =	vmpcnt.ones.xlane vm2  }
0x63c: {  	v10 =	vadd.s32 @p2 v41, v35;
	vm7 =	vmmov @p2 vm8;
	v5 =	vpsel p2, v5, v20;
	v9, _, _ =	vpop (xrf0)  }
0x63d: {  	v12 =	vmpcnt.ones.xlane vm0;
	v6 =	vadd.s32 @p2 v41, v6;
	v7 =	vadd.s32 v5, v7;
	v11, _, _ =	vpop (xrf0)  }
0x63e: {  	vm2 =	vmmov vm2;
	v6 =	vpsel p2, v6, v31;
	v11 =	vadd.s32 v7, v11;
	v13, _, _ =	vpop (xrf0)  }
0x63f: {  	[tilespmem:v39+s15+$0x0] =	vst.idx.msk @p2 vm4, v23;
	vm3 =	vmmov vm3;
	v12 =	vadd.s32 v6, v12;
	v5 =	vadd.s32 v5, v13  }
0x640: {  	[tilespmem:v37+s15+$0x0] =	vst.idx.msk @p2 vm6, v43;
	vm0 =	vmmov vm0;
	v61 =	vadd.s32 v12, v9;
	v60, _, _ =	vpop (xrf0)  }
0x641: {  	[tilespmem:v10+s14+$0x0] =	vst.idx.msk @p2 vm5, v23;
	v6 =	vadd.s32 v6, v60  }
.Ltmp81:
0x642: {  	[tilespmem:v8+s14+$0x0] =	vst.idx.msk @p2 vm7, v43;
	(pc) =	sbr.rel .LBB2_116-.Ltmp81, $4  }
0x643: {  	[tilespmem:v11+s15+$0x0] =	vst.idx.msk vm1, v30  }
0x644: {  	v62 =	vmpcnt.ones.xlane vm1;
	v63 =	vmpcnt.ones.xlane vm3;
	[tilespmem:v5+s15+$0x0] =	vst.idx.msk vm2, v29  }
0x645: {  	[tilespmem:v61+s14+$0x0] =	vst.idx.msk vm3, v30  }
0x646: {  	v20 =	vadd.s32 v7, v62;
	v23 =	vadd.s32 v12, v63;
	[tilespmem:v6+s14+$0x0] =	vst.idx.msk vm0, v29  }
.LBB2_99:
.Ltmp82:
0x647: {  	(pc) =	sbr.rel .LBB2_111-.Ltmp82, $2  }
0x648: {  	_ =	sdelay $0x2  }
0x649: {  	s30 =	simm.s32 $0x10  }
.LBB2_121:
.Ltmp83:
0x64a: {  	(pc) =	sbr.rel .LBB2_126-.Ltmp83, $2  }
0x64b: {  	_ =	sdelay $0x2  }
0x64c: {  	v36 =	vimm.s32 $0xFFFFFFFF  }
.LBB2_108:
.Ltmp84:
0x64d: {  	(pc) =	sbr.rel .LBB2_111-.Ltmp84, $2  }
0x64e: {  	_ =	sdelay $0x2  }
0x64f: {  	s30 =	simm.s32 $0x10  }
.LBB2_123:
.Ltmp85:
0x650: {  	(pc) =	sbr.rel .LBB2_126-.Ltmp85, $2  }
0x651: {  	_ =	sdelay $0x2  }
0x652: {  	v23 =	vmovc v30;
	v43 =	vmovc v29;
	v36 =	vimm.s32 $0xFFFFFFFF;
	v29 =	vmov v33;
	v30 =	vmov v32  }
.LBB2_5:
.Ltmp86:
0x653: {  	(pc) =	sbr.rel .LBB2_12-.Ltmp86, $2  }
0x654: {  	_ =	sdelay $0x2  }
0x655: {  	v15 =	vimm.s32 $0x0  }
.LBB2_15:
.Ltmp87:
0x656: {  	(pc) =	sbr.rel .LBB2_22-.Ltmp87, $2  }
0x657: {  	_ =	sdelay $0x2  }
0x658: {  	v19 =	vimm.s32 $0x0;
	s19 =	simm.s32 $0x0  }
.LBB2_59:
.Ltmp88:
0x659: {  	(pc) =	sbr.rel .LBB2_73-.Ltmp88, $2  }
0x65a: {  	_ =	sdelay $0x2  }
0x65b: {  	v22 =	vimm.s32 $0x0  }
.LBB2_76:
.Ltmp89:
0x65c: {  	(pc) =	sbr.rel .LBB2_83-.Ltmp89, $2  }
0x65d: {  	_ =	sdelay $0x2  }
0x65e: {  	v26 =	vimm.s32 $0x0;
	s23 =	simm.s32 $0x0  }
.LBB2_7:
.Ltmp90:
0x65f: {  	(pc) =	sbr.rel .LBB2_12-.Ltmp90, $2  }
0x660: {  	_ =	sdelay $0x2  }
0x661: {  	v15 =	vimm.s32 $0x0;
	s21 =	simm.s32 $0x0;
	s22 =	simm.s32 $0x4  }
.LBB2_17:
.Ltmp91:
0x662: {  	(pc) =	sbr.rel .LBB2_22-.Ltmp91, $2  }
0x663: {  	_ =	sdelay $0x2  }
0x664: {  	v19 =	vimm.s32 $0x0;
	s1 =	simm.s32 $0x0  }
.LBB2_68:
.Ltmp92:
0x665: {  	(pc) =	sbr.rel .LBB2_73-.Ltmp92, $2  }
0x666: {  	_ =	sdelay $0x2  }
0x667: {  	v22 =	vimm.s32 $0x0;
	s23 =	simm.s32 $0x0;
	s24 =	simm.s32 $0x4  }
.LBB2_78:
.Ltmp93:
0x668: {  	(pc) =	sbr.rel .LBB2_83-.Ltmp93, $2  }
0x669: {  	_ =	sdelay $0x2  }
0x66a: {  	v26 =	vimm.s32 $0x0;
	s1 =	simm.s32 $0x0  }
.LBB2_9:
.Ltmp94:
0x66b: {  	(pc) =	sbr.rel .LBB2_12-.Ltmp94, $2  }
0x66c: {  	_ =	sdelay $0x2  }
0x66d: {  	v15 =	vimm.s32 $0x0;
	s22 =	simm.s32 $0x8  }
.LBB2_19:
.Ltmp95:
0x66e: {  	(pc) =	sbr.rel .LBB2_22-.Ltmp95, $2  }
0x66f: {  	_ =	sdelay $0x2  }
0x670: {  	v19 =	vimm.s32 $0x0;
	s1 =	simm.s32 $0x4;
	s19 =	simm.s32 $0x8  }
.LBB2_70:
.Ltmp96:
0x671: {  	(pc) =	sbr.rel .LBB2_73-.Ltmp96, $2  }
0x672: {  	_ =	sdelay $0x2  }
0x673: {  	v22 =	vimm.s32 $0x0;
	s24 =	simm.s32 $0x8  }
.LBB2_80:
.Ltmp97:
0x674: {  	(pc) =	sbr.rel .LBB2_83-.Ltmp97, $2  }
0x675: {  	_ =	sdelay $0x2  }
0x676: {  	v26 =	vimm.s32 $0x0;
	s1 =	simm.s32 $0x4;
	s23 =	simm.s32 $0x8  }
.LBB2_33:
.Ltmp98:
0x677: {  	(pc) =	sbr.rel .LBB2_43-.Ltmp98, $2  }
0x678: {  	_ =	sdelay $0x2  }
0x679: {  	_ = 	snop  }
.LBB2_94:
.Ltmp99:
0x67a: {  	(pc) =	sbr.rel .LBB2_104-.Ltmp99, $2  }
0x67b: {  	_ =	sdelay $0x2  }
0x67c: {  	_ = 	snop  }
.LBB2_40:
.Ltmp100:
0x67d: {  	_ = 	snop;
	(pc) =	sbr.rel .LBB2_43-.Ltmp100, $2  }
0x67e: {  	_ =	sdelay $0x2  }
0x67f: {  	s1 =	simm.s32 $0x10020;
	s23 =	simm.s32 $0x10060;
	v13 =	vmovc v11;
	v19 =	vmov v12;
	v18 =	vmov v14;
	v16 =	vmov v15  }
.LBB2_101:
.Ltmp101:
0x680: {  	_ = 	snop;
	(pc) =	sbr.rel .LBB2_104-.Ltmp101, $2  }
0x681: {  	_ =	sdelay $0x2  }
0x682: {  	s1 =	simm.s32 $0x10020;
	s25 =	simm.s32 $0x10060;
	v20 =	vmovc v18;
	v26 =	vmov v19;
	v25 =	vmov v21;
	v23 =	vmov v22  }
.LBB2_119:
0x683: {  	_ =	sfence.sel $0x180000  }
0x684: {  	[bflag:$0x0] =	sbarrier.arrive $0xFFFF  }
0x685: {  	_ =	strace $0x90000047  }
0x686: {  	s0 =	stileid.u32;
	[bflag:$0x2] =	sbarrier.arrive $0xFFFF  }
0x687: {  	p0 =	sne.s32 s0, $0x0;
	s0 =	rddreg [dreg:$0x2]  }
0x688: {  	s0 =	sadd.s32 @!p0 $0x100000, s0  }
0x689: {  	[sflag:s0] =	ssyncadd.tile.s32 @!p0 $0x1;
	_ =	shalt  }
.Lfunc_end2:
_tile_overlayer_lowered:
.L_overlay_start_2:
0x68a: {  	(tag) =	ssettag $0x2  }
0x68b: {  	s0 =	rddreg [dreg:$0x0];
	s2 =	stileid.u32  }
0x68c: {  	s1 =	rddreg [dreg:$0x1];
	p0 =	sne.s32 s2, $0x0  }
0x68d: {  	s3 =	rddreg [dreg:$0x2];
	[bflag:$0x3] =	sbarrier.arrive $0xFFFF;
	s2 =	simm.s32 @!p0 $0x1C04  }
0x68e: {  	[timem:s3], [sflag:s2] =	dma.local @!p0 [hbm:s0], s1  }
0x68f: {  	s0 =	simm.s32 @!p0 $0x4  }
0x690: {  	_ =	swait.ge @!p0 [sflag:s0], s1  }
0x691: {  	s1 =	ssub.s32 @!p0 $0x0, s1;
	[sflag:s0] =	ssyncset.done @!p0 $0x0  }
0x692: {  	[sflag:s0] =	ssyncadd.s32 @!p0 s1  }
0x693: {  	[bflag:$0x3] =	sbarrier.arrive $0xFFFF  }
0x694: {  	_ =	shalt  }

</sc_bundles>
